<compile_context>
chip_gen: v7x
topology: tpu7x:2x2x1
jax: 0.10.2.dev20260603
libtpu: 0.0.44.dev20260713+nightly
codegen_flags: <defaults>
</compile_context>

<pallas_src>
import functools

import jax
import jax.numpy as jnp
from jax import lax
from jax.experimental import pallas as pl
from jax.experimental.pallas import tpu as pltpu
from jax.experimental.pallas import tpu_sc as plsc

N = 10000
E = 320000
D_IN = 128
H = 128

NC = 2
NS = 16
CB = 128
CHUNKS = 80
EPT = CB * CHUNKS
EP = NC * NS * EPT
NP = 10240
RPT = NP // NS

_mesh = plsc.VectorSubcoreMesh(core_axis_name="c", subcore_axis_name="s")



@functools.partial(
    pl.kernel,
    out_type=jax.ShapeDtypeStruct((NC, NP, H), jnp.float32),
    mesh=_mesh,
    scratch_types=[
        pltpu.VMEM((CHUNKS, CB), jnp.int32),
        pltpu.VMEM((CB, H), jnp.float32),
        pltpu.VMEM((CB, H), jnp.float32),
        pltpu.VMEM_SHARED((NP, H), jnp.float32),
    ],
)
def _sc_degree(dstp, ones, zeros, deg_out, didx, ov, r0, acc):
    c = lax.axis_index("c")
    s = lax.axis_index("s")
    pltpu.sync_copy(dstp.at[c, s], didx)
    pltpu.sync_copy(ones, ov)
    pltpu.sync_copy(zeros, r0)
    base = s * RPT
    for t in range(RPT // CB):
        pltpu.sync_copy(r0, acc.at[pl.ds(base + t * CB, CB)])
    plsc.subcore_barrier()

    def body(j, carry):
        pltpu.sync_copy(ov, acc.at[didx.at[j]], add=True)
        return carry

    lax.fori_loop(0, CHUNKS, body, 0)
    plsc.subcore_barrier()
    for t in range(RPT // CB):
        pltpu.sync_copy(acc.at[pl.ds(base + t * CB, CB)], r0)
        pltpu.sync_copy(r0, deg_out.at[c, pl.ds(base + t * CB, CB)])


HALF = CHUNKS // 2


@functools.partial(
    pl.kernel,
    out_type=jax.ShapeDtypeStruct((NC, NP, H), jnp.float32),
    mesh=_mesh,
    scratch_types=[
        pltpu.VMEM((HALF, CB), jnp.int32),
        pltpu.VMEM((HALF, CB), jnp.int32),
        pltpu.VMEM((CB, H), jnp.float32),
        pltpu.VMEM((CB, H), jnp.float32),
        pltpu.VMEM_SHARED((NP, H), jnp.float32),
        pltpu.SemaphoreType.DMA,
        pltpu.SemaphoreType.DMA,
    ],
)
def _sc_scatter(hn, srcp, dstp, zeros, acc_out, sidx, didx, r0, r1, acc, s0, s1):
    c = lax.axis_index("c")
    s = lax.axis_index("s")
    base = s * RPT
    pltpu.sync_copy(zeros, r0)
    for t in range(RPT // CB):
        pltpu.sync_copy(r0, acc.at[pl.ds(base + t * CB, CB)])
    plsc.subcore_barrier()

    for h in range(CHUNKS // HALF):
        pltpu.sync_copy(srcp.at[c, s, h], sidx)
        pltpu.sync_copy(dstp.at[c, s, h], didx)
        pltpu.async_copy(hn.at[sidx.at[0]], r0, s0)

        def body(jj, carry):
            j = 2 * jj
            pltpu.async_copy(hn.at[sidx.at[j + 1]], r1, s1)
            pltpu.make_async_copy(hn.at[sidx.at[j]], r0, s0).wait()
            pltpu.sync_copy(r0, acc.at[didx.at[j]], add=True)

            @pl.when(jj < HALF // 2 - 1)
            def _():
                pltpu.async_copy(hn.at[sidx.at[j + 2]], r0, s0)

            pltpu.make_async_copy(hn.at[sidx.at[j + 1]], r1, s1).wait()
            pltpu.sync_copy(r1, acc.at[didx.at[j + 1]], add=True)
            return carry

        lax.fori_loop(0, HALF // 2, body, 0)
    plsc.subcore_barrier()
    for t in range(RPT // CB):
        pltpu.sync_copy(acc.at[pl.ds(base + t * CB, CB)], r0)
        pltpu.sync_copy(r0, acc_out.at[c, pl.ds(base + t * CB, CB)])



BR = 400


def _tc_first_body(x_ref, w_ref, d0_ref, d1_ref, hn_ref, dinv_ref):
    dv = lax.rsqrt(d0_ref[...] + d1_ref[...] + 1.0)
    hn_ref[...] = jnp.dot(x_ref[...], w_ref[...],
                          preferred_element_type=jnp.float32) * dv
    dinv_ref[...] = dv


def _tc_mid_body(a0_ref, a1_ref, hnp_ref, dinv_ref, b_ref, w_ref, hn_ref):
    dv = dinv_ref[...]
    a = jnp.maximum(dv * (a0_ref[...] + a1_ref[...] + hnp_ref[...]) + b_ref[...],
                    0.0)
    hn_ref[...] = jnp.dot(a, w_ref[...], preferred_element_type=jnp.float32) * dv


def _tc_final_body(a0_ref, a1_ref, hnp_ref, dinv_ref, b_ref, out_ref):
    out_ref[...] = (dinv_ref[...] * (a0_ref[...] + a1_ref[...] + hnp_ref[...])
                    + b_ref[...])


def _row_spec(width):
    return pl.BlockSpec((BR, width), lambda i: (i, 0))


def _full_spec(rows, cols):
    return pl.BlockSpec((rows, cols), lambda i: (0, 0))


def _tc_first(x, w, d0, d1):
    return pl.pallas_call(
        _tc_first_body,
        grid=(N // BR,),
        in_specs=[_row_spec(D_IN), _full_spec(D_IN, H), _row_spec(1), _row_spec(1)],
        out_specs=[_row_spec(H), _row_spec(1)],
        out_shape=[
            jax.ShapeDtypeStruct((N, H), jnp.float32),
            jax.ShapeDtypeStruct((N, 1), jnp.float32),
        ],
    )(x, w, d0, d1)


def _tc_mid(a0, a1, hnp, dinv, b, w):
    return pl.pallas_call(
        _tc_mid_body,
        grid=(N // BR,),
        in_specs=[_row_spec(H), _row_spec(H), _row_spec(H), _row_spec(1),
                  _full_spec(1, H), _full_spec(H, H)],
        out_specs=_row_spec(H),
        out_shape=jax.ShapeDtypeStruct((N, H), jnp.float32),
    )(a0, a1, hnp, dinv, b, w)


def _tc_final(a0, a1, hnp, dinv, b):
    return pl.pallas_call(
        _tc_final_body,
        grid=(N // BR,),
        in_specs=[_row_spec(H), _row_spec(H), _row_spec(H), _row_spec(1),
                  _full_spec(1, H)],
        out_specs=_row_spec(H),
        out_shape=jax.ShapeDtypeStruct((N, H), jnp.float32),
    )(a0, a1, hnp, dinv, b)



def kernel(x, edge_index, W1, b1, W2, b2, W3, b3):
    pad = EP - E
    srcp = jnp.concatenate(
        [edge_index[0], jnp.zeros((pad,), jnp.int32)]
    ).reshape(NC, NS, CHUNKS // HALF, HALF, CB)
    dstp4 = jnp.concatenate(
        [edge_index[1], jnp.full((pad,), N, jnp.int32)]
    ).reshape(NC, NS, CHUNKS, CB)
    dstp = dstp4.reshape(NC, NS, CHUNKS // HALF, HALF, CB)
    ones128 = jnp.ones((CB, H), jnp.float32)
    zrows = jnp.zeros((CB, H), jnp.float32)

    degs = _sc_degree(dstp4, ones128, zrows)
    d0 = degs[0, :N, 0:1]
    d1 = degs[1, :N, 0:1]

    hn1, dinv = _tc_first(x, W1, d0, d1)
    accp = _sc_scatter(hn1, srcp, dstp, zrows)
    hn2 = _tc_mid(accp[0, :N], accp[1, :N], hn1, dinv, b1.reshape(1, H), W2)
    accp = _sc_scatter(hn2, srcp, dstp, zrows)
    hn3 = _tc_mid(accp[0, :N], accp[1, :N], hn2, dinv, b2.reshape(1, H), W3)
    accp = _sc_scatter(hn3, srcp, dstp, zrows)
    return _tc_final(accp[0, :N], accp[1, :N], hn3, dinv, b3.reshape(1, H))

# --- scband reference (transcript-rebuilt; emitter-appended) ---
"""Pipeline reference for scband-gcn-31301721653775 (READ-ONLY COPY).

The authoritative reference and input builder live on the scoring server;
editing this copy changes nothing except your own understanding.
"""

import jax, jax.numpy as jnp
import numpy as np

N = 10000
E = 320000
D_IN = 128
H = 128


def _glorot(key, fan_in, fan_out):
    std = np.sqrt(2.0 / (fan_in + fan_out))
    return jax.random.normal(key, (fan_in, fan_out), dtype=jnp.float32) * std


def setup_inputs(seed: int = 0) -> dict:
    key = jax.random.key(seed)
    ks = jax.random.split(key, 8)
    x = jax.random.normal(ks[0], (N, D_IN), dtype=jnp.float32)
    edge_index = jax.random.randint(ks[1], (2, E), 0, N, dtype=jnp.int32)
    W1 = _glorot(ks[2], D_IN, H)
    b1 = jnp.zeros((H,), dtype=jnp.float32)
    W2 = _glorot(ks[3], H, H)
    b2 = jnp.zeros((H,), dtype=jnp.float32)
    W3 = _glorot(ks[4], H, H)
    b3 = jnp.zeros((H,), dtype=jnp.float32)
    return {"x": x, "edge_index": edge_index, "W1": W1, "b1": b1, "W2": W2, "b2": b2, "W3": W3, "b3": b3}


def _gcn_conv(x, src, dst, W, b, num_nodes):
    # x' = D^{-1/2} (A + I) D^{-1/2} (x W) + b   (PyG GCNConv with self-loops)
    h = x @ W
    deg = jax.ops.segment_sum(jnp.ones_like(dst, dtype=h.dtype), dst, num_segments=num_nodes)
    dinv = jnp.where(deg > 0, 1.0 / jnp.sqrt(deg), 0.0)
    norm = dinv[src] * dinv[dst]
    msg = h[src] * norm[:, None]
    out = jax.ops.segment_sum(msg, dst, num_segments=num_nodes)
    return out + b


def reference(x, edge_index, W1, b1, W2, b2, W3, b3):
    num_nodes = x.shape[0]
    loops = jnp.arange(num_nodes, dtype=edge_index.dtype)
    src = jnp.concatenate([edge_index[0], loops])
    dst = jnp.concatenate([edge_index[1], loops])
    h = _gcn_conv(x, src, dst, W1, b1, num_nodes)
    h = jax.nn.relu(h)
    # dropout p=0.2 is identity in eval mode (training=False)
    h = _gcn_conv(h, src, dst, W2, b2, num_nodes)
    h = jax.nn.relu(h)
    out = _gcn_conv(h, src, dst, W3, b3, num_nodes)
    return out

if __name__ == "__main__":
    import jax
    _d = setup_inputs()
    print(jax.jit(kernel)(*tuple(_d.values())))

</pallas_src>

<mosaic_0001>
#map = affine_map<(d0, d1) -> (0, 0, 0, 0)>
#map1 = affine_map<(d0, d1) -> (0, 0)>
#map2 = affine_map<(d0, d1) -> (0, 0, 0)>
module attributes {stable_mosaic.version = 14 : i64} {
  func.func @_sc_degree(%arg0: i32, %arg1: i32, %arg2: memref<2x16x80x128xi32, #tpu.memory_space<hbm>>, %arg3: memref<128x128xf32, #tpu.memory_space<hbm>>, %arg4: memref<128x128xf32, #tpu.memory_space<hbm>>, %arg5: memref<2x10240x128xf32, #tpu.memory_space<hbm>>, %arg6: memref<80x128xi32, #tpu.memory_space<vmem>>, %arg7: memref<128x128xf32, #tpu.memory_space<vmem>>, %arg8: memref<128x128xf32, #tpu.memory_space<vmem>>, %arg9: memref<10240x128xf32, #tpu.memory_space<vmem_shared>>) attributes {dimension_semantics = [#tpu.dimension_semantics<core_parallel>, #tpu.dimension_semantics<subcore_parallel>], iteration_bounds = array<i64: 2, 16>, scalar_prefetch = 0 : i64, scratch_operands = 4 : i64, tpu.core_type = #tpu.core_type<sc_vector_subcore>, window_params = [{transform_indices = #map}, {transform_indices = #map1}, {transform_indices = #map1}, {transform_indices = #map2}]} {
    "tpu.region"() ({
      %run_scoped3A = tpu.sem_alloc : memref<!tpu.dma_semaphore, #tpu.memory_space<semaphore_mem>>
      %dma_start3A = arith.constant 0 : i32
      %dma_start3A_36 = arith.constant 0 : i32
      %dma_start3A_37 = tpu.memref_slice %arg2[%arg0, %arg1, %dma_start3A, %dma_start3A_36] : memref<2x16x80x128xi32, #tpu.memory_space<hbm>> -> memref<1x1x80x128xi32, #tpu.memory_space<hbm>>
      %dma_start3A_38 = tpu.memref_squeeze %dma_start3A_37 : memref<1x1x80x128xi32, #tpu.memory_space<hbm>> -> memref<80x128xi32, #tpu.memory_space<hbm>>
      %dma_start3A_39 = arith.constant 0 : i32
      %dma_start3A_40 = arith.constant 0 : i32
      %dma_start3A_41 = tpu.memref_slice %arg2[%arg0, %arg1, %dma_start3A_39, %dma_start3A_40] : memref<2x16x80x128xi32, #tpu.memory_space<hbm>> -> memref<1x1x80x128xi32, #tpu.memory_space<hbm>>
      %dma_start3A_42 = tpu.memref_squeeze %dma_start3A_41 : memref<1x1x80x128xi32, #tpu.memory_space<hbm>> -> memref<80x128xi32, #tpu.memory_space<hbm>>
      tpu.enqueue_dma source(%dma_start3A_42 : memref<80x128xi32, #tpu.memory_space<hbm>>) target(%arg6 : memref<80x128xi32, #tpu.memory_space<vmem>>) target_semaphore(%run_scoped3A : memref<!tpu.dma_semaphore, #tpu.memory_space<semaphore_mem>>)
      %dma_wait3A = arith.constant 0 : i32
      %dma_wait3A_43 = arith.constant 0 : i32
      %dma_wait3A_44 = tpu.memref_slice %arg2[%arg0, %arg1, %dma_wait3A, %dma_wait3A_43] : memref<2x16x80x128xi32, #tpu.memory_space<hbm>> -> memref<1x1x80x128xi32, #tpu.memory_space<hbm>>
      %dma_wait3A_45 = tpu.memref_squeeze %dma_wait3A_44 : memref<1x1x80x128xi32, #tpu.memory_space<hbm>> -> memref<80x128xi32, #tpu.memory_space<hbm>>
      %dma_wait3A_46 = arith.constant 0 : i32
      %dma_wait3A_47 = arith.constant 0 : i32
      %dma_wait3A_48 = tpu.memref_slice %arg2[%arg0, %arg1, %dma_wait3A_46, %dma_wait3A_47] : memref<2x16x80x128xi32, #tpu.memory_space<hbm>> -> memref<1x1x80x128xi32, #tpu.memory_space<hbm>>
      %dma_wait3A_49 = tpu.memref_squeeze %dma_wait3A_48 : memref<1x1x80x128xi32, #tpu.memory_space<hbm>> -> memref<80x128xi32, #tpu.memory_space<hbm>>
      tpu.wait_dma2 semaphore(%run_scoped3A : memref<!tpu.dma_semaphore, #tpu.memory_space<semaphore_mem>>) src(%dma_wait3A_49 : memref<80x128xi32, #tpu.memory_space<hbm>>) dst(%arg6 : memref<80x128xi32, #tpu.memory_space<vmem>>)
      tpu.yield
    }) : () -> ()
    "tpu.region"() ({
      %run_scoped3A = tpu.sem_alloc : memref<!tpu.dma_semaphore, #tpu.memory_space<semaphore_mem>>
      tpu.enqueue_dma source(%arg3 : memref<128x128xf32, #tpu.memory_space<hbm>>) target(%arg7 : memref<128x128xf32, #tpu.memory_space<vmem>>) target_semaphore(%run_scoped3A : memref<!tpu.dma_semaphore, #tpu.memory_space<semaphore_mem>>)
      tpu.wait_dma2 semaphore(%run_scoped3A : memref<!tpu.dma_semaphore, #tpu.memory_space<semaphore_mem>>) src(%arg3 : memref<128x128xf32, #tpu.memory_space<hbm>>) dst(%arg7 : memref<128x128xf32, #tpu.memory_space<vmem>>)
      tpu.yield
    }) : () -> ()
    "tpu.region"() ({
      %run_scoped3A = tpu.sem_alloc : memref<!tpu.dma_semaphore, #tpu.memory_space<semaphore_mem>>
      tpu.enqueue_dma source(%arg4 : memref<128x128xf32, #tpu.memory_space<hbm>>) target(%arg8 : memref<128x128xf32, #tpu.memory_space<vmem>>) target_semaphore(%run_scoped3A : memref<!tpu.dma_semaphore, #tpu.memory_space<semaphore_mem>>)
      tpu.wait_dma2 semaphore(%run_scoped3A : memref<!tpu.dma_semaphore, #tpu.memory_space<semaphore_mem>>) src(%arg4 : memref<128x128xf32, #tpu.memory_space<hbm>>) dst(%arg8 : memref<128x128xf32, #tpu.memory_space<vmem>>)
      tpu.yield
    }) : () -> ()
    %mul3A = arith.constant 640 : i32
    %mul3A_0 = arith.muli %arg1, %mul3A : i32
    %add3A = arith.constant 0 : i32
    %add3A_1 = arith.addi %mul3A_0, %add3A : i32
    "tpu.region"() ({
      %run_scoped3A = tpu.sem_alloc : memref<!tpu.dma_semaphore, #tpu.memory_space<semaphore_mem>>
      %dma_start3A = arith.constant 0 : i32
      %dma_start3A_36 = tpu.memref_slice %arg9[%add3A_1, %dma_start3A] : memref<10240x128xf32, #tpu.memory_space<vmem_shared>> -> memref<128x128xf32, #tpu.memory_space<vmem_shared>>
      %dma_start3A_37 = arith.constant 0 : i32
      %dma_start3A_38 = tpu.memref_slice %arg9[%add3A_1, %dma_start3A_37] : memref<10240x128xf32, #tpu.memory_space<vmem_shared>> -> memref<128x128xf32, #tpu.memory_space<vmem_shared>>
      tpu.enqueue_dma source(%arg8 : memref<128x128xf32, #tpu.memory_space<vmem>>) target(%dma_start3A_38 : memref<128x128xf32, #tpu.memory_space<vmem_shared>>) target_semaphore(%run_scoped3A : memref<!tpu.dma_semaphore, #tpu.memory_space<semaphore_mem>>)
      %dma_wait3A = arith.constant 0 : i32
      %dma_wait3A_39 = tpu.memref_slice %arg9[%add3A_1, %dma_wait3A] : memref<10240x128xf32, #tpu.memory_space<vmem_shared>> -> memref<128x128xf32, #tpu.memory_space<vmem_shared>>
      %dma_wait3A_40 = arith.constant 0 : i32
      %dma_wait3A_41 = tpu.memref_slice %arg9[%add3A_1, %dma_wait3A_40] : memref<10240x128xf32, #tpu.memory_space<vmem_shared>> -> memref<128x128xf32, #tpu.memory_space<vmem_shared>>
      tpu.wait_dma2 semaphore(%run_scoped3A : memref<!tpu.dma_semaphore, #tpu.memory_space<semaphore_mem>>) src(%arg8 : memref<128x128xf32, #tpu.memory_space<vmem>>) dst(%dma_wait3A_41 : memref<128x128xf32, #tpu.memory_space<vmem_shared>>)
      tpu.yield
    }) : () -> ()
    %add3A_2 = arith.constant 128 : i32
    %add3A_3 = arith.addi %mul3A_0, %add3A_2 : i32
    "tpu.region"() ({
      %run_scoped3A = tpu.sem_alloc : memref<!tpu.dma_semaphore, #tpu.memory_space<semaphore_mem>>
      %dma_start3A = arith.constant 0 : i32
      %dma_start3A_36 = tpu.memref_slice %arg9[%add3A_3, %dma_start3A] : memref<10240x128xf32, #tpu.memory_space<vmem_shared>> -> memref<128x128xf32, #tpu.memory_space<vmem_shared>>
      %dma_start3A_37 = arith.constant 0 : i32
      %dma_start3A_38 = tpu.memref_slice %arg9[%add3A_3, %dma_start3A_37] : memref<10240x128xf32, #tpu.memory_space<vmem_shared>> -> memref<128x128xf32, #tpu.memory_space<vmem_shared>>
      tpu.enqueue_dma source(%arg8 : memref<128x128xf32, #tpu.memory_space<vmem>>) target(%dma_start3A_38 : memref<128x128xf32, #tpu.memory_space<vmem_shared>>) target_semaphore(%run_scoped3A : memref<!tpu.dma_semaphore, #tpu.memory_space<semaphore_mem>>)
      %dma_wait3A = arith.constant 0 : i32
      %dma_wait3A_39 = tpu.memref_slice %arg9[%add3A_3, %dma_wait3A] : memref<10240x128xf32, #tpu.memory_space<vmem_shared>> -> memref<128x128xf32, #tpu.memory_space<vmem_shared>>
      %dma_wait3A_40 = arith.constant 0 : i32
      %dma_wait3A_41 = tpu.memref_slice %arg9[%add3A_3, %dma_wait3A_40] : memref<10240x128xf32, #tpu.memory_space<vmem_shared>> -> memref<128x128xf32, #tpu.memory_space<vmem_shared>>
      tpu.wait_dma2 semaphore(%run_scoped3A : memref<!tpu.dma_semaphore, #tpu.memory_space<semaphore_mem>>) src(%arg8 : memref<128x128xf32, #tpu.memory_space<vmem>>) dst(%dma_wait3A_41 : memref<128x128xf32, #tpu.memory_space<vmem_shared>>)
      tpu.yield
    }) : () -> ()
    %add3A_4 = arith.constant 256 : i32
    %add3A_5 = arith.addi %mul3A_0, %add3A_4 : i32
    "tpu.region"() ({
      %run_scoped3A = tpu.sem_alloc : memref<!tpu.dma_semaphore, #tpu.memory_space<semaphore_mem>>
      %dma_start3A = arith.constant 0 : i32
      %dma_start3A_36 = tpu.memref_slice %arg9[%add3A_5, %dma_start3A] : memref<10240x128xf32, #tpu.memory_space<vmem_shared>> -> memref<128x128xf32, #tpu.memory_space<vmem_shared>>
      %dma_start3A_37 = arith.constant 0 : i32
      %dma_start3A_38 = tpu.memref_slice %arg9[%add3A_5, %dma_start3A_37] : memref<10240x128xf32, #tpu.memory_space<vmem_shared>> -> memref<128x128xf32, #tpu.memory_space<vmem_shared>>
      tpu.enqueue_dma source(%arg8 : memref<128x128xf32, #tpu.memory_space<vmem>>) target(%dma_start3A_38 : memref<128x128xf32, #tpu.memory_space<vmem_shared>>) target_semaphore(%run_scoped3A : memref<!tpu.dma_semaphore, #tpu.memory_space<semaphore_mem>>)
      %dma_wait3A = arith.constant 0 : i32
      %dma_wait3A_39 = tpu.memref_slice %arg9[%add3A_5, %dma_wait3A] : memref<10240x128xf32, #tpu.memory_space<vmem_shared>> -> memref<128x128xf32, #tpu.memory_space<vmem_shared>>
      %dma_wait3A_40 = arith.constant 0 : i32
      %dma_wait3A_41 = tpu.memref_slice %arg9[%add3A_5, %dma_wait3A_40] : memref<10240x128xf32, #tpu.memory_space<vmem_shared>> -> memref<128x128xf32, #tpu.memory_space<vmem_shared>>
      tpu.wait_dma2 semaphore(%run_scoped3A : memref<!tpu.dma_semaphore, #tpu.memory_space<semaphore_mem>>) src(%arg8 : memref<128x128xf32, #tpu.memory_space<vmem>>) dst(%dma_wait3A_41 : memref<128x128xf32, #tpu.memory_space<vmem_shared>>)
      tpu.yield
    }) : () -> ()
    %add3A_6 = arith.constant 384 : i32
    %add3A_7 = arith.addi %mul3A_0, %add3A_6 : i32
    "tpu.region"() ({
      %run_scoped3A = tpu.sem_alloc : memref<!tpu.dma_semaphore, #tpu.memory_space<semaphore_mem>>
      %dma_start3A = arith.constant 0 : i32
      %dma_start3A_36 = tpu.memref_slice %arg9[%add3A_7, %dma_start3A] : memref<10240x128xf32, #tpu.memory_space<vmem_shared>> -> memref<128x128xf32, #tpu.memory_space<vmem_shared>>
      %dma_start3A_37 = arith.constant 0 : i32
      %dma_start3A_38 = tpu.memref_slice %arg9[%add3A_7, %dma_start3A_37] : memref<10240x128xf32, #tpu.memory_space<vmem_shared>> -> memref<128x128xf32, #tpu.memory_space<vmem_shared>>
      tpu.enqueue_dma source(%arg8 : memref<128x128xf32, #tpu.memory_space<vmem>>) target(%dma_start3A_38 : memref<128x128xf32, #tpu.memory_space<vmem_shared>>) target_semaphore(%run_scoped3A : memref<!tpu.dma_semaphore, #tpu.memory_space<semaphore_mem>>)
      %dma_wait3A = arith.constant 0 : i32
      %dma_wait3A_39 = tpu.memref_slice %arg9[%add3A_7, %dma_wait3A] : memref<10240x128xf32, #tpu.memory_space<vmem_shared>> -> memref<128x128xf32, #tpu.memory_space<vmem_shared>>
      %dma_wait3A_40 = arith.constant 0 : i32
      %dma_wait3A_41 = tpu.memref_slice %arg9[%add3A_7, %dma_wait3A_40] : memref<10240x128xf32, #tpu.memory_space<vmem_shared>> -> memref<128x128xf32, #tpu.memory_space<vmem_shared>>
      tpu.wait_dma2 semaphore(%run_scoped3A : memref<!tpu.dma_semaphore, #tpu.memory_space<semaphore_mem>>) src(%arg8 : memref<128x128xf32, #tpu.memory_space<vmem>>) dst(%dma_wait3A_41 : memref<128x128xf32, #tpu.memory_space<vmem_shared>>)
      tpu.yield
    }) : () -> ()
    %add3A_8 = arith.constant 512 : i32
    %add3A_9 = arith.addi %mul3A_0, %add3A_8 : i32
    "tpu.region"() ({
      %run_scoped3A = tpu.sem_alloc : memref<!tpu.dma_semaphore, #tpu.memory_space<semaphore_mem>>
      %dma_start3A = arith.constant 0 : i32
      %dma_start3A_36 = tpu.memref_slice %arg9[%add3A_9, %dma_start3A] : memref<10240x128xf32, #tpu.memory_space<vmem_shared>> -> memref<128x128xf32, #tpu.memory_space<vmem_shared>>
      %dma_start3A_37 = arith.constant 0 : i32
      %dma_start3A_38 = tpu.memref_slice %arg9[%add3A_9, %dma_start3A_37] : memref<10240x128xf32, #tpu.memory_space<vmem_shared>> -> memref<128x128xf32, #tpu.memory_space<vmem_shared>>
      tpu.enqueue_dma source(%arg8 : memref<128x128xf32, #tpu.memory_space<vmem>>) target(%dma_start3A_38 : memref<128x128xf32, #tpu.memory_space<vmem_shared>>) target_semaphore(%run_scoped3A : memref<!tpu.dma_semaphore, #tpu.memory_space<semaphore_mem>>)
      %dma_wait3A = arith.constant 0 : i32
      %dma_wait3A_39 = tpu.memref_slice %arg9[%add3A_9, %dma_wait3A] : memref<10240x128xf32, #tpu.memory_space<vmem_shared>> -> memref<128x128xf32, #tpu.memory_space<vmem_shared>>
      %dma_wait3A_40 = arith.constant 0 : i32
      %dma_wait3A_41 = tpu.memref_slice %arg9[%add3A_9, %dma_wait3A_40] : memref<10240x128xf32, #tpu.memory_space<vmem_shared>> -> memref<128x128xf32, #tpu.memory_space<vmem_shared>>
      tpu.wait_dma2 semaphore(%run_scoped3A : memref<!tpu.dma_semaphore, #tpu.memory_space<semaphore_mem>>) src(%arg8 : memref<128x128xf32, #tpu.memory_space<vmem>>) dst(%dma_wait3A_41 : memref<128x128xf32, #tpu.memory_space<vmem_shared>>)
      tpu.yield
    }) : () -> ()
    %barrier3A = arith.constant 0 : index
    tpu.barrier barrier_id(%barrier3A)
    %scan3A = arith.constant 0 : i32
    %scan3A_10 = arith.constant 0 : i32
    %scan3A_11 = arith.constant 80 : i32
    %scan3A_12 = arith.addi %scan3A_10, %scan3A_11 : i32
    %scan3A_13 = arith.constant 1 : i32
    scf.for %scan3A_36 = %scan3A_10 to %scan3A_12 step %scan3A_13  : i32 {
      "tpu.region"() ({
        %run_scoped3A = tpu.sem_alloc : memref<!tpu.dma_semaphore, #tpu.memory_space<semaphore_mem>>
        %dma_start3A = arith.constant 0 : i32
        %dma_start3A_37 = tpu.memref_slice %arg6[%scan3A_36, %dma_start3A] : memref<80x128xi32, #tpu.memory_space<vmem>> -> memref<1x128xi32, #tpu.memory_space<vmem>>
        %dma_start3A_38 = tpu.memref_squeeze %dma_start3A_37 : memref<1x128xi32, #tpu.memory_space<vmem>> -> memref<128xi32, #tpu.memory_space<vmem>>
        %dma_start3A_39 = arith.constant 0 : i32
        %dma_start3A_40 = arith.constant 0 : i32
        %dma_start3A_41 = tpu.memref_slice %arg9[%dma_start3A_39, %dma_start3A_40] : memref<10240x128xf32, #tpu.memory_space<vmem_shared>> -> memref<10240x128xf32, #tpu.memory_space<vmem_shared>>
        tpu.enqueue_indirect_dma source(%arg7 : memref<128x128xf32, #tpu.memory_space<vmem>>) target(%dma_start3A_41 : memref<10240x128xf32, #tpu.memory_space<vmem_shared>>) offsets(%dma_start3A_38 : memref<128xi32, #tpu.memory_space<vmem>>) semaphore(%run_scoped3A : memref<!tpu.dma_semaphore, #tpu.memory_space<semaphore_mem>>) {add = true}
        %dma_wait3A = arith.constant 0 : i32
        %dma_wait3A_42 = tpu.memref_slice %arg6[%scan3A_36, %dma_wait3A] : memref<80x128xi32, #tpu.memory_space<vmem>> -> memref<1x128xi32, #tpu.memory_space<vmem>>
        %dma_wait3A_43 = tpu.memref_squeeze %dma_wait3A_42 : memref<1x128xi32, #tpu.memory_space<vmem>> -> memref<128xi32, #tpu.memory_space<vmem>>
        %dma_wait3A_44 = arith.constant 0 : i32
        %dma_wait3A_45 = arith.constant 0 : i32
        %dma_wait3A_46 = tpu.memref_slice %arg9[%dma_wait3A_44, %dma_wait3A_45] : memref<10240x128xf32, #tpu.memory_space<vmem_shared>> -> memref<10240x128xf32, #tpu.memory_space<vmem_shared>>
        tpu.wait_indirect_dma semaphore(%run_scoped3A : memref<!tpu.dma_semaphore, #tpu.memory_space<semaphore_mem>>) src(%arg7 : memref<128x128xf32, #tpu.memory_space<vmem>>) dst(%dma_wait3A_46 : memref<10240x128xf32, #tpu.memory_space<vmem_shared>>)
        tpu.yield
      }) : () -> ()
    }
    %scan3A_14 = arith.constant 80 : i32
    %barrier3A_15 = arith.constant 0 : index
    tpu.barrier barrier_id(%barrier3A_15)
    %add3A_16 = arith.constant 0 : i32
    %add3A_17 = arith.addi %mul3A_0, %add3A_16 : i32
    "tpu.region"() ({
      %run_scoped3A = tpu.sem_alloc : memref<!tpu.dma_semaphore, #tpu.memory_space<semaphore_mem>>
      %dma_start3A = arith.constant 0 : i32
      %dma_start3A_36 = tpu.memref_slice %arg9[%add3A_17, %dma_start3A] : memref<10240x128xf32, #tpu.memory_space<vmem_shared>> -> memref<128x128xf32, #tpu.memory_space<vmem_shared>>
      %dma_start3A_37 = arith.constant 0 : i32
      %dma_start3A_38 = tpu.memref_slice %arg9[%add3A_17, %dma_start3A_37] : memref<10240x128xf32, #tpu.memory_space<vmem_shared>> -> memref<128x128xf32, #tpu.memory_space<vmem_shared>>
      tpu.enqueue_dma source(%dma_start3A_38 : memref<128x128xf32, #tpu.memory_space<vmem_shared>>) target(%arg8 : memref<128x128xf32, #tpu.memory_space<vmem>>) target_semaphore(%run_scoped3A : memref<!tpu.dma_semaphore, #tpu.memory_space<semaphore_mem>>)
      %dma_wait3A = arith.constant 0 : i32
      %dma_wait3A_39 = tpu.memref_slice %arg9[%add3A_17, %dma_wait3A] : memref<10240x128xf32, #tpu.memory_space<vmem_shared>> -> memref<128x128xf32, #tpu.memory_space<vmem_shared>>
      %dma_wait3A_40 = arith.constant 0 : i32
      %dma_wait3A_41 = tpu.memref_slice %arg9[%add3A_17, %dma_wait3A_40] : memref<10240x128xf32, #tpu.memory_space<vmem_shared>> -> memref<128x128xf32, #tpu.memory_space<vmem_shared>>
      tpu.wait_dma2 semaphore(%run_scoped3A : memref<!tpu.dma_semaphore, #tpu.memory_space<semaphore_mem>>) src(%dma_wait3A_41 : memref<128x128xf32, #tpu.memory_space<vmem_shared>>) dst(%arg8 : memref<128x128xf32, #tpu.memory_space<vmem>>)
      tpu.yield
    }) : () -> ()
    %add3A_18 = arith.constant 0 : i32
    %add3A_19 = arith.addi %mul3A_0, %add3A_18 : i32
    "tpu.region"() ({
      %run_scoped3A = tpu.sem_alloc : memref<!tpu.dma_semaphore, #tpu.memory_space<semaphore_mem>>
      %dma_start3A = arith.constant 0 : i32
      %dma_start3A_36 = tpu.memref_slice %arg5[%arg0, %add3A_19, %dma_start3A] : memref<2x10240x128xf32, #tpu.memory_space<hbm>> -> memref<1x128x128xf32, #tpu.memory_space<hbm>>
      %dma_start3A_37 = tpu.memref_squeeze %dma_start3A_36 : memref<1x128x128xf32, #tpu.memory_space<hbm>> -> memref<128x128xf32, #tpu.memory_space<hbm>>
      %dma_start3A_38 = arith.constant 0 : i32
      %dma_start3A_39 = tpu.memref_slice %arg5[%arg0, %add3A_19, %dma_start3A_38] : memref<2x10240x128xf32, #tpu.memory_space<hbm>> -> memref<1x128x128xf32, #tpu.memory_space<hbm>>
      %dma_start3A_40 = tpu.memref_squeeze %dma_start3A_39 : memref<1x128x128xf32, #tpu.memory_space<hbm>> -> memref<128x128xf32, #tpu.memory_space<hbm>>
      tpu.enqueue_dma source(%arg8 : memref<128x128xf32, #tpu.memory_space<vmem>>) target(%dma_start3A_40 : memref<128x128xf32, #tpu.memory_space<hbm>>) target_semaphore(%run_scoped3A : memref<!tpu.dma_semaphore, #tpu.memory_space<semaphore_mem>>)
      %dma_wait3A = arith.constant 0 : i32
      %dma_wait3A_41 = tpu.memref_slice %arg5[%arg0, %add3A_19, %dma_wait3A] : memref<2x10240x128xf32, #tpu.memory_space<hbm>> -> memref<1x128x128xf32, #tpu.memory_space<hbm>>
      %dma_wait3A_42 = tpu.memref_squeeze %dma_wait3A_41 : memref<1x128x128xf32, #tpu.memory_space<hbm>> -> memref<128x128xf32, #tpu.memory_space<hbm>>
      %dma_wait3A_43 = arith.constant 0 : i32
      %dma_wait3A_44 = tpu.memref_slice %arg5[%arg0, %add3A_19, %dma_wait3A_43] : memref<2x10240x128xf32, #tpu.memory_space<hbm>> -> memref<1x128x128xf32, #tpu.memory_space<hbm>>
      %dma_wait3A_45 = tpu.memref_squeeze %dma_wait3A_44 : memref<1x128x128xf32, #tpu.memory_space<hbm>> -> memref<128x128xf32, #tpu.memory_space<hbm>>
      tpu.wait_dma2 semaphore(%run_scoped3A : memref<!tpu.dma_semaphore, #tpu.memory_space<semaphore_mem>>) src(%arg8 : memref<128x128xf32, #tpu.memory_space<vmem>>) dst(%dma_wait3A_45 : memref<128x128xf32, #tpu.memory_space<hbm>>)
      tpu.yield
    }) : () -> ()
    %add3A_20 = arith.constant 128 : i32
    %add3A_21 = arith.addi %mul3A_0, %add3A_20 : i32
    "tpu.region"() ({
      %run_scoped3A = tpu.sem_alloc : memref<!tpu.dma_semaphore, #tpu.memory_space<semaphore_mem>>
      %dma_start3A = arith.constant 0 : i32
      %dma_start3A_36 = tpu.memref_slice %arg9[%add3A_21, %dma_start3A] : memref<10240x128xf32, #tpu.memory_space<vmem_shared>> -> memref<128x128xf32, #tpu.memory_space<vmem_shared>>
      %dma_start3A_37 = arith.constant 0 : i32
      %dma_start3A_38 = tpu.memref_slice %arg9[%add3A_21, %dma_start3A_37] : memref<10240x128xf32, #tpu.memory_space<vmem_shared>> -> memref<128x128xf32, #tpu.memory_space<vmem_shared>>
      tpu.enqueue_dma source(%dma_start3A_38 : memref<128x128xf32, #tpu.memory_space<vmem_shared>>) target(%arg8 : memref<128x128xf32, #tpu.memory_space<vmem>>) target_semaphore(%run_scoped3A : memref<!tpu.dma_semaphore, #tpu.memory_space<semaphore_mem>>)
      %dma_wait3A = arith.constant 0 : i32
      %dma_wait3A_39 = tpu.memref_slice %arg9[%add3A_21, %dma_wait3A] : memref<10240x128xf32, #tpu.memory_space<vmem_shared>> -> memref<128x128xf32, #tpu.memory_space<vmem_shared>>
      %dma_wait3A_40 = arith.constant 0 : i32
      %dma_wait3A_41 = tpu.memref_slice %arg9[%add3A_21, %dma_wait3A_40] : memref<10240x128xf32, #tpu.memory_space<vmem_shared>> -> memref<128x128xf32, #tpu.memory_space<vmem_shared>>
      tpu.wait_dma2 semaphore(%run_scoped3A : memref<!tpu.dma_semaphore, #tpu.memory_space<semaphore_mem>>) src(%dma_wait3A_41 : memref<128x128xf32, #tpu.memory_space<vmem_shared>>) dst(%arg8 : memref<128x128xf32, #tpu.memory_space<vmem>>)
      tpu.yield
    }) : () -> ()
    %add3A_22 = arith.constant 128 : i32
    %add3A_23 = arith.addi %mul3A_0, %add3A_22 : i32
    "tpu.region"() ({
      %run_scoped3A = tpu.sem_alloc : memref<!tpu.dma_semaphore, #tpu.memory_space<semaphore_mem>>
      %dma_start3A = arith.constant 0 : i32
      %dma_start3A_36 = tpu.memref_slice %arg5[%arg0, %add3A_23, %dma_start3A] : memref<2x10240x128xf32, #tpu.memory_space<hbm>> -> memref<1x128x128xf32, #tpu.memory_space<hbm>>
      %dma_start3A_37 = tpu.memref_squeeze %dma_start3A_36 : memref<1x128x128xf32, #tpu.memory_space<hbm>> -> memref<128x128xf32, #tpu.memory_space<hbm>>
      %dma_start3A_38 = arith.constant 0 : i32
      %dma_start3A_39 = tpu.memref_slice %arg5[%arg0, %add3A_23, %dma_start3A_38] : memref<2x10240x128xf32, #tpu.memory_space<hbm>> -> memref<1x128x128xf32, #tpu.memory_space<hbm>>
      %dma_start3A_40 = tpu.memref_squeeze %dma_start3A_39 : memref<1x128x128xf32, #tpu.memory_space<hbm>> -> memref<128x128xf32, #tpu.memory_space<hbm>>
      tpu.enqueue_dma source(%arg8 : memref<128x128xf32, #tpu.memory_space<vmem>>) target(%dma_start3A_40 : memref<128x128xf32, #tpu.memory_space<hbm>>) target_semaphore(%run_scoped3A : memref<!tpu.dma_semaphore, #tpu.memory_space<semaphore_mem>>)
      %dma_wait3A = arith.constant 0 : i32
      %dma_wait3A_41 = tpu.memref_slice %arg5[%arg0, %add3A_23, %dma_wait3A] : memref<2x10240x128xf32, #tpu.memory_space<hbm>> -> memref<1x128x128xf32, #tpu.memory_space<hbm>>
      %dma_wait3A_42 = tpu.memref_squeeze %dma_wait3A_41 : memref<1x128x128xf32, #tpu.memory_space<hbm>> -> memref<128x128xf32, #tpu.memory_space<hbm>>
      %dma_wait3A_43 = arith.constant 0 : i32
      %dma_wait3A_44 = tpu.memref_slice %arg5[%arg0, %add3A_23, %dma_wait3A_43] : memref<2x10240x128xf32, #tpu.memory_space<hbm>> -> memref<1x128x128xf32, #tpu.memory_space<hbm>>
      %dma_wait3A_45 = tpu.memref_squeeze %dma_wait3A_44 : memref<1x128x128xf32, #tpu.memory_space<hbm>> -> memref<128x128xf32, #tpu.memory_space<hbm>>
      tpu.wait_dma2 semaphore(%run_scoped3A : memref<!tpu.dma_semaphore, #tpu.memory_space<semaphore_mem>>) src(%arg8 : memref<128x128xf32, #tpu.memory_space<vmem>>) dst(%dma_wait3A_45 : memref<128x128xf32, #tpu.memory_space<hbm>>)
      tpu.yield
    }) : () -> ()
    %add3A_24 = arith.constant 256 : i32
    %add3A_25 = arith.addi %mul3A_0, %add3A_24 : i32
    "tpu.region"() ({
      %run_scoped3A = tpu.sem_alloc : memref<!tpu.dma_semaphore, #tpu.memory_space<semaphore_mem>>
      %dma_start3A = arith.constant 0 : i32
      %dma_start3A_36 = tpu.memref_slice %arg9[%add3A_25, %dma_start3A] : memref<10240x128xf32, #tpu.memory_space<vmem_shared>> -> memref<128x128xf32, #tpu.memory_space<vmem_shared>>
      %dma_start3A_37 = arith.constant 0 : i32
      %dma_start3A_38 = tpu.memref_slice %arg9[%add3A_25, %dma_start3A_37] : memref<10240x128xf32, #tpu.memory_space<vmem_shared>> -> memref<128x128xf32, #tpu.memory_space<vmem_shared>>
      tpu.enqueue_dma source(%dma_start3A_38 : memref<128x128xf32, #tpu.memory_space<vmem_shared>>) target(%arg8 : memref<128x128xf32, #tpu.memory_space<vmem>>) target_semaphore(%run_scoped3A : memref<!tpu.dma_semaphore, #tpu.memory_space<semaphore_mem>>)
      %dma_wait3A = arith.constant 0 : i32
      %dma_wait3A_39 = tpu.memref_slice %arg9[%add3A_25, %dma_wait3A] : memref<10240x128xf32, #tpu.memory_space<vmem_shared>> -> memref<128x128xf32, #tpu.memory_space<vmem_shared>>
      %dma_wait3A_40 = arith.constant 0 : i32
      %dma_wait3A_41 = tpu.memref_slice %arg9[%add3A_25, %dma_wait3A_40] : memref<10240x128xf32, #tpu.memory_space<vmem_shared>> -> memref<128x128xf32, #tpu.memory_space<vmem_shared>>
      tpu.wait_dma2 semaphore(%run_scoped3A : memref<!tpu.dma_semaphore, #tpu.memory_space<semaphore_mem>>) src(%dma_wait3A_41 : memref<128x128xf32, #tpu.memory_space<vmem_shared>>) dst(%arg8 : memref<128x128xf32, #tpu.memory_space<vmem>>)
      tpu.yield
    }) : () -> ()
    %add3A_26 = arith.constant 256 : i32
    %add3A_27 = arith.addi %mul3A_0, %add3A_26 : i32
    "tpu.region"() ({
      %run_scoped3A = tpu.sem_alloc : memref<!tpu.dma_semaphore, #tpu.memory_space<semaphore_mem>>
      %dma_start3A = arith.constant 0 : i32
      %dma_start3A_36 = tpu.memref_slice %arg5[%arg0, %add3A_27, %dma_start3A] : memref<2x10240x128xf32, #tpu.memory_space<hbm>> -> memref<1x128x128xf32, #tpu.memory_space<hbm>>
      %dma_start3A_37 = tpu.memref_squeeze %dma_start3A_36 : memref<1x128x128xf32, #tpu.memory_space<hbm>> -> memref<128x128xf32, #tpu.memory_space<hbm>>
      %dma_start3A_38 = arith.constant 0 : i32
      %dma_start3A_39 = tpu.memref_slice %arg5[%arg0, %add3A_27, %dma_start3A_38] : memref<2x10240x128xf32, #tpu.memory_space<hbm>> -> memref<1x128x128xf32, #tpu.memory_space<hbm>>
      %dma_start3A_40 = tpu.memref_squeeze %dma_start3A_39 : memref<1x128x128xf32, #tpu.memory_space<hbm>> -> memref<128x128xf32, #tpu.memory_space<hbm>>
      tpu.enqueue_dma source(%arg8 : memref<128x128xf32, #tpu.memory_space<vmem>>) target(%dma_start3A_40 : memref<128x128xf32, #tpu.memory_space<hbm>>) target_semaphore(%run_scoped3A : memref<!tpu.dma_semaphore, #tpu.memory_space<semaphore_mem>>)
      %dma_wait3A = arith.constant 0 : i32
      %dma_wait3A_41 = tpu.memref_slice %arg5[%arg0, %add3A_27, %dma_wait3A] : memref<2x10240x128xf32, #tpu.memory_space<hbm>> -> memref<1x128x128xf32, #tpu.memory_space<hbm>>
      %dma_wait3A_42 = tpu.memref_squeeze %dma_wait3A_41 : memref<1x128x128xf32, #tpu.memory_space<hbm>> -> memref<128x128xf32, #tpu.memory_space<hbm>>
      %dma_wait3A_43 = arith.constant 0 : i32
      %dma_wait3A_44 = tpu.memref_slice %arg5[%arg0, %add3A_27, %dma_wait3A_43] : memref<2x10240x128xf32, #tpu.memory_space<hbm>> -> memref<1x128x128xf32, #tpu.memory_space<hbm>>
      %dma_wait3A_45 = tpu.memref_squeeze %dma_wait3A_44 : memref<1x128x128xf32, #tpu.memory_space<hbm>> -> memref<128x128xf32, #tpu.memory_space<hbm>>
      tpu.wait_dma2 semaphore(%run_scoped3A : memref<!tpu.dma_semaphore, #tpu.memory_space<semaphore_mem>>) src(%arg8 : memref<128x128xf32, #tpu.memory_space<vmem>>) dst(%dma_wait3A_45 : memref<128x128xf32, #tpu.memory_space<hbm>>)
      tpu.yield
    }) : () -> ()
    %add3A_28 = arith.constant 384 : i32
    %add3A_29 = arith.addi %mul3A_0, %add3A_28 : i32
    "tpu.region"() ({
      %run_scoped3A = tpu.sem_alloc : memref<!tpu.dma_semaphore, #tpu.memory_space<semaphore_mem>>
      %dma_start3A = arith.constant 0 : i32
      %dma_start3A_36 = tpu.memref_slice %arg9[%add3A_29, %dma_start3A] : memref<10240x128xf32, #tpu.memory_space<vmem_shared>> -> memref<128x128xf32, #tpu.memory_space<vmem_shared>>
      %dma_start3A_37 = arith.constant 0 : i32
      %dma_start3A_38 = tpu.memref_slice %arg9[%add3A_29, %dma_start3A_37] : memref<10240x128xf32, #tpu.memory_space<vmem_shared>> -> memref<128x128xf32, #tpu.memory_space<vmem_shared>>
      tpu.enqueue_dma source(%dma_start3A_38 : memref<128x128xf32, #tpu.memory_space<vmem_shared>>) target(%arg8 : memref<128x128xf32, #tpu.memory_space<vmem>>) target_semaphore(%run_scoped3A : memref<!tpu.dma_semaphore, #tpu.memory_space<semaphore_mem>>)
      %dma_wait3A = arith.constant 0 : i32
      %dma_wait3A_39 = tpu.memref_slice %arg9[%add3A_29, %dma_wait3A] : memref<10240x128xf32, #tpu.memory_space<vmem_shared>> -> memref<128x128xf32, #tpu.memory_space<vmem_shared>>
      %dma_wait3A_40 = arith.constant 0 : i32
      %dma_wait3A_41 = tpu.memref_slice %arg9[%add3A_29, %dma_wait3A_40] : memref<10240x128xf32, #tpu.memory_space<vmem_shared>> -> memref<128x128xf32, #tpu.memory_space<vmem_shared>>
      tpu.wait_dma2 semaphore(%run_scoped3A : memref<!tpu.dma_semaphore, #tpu.memory_space<semaphore_mem>>) src(%dma_wait3A_41 : memref<128x128xf32, #tpu.memory_space<vmem_shared>>) dst(%arg8 : memref<128x128xf32, #tpu.memory_space<vmem>>)
      tpu.yield
    }) : () -> ()
    %add3A_30 = arith.constant 384 : i32
    %add3A_31 = arith.addi %mul3A_0, %add3A_30 : i32
    "tpu.region"() ({
      %run_scoped3A = tpu.sem_alloc : memref<!tpu.dma_semaphore, #tpu.memory_space<semaphore_mem>>
      %dma_start3A = arith.constant 0 : i32
      %dma_start3A_36 = tpu.memref_slice %arg5[%arg0, %add3A_31, %dma_start3A] : memref<2x10240x128xf32, #tpu.memory_space<hbm>> -> memref<1x128x128xf32, #tpu.memory_space<hbm>>
      %dma_start3A_37 = tpu.memref_squeeze %dma_start3A_36 : memref<1x128x128xf32, #tpu.memory_space<hbm>> -> memref<128x128xf32, #tpu.memory_space<hbm>>
      %dma_start3A_38 = arith.constant 0 : i32
      %dma_start3A_39 = tpu.memref_slice %arg5[%arg0, %add3A_31, %dma_start3A_38] : memref<2x10240x128xf32, #tpu.memory_space<hbm>> -> memref<1x128x128xf32, #tpu.memory_space<hbm>>
      %dma_start3A_40 = tpu.memref_squeeze %dma_start3A_39 : memref<1x128x128xf32, #tpu.memory_space<hbm>> -> memref<128x128xf32, #tpu.memory_space<hbm>>
      tpu.enqueue_dma source(%arg8 : memref<128x128xf32, #tpu.memory_space<vmem>>) target(%dma_start3A_40 : memref<128x128xf32, #tpu.memory_space<hbm>>) target_semaphore(%run_scoped3A : memref<!tpu.dma_semaphore, #tpu.memory_space<semaphore_mem>>)
      %dma_wait3A = arith.constant 0 : i32
      %dma_wait3A_41 = tpu.memref_slice %arg5[%arg0, %add3A_31, %dma_wait3A] : memref<2x10240x128xf32, #tpu.memory_space<hbm>> -> memref<1x128x128xf32, #tpu.memory_space<hbm>>
      %dma_wait3A_42 = tpu.memref_squeeze %dma_wait3A_41 : memref<1x128x128xf32, #tpu.memory_space<hbm>> -> memref<128x128xf32, #tpu.memory_space<hbm>>
      %dma_wait3A_43 = arith.constant 0 : i32
      %dma_wait3A_44 = tpu.memref_slice %arg5[%arg0, %add3A_31, %dma_wait3A_43] : memref<2x10240x128xf32, #tpu.memory_space<hbm>> -> memref<1x128x128xf32, #tpu.memory_space<hbm>>
      %dma_wait3A_45 = tpu.memref_squeeze %dma_wait3A_44 : memref<1x128x128xf32, #tpu.memory_space<hbm>> -> memref<128x128xf32, #tpu.memory_space<hbm>>
      tpu.wait_dma2 semaphore(%run_scoped3A : memref<!tpu.dma_semaphore, #tpu.memory_space<semaphore_mem>>) src(%arg8 : memref<128x128xf32, #tpu.memory_space<vmem>>) dst(%dma_wait3A_45 : memref<128x128xf32, #tpu.memory_space<hbm>>)
      tpu.yield
    }) : () -> ()
    %add3A_32 = arith.constant 512 : i32
    %add3A_33 = arith.addi %mul3A_0, %add3A_32 : i32
    "tpu.region"() ({
      %run_scoped3A = tpu.sem_alloc : memref<!tpu.dma_semaphore, #tpu.memory_space<semaphore_mem>>
      %dma_start3A = arith.constant 0 : i32
      %dma_start3A_36 = tpu.memref_slice %arg9[%add3A_33, %dma_start3A] : memref<10240x128xf32, #tpu.memory_space<vmem_shared>> -> memref<128x128xf32, #tpu.memory_space<vmem_shared>>
      %dma_start3A_37 = arith.constant 0 : i32
      %dma_start3A_38 = tpu.memref_slice %arg9[%add3A_33, %dma_start3A_37] : memref<10240x128xf32, #tpu.memory_space<vmem_shared>> -> memref<128x128xf32, #tpu.memory_space<vmem_shared>>
      tpu.enqueue_dma source(%dma_start3A_38 : memref<128x128xf32, #tpu.memory_space<vmem_shared>>) target(%arg8 : memref<128x128xf32, #tpu.memory_space<vmem>>) target_semaphore(%run_scoped3A : memref<!tpu.dma_semaphore, #tpu.memory_space<semaphore_mem>>)
      %dma_wait3A = arith.constant 0 : i32
      %dma_wait3A_39 = tpu.memref_slice %arg9[%add3A_33, %dma_wait3A] : memref<10240x128xf32, #tpu.memory_space<vmem_shared>> -> memref<128x128xf32, #tpu.memory_space<vmem_shared>>
      %dma_wait3A_40 = arith.constant 0 : i32
      %dma_wait3A_41 = tpu.memref_slice %arg9[%add3A_33, %dma_wait3A_40] : memref<10240x128xf32, #tpu.memory_space<vmem_shared>> -> memref<128x128xf32, #tpu.memory_space<vmem_shared>>
      tpu.wait_dma2 semaphore(%run_scoped3A : memref<!tpu.dma_semaphore, #tpu.memory_space<semaphore_mem>>) src(%dma_wait3A_41 : memref<128x128xf32, #tpu.memory_space<vmem_shared>>) dst(%arg8 : memref<128x128xf32, #tpu.memory_space<vmem>>)
      tpu.yield
    }) : () -> ()
    %add3A_34 = arith.constant 512 : i32
    %add3A_35 = arith.addi %mul3A_0, %add3A_34 : i32
    "tpu.region"() ({
      %run_scoped3A = tpu.sem_alloc : memref<!tpu.dma_semaphore, #tpu.memory_space<semaphore_mem>>
      %dma_start3A = arith.constant 0 : i32
      %dma_start3A_36 = tpu.memref_slice %arg5[%arg0, %add3A_35, %dma_start3A] : memref<2x10240x128xf32, #tpu.memory_space<hbm>> -> memref<1x128x128xf32, #tpu.memory_space<hbm>>
      %dma_start3A_37 = tpu.memref_squeeze %dma_start3A_36 : memref<1x128x128xf32, #tpu.memory_space<hbm>> -> memref<128x128xf32, #tpu.memory_space<hbm>>
      %dma_start3A_38 = arith.constant 0 : i32
      %dma_start3A_39 = tpu.memref_slice %arg5[%arg0, %add3A_35, %dma_start3A_38] : memref<2x10240x128xf32, #tpu.memory_space<hbm>> -> memref<1x128x128xf32, #tpu.memory_space<hbm>>
      %dma_start3A_40 = tpu.memref_squeeze %dma_start3A_39 : memref<1x128x128xf32, #tpu.memory_space<hbm>> -> memref<128x128xf32, #tpu.memory_space<hbm>>
      tpu.enqueue_dma source(%arg8 : memref<128x128xf32, #tpu.memory_space<vmem>>) target(%dma_start3A_40 : memref<128x128xf32, #tpu.memory_space<hbm>>) target_semaphore(%run_scoped3A : memref<!tpu.dma_semaphore, #tpu.memory_space<semaphore_mem>>)
      %dma_wait3A = arith.constant 0 : i32
      %dma_wait3A_41 = tpu.memref_slice %arg5[%arg0, %add3A_35, %dma_wait3A] : memref<2x10240x128xf32, #tpu.memory_space<hbm>> -> memref<1x128x128xf32, #tpu.memory_space<hbm>>
      %dma_wait3A_42 = tpu.memref_squeeze %dma_wait3A_41 : memref<1x128x128xf32, #tpu.memory_space<hbm>> -> memref<128x128xf32, #tpu.memory_space<hbm>>
      %dma_wait3A_43 = arith.constant 0 : i32
      %dma_wait3A_44 = tpu.memref_slice %arg5[%arg0, %add3A_35, %dma_wait3A_43] : memref<2x10240x128xf32, #tpu.memory_space<hbm>> -> memref<1x128x128xf32, #tpu.memory_space<hbm>>
      %dma_wait3A_45 = tpu.memref_squeeze %dma_wait3A_44 : memref<1x128x128xf32, #tpu.memory_space<hbm>> -> memref<128x128xf32, #tpu.memory_space<hbm>>
      tpu.wait_dma2 semaphore(%run_scoped3A : memref<!tpu.dma_semaphore, #tpu.memory_space<semaphore_mem>>) src(%arg8 : memref<128x128xf32, #tpu.memory_space<vmem>>) dst(%dma_wait3A_45 : memref<128x128xf32, #tpu.memory_space<hbm>>)
      tpu.yield
    }) : () -> ()
    return
  }
}

#map = affine_map<(d0, d1) -> (0, 0)>
#map1 = affine_map<(d0, d1) -> (0, 0, 0, 0, 0)>
#map2 = affine_map<(d0, d1) -> (0, 0, 0)>
module attributes {stable_mosaic.version = 14 : i64} {
  func.func @_sc_scatter(%arg0: i32, %arg1: i32, %arg2: memref<10000x128xf32, #tpu.memory_space<hbm>>, %arg3: memref<2x16x2x40x128xi32, #tpu.memory_space<hbm>>, %arg4: memref<2x16x2x40x128xi32, #tpu.memory_space<hbm>>, %arg5: memref<128x128xf32, #tpu.memory_space<hbm>>, %arg6: memref<2x10240x128xf32, #tpu.memory_space<hbm>>, %arg7: memref<40x128xi32, #tpu.memory_space<vmem>>, %arg8: memref<40x128xi32, #tpu.memory_space<vmem>>, %arg9: memref<128x128xf32, #tpu.memory_space<vmem>>, %arg10: memref<128x128xf32, #tpu.memory_space<vmem>>, %arg11: memref<10240x128xf32, #tpu.memory_space<vmem_shared>>, %arg12: memref<!tpu.dma_semaphore, #tpu.memory_space<semaphore_mem>>, %arg13: memref<!tpu.dma_semaphore, #tpu.memory_space<semaphore_mem>>) attributes {dimension_semantics = [#tpu.dimension_semantics<core_parallel>, #tpu.dimension_semantics<subcore_parallel>], iteration_bounds = array<i64: 2, 16>, scalar_prefetch = 0 : i64, scratch_operands = 7 : i64, tpu.core_type = #tpu.core_type<sc_vector_subcore>, window_params = [{transform_indices = #map}, {transform_indices = #map1}, {transform_indices = #map1}, {transform_indices = #map}, {transform_indices = #map2}]} {
    %mul3A = arith.constant 640 : i32
    %mul3A_0 = arith.muli %arg1, %mul3A : i32
    "tpu.region"() ({
      %run_scoped3A_58 = tpu.sem_alloc : memref<!tpu.dma_semaphore, #tpu.memory_space<semaphore_mem>>
      tpu.enqueue_dma source(%arg5 : memref<128x128xf32, #tpu.memory_space<hbm>>) target(%arg9 : memref<128x128xf32, #tpu.memory_space<vmem>>) target_semaphore(%run_scoped3A_58 : memref<!tpu.dma_semaphore, #tpu.memory_space<semaphore_mem>>)
      tpu.wait_dma2 semaphore(%run_scoped3A_58 : memref<!tpu.dma_semaphore, #tpu.memory_space<semaphore_mem>>) src(%arg5 : memref<128x128xf32, #tpu.memory_space<hbm>>) dst(%arg9 : memref<128x128xf32, #tpu.memory_space<vmem>>)
      tpu.yield
    }) : () -> ()
    %add3A = arith.constant 0 : i32
    %add3A_1 = arith.addi %mul3A_0, %add3A : i32
    "tpu.region"() ({
      %run_scoped3A_58 = tpu.sem_alloc : memref<!tpu.dma_semaphore, #tpu.memory_space<semaphore_mem>>
      %dma_start3A_59 = arith.constant 0 : i32
      %dma_start3A_60 = tpu.memref_slice %arg11[%add3A_1, %dma_start3A_59] : memref<10240x128xf32, #tpu.memory_space<vmem_shared>> -> memref<128x128xf32, #tpu.memory_space<vmem_shared>>
      %dma_start3A_61 = arith.constant 0 : i32
      %dma_start3A_62 = tpu.memref_slice %arg11[%add3A_1, %dma_start3A_61] : memref<10240x128xf32, #tpu.memory_space<vmem_shared>> -> memref<128x128xf32, #tpu.memory_space<vmem_shared>>
      tpu.enqueue_dma source(%arg9 : memref<128x128xf32, #tpu.memory_space<vmem>>) target(%dma_start3A_62 : memref<128x128xf32, #tpu.memory_space<vmem_shared>>) target_semaphore(%run_scoped3A_58 : memref<!tpu.dma_semaphore, #tpu.memory_space<semaphore_mem>>)
      %dma_wait3A = arith.constant 0 : i32
      %dma_wait3A_63 = tpu.memref_slice %arg11[%add3A_1, %dma_wait3A] : memref<10240x128xf32, #tpu.memory_space<vmem_shared>> -> memref<128x128xf32, #tpu.memory_space<vmem_shared>>
      %dma_wait3A_64 = arith.constant 0 : i32
      %dma_wait3A_65 = tpu.memref_slice %arg11[%add3A_1, %dma_wait3A_64] : memref<10240x128xf32, #tpu.memory_space<vmem_shared>> -> memref<128x128xf32, #tpu.memory_space<vmem_shared>>
      tpu.wait_dma2 semaphore(%run_scoped3A_58 : memref<!tpu.dma_semaphore, #tpu.memory_space<semaphore_mem>>) src(%arg9 : memref<128x128xf32, #tpu.memory_space<vmem>>) dst(%dma_wait3A_65 : memref<128x128xf32, #tpu.memory_space<vmem_shared>>)
      tpu.yield
    }) : () -> ()
    %add3A_2 = arith.constant 128 : i32
    %add3A_3 = arith.addi %mul3A_0, %add3A_2 : i32
    "tpu.region"() ({
      %run_scoped3A_58 = tpu.sem_alloc : memref<!tpu.dma_semaphore, #tpu.memory_space<semaphore_mem>>
      %dma_start3A_59 = arith.constant 0 : i32
      %dma_start3A_60 = tpu.memref_slice %arg11[%add3A_3, %dma_start3A_59] : memref<10240x128xf32, #tpu.memory_space<vmem_shared>> -> memref<128x128xf32, #tpu.memory_space<vmem_shared>>
      %dma_start3A_61 = arith.constant 0 : i32
      %dma_start3A_62 = tpu.memref_slice %arg11[%add3A_3, %dma_start3A_61] : memref<10240x128xf32, #tpu.memory_space<vmem_shared>> -> memref<128x128xf32, #tpu.memory_space<vmem_shared>>
      tpu.enqueue_dma source(%arg9 : memref<128x128xf32, #tpu.memory_space<vmem>>) target(%dma_start3A_62 : memref<128x128xf32, #tpu.memory_space<vmem_shared>>) target_semaphore(%run_scoped3A_58 : memref<!tpu.dma_semaphore, #tpu.memory_space<semaphore_mem>>)
      %dma_wait3A = arith.constant 0 : i32
      %dma_wait3A_63 = tpu.memref_slice %arg11[%add3A_3, %dma_wait3A] : memref<10240x128xf32, #tpu.memory_space<vmem_shared>> -> memref<128x128xf32, #tpu.memory_space<vmem_shared>>
      %dma_wait3A_64 = arith.constant 0 : i32
      %dma_wait3A_65 = tpu.memref_slice %arg11[%add3A_3, %dma_wait3A_64] : memref<10240x128xf32, #tpu.memory_space<vmem_shared>> -> memref<128x128xf32, #tpu.memory_space<vmem_shared>>
      tpu.wait_dma2 semaphore(%run_scoped3A_58 : memref<!tpu.dma_semaphore, #tpu.memory_space<semaphore_mem>>) src(%arg9 : memref<128x128xf32, #tpu.memory_space<vmem>>) dst(%dma_wait3A_65 : memref<128x128xf32, #tpu.memory_space<vmem_shared>>)
      tpu.yield
    }) : () -> ()
    %add3A_4 = arith.constant 256 : i32
    %add3A_5 = arith.addi %mul3A_0, %add3A_4 : i32
    "tpu.region"() ({
      %run_scoped3A_58 = tpu.sem_alloc : memref<!tpu.dma_semaphore, #tpu.memory_space<semaphore_mem>>
      %dma_start3A_59 = arith.constant 0 : i32
      %dma_start3A_60 = tpu.memref_slice %arg11[%add3A_5, %dma_start3A_59] : memref<10240x128xf32, #tpu.memory_space<vmem_shared>> -> memref<128x128xf32, #tpu.memory_space<vmem_shared>>
      %dma_start3A_61 = arith.constant 0 : i32
      %dma_start3A_62 = tpu.memref_slice %arg11[%add3A_5, %dma_start3A_61] : memref<10240x128xf32, #tpu.memory_space<vmem_shared>> -> memref<128x128xf32, #tpu.memory_space<vmem_shared>>
      tpu.enqueue_dma source(%arg9 : memref<128x128xf32, #tpu.memory_space<vmem>>) target(%dma_start3A_62 : memref<128x128xf32, #tpu.memory_space<vmem_shared>>) target_semaphore(%run_scoped3A_58 : memref<!tpu.dma_semaphore, #tpu.memory_space<semaphore_mem>>)
      %dma_wait3A = arith.constant 0 : i32
      %dma_wait3A_63 = tpu.memref_slice %arg11[%add3A_5, %dma_wait3A] : memref<10240x128xf32, #tpu.memory_space<vmem_shared>> -> memref<128x128xf32, #tpu.memory_space<vmem_shared>>
      %dma_wait3A_64 = arith.constant 0 : i32
      %dma_wait3A_65 = tpu.memref_slice %arg11[%add3A_5, %dma_wait3A_64] : memref<10240x128xf32, #tpu.memory_space<vmem_shared>> -> memref<128x128xf32, #tpu.memory_space<vmem_shared>>
      tpu.wait_dma2 semaphore(%run_scoped3A_58 : memref<!tpu.dma_semaphore, #tpu.memory_space<semaphore_mem>>) src(%arg9 : memref<128x128xf32, #tpu.memory_space<vmem>>) dst(%dma_wait3A_65 : memref<128x128xf32, #tpu.memory_space<vmem_shared>>)
      tpu.yield
    }) : () -> ()
    %add3A_6 = arith.constant 384 : i32
    %add3A_7 = arith.addi %mul3A_0, %add3A_6 : i32
    "tpu.region"() ({
      %run_scoped3A_58 = tpu.sem_alloc : memref<!tpu.dma_semaphore, #tpu.memory_space<semaphore_mem>>
      %dma_start3A_59 = arith.constant 0 : i32
      %dma_start3A_60 = tpu.memref_slice %arg11[%add3A_7, %dma_start3A_59] : memref<10240x128xf32, #tpu.memory_space<vmem_shared>> -> memref<128x128xf32, #tpu.memory_space<vmem_shared>>
      %dma_start3A_61 = arith.constant 0 : i32
      %dma_start3A_62 = tpu.memref_slice %arg11[%add3A_7, %dma_start3A_61] : memref<10240x128xf32, #tpu.memory_space<vmem_shared>> -> memref<128x128xf32, #tpu.memory_space<vmem_shared>>
      tpu.enqueue_dma source(%arg9 : memref<128x128xf32, #tpu.memory_space<vmem>>) target(%dma_start3A_62 : memref<128x128xf32, #tpu.memory_space<vmem_shared>>) target_semaphore(%run_scoped3A_58 : memref<!tpu.dma_semaphore, #tpu.memory_space<semaphore_mem>>)
      %dma_wait3A = arith.constant 0 : i32
      %dma_wait3A_63 = tpu.memref_slice %arg11[%add3A_7, %dma_wait3A] : memref<10240x128xf32, #tpu.memory_space<vmem_shared>> -> memref<128x128xf32, #tpu.memory_space<vmem_shared>>
      %dma_wait3A_64 = arith.constant 0 : i32
      %dma_wait3A_65 = tpu.memref_slice %arg11[%add3A_7, %dma_wait3A_64] : memref<10240x128xf32, #tpu.memory_space<vmem_shared>> -> memref<128x128xf32, #tpu.memory_space<vmem_shared>>
      tpu.wait_dma2 semaphore(%run_scoped3A_58 : memref<!tpu.dma_semaphore, #tpu.memory_space<semaphore_mem>>) src(%arg9 : memref<128x128xf32, #tpu.memory_space<vmem>>) dst(%dma_wait3A_65 : memref<128x128xf32, #tpu.memory_space<vmem_shared>>)
      tpu.yield
    }) : () -> ()
    %add3A_8 = arith.constant 512 : i32
    %add3A_9 = arith.addi %mul3A_0, %add3A_8 : i32
    "tpu.region"() ({
      %run_scoped3A_58 = tpu.sem_alloc : memref<!tpu.dma_semaphore, #tpu.memory_space<semaphore_mem>>
      %dma_start3A_59 = arith.constant 0 : i32
      %dma_start3A_60 = tpu.memref_slice %arg11[%add3A_9, %dma_start3A_59] : memref<10240x128xf32, #tpu.memory_space<vmem_shared>> -> memref<128x128xf32, #tpu.memory_space<vmem_shared>>
      %dma_start3A_61 = arith.constant 0 : i32
      %dma_start3A_62 = tpu.memref_slice %arg11[%add3A_9, %dma_start3A_61] : memref<10240x128xf32, #tpu.memory_space<vmem_shared>> -> memref<128x128xf32, #tpu.memory_space<vmem_shared>>
      tpu.enqueue_dma source(%arg9 : memref<128x128xf32, #tpu.memory_space<vmem>>) target(%dma_start3A_62 : memref<128x128xf32, #tpu.memory_space<vmem_shared>>) target_semaphore(%run_scoped3A_58 : memref<!tpu.dma_semaphore, #tpu.memory_space<semaphore_mem>>)
      %dma_wait3A = arith.constant 0 : i32
      %dma_wait3A_63 = tpu.memref_slice %arg11[%add3A_9, %dma_wait3A] : memref<10240x128xf32, #tpu.memory_space<vmem_shared>> -> memref<128x128xf32, #tpu.memory_space<vmem_shared>>
      %dma_wait3A_64 = arith.constant 0 : i32
      %dma_wait3A_65 = tpu.memref_slice %arg11[%add3A_9, %dma_wait3A_64] : memref<10240x128xf32, #tpu.memory_space<vmem_shared>> -> memref<128x128xf32, #tpu.memory_space<vmem_shared>>
      tpu.wait_dma2 semaphore(%run_scoped3A_58 : memref<!tpu.dma_semaphore, #tpu.memory_space<semaphore_mem>>) src(%arg9 : memref<128x128xf32, #tpu.memory_space<vmem>>) dst(%dma_wait3A_65 : memref<128x128xf32, #tpu.memory_space<vmem_shared>>)
      tpu.yield
    }) : () -> ()
    %barrier3A = arith.constant 0 : index
    tpu.barrier barrier_id(%barrier3A)
    %run_scoped3A = arith.constant 0 : i32
    "tpu.region"() ({
      %run_scoped3A_58 = tpu.sem_alloc : memref<!tpu.dma_semaphore, #tpu.memory_space<semaphore_mem>>
      %dma_start3A_59 = arith.constant 0 : i32
      %dma_start3A_60 = arith.constant 0 : i32
      %dma_start3A_61 = tpu.memref_slice %arg3[%arg0, %arg1, %run_scoped3A, %dma_start3A_59, %dma_start3A_60] : memref<2x16x2x40x128xi32, #tpu.memory_space<hbm>> -> memref<1x1x1x40x128xi32, #tpu.memory_space<hbm>>
      %dma_start3A_62 = tpu.memref_squeeze %dma_start3A_61 : memref<1x1x1x40x128xi32, #tpu.memory_space<hbm>> -> memref<40x128xi32, #tpu.memory_space<hbm>>
      %dma_start3A_63 = arith.constant 0 : i32
      %dma_start3A_64 = arith.constant 0 : i32
      %dma_start3A_65 = tpu.memref_slice %arg3[%arg0, %arg1, %run_scoped3A, %dma_start3A_63, %dma_start3A_64] : memref<2x16x2x40x128xi32, #tpu.memory_space<hbm>> -> memref<1x1x1x40x128xi32, #tpu.memory_space<hbm>>
      %dma_start3A_66 = tpu.memref_squeeze %dma_start3A_65 : memref<1x1x1x40x128xi32, #tpu.memory_space<hbm>> -> memref<40x128xi32, #tpu.memory_space<hbm>>
      tpu.enqueue_dma source(%dma_start3A_66 : memref<40x128xi32, #tpu.memory_space<hbm>>) target(%arg7 : memref<40x128xi32, #tpu.memory_space<vmem>>) target_semaphore(%run_scoped3A_58 : memref<!tpu.dma_semaphore, #tpu.memory_space<semaphore_mem>>)
      %dma_wait3A = arith.constant 0 : i32
      %dma_wait3A_67 = arith.constant 0 : i32
      %dma_wait3A_68 = tpu.memref_slice %arg3[%arg0, %arg1, %run_scoped3A, %dma_wait3A, %dma_wait3A_67] : memref<2x16x2x40x128xi32, #tpu.memory_space<hbm>> -> memref<1x1x1x40x128xi32, #tpu.memory_space<hbm>>
      %dma_wait3A_69 = tpu.memref_squeeze %dma_wait3A_68 : memref<1x1x1x40x128xi32, #tpu.memory_space<hbm>> -> memref<40x128xi32, #tpu.memory_space<hbm>>
      %dma_wait3A_70 = arith.constant 0 : i32
      %dma_wait3A_71 = arith.constant 0 : i32
      %dma_wait3A_72 = tpu.memref_slice %arg3[%arg0, %arg1, %run_scoped3A, %dma_wait3A_70, %dma_wait3A_71] : memref<2x16x2x40x128xi32, #tpu.memory_space<hbm>> -> memref<1x1x1x40x128xi32, #tpu.memory_space<hbm>>
      %dma_wait3A_73 = tpu.memref_squeeze %dma_wait3A_72 : memref<1x1x1x40x128xi32, #tpu.memory_space<hbm>> -> memref<40x128xi32, #tpu.memory_space<hbm>>
      tpu.wait_dma2 semaphore(%run_scoped3A_58 : memref<!tpu.dma_semaphore, #tpu.memory_space<semaphore_mem>>) src(%dma_wait3A_73 : memref<40x128xi32, #tpu.memory_space<hbm>>) dst(%arg7 : memref<40x128xi32, #tpu.memory_space<vmem>>)
      tpu.yield
    }) : () -> ()
    %run_scoped3A_10 = arith.constant 0 : i32
    "tpu.region"() ({
      %run_scoped3A_58 = tpu.sem_alloc : memref<!tpu.dma_semaphore, #tpu.memory_space<semaphore_mem>>
      %dma_start3A_59 = arith.constant 0 : i32
      %dma_start3A_60 = arith.constant 0 : i32
      %dma_start3A_61 = tpu.memref_slice %arg4[%arg0, %arg1, %run_scoped3A_10, %dma_start3A_59, %dma_start3A_60] : memref<2x16x2x40x128xi32, #tpu.memory_space<hbm>> -> memref<1x1x1x40x128xi32, #tpu.memory_space<hbm>>
      %dma_start3A_62 = tpu.memref_squeeze %dma_start3A_61 : memref<1x1x1x40x128xi32, #tpu.memory_space<hbm>> -> memref<40x128xi32, #tpu.memory_space<hbm>>
      %dma_start3A_63 = arith.constant 0 : i32
      %dma_start3A_64 = arith.constant 0 : i32
      %dma_start3A_65 = tpu.memref_slice %arg4[%arg0, %arg1, %run_scoped3A_10, %dma_start3A_63, %dma_start3A_64] : memref<2x16x2x40x128xi32, #tpu.memory_space<hbm>> -> memref<1x1x1x40x128xi32, #tpu.memory_space<hbm>>
      %dma_start3A_66 = tpu.memref_squeeze %dma_start3A_65 : memref<1x1x1x40x128xi32, #tpu.memory_space<hbm>> -> memref<40x128xi32, #tpu.memory_space<hbm>>
      tpu.enqueue_dma source(%dma_start3A_66 : memref<40x128xi32, #tpu.memory_space<hbm>>) target(%arg8 : memref<40x128xi32, #tpu.memory_space<vmem>>) target_semaphore(%run_scoped3A_58 : memref<!tpu.dma_semaphore, #tpu.memory_space<semaphore_mem>>)
      %dma_wait3A = arith.constant 0 : i32
      %dma_wait3A_67 = arith.constant 0 : i32
      %dma_wait3A_68 = tpu.memref_slice %arg4[%arg0, %arg1, %run_scoped3A_10, %dma_wait3A, %dma_wait3A_67] : memref<2x16x2x40x128xi32, #tpu.memory_space<hbm>> -> memref<1x1x1x40x128xi32, #tpu.memory_space<hbm>>
      %dma_wait3A_69 = tpu.memref_squeeze %dma_wait3A_68 : memref<1x1x1x40x128xi32, #tpu.memory_space<hbm>> -> memref<40x128xi32, #tpu.memory_space<hbm>>
      %dma_wait3A_70 = arith.constant 0 : i32
      %dma_wait3A_71 = arith.constant 0 : i32
      %dma_wait3A_72 = tpu.memref_slice %arg4[%arg0, %arg1, %run_scoped3A_10, %dma_wait3A_70, %dma_wait3A_71] : memref<2x16x2x40x128xi32, #tpu.memory_space<hbm>> -> memref<1x1x1x40x128xi32, #tpu.memory_space<hbm>>
      %dma_wait3A_73 = tpu.memref_squeeze %dma_wait3A_72 : memref<1x1x1x40x128xi32, #tpu.memory_space<hbm>> -> memref<40x128xi32, #tpu.memory_space<hbm>>
      tpu.wait_dma2 semaphore(%run_scoped3A_58 : memref<!tpu.dma_semaphore, #tpu.memory_space<semaphore_mem>>) src(%dma_wait3A_73 : memref<40x128xi32, #tpu.memory_space<hbm>>) dst(%arg8 : memref<40x128xi32, #tpu.memory_space<vmem>>)
      tpu.yield
    }) : () -> ()
    %dma_start3A = arith.constant 0 : i32
    %dma_start3A_11 = arith.constant 0 : i32
    %dma_start3A_12 = tpu.memref_slice %arg7[%dma_start3A, %dma_start3A_11] : memref<40x128xi32, #tpu.memory_space<vmem>> -> memref<1x128xi32, #tpu.memory_space<vmem>>
    %dma_start3A_13 = tpu.memref_squeeze %dma_start3A_12 : memref<1x128xi32, #tpu.memory_space<vmem>> -> memref<128xi32, #tpu.memory_space<vmem>>
    %dma_start3A_14 = arith.constant 0 : i32
    %dma_start3A_15 = arith.constant 0 : i32
    %dma_start3A_16 = tpu.memref_slice %arg2[%dma_start3A_14, %dma_start3A_15] : memref<10000x128xf32, #tpu.memory_space<hbm>> -> memref<10000x128xf32, #tpu.memory_space<hbm>>
    tpu.enqueue_indirect_dma source(%dma_start3A_16 : memref<10000x128xf32, #tpu.memory_space<hbm>>) target(%arg9 : memref<128x128xf32, #tpu.memory_space<vmem>>) offsets(%dma_start3A_13 : memref<128xi32, #tpu.memory_space<vmem>>) semaphore(%arg12 : memref<!tpu.dma_semaphore, #tpu.memory_space<semaphore_mem>>)
    %scan3A = arith.constant 0 : i32
    %scan3A_17 = arith.constant 0 : i32
    %scan3A_18 = arith.constant 20 : i32
    %scan3A_19 = arith.addi %scan3A_17, %scan3A_18 : i32
    %scan3A_20 = arith.constant 1 : i32
    scf.for %scan3A_58 = %scan3A_17 to %scan3A_19 step %scan3A_20  : i32 {
      %mul3A_59 = arith.constant 2 : i32
      %mul3A_60 = arith.muli %mul3A_59, %scan3A_58 : i32
      %add3A_61 = arith.constant 1 : i32
      %add3A_62 = arith.addi %mul3A_60, %add3A_61 : i32
      %dma_start3A_63 = arith.constant 0 : i32
      %dma_start3A_64 = tpu.memref_slice %arg7[%add3A_62, %dma_start3A_63] : memref<40x128xi32, #tpu.memory_space<vmem>> -> memref<1x128xi32, #tpu.memory_space<vmem>>
      %dma_start3A_65 = tpu.memref_squeeze %dma_start3A_64 : memref<1x128xi32, #tpu.memory_space<vmem>> -> memref<128xi32, #tpu.memory_space<vmem>>
      %dma_start3A_66 = arith.constant 0 : i32
      %dma_start3A_67 = arith.constant 0 : i32
      %dma_start3A_68 = tpu.memref_slice %arg2[%dma_start3A_66, %dma_start3A_67] : memref<10000x128xf32, #tpu.memory_space<hbm>> -> memref<10000x128xf32, #tpu.memory_space<hbm>>
      tpu.enqueue_indirect_dma source(%dma_start3A_68 : memref<10000x128xf32, #tpu.memory_space<hbm>>) target(%arg10 : memref<128x128xf32, #tpu.memory_space<vmem>>) offsets(%dma_start3A_65 : memref<128xi32, #tpu.memory_space<vmem>>) semaphore(%arg13 : memref<!tpu.dma_semaphore, #tpu.memory_space<semaphore_mem>>)
      %dma_wait3A = arith.constant 0 : i32
      %dma_wait3A_69 = tpu.memref_slice %arg7[%mul3A_60, %dma_wait3A] : memref<40x128xi32, #tpu.memory_space<vmem>> -> memref<1x128xi32, #tpu.memory_space<vmem>>
      %dma_wait3A_70 = tpu.memref_squeeze %dma_wait3A_69 : memref<1x128xi32, #tpu.memory_space<vmem>> -> memref<128xi32, #tpu.memory_space<vmem>>
      %dma_wait3A_71 = arith.constant 0 : i32
      %dma_wait3A_72 = arith.constant 0 : i32
      %dma_wait3A_73 = tpu.memref_slice %arg2[%dma_wait3A_71, %dma_wait3A_72] : memref<10000x128xf32, #tpu.memory_space<hbm>> -> memref<10000x128xf32, #tpu.memory_space<hbm>>
      tpu.wait_indirect_dma semaphore(%arg12 : memref<!tpu.dma_semaphore, #tpu.memory_space<semaphore_mem>>) src(%dma_wait3A_73 : memref<10000x128xf32, #tpu.memory_space<hbm>>) dst(%arg9 : memref<128x128xf32, #tpu.memory_space<vmem>>)
      "tpu.region"() ({
        %run_scoped3A_86 = tpu.sem_alloc : memref<!tpu.dma_semaphore, #tpu.memory_space<semaphore_mem>>
        %dma_start3A_87 = arith.constant 0 : i32
        %dma_start3A_88 = tpu.memref_slice %arg8[%mul3A_60, %dma_start3A_87] : memref<40x128xi32, #tpu.memory_space<vmem>> -> memref<1x128xi32, #tpu.memory_space<vmem>>
        %dma_start3A_89 = tpu.memref_squeeze %dma_start3A_88 : memref<1x128xi32, #tpu.memory_space<vmem>> -> memref<128xi32, #tpu.memory_space<vmem>>
        %dma_start3A_90 = arith.constant 0 : i32
        %dma_start3A_91 = arith.constant 0 : i32
        %dma_start3A_92 = tpu.memref_slice %arg11[%dma_start3A_90, %dma_start3A_91] : memref<10240x128xf32, #tpu.memory_space<vmem_shared>> -> memref<10240x128xf32, #tpu.memory_space<vmem_shared>>
        tpu.enqueue_indirect_dma source(%arg9 : memref<128x128xf32, #tpu.memory_space<vmem>>) target(%dma_start3A_92 : memref<10240x128xf32, #tpu.memory_space<vmem_shared>>) offsets(%dma_start3A_89 : memref<128xi32, #tpu.memory_space<vmem>>) semaphore(%run_scoped3A_86 : memref<!tpu.dma_semaphore, #tpu.memory_space<semaphore_mem>>) {add = true}
        %dma_wait3A_93 = arith.constant 0 : i32
        %dma_wait3A_94 = tpu.memref_slice %arg8[%mul3A_60, %dma_wait3A_93] : memref<40x128xi32, #tpu.memory_space<vmem>> -> memref<1x128xi32, #tpu.memory_space<vmem>>
        %dma_wait3A_95 = tpu.memref_squeeze %dma_wait3A_94 : memref<1x128xi32, #tpu.memory_space<vmem>> -> memref<128xi32, #tpu.memory_space<vmem>>
        %dma_wait3A_96 = arith.constant 0 : i32
        %dma_wait3A_97 = arith.constant 0 : i32
        %dma_wait3A_98 = tpu.memref_slice %arg11[%dma_wait3A_96, %dma_wait3A_97] : memref<10240x128xf32, #tpu.memory_space<vmem_shared>> -> memref<10240x128xf32, #tpu.memory_space<vmem_shared>>
        tpu.wait_indirect_dma semaphore(%run_scoped3A_86 : memref<!tpu.dma_semaphore, #tpu.memory_space<semaphore_mem>>) src(%arg9 : memref<128x128xf32, #tpu.memory_space<vmem>>) dst(%dma_wait3A_98 : memref<10240x128xf32, #tpu.memory_space<vmem_shared>>)
        tpu.yield
      }) : () -> ()
      %lt3A = arith.constant 19 : i32
      %lt3A_74 = arith.cmpi slt, %scan3A_58, %lt3A : i32
      %convert_element_type3A = arith.extui %lt3A_74 : i1 to i32
      %cond3A = arith.constant 0 : i32
      %cond3A_75 = arith.cmpi ne, %convert_element_type3A, %cond3A : i32
      scf.if %cond3A_75 {
        %add3A_86 = arith.constant 2 : i32
        %add3A_87 = arith.addi %mul3A_60, %add3A_86 : i32
        %dma_start3A_88 = arith.constant 0 : i32
        %dma_start3A_89 = tpu.memref_slice %arg7[%add3A_87, %dma_start3A_88] : memref<40x128xi32, #tpu.memory_space<vmem>> -> memref<1x128xi32, #tpu.memory_space<vmem>>
        %dma_start3A_90 = tpu.memref_squeeze %dma_start3A_89 : memref<1x128xi32, #tpu.memory_space<vmem>> -> memref<128xi32, #tpu.memory_space<vmem>>
        %dma_start3A_91 = arith.constant 0 : i32
        %dma_start3A_92 = arith.constant 0 : i32
        %dma_start3A_93 = tpu.memref_slice %arg2[%dma_start3A_91, %dma_start3A_92] : memref<10000x128xf32, #tpu.memory_space<hbm>> -> memref<10000x128xf32, #tpu.memory_space<hbm>>
        tpu.enqueue_indirect_dma source(%dma_start3A_93 : memref<10000x128xf32, #tpu.memory_space<hbm>>) target(%arg9 : memref<128x128xf32, #tpu.memory_space<vmem>>) offsets(%dma_start3A_90 : memref<128xi32, #tpu.memory_space<vmem>>) semaphore(%arg12 : memref<!tpu.dma_semaphore, #tpu.memory_space<semaphore_mem>>)
      } else {
      }
      %add3A_76 = arith.constant 1 : i32
      %add3A_77 = arith.addi %mul3A_60, %add3A_76 : i32
      %dma_wait3A_78 = arith.constant 0 : i32
      %dma_wait3A_79 = tpu.memref_slice %arg7[%add3A_77, %dma_wait3A_78] : memref<40x128xi32, #tpu.memory_space<vmem>> -> memref<1x128xi32, #tpu.memory_space<vmem>>
      %dma_wait3A_80 = tpu.memref_squeeze %dma_wait3A_79 : memref<1x128xi32, #tpu.memory_space<vmem>> -> memref<128xi32, #tpu.memory_space<vmem>>
      %dma_wait3A_81 = arith.constant 0 : i32
      %dma_wait3A_82 = arith.constant 0 : i32
      %dma_wait3A_83 = tpu.memref_slice %arg2[%dma_wait3A_81, %dma_wait3A_82] : memref<10000x128xf32, #tpu.memory_space<hbm>> -> memref<10000x128xf32, #tpu.memory_space<hbm>>
      tpu.wait_indirect_dma semaphore(%arg13 : memref<!tpu.dma_semaphore, #tpu.memory_space<semaphore_mem>>) src(%dma_wait3A_83 : memref<10000x128xf32, #tpu.memory_space<hbm>>) dst(%arg10 : memref<128x128xf32, #tpu.memory_space<vmem>>)
      %add3A_84 = arith.constant 1 : i32
      %add3A_85 = arith.addi %mul3A_60, %add3A_84 : i32
      "tpu.region"() ({
        %run_scoped3A_86 = tpu.sem_alloc : memref<!tpu.dma_semaphore, #tpu.memory_space<semaphore_mem>>
        %dma_start3A_87 = arith.constant 0 : i32
        %dma_start3A_88 = tpu.memref_slice %arg8[%add3A_85, %dma_start3A_87] : memref<40x128xi32, #tpu.memory_space<vmem>> -> memref<1x128xi32, #tpu.memory_space<vmem>>
        %dma_start3A_89 = tpu.memref_squeeze %dma_start3A_88 : memref<1x128xi32, #tpu.memory_space<vmem>> -> memref<128xi32, #tpu.memory_space<vmem>>
        %dma_start3A_90 = arith.constant 0 : i32
        %dma_start3A_91 = arith.constant 0 : i32
        %dma_start3A_92 = tpu.memref_slice %arg11[%dma_start3A_90, %dma_start3A_91] : memref<10240x128xf32, #tpu.memory_space<vmem_shared>> -> memref<10240x128xf32, #tpu.memory_space<vmem_shared>>
        tpu.enqueue_indirect_dma source(%arg10 : memref<128x128xf32, #tpu.memory_space<vmem>>) target(%dma_start3A_92 : memref<10240x128xf32, #tpu.memory_space<vmem_shared>>) offsets(%dma_start3A_89 : memref<128xi32, #tpu.memory_space<vmem>>) semaphore(%run_scoped3A_86 : memref<!tpu.dma_semaphore, #tpu.memory_space<semaphore_mem>>) {add = true}
        %dma_wait3A_93 = arith.constant 0 : i32
        %dma_wait3A_94 = tpu.memref_slice %arg8[%add3A_85, %dma_wait3A_93] : memref<40x128xi32, #tpu.memory_space<vmem>> -> memref<1x128xi32, #tpu.memory_space<vmem>>
        %dma_wait3A_95 = tpu.memref_squeeze %dma_wait3A_94 : memref<1x128xi32, #tpu.memory_space<vmem>> -> memref<128xi32, #tpu.memory_space<vmem>>
        %dma_wait3A_96 = arith.constant 0 : i32
        %dma_wait3A_97 = arith.constant 0 : i32
        %dma_wait3A_98 = tpu.memref_slice %arg11[%dma_wait3A_96, %dma_wait3A_97] : memref<10240x128xf32, #tpu.memory_space<vmem_shared>> -> memref<10240x128xf32, #tpu.memory_space<vmem_shared>>
        tpu.wait_indirect_dma semaphore(%run_scoped3A_86 : memref<!tpu.dma_semaphore, #tpu.memory_space<semaphore_mem>>) src(%arg10 : memref<128x128xf32, #tpu.memory_space<vmem>>) dst(%dma_wait3A_98 : memref<10240x128xf32, #tpu.memory_space<vmem_shared>>)
        tpu.yield
      }) : () -> ()
    }
    %scan3A_21 = arith.constant 20 : i32
    %run_scoped3A_22 = arith.constant 1 : i32
    "tpu.region"() ({
      %run_scoped3A_58 = tpu.sem_alloc : memref<!tpu.dma_semaphore, #tpu.memory_space<semaphore_mem>>
      %dma_start3A_59 = arith.constant 0 : i32
      %dma_start3A_60 = arith.constant 0 : i32
      %dma_start3A_61 = tpu.memref_slice %arg3[%arg0, %arg1, %run_scoped3A_22, %dma_start3A_59, %dma_start3A_60] : memref<2x16x2x40x128xi32, #tpu.memory_space<hbm>> -> memref<1x1x1x40x128xi32, #tpu.memory_space<hbm>>
      %dma_start3A_62 = tpu.memref_squeeze %dma_start3A_61 : memref<1x1x1x40x128xi32, #tpu.memory_space<hbm>> -> memref<40x128xi32, #tpu.memory_space<hbm>>
      %dma_start3A_63 = arith.constant 0 : i32
      %dma_start3A_64 = arith.constant 0 : i32
      %dma_start3A_65 = tpu.memref_slice %arg3[%arg0, %arg1, %run_scoped3A_22, %dma_start3A_63, %dma_start3A_64] : memref<2x16x2x40x128xi32, #tpu.memory_space<hbm>> -> memref<1x1x1x40x128xi32, #tpu.memory_space<hbm>>
      %dma_start3A_66 = tpu.memref_squeeze %dma_start3A_65 : memref<1x1x1x40x128xi32, #tpu.memory_space<hbm>> -> memref<40x128xi32, #tpu.memory_space<hbm>>
      tpu.enqueue_dma source(%dma_start3A_66 : memref<40x128xi32, #tpu.memory_space<hbm>>) target(%arg7 : memref<40x128xi32, #tpu.memory_space<vmem>>) target_semaphore(%run_scoped3A_58 : memref<!tpu.dma_semaphore, #tpu.memory_space<semaphore_mem>>)
      %dma_wait3A = arith.constant 0 : i32
      %dma_wait3A_67 = arith.constant 0 : i32
      %dma_wait3A_68 = tpu.memref_slice %arg3[%arg0, %arg1, %run_scoped3A_22, %dma_wait3A, %dma_wait3A_67] : memref<2x16x2x40x128xi32, #tpu.memory_space<hbm>> -> memref<1x1x1x40x128xi32, #tpu.memory_space<hbm>>
      %dma_wait3A_69 = tpu.memref_squeeze %dma_wait3A_68 : memref<1x1x1x40x128xi32, #tpu.memory_space<hbm>> -> memref<40x128xi32, #tpu.memory_space<hbm>>
      %dma_wait3A_70 = arith.constant 0 : i32
      %dma_wait3A_71 = arith.constant 0 : i32
      %dma_wait3A_72 = tpu.memref_slice %arg3[%arg0, %arg1, %run_scoped3A_22, %dma_wait3A_70, %dma_wait3A_71] : memref<2x16x2x40x128xi32, #tpu.memory_space<hbm>> -> memref<1x1x1x40x128xi32, #tpu.memory_space<hbm>>
      %dma_wait3A_73 = tpu.memref_squeeze %dma_wait3A_72 : memref<1x1x1x40x128xi32, #tpu.memory_space<hbm>> -> memref<40x128xi32, #tpu.memory_space<hbm>>
      tpu.wait_dma2 semaphore(%run_scoped3A_58 : memref<!tpu.dma_semaphore, #tpu.memory_space<semaphore_mem>>) src(%dma_wait3A_73 : memref<40x128xi32, #tpu.memory_space<hbm>>) dst(%arg7 : memref<40x128xi32, #tpu.memory_space<vmem>>)
      tpu.yield
    }) : () -> ()
    %run_scoped3A_23 = arith.constant 1 : i32
    "tpu.region"() ({
      %run_scoped3A_58 = tpu.sem_alloc : memref<!tpu.dma_semaphore, #tpu.memory_space<semaphore_mem>>
      %dma_start3A_59 = arith.constant 0 : i32
      %dma_start3A_60 = arith.constant 0 : i32
      %dma_start3A_61 = tpu.memref_slice %arg4[%arg0, %arg1, %run_scoped3A_23, %dma_start3A_59, %dma_start3A_60] : memref<2x16x2x40x128xi32, #tpu.memory_space<hbm>> -> memref<1x1x1x40x128xi32, #tpu.memory_space<hbm>>
      %dma_start3A_62 = tpu.memref_squeeze %dma_start3A_61 : memref<1x1x1x40x128xi32, #tpu.memory_space<hbm>> -> memref<40x128xi32, #tpu.memory_space<hbm>>
      %dma_start3A_63 = arith.constant 0 : i32
      %dma_start3A_64 = arith.constant 0 : i32
      %dma_start3A_65 = tpu.memref_slice %arg4[%arg0, %arg1, %run_scoped3A_23, %dma_start3A_63, %dma_start3A_64] : memref<2x16x2x40x128xi32, #tpu.memory_space<hbm>> -> memref<1x1x1x40x128xi32, #tpu.memory_space<hbm>>
      %dma_start3A_66 = tpu.memref_squeeze %dma_start3A_65 : memref<1x1x1x40x128xi32, #tpu.memory_space<hbm>> -> memref<40x128xi32, #tpu.memory_space<hbm>>
      tpu.enqueue_dma source(%dma_start3A_66 : memref<40x128xi32, #tpu.memory_space<hbm>>) target(%arg8 : memref<40x128xi32, #tpu.memory_space<vmem>>) target_semaphore(%run_scoped3A_58 : memref<!tpu.dma_semaphore, #tpu.memory_space<semaphore_mem>>)
      %dma_wait3A = arith.constant 0 : i32
      %dma_wait3A_67 = arith.constant 0 : i32
      %dma_wait3A_68 = tpu.memref_slice %arg4[%arg0, %arg1, %run_scoped3A_23, %dma_wait3A, %dma_wait3A_67] : memref<2x16x2x40x128xi32, #tpu.memory_space<hbm>> -> memref<1x1x1x40x128xi32, #tpu.memory_space<hbm>>
      %dma_wait3A_69 = tpu.memref_squeeze %dma_wait3A_68 : memref<1x1x1x40x128xi32, #tpu.memory_space<hbm>> -> memref<40x128xi32, #tpu.memory_space<hbm>>
      %dma_wait3A_70 = arith.constant 0 : i32
      %dma_wait3A_71 = arith.constant 0 : i32
      %dma_wait3A_72 = tpu.memref_slice %arg4[%arg0, %arg1, %run_scoped3A_23, %dma_wait3A_70, %dma_wait3A_71] : memref<2x16x2x40x128xi32, #tpu.memory_space<hbm>> -> memref<1x1x1x40x128xi32, #tpu.memory_space<hbm>>
      %dma_wait3A_73 = tpu.memref_squeeze %dma_wait3A_72 : memref<1x1x1x40x128xi32, #tpu.memory_space<hbm>> -> memref<40x128xi32, #tpu.memory_space<hbm>>
      tpu.wait_dma2 semaphore(%run_scoped3A_58 : memref<!tpu.dma_semaphore, #tpu.memory_space<semaphore_mem>>) src(%dma_wait3A_73 : memref<40x128xi32, #tpu.memory_space<hbm>>) dst(%arg8 : memref<40x128xi32, #tpu.memory_space<vmem>>)
      tpu.yield
    }) : () -> ()
    %dma_start3A_24 = arith.constant 0 : i32
    %dma_start3A_25 = arith.constant 0 : i32
    %dma_start3A_26 = tpu.memref_slice %arg7[%dma_start3A_24, %dma_start3A_25] : memref<40x128xi32, #tpu.memory_space<vmem>> -> memref<1x128xi32, #tpu.memory_space<vmem>>
    %dma_start3A_27 = tpu.memref_squeeze %dma_start3A_26 : memref<1x128xi32, #tpu.memory_space<vmem>> -> memref<128xi32, #tpu.memory_space<vmem>>
    %dma_start3A_28 = arith.constant 0 : i32
    %dma_start3A_29 = arith.constant 0 : i32
    %dma_start3A_30 = tpu.memref_slice %arg2[%dma_start3A_28, %dma_start3A_29] : memref<10000x128xf32, #tpu.memory_space<hbm>> -> memref<10000x128xf32, #tpu.memory_space<hbm>>
    tpu.enqueue_indirect_dma source(%dma_start3A_30 : memref<10000x128xf32, #tpu.memory_space<hbm>>) target(%arg9 : memref<128x128xf32, #tpu.memory_space<vmem>>) offsets(%dma_start3A_27 : memref<128xi32, #tpu.memory_space<vmem>>) semaphore(%arg12 : memref<!tpu.dma_semaphore, #tpu.memory_space<semaphore_mem>>)
    %scan3A_31 = arith.constant 0 : i32
    %scan3A_32 = arith.constant 0 : i32
    %scan3A_33 = arith.constant 20 : i32
    %scan3A_34 = arith.addi %scan3A_32, %scan3A_33 : i32
    %scan3A_35 = arith.constant 1 : i32
    scf.for %scan3A_58 = %scan3A_32 to %scan3A_34 step %scan3A_35  : i32 {
      %mul3A_59 = arith.constant 2 : i32
      %mul3A_60 = arith.muli %mul3A_59, %scan3A_58 : i32
      %add3A_61 = arith.constant 1 : i32
      %add3A_62 = arith.addi %mul3A_60, %add3A_61 : i32
      %dma_start3A_63 = arith.constant 0 : i32
      %dma_start3A_64 = tpu.memref_slice %arg7[%add3A_62, %dma_start3A_63] : memref<40x128xi32, #tpu.memory_space<vmem>> -> memref<1x128xi32, #tpu.memory_space<vmem>>
      %dma_start3A_65 = tpu.memref_squeeze %dma_start3A_64 : memref<1x128xi32, #tpu.memory_space<vmem>> -> memref<128xi32, #tpu.memory_space<vmem>>
      %dma_start3A_66 = arith.constant 0 : i32
      %dma_start3A_67 = arith.constant 0 : i32
      %dma_start3A_68 = tpu.memref_slice %arg2[%dma_start3A_66, %dma_start3A_67] : memref<10000x128xf32, #tpu.memory_space<hbm>> -> memref<10000x128xf32, #tpu.memory_space<hbm>>
      tpu.enqueue_indirect_dma source(%dma_start3A_68 : memref<10000x128xf32, #tpu.memory_space<hbm>>) target(%arg10 : memref<128x128xf32, #tpu.memory_space<vmem>>) offsets(%dma_start3A_65 : memref<128xi32, #tpu.memory_space<vmem>>) semaphore(%arg13 : memref<!tpu.dma_semaphore, #tpu.memory_space<semaphore_mem>>)
      %dma_wait3A = arith.constant 0 : i32
      %dma_wait3A_69 = tpu.memref_slice %arg7[%mul3A_60, %dma_wait3A] : memref<40x128xi32, #tpu.memory_space<vmem>> -> memref<1x128xi32, #tpu.memory_space<vmem>>
      %dma_wait3A_70 = tpu.memref_squeeze %dma_wait3A_69 : memref<1x128xi32, #tpu.memory_space<vmem>> -> memref<128xi32, #tpu.memory_space<vmem>>
      %dma_wait3A_71 = arith.constant 0 : i32
      %dma_wait3A_72 = arith.constant 0 : i32
      %dma_wait3A_73 = tpu.memref_slice %arg2[%dma_wait3A_71, %dma_wait3A_72] : memref<10000x128xf32, #tpu.memory_space<hbm>> -> memref<10000x128xf32, #tpu.memory_space<hbm>>
      tpu.wait_indirect_dma semaphore(%arg12 : memref<!tpu.dma_semaphore, #tpu.memory_space<semaphore_mem>>) src(%dma_wait3A_73 : memref<10000x128xf32, #tpu.memory_space<hbm>>) dst(%arg9 : memref<128x128xf32, #tpu.memory_space<vmem>>)
      "tpu.region"() ({
        %run_scoped3A_86 = tpu.sem_alloc : memref<!tpu.dma_semaphore, #tpu.memory_space<semaphore_mem>>
        %dma_start3A_87 = arith.constant 0 : i32
        %dma_start3A_88 = tpu.memref_slice %arg8[%mul3A_60, %dma_start3A_87] : memref<40x128xi32, #tpu.memory_space<vmem>> -> memref<1x128xi32, #tpu.memory_space<vmem>>
        %dma_start3A_89 = tpu.memref_squeeze %dma_start3A_88 : memref<1x128xi32, #tpu.memory_space<vmem>> -> memref<128xi32, #tpu.memory_space<vmem>>
        %dma_start3A_90 = arith.constant 0 : i32
        %dma_start3A_91 = arith.constant 0 : i32
        %dma_start3A_92 = tpu.memref_slice %arg11[%dma_start3A_90, %dma_start3A_91] : memref<10240x128xf32, #tpu.memory_space<vmem_shared>> -> memref<10240x128xf32, #tpu.memory_space<vmem_shared>>
        tpu.enqueue_indirect_dma source(%arg9 : memref<128x128xf32, #tpu.memory_space<vmem>>) target(%dma_start3A_92 : memref<10240x128xf32, #tpu.memory_space<vmem_shared>>) offsets(%dma_start3A_89 : memref<128xi32, #tpu.memory_space<vmem>>) semaphore(%run_scoped3A_86 : memref<!tpu.dma_semaphore, #tpu.memory_space<semaphore_mem>>) {add = true}
        %dma_wait3A_93 = arith.constant 0 : i32
        %dma_wait3A_94 = tpu.memref_slice %arg8[%mul3A_60, %dma_wait3A_93] : memref<40x128xi32, #tpu.memory_space<vmem>> -> memref<1x128xi32, #tpu.memory_space<vmem>>
        %dma_wait3A_95 = tpu.memref_squeeze %dma_wait3A_94 : memref<1x128xi32, #tpu.memory_space<vmem>> -> memref<128xi32, #tpu.memory_space<vmem>>
        %dma_wait3A_96 = arith.constant 0 : i32
        %dma_wait3A_97 = arith.constant 0 : i32
        %dma_wait3A_98 = tpu.memref_slice %arg11[%dma_wait3A_96, %dma_wait3A_97] : memref<10240x128xf32, #tpu.memory_space<vmem_shared>> -> memref<10240x128xf32, #tpu.memory_space<vmem_shared>>
        tpu.wait_indirect_dma semaphore(%run_scoped3A_86 : memref<!tpu.dma_semaphore, #tpu.memory_space<semaphore_mem>>) src(%arg9 : memref<128x128xf32, #tpu.memory_space<vmem>>) dst(%dma_wait3A_98 : memref<10240x128xf32, #tpu.memory_space<vmem_shared>>)
        tpu.yield
      }) : () -> ()
      %lt3A = arith.constant 19 : i32
      %lt3A_74 = arith.cmpi slt, %scan3A_58, %lt3A : i32
      %convert_element_type3A = arith.extui %lt3A_74 : i1 to i32
      %cond3A = arith.constant 0 : i32
      %cond3A_75 = arith.cmpi ne, %convert_element_type3A, %cond3A : i32
      scf.if %cond3A_75 {
        %add3A_86 = arith.constant 2 : i32
        %add3A_87 = arith.addi %mul3A_60, %add3A_86 : i32
        %dma_start3A_88 = arith.constant 0 : i32
        %dma_start3A_89 = tpu.memref_slice %arg7[%add3A_87, %dma_start3A_88] : memref<40x128xi32, #tpu.memory_space<vmem>> -> memref<1x128xi32, #tpu.memory_space<vmem>>
        %dma_start3A_90 = tpu.memref_squeeze %dma_start3A_89 : memref<1x128xi32, #tpu.memory_space<vmem>> -> memref<128xi32, #tpu.memory_space<vmem>>
        %dma_start3A_91 = arith.constant 0 : i32
        %dma_start3A_92 = arith.constant 0 : i32
        %dma_start3A_93 = tpu.memref_slice %arg2[%dma_start3A_91, %dma_start3A_92] : memref<10000x128xf32, #tpu.memory_space<hbm>> -> memref<10000x128xf32, #tpu.memory_space<hbm>>
        tpu.enqueue_indirect_dma source(%dma_start3A_93 : memref<10000x128xf32, #tpu.memory_space<hbm>>) target(%arg9 : memref<128x128xf32, #tpu.memory_space<vmem>>) offsets(%dma_start3A_90 : memref<128xi32, #tpu.memory_space<vmem>>) semaphore(%arg12 : memref<!tpu.dma_semaphore, #tpu.memory_space<semaphore_mem>>)
      } else {
      }
      %add3A_76 = arith.constant 1 : i32
      %add3A_77 = arith.addi %mul3A_60, %add3A_76 : i32
      %dma_wait3A_78 = arith.constant 0 : i32
      %dma_wait3A_79 = tpu.memref_slice %arg7[%add3A_77, %dma_wait3A_78] : memref<40x128xi32, #tpu.memory_space<vmem>> -> memref<1x128xi32, #tpu.memory_space<vmem>>
      %dma_wait3A_80 = tpu.memref_squeeze %dma_wait3A_79 : memref<1x128xi32, #tpu.memory_space<vmem>> -> memref<128xi32, #tpu.memory_space<vmem>>
      %dma_wait3A_81 = arith.constant 0 : i32
      %dma_wait3A_82 = arith.constant 0 : i32
      %dma_wait3A_83 = tpu.memref_slice %arg2[%dma_wait3A_81, %dma_wait3A_82] : memref<10000x128xf32, #tpu.memory_space<hbm>> -> memref<10000x128xf32, #tpu.memory_space<hbm>>
      tpu.wait_indirect_dma semaphore(%arg13 : memref<!tpu.dma_semaphore, #tpu.memory_space<semaphore_mem>>) src(%dma_wait3A_83 : memref<10000x128xf32, #tpu.memory_space<hbm>>) dst(%arg10 : memref<128x128xf32, #tpu.memory_space<vmem>>)
      %add3A_84 = arith.constant 1 : i32
      %add3A_85 = arith.addi %mul3A_60, %add3A_84 : i32
      "tpu.region"() ({
        %run_scoped3A_86 = tpu.sem_alloc : memref<!tpu.dma_semaphore, #tpu.memory_space<semaphore_mem>>
        %dma_start3A_87 = arith.constant 0 : i32
        %dma_start3A_88 = tpu.memref_slice %arg8[%add3A_85, %dma_start3A_87] : memref<40x128xi32, #tpu.memory_space<vmem>> -> memref<1x128xi32, #tpu.memory_space<vmem>>
        %dma_start3A_89 = tpu.memref_squeeze %dma_start3A_88 : memref<1x128xi32, #tpu.memory_space<vmem>> -> memref<128xi32, #tpu.memory_space<vmem>>
        %dma_start3A_90 = arith.constant 0 : i32
        %dma_start3A_91 = arith.constant 0 : i32
        %dma_start3A_92 = tpu.memref_slice %arg11[%dma_start3A_90, %dma_start3A_91] : memref<10240x128xf32, #tpu.memory_space<vmem_shared>> -> memref<10240x128xf32, #tpu.memory_space<vmem_shared>>
        tpu.enqueue_indirect_dma source(%arg10 : memref<128x128xf32, #tpu.memory_space<vmem>>) target(%dma_start3A_92 : memref<10240x128xf32, #tpu.memory_space<vmem_shared>>) offsets(%dma_start3A_89 : memref<128xi32, #tpu.memory_space<vmem>>) semaphore(%run_scoped3A_86 : memref<!tpu.dma_semaphore, #tpu.memory_space<semaphore_mem>>) {add = true}
        %dma_wait3A_93 = arith.constant 0 : i32
        %dma_wait3A_94 = tpu.memref_slice %arg8[%add3A_85, %dma_wait3A_93] : memref<40x128xi32, #tpu.memory_space<vmem>> -> memref<1x128xi32, #tpu.memory_space<vmem>>
        %dma_wait3A_95 = tpu.memref_squeeze %dma_wait3A_94 : memref<1x128xi32, #tpu.memory_space<vmem>> -> memref<128xi32, #tpu.memory_space<vmem>>
        %dma_wait3A_96 = arith.constant 0 : i32
        %dma_wait3A_97 = arith.constant 0 : i32
        %dma_wait3A_98 = tpu.memref_slice %arg11[%dma_wait3A_96, %dma_wait3A_97] : memref<10240x128xf32, #tpu.memory_space<vmem_shared>> -> memref<10240x128xf32, #tpu.memory_space<vmem_shared>>
        tpu.wait_indirect_dma semaphore(%run_scoped3A_86 : memref<!tpu.dma_semaphore, #tpu.memory_space<semaphore_mem>>) src(%arg10 : memref<128x128xf32, #tpu.memory_space<vmem>>) dst(%dma_wait3A_98 : memref<10240x128xf32, #tpu.memory_space<vmem_shared>>)
        tpu.yield
      }) : () -> ()
    }
    %scan3A_36 = arith.constant 20 : i32
    %barrier3A_37 = arith.constant 0 : index
    tpu.barrier barrier_id(%barrier3A_37)
    %add3A_38 = arith.constant 0 : i32
    %add3A_39 = arith.addi %mul3A_0, %add3A_38 : i32
    "tpu.region"() ({
      %run_scoped3A_58 = tpu.sem_alloc : memref<!tpu.dma_semaphore, #tpu.memory_space<semaphore_mem>>
      %dma_start3A_59 = arith.constant 0 : i32
      %dma_start3A_60 = tpu.memref_slice %arg11[%add3A_39, %dma_start3A_59] : memref<10240x128xf32, #tpu.memory_space<vmem_shared>> -> memref<128x128xf32, #tpu.memory_space<vmem_shared>>
      %dma_start3A_61 = arith.constant 0 : i32
      %dma_start3A_62 = tpu.memref_slice %arg11[%add3A_39, %dma_start3A_61] : memref<10240x128xf32, #tpu.memory_space<vmem_shared>> -> memref<128x128xf32, #tpu.memory_space<vmem_shared>>
      tpu.enqueue_dma source(%dma_start3A_62 : memref<128x128xf32, #tpu.memory_space<vmem_shared>>) target(%arg9 : memref<128x128xf32, #tpu.memory_space<vmem>>) target_semaphore(%run_scoped3A_58 : memref<!tpu.dma_semaphore, #tpu.memory_space<semaphore_mem>>)
      %dma_wait3A = arith.constant 0 : i32
      %dma_wait3A_63 = tpu.memref_slice %arg11[%add3A_39, %dma_wait3A] : memref<10240x128xf32, #tpu.memory_space<vmem_shared>> -> memref<128x128xf32, #tpu.memory_space<vmem_shared>>
      %dma_wait3A_64 = arith.constant 0 : i32
      %dma_wait3A_65 = tpu.memref_slice %arg11[%add3A_39, %dma_wait3A_64] : memref<10240x128xf32, #tpu.memory_space<vmem_shared>> -> memref<128x128xf32, #tpu.memory_space<vmem_shared>>
      tpu.wait_dma2 semaphore(%run_scoped3A_58 : memref<!tpu.dma_semaphore, #tpu.memory_space<semaphore_mem>>) src(%dma_wait3A_65 : memref<128x128xf32, #tpu.memory_space<vmem_shared>>) dst(%arg9 : memref<128x128xf32, #tpu.memory_space<vmem>>)
      tpu.yield
    }) : () -> ()
    %add3A_40 = arith.constant 0 : i32
    %add3A_41 = arith.addi %mul3A_0, %add3A_40 : i32
    "tpu.region"() ({
      %run_scoped3A_58 = tpu.sem_alloc : memref<!tpu.dma_semaphore, #tpu.memory_space<semaphore_mem>>
      %dma_start3A_59 = arith.constant 0 : i32
      %dma_start3A_60 = tpu.memref_slice %arg6[%arg0, %add3A_41, %dma_start3A_59] : memref<2x10240x128xf32, #tpu.memory_space<hbm>> -> memref<1x128x128xf32, #tpu.memory_space<hbm>>
      %dma_start3A_61 = tpu.memref_squeeze %dma_start3A_60 : memref<1x128x128xf32, #tpu.memory_space<hbm>> -> memref<128x128xf32, #tpu.memory_space<hbm>>
      %dma_start3A_62 = arith.constant 0 : i32
      %dma_start3A_63 = tpu.memref_slice %arg6[%arg0, %add3A_41, %dma_start3A_62] : memref<2x10240x128xf32, #tpu.memory_space<hbm>> -> memref<1x128x128xf32, #tpu.memory_space<hbm>>
      %dma_start3A_64 = tpu.memref_squeeze %dma_start3A_63 : memref<1x128x128xf32, #tpu.memory_space<hbm>> -> memref<128x128xf32, #tpu.memory_space<hbm>>
      tpu.enqueue_dma source(%arg9 : memref<128x128xf32, #tpu.memory_space<vmem>>) target(%dma_start3A_64 : memref<128x128xf32, #tpu.memory_space<hbm>>) target_semaphore(%run_scoped3A_58 : memref<!tpu.dma_semaphore, #tpu.memory_space<semaphore_mem>>)
      %dma_wait3A = arith.constant 0 : i32
      %dma_wait3A_65 = tpu.memref_slice %arg6[%arg0, %add3A_41, %dma_wait3A] : memref<2x10240x128xf32, #tpu.memory_space<hbm>> -> memref<1x128x128xf32, #tpu.memory_space<hbm>>
      %dma_wait3A_66 = tpu.memref_squeeze %dma_wait3A_65 : memref<1x128x128xf32, #tpu.memory_space<hbm>> -> memref<128x128xf32, #tpu.memory_space<hbm>>
      %dma_wait3A_67 = arith.constant 0 : i32
      %dma_wait3A_68 = tpu.memref_slice %arg6[%arg0, %add3A_41, %dma_wait3A_67] : memref<2x10240x128xf32, #tpu.memory_space<hbm>> -> memref<1x128x128xf32, #tpu.memory_space<hbm>>
      %dma_wait3A_69 = tpu.memref_squeeze %dma_wait3A_68 : memref<1x128x128xf32, #tpu.memory_space<hbm>> -> memref<128x128xf32, #tpu.memory_space<hbm>>
      tpu.wait_dma2 semaphore(%run_scoped3A_58 : memref<!tpu.dma_semaphore, #tpu.memory_space<semaphore_mem>>) src(%arg9 : memref<128x128xf32, #tpu.memory_space<vmem>>) dst(%dma_wait3A_69 : memref<128x128xf32, #tpu.memory_space<hbm>>)
      tpu.yield
    }) : () -> ()
    %add3A_42 = arith.constant 128 : i32
    %add3A_43 = arith.addi %mul3A_0, %add3A_42 : i32
    "tpu.region"() ({
      %run_scoped3A_58 = tpu.sem_alloc : memref<!tpu.dma_semaphore, #tpu.memory_space<semaphore_mem>>
      %dma_start3A_59 = arith.constant 0 : i32
      %dma_start3A_60 = tpu.memref_slice %arg11[%add3A_43, %dma_start3A_59] : memref<10240x128xf32, #tpu.memory_space<vmem_shared>> -> memref<128x128xf32, #tpu.memory_space<vmem_shared>>
      %dma_start3A_61 = arith.constant 0 : i32
      %dma_start3A_62 = tpu.memref_slice %arg11[%add3A_43, %dma_start3A_61] : memref<10240x128xf32, #tpu.memory_space<vmem_shared>> -> memref<128x128xf32, #tpu.memory_space<vmem_shared>>
      tpu.enqueue_dma source(%dma_start3A_62 : memref<128x128xf32, #tpu.memory_space<vmem_shared>>) target(%arg9 : memref<128x128xf32, #tpu.memory_space<vmem>>) target_semaphore(%run_scoped3A_58 : memref<!tpu.dma_semaphore, #tpu.memory_space<semaphore_mem>>)
      %dma_wait3A = arith.constant 0 : i32
      %dma_wait3A_63 = tpu.memref_slice %arg11[%add3A_43, %dma_wait3A] : memref<10240x128xf32, #tpu.memory_space<vmem_shared>> -> memref<128x128xf32, #tpu.memory_space<vmem_shared>>
      %dma_wait3A_64 = arith.constant 0 : i32
      %dma_wait3A_65 = tpu.memref_slice %arg11[%add3A_43, %dma_wait3A_64] : memref<10240x128xf32, #tpu.memory_space<vmem_shared>> -> memref<128x128xf32, #tpu.memory_space<vmem_shared>>
      tpu.wait_dma2 semaphore(%run_scoped3A_58 : memref<!tpu.dma_semaphore, #tpu.memory_space<semaphore_mem>>) src(%dma_wait3A_65 : memref<128x128xf32, #tpu.memory_space<vmem_shared>>) dst(%arg9 : memref<128x128xf32, #tpu.memory_space<vmem>>)
      tpu.yield
    }) : () -> ()
    %add3A_44 = arith.constant 128 : i32
    %add3A_45 = arith.addi %mul3A_0, %add3A_44 : i32
    "tpu.region"() ({
      %run_scoped3A_58 = tpu.sem_alloc : memref<!tpu.dma_semaphore, #tpu.memory_space<semaphore_mem>>
      %dma_start3A_59 = arith.constant 0 : i32
      %dma_start3A_60 = tpu.memref_slice %arg6[%arg0, %add3A_45, %dma_start3A_59] : memref<2x10240x128xf32, #tpu.memory_space<hbm>> -> memref<1x128x128xf32, #tpu.memory_space<hbm>>
      %dma_start3A_61 = tpu.memref_squeeze %dma_start3A_60 : memref<1x128x128xf32, #tpu.memory_space<hbm>> -> memref<128x128xf32, #tpu.memory_space<hbm>>
      %dma_start3A_62 = arith.constant 0 : i32
      %dma_start3A_63 = tpu.memref_slice %arg6[%arg0, %add3A_45, %dma_start3A_62] : memref<2x10240x128xf32, #tpu.memory_space<hbm>> -> memref<1x128x128xf32, #tpu.memory_space<hbm>>
      %dma_start3A_64 = tpu.memref_squeeze %dma_start3A_63 : memref<1x128x128xf32, #tpu.memory_space<hbm>> -> memref<128x128xf32, #tpu.memory_space<hbm>>
      tpu.enqueue_dma source(%arg9 : memref<128x128xf32, #tpu.memory_space<vmem>>) target(%dma_start3A_64 : memref<128x128xf32, #tpu.memory_space<hbm>>) target_semaphore(%run_scoped3A_58 : memref<!tpu.dma_semaphore, #tpu.memory_space<semaphore_mem>>)
      %dma_wait3A = arith.constant 0 : i32
      %dma_wait3A_65 = tpu.memref_slice %arg6[%arg0, %add3A_45, %dma_wait3A] : memref<2x10240x128xf32, #tpu.memory_space<hbm>> -> memref<1x128x128xf32, #tpu.memory_space<hbm>>
      %dma_wait3A_66 = tpu.memref_squeeze %dma_wait3A_65 : memref<1x128x128xf32, #tpu.memory_space<hbm>> -> memref<128x128xf32, #tpu.memory_space<hbm>>
      %dma_wait3A_67 = arith.constant 0 : i32
      %dma_wait3A_68 = tpu.memref_slice %arg6[%arg0, %add3A_45, %dma_wait3A_67] : memref<2x10240x128xf32, #tpu.memory_space<hbm>> -> memref<1x128x128xf32, #tpu.memory_space<hbm>>
      %dma_wait3A_69 = tpu.memref_squeeze %dma_wait3A_68 : memref<1x128x128xf32, #tpu.memory_space<hbm>> -> memref<128x128xf32, #tpu.memory_space<hbm>>
      tpu.wait_dma2 semaphore(%run_scoped3A_58 : memref<!tpu.dma_semaphore, #tpu.memory_space<semaphore_mem>>) src(%arg9 : memref<128x128xf32, #tpu.memory_space<vmem>>) dst(%dma_wait3A_69 : memref<128x128xf32, #tpu.memory_space<hbm>>)
      tpu.yield
    }) : () -> ()
    %add3A_46 = arith.constant 256 : i32
    %add3A_47 = arith.addi %mul3A_0, %add3A_46 : i32
    "tpu.region"() ({
      %run_scoped3A_58 = tpu.sem_alloc : memref<!tpu.dma_semaphore, #tpu.memory_space<semaphore_mem>>
      %dma_start3A_59 = arith.constant 0 : i32
      %dma_start3A_60 = tpu.memref_slice %arg11[%add3A_47, %dma_start3A_59] : memref<10240x128xf32, #tpu.memory_space<vmem_shared>> -> memref<128x128xf32, #tpu.memory_space<vmem_shared>>
      %dma_start3A_61 = arith.constant 0 : i32
      %dma_start3A_62 = tpu.memref_slice %arg11[%add3A_47, %dma_start3A_61] : memref<10240x128xf32, #tpu.memory_space<vmem_shared>> -> memref<128x128xf32, #tpu.memory_space<vmem_shared>>
      tpu.enqueue_dma source(%dma_start3A_62 : memref<128x128xf32, #tpu.memory_space<vmem_shared>>) target(%arg9 : memref<128x128xf32, #tpu.memory_space<vmem>>) target_semaphore(%run_scoped3A_58 : memref<!tpu.dma_semaphore, #tpu.memory_space<semaphore_mem>>)
      %dma_wait3A = arith.constant 0 : i32
      %dma_wait3A_63 = tpu.memref_slice %arg11[%add3A_47, %dma_wait3A] : memref<10240x128xf32, #tpu.memory_space<vmem_shared>> -> memref<128x128xf32, #tpu.memory_space<vmem_shared>>
      %dma_wait3A_64 = arith.constant 0 : i32
      %dma_wait3A_65 = tpu.memref_slice %arg11[%add3A_47, %dma_wait3A_64] : memref<10240x128xf32, #tpu.memory_space<vmem_shared>> -> memref<128x128xf32, #tpu.memory_space<vmem_shared>>
      tpu.wait_dma2 semaphore(%run_scoped3A_58 : memref<!tpu.dma_semaphore, #tpu.memory_space<semaphore_mem>>) src(%dma_wait3A_65 : memref<128x128xf32, #tpu.memory_space<vmem_shared>>) dst(%arg9 : memref<128x128xf32, #tpu.memory_space<vmem>>)
      tpu.yield
    }) : () -> ()
    %add3A_48 = arith.constant 256 : i32
    %add3A_49 = arith.addi %mul3A_0, %add3A_48 : i32
    "tpu.region"() ({
      %run_scoped3A_58 = tpu.sem_alloc : memref<!tpu.dma_semaphore, #tpu.memory_space<semaphore_mem>>
      %dma_start3A_59 = arith.constant 0 : i32
      %dma_start3A_60 = tpu.memref_slice %arg6[%arg0, %add3A_49, %dma_start3A_59] : memref<2x10240x128xf32, #tpu.memory_space<hbm>> -> memref<1x128x128xf32, #tpu.memory_space<hbm>>
      %dma_start3A_61 = tpu.memref_squeeze %dma_start3A_60 : memref<1x128x128xf32, #tpu.memory_space<hbm>> -> memref<128x128xf32, #tpu.memory_space<hbm>>
      %dma_start3A_62 = arith.constant 0 : i32
      %dma_start3A_63 = tpu.memref_slice %arg6[%arg0, %add3A_49, %dma_start3A_62] : memref<2x10240x128xf32, #tpu.memory_space<hbm>> -> memref<1x128x128xf32, #tpu.memory_space<hbm>>
      %dma_start3A_64 = tpu.memref_squeeze %dma_start3A_63 : memref<1x128x128xf32, #tpu.memory_space<hbm>> -> memref<128x128xf32, #tpu.memory_space<hbm>>
      tpu.enqueue_dma source(%arg9 : memref<128x128xf32, #tpu.memory_space<vmem>>) target(%dma_start3A_64 : memref<128x128xf32, #tpu.memory_space<hbm>>) target_semaphore(%run_scoped3A_58 : memref<!tpu.dma_semaphore, #tpu.memory_space<semaphore_mem>>)
      %dma_wait3A = arith.constant 0 : i32
      %dma_wait3A_65 = tpu.memref_slice %arg6[%arg0, %add3A_49, %dma_wait3A] : memref<2x10240x128xf32, #tpu.memory_space<hbm>> -> memref<1x128x128xf32, #tpu.memory_space<hbm>>
      %dma_wait3A_66 = tpu.memref_squeeze %dma_wait3A_65 : memref<1x128x128xf32, #tpu.memory_space<hbm>> -> memref<128x128xf32, #tpu.memory_space<hbm>>
      %dma_wait3A_67 = arith.constant 0 : i32
      %dma_wait3A_68 = tpu.memref_slice %arg6[%arg0, %add3A_49, %dma_wait3A_67] : memref<2x10240x128xf32, #tpu.memory_space<hbm>> -> memref<1x128x128xf32, #tpu.memory_space<hbm>>
      %dma_wait3A_69 = tpu.memref_squeeze %dma_wait3A_68 : memref<1x128x128xf32, #tpu.memory_space<hbm>> -> memref<128x128xf32, #tpu.memory_space<hbm>>
      tpu.wait_dma2 semaphore(%run_scoped3A_58 : memref<!tpu.dma_semaphore, #tpu.memory_space<semaphore_mem>>) src(%arg9 : memref<128x128xf32, #tpu.memory_space<vmem>>) dst(%dma_wait3A_69 : memref<128x128xf32, #tpu.memory_space<hbm>>)
      tpu.yield
    }) : () -> ()
    %add3A_50 = arith.constant 384 : i32
    %add3A_51 = arith.addi %mul3A_0, %add3A_50 : i32
    "tpu.region"() ({
      %run_scoped3A_58 = tpu.sem_alloc : memref<!tpu.dma_semaphore, #tpu.memory_space<semaphore_mem>>
      %dma_start3A_59 = arith.constant 0 : i32
      %dma_start3A_60 = tpu.memref_slice %arg11[%add3A_51, %dma_start3A_59] : memref<10240x128xf32, #tpu.memory_space<vmem_shared>> -> memref<128x128xf32, #tpu.memory_space<vmem_shared>>
      %dma_start3A_61 = arith.constant 0 : i32
      %dma_start3A_62 = tpu.memref_slice %arg11[%add3A_51, %dma_start3A_61] : memref<10240x128xf32, #tpu.memory_space<vmem_shared>> -> memref<128x128xf32, #tpu.memory_space<vmem_shared>>
      tpu.enqueue_dma source(%dma_start3A_62 : memref<128x128xf32, #tpu.memory_space<vmem_shared>>) target(%arg9 : memref<128x128xf32, #tpu.memory_space<vmem>>) target_semaphore(%run_scoped3A_58 : memref<!tpu.dma_semaphore, #tpu.memory_space<semaphore_mem>>)
      %dma_wait3A = arith.constant 0 : i32
      %dma_wait3A_63 = tpu.memref_slice %arg11[%add3A_51, %dma_wait3A] : memref<10240x128xf32, #tpu.memory_space<vmem_shared>> -> memref<128x128xf32, #tpu.memory_space<vmem_shared>>
      %dma_wait3A_64 = arith.constant 0 : i32
      %dma_wait3A_65 = tpu.memref_slice %arg11[%add3A_51, %dma_wait3A_64] : memref<10240x128xf32, #tpu.memory_space<vmem_shared>> -> memref<128x128xf32, #tpu.memory_space<vmem_shared>>
      tpu.wait_dma2 semaphore(%run_scoped3A_58 : memref<!tpu.dma_semaphore, #tpu.memory_space<semaphore_mem>>) src(%dma_wait3A_65 : memref<128x128xf32, #tpu.memory_space<vmem_shared>>) dst(%arg9 : memref<128x128xf32, #tpu.memory_space<vmem>>)
      tpu.yield
    }) : () -> ()
    %add3A_52 = arith.constant 384 : i32
    %add3A_53 = arith.addi %mul3A_0, %add3A_52 : i32
    "tpu.region"() ({
      %run_scoped3A_58 = tpu.sem_alloc : memref<!tpu.dma_semaphore, #tpu.memory_space<semaphore_mem>>
      %dma_start3A_59 = arith.constant 0 : i32
      %dma_start3A_60 = tpu.memref_slice %arg6[%arg0, %add3A_53, %dma_start3A_59] : memref<2x10240x128xf32, #tpu.memory_space<hbm>> -> memref<1x128x128xf32, #tpu.memory_space<hbm>>
      %dma_start3A_61 = tpu.memref_squeeze %dma_start3A_60 : memref<1x128x128xf32, #tpu.memory_space<hbm>> -> memref<128x128xf32, #tpu.memory_space<hbm>>
      %dma_start3A_62 = arith.constant 0 : i32
      %dma_start3A_63 = tpu.memref_slice %arg6[%arg0, %add3A_53, %dma_start3A_62] : memref<2x10240x128xf32, #tpu.memory_space<hbm>> -> memref<1x128x128xf32, #tpu.memory_space<hbm>>
      %dma_start3A_64 = tpu.memref_squeeze %dma_start3A_63 : memref<1x128x128xf32, #tpu.memory_space<hbm>> -> memref<128x128xf32, #tpu.memory_space<hbm>>
      tpu.enqueue_dma source(%arg9 : memref<128x128xf32, #tpu.memory_space<vmem>>) target(%dma_start3A_64 : memref<128x128xf32, #tpu.memory_space<hbm>>) target_semaphore(%run_scoped3A_58 : memref<!tpu.dma_semaphore, #tpu.memory_space<semaphore_mem>>)
      %dma_wait3A = arith.constant 0 : i32
      %dma_wait3A_65 = tpu.memref_slice %arg6[%arg0, %add3A_53, %dma_wait3A] : memref<2x10240x128xf32, #tpu.memory_space<hbm>> -> memref<1x128x128xf32, #tpu.memory_space<hbm>>
      %dma_wait3A_66 = tpu.memref_squeeze %dma_wait3A_65 : memref<1x128x128xf32, #tpu.memory_space<hbm>> -> memref<128x128xf32, #tpu.memory_space<hbm>>
      %dma_wait3A_67 = arith.constant 0 : i32
      %dma_wait3A_68 = tpu.memref_slice %arg6[%arg0, %add3A_53, %dma_wait3A_67] : memref<2x10240x128xf32, #tpu.memory_space<hbm>> -> memref<1x128x128xf32, #tpu.memory_space<hbm>>
      %dma_wait3A_69 = tpu.memref_squeeze %dma_wait3A_68 : memref<1x128x128xf32, #tpu.memory_space<hbm>> -> memref<128x128xf32, #tpu.memory_space<hbm>>
      tpu.wait_dma2 semaphore(%run_scoped3A_58 : memref<!tpu.dma_semaphore, #tpu.memory_space<semaphore_mem>>) src(%arg9 : memref<128x128xf32, #tpu.memory_space<vmem>>) dst(%dma_wait3A_69 : memref<128x128xf32, #tpu.memory_space<hbm>>)
      tpu.yield
    }) : () -> ()
    %add3A_54 = arith.constant 512 : i32
    %add3A_55 = arith.addi %mul3A_0, %add3A_54 : i32
    "tpu.region"() ({
      %run_scoped3A_58 = tpu.sem_alloc : memref<!tpu.dma_semaphore, #tpu.memory_space<semaphore_mem>>
      %dma_start3A_59 = arith.constant 0 : i32
      %dma_start3A_60 = tpu.memref_slice %arg11[%add3A_55, %dma_start3A_59] : memref<10240x128xf32, #tpu.memory_space<vmem_shared>> -> memref<128x128xf32, #tpu.memory_space<vmem_shared>>
      %dma_start3A_61 = arith.constant 0 : i32
      %dma_start3A_62 = tpu.memref_slice %arg11[%add3A_55, %dma_start3A_61] : memref<10240x128xf32, #tpu.memory_space<vmem_shared>> -> memref<128x128xf32, #tpu.memory_space<vmem_shared>>
      tpu.enqueue_dma source(%dma_start3A_62 : memref<128x128xf32, #tpu.memory_space<vmem_shared>>) target(%arg9 : memref<128x128xf32, #tpu.memory_space<vmem>>) target_semaphore(%run_scoped3A_58 : memref<!tpu.dma_semaphore, #tpu.memory_space<semaphore_mem>>)
      %dma_wait3A = arith.constant 0 : i32
      %dma_wait3A_63 = tpu.memref_slice %arg11[%add3A_55, %dma_wait3A] : memref<10240x128xf32, #tpu.memory_space<vmem_shared>> -> memref<128x128xf32, #tpu.memory_space<vmem_shared>>
      %dma_wait3A_64 = arith.constant 0 : i32
      %dma_wait3A_65 = tpu.memref_slice %arg11[%add3A_55, %dma_wait3A_64] : memref<10240x128xf32, #tpu.memory_space<vmem_shared>> -> memref<128x128xf32, #tpu.memory_space<vmem_shared>>
      tpu.wait_dma2 semaphore(%run_scoped3A_58 : memref<!tpu.dma_semaphore, #tpu.memory_space<semaphore_mem>>) src(%dma_wait3A_65 : memref<128x128xf32, #tpu.memory_space<vmem_shared>>) dst(%arg9 : memref<128x128xf32, #tpu.memory_space<vmem>>)
      tpu.yield
    }) : () -> ()
    %add3A_56 = arith.constant 512 : i32
    %add3A_57 = arith.addi %mul3A_0, %add3A_56 : i32
    "tpu.region"() ({
      %run_scoped3A_58 = tpu.sem_alloc : memref<!tpu.dma_semaphore, #tpu.memory_space<semaphore_mem>>
      %dma_start3A_59 = arith.constant 0 : i32
      %dma_start3A_60 = tpu.memref_slice %arg6[%arg0, %add3A_57, %dma_start3A_59] : memref<2x10240x128xf32, #tpu.memory_space<hbm>> -> memref<1x128x128xf32, #tpu.memory_space<hbm>>
      %dma_start3A_61 = tpu.memref_squeeze %dma_start3A_60 : memref<1x128x128xf32, #tpu.memory_space<hbm>> -> memref<128x128xf32, #tpu.memory_space<hbm>>
      %dma_start3A_62 = arith.constant 0 : i32
      %dma_start3A_63 = tpu.memref_slice %arg6[%arg0, %add3A_57, %dma_start3A_62] : memref<2x10240x128xf32, #tpu.memory_space<hbm>> -> memref<1x128x128xf32, #tpu.memory_space<hbm>>
      %dma_start3A_64 = tpu.memref_squeeze %dma_start3A_63 : memref<1x128x128xf32, #tpu.memory_space<hbm>> -> memref<128x128xf32, #tpu.memory_space<hbm>>
      tpu.enqueue_dma source(%arg9 : memref<128x128xf32, #tpu.memory_space<vmem>>) target(%dma_start3A_64 : memref<128x128xf32, #tpu.memory_space<hbm>>) target_semaphore(%run_scoped3A_58 : memref<!tpu.dma_semaphore, #tpu.memory_space<semaphore_mem>>)
      %dma_wait3A = arith.constant 0 : i32
      %dma_wait3A_65 = tpu.memref_slice %arg6[%arg0, %add3A_57, %dma_wait3A] : memref<2x10240x128xf32, #tpu.memory_space<hbm>> -> memref<1x128x128xf32, #tpu.memory_space<hbm>>
      %dma_wait3A_66 = tpu.memref_squeeze %dma_wait3A_65 : memref<1x128x128xf32, #tpu.memory_space<hbm>> -> memref<128x128xf32, #tpu.memory_space<hbm>>
      %dma_wait3A_67 = arith.constant 0 : i32
      %dma_wait3A_68 = tpu.memref_slice %arg6[%arg0, %add3A_57, %dma_wait3A_67] : memref<2x10240x128xf32, #tpu.memory_space<hbm>> -> memref<1x128x128xf32, #tpu.memory_space<hbm>>
      %dma_wait3A_69 = tpu.memref_squeeze %dma_wait3A_68 : memref<1x128x128xf32, #tpu.memory_space<hbm>> -> memref<128x128xf32, #tpu.memory_space<hbm>>
      tpu.wait_dma2 semaphore(%run_scoped3A_58 : memref<!tpu.dma_semaphore, #tpu.memory_space<semaphore_mem>>) src(%arg9 : memref<128x128xf32, #tpu.memory_space<vmem>>) dst(%dma_wait3A_69 : memref<128x128xf32, #tpu.memory_space<hbm>>)
      tpu.yield
    }) : () -> ()
    return
  }
}

#map = affine_map<(d0, d1) -> (0, 0)>
#map1 = affine_map<(d0, d1) -> (0, 0, 0, 0, 0)>
#map2 = affine_map<(d0, d1) -> (0, 0, 0)>
module attributes {stable_mosaic.version = 14 : i64} {
  func.func @_sc_scatter(%arg0: i32, %arg1: i32, %arg2: memref<10000x128xf32, #tpu.memory_space<hbm>>, %arg3: memref<2x16x2x40x128xi32, #tpu.memory_space<hbm>>, %arg4: memref<2x16x2x40x128xi32, #tpu.memory_space<hbm>>, %arg5: memref<128x128xf32, #tpu.memory_space<hbm>>, %arg6: memref<2x10240x128xf32, #tpu.memory_space<hbm>>, %arg7: memref<40x128xi32, #tpu.memory_space<vmem>>, %arg8: memref<40x128xi32, #tpu.memory_space<vmem>>, %arg9: memref<128x128xf32, #tpu.memory_space<vmem>>, %arg10: memref<128x128xf32, #tpu.memory_space<vmem>>, %arg11: memref<10240x128xf32, #tpu.memory_space<vmem_shared>>, %arg12: memref<!tpu.dma_semaphore, #tpu.memory_space<semaphore_mem>>, %arg13: memref<!tpu.dma_semaphore, #tpu.memory_space<semaphore_mem>>) attributes {dimension_semantics = [#tpu.dimension_semantics<core_parallel>, #tpu.dimension_semantics<subcore_parallel>], iteration_bounds = array<i64: 2, 16>, scalar_prefetch = 0 : i64, scratch_operands = 7 : i64, tpu.core_type = #tpu.core_type<sc_vector_subcore>, window_params = [{transform_indices = #map}, {transform_indices = #map1}, {transform_indices = #map1}, {transform_indices = #map}, {transform_indices = #map2}]} {
    %mul3A = arith.constant 640 : i32
    %mul3A_0 = arith.muli %arg1, %mul3A : i32
    "tpu.region"() ({
      %run_scoped3A_58 = tpu.sem_alloc : memref<!tpu.dma_semaphore, #tpu.memory_space<semaphore_mem>>
      tpu.enqueue_dma source(%arg5 : memref<128x128xf32, #tpu.memory_space<hbm>>) target(%arg9 : memref<128x128xf32, #tpu.memory_space<vmem>>) target_semaphore(%run_scoped3A_58 : memref<!tpu.dma_semaphore, #tpu.memory_space<semaphore_mem>>)
      tpu.wait_dma2 semaphore(%run_scoped3A_58 : memref<!tpu.dma_semaphore, #tpu.memory_space<semaphore_mem>>) src(%arg5 : memref<128x128xf32, #tpu.memory_space<hbm>>) dst(%arg9 : memref<128x128xf32, #tpu.memory_space<vmem>>)
      tpu.yield
    }) : () -> ()
    %add3A = arith.constant 0 : i32
    %add3A_1 = arith.addi %mul3A_0, %add3A : i32
    "tpu.region"() ({
      %run_scoped3A_58 = tpu.sem_alloc : memref<!tpu.dma_semaphore, #tpu.memory_space<semaphore_mem>>
      %dma_start3A_59 = arith.constant 0 : i32
      %dma_start3A_60 = tpu.memref_slice %arg11[%add3A_1, %dma_start3A_59] : memref<10240x128xf32, #tpu.memory_space<vmem_shared>> -> memref<128x128xf32, #tpu.memory_space<vmem_shared>>
      %dma_start3A_61 = arith.constant 0 : i32
      %dma_start3A_62 = tpu.memref_slice %arg11[%add3A_1, %dma_start3A_61] : memref<10240x128xf32, #tpu.memory_space<vmem_shared>> -> memref<128x128xf32, #tpu.memory_space<vmem_shared>>
      tpu.enqueue_dma source(%arg9 : memref<128x128xf32, #tpu.memory_space<vmem>>) target(%dma_start3A_62 : memref<128x128xf32, #tpu.memory_space<vmem_shared>>) target_semaphore(%run_scoped3A_58 : memref<!tpu.dma_semaphore, #tpu.memory_space<semaphore_mem>>)
      %dma_wait3A = arith.constant 0 : i32
      %dma_wait3A_63 = tpu.memref_slice %arg11[%add3A_1, %dma_wait3A] : memref<10240x128xf32, #tpu.memory_space<vmem_shared>> -> memref<128x128xf32, #tpu.memory_space<vmem_shared>>
      %dma_wait3A_64 = arith.constant 0 : i32
      %dma_wait3A_65 = tpu.memref_slice %arg11[%add3A_1, %dma_wait3A_64] : memref<10240x128xf32, #tpu.memory_space<vmem_shared>> -> memref<128x128xf32, #tpu.memory_space<vmem_shared>>
      tpu.wait_dma2 semaphore(%run_scoped3A_58 : memref<!tpu.dma_semaphore, #tpu.memory_space<semaphore_mem>>) src(%arg9 : memref<128x128xf32, #tpu.memory_space<vmem>>) dst(%dma_wait3A_65 : memref<128x128xf32, #tpu.memory_space<vmem_shared>>)
      tpu.yield
    }) : () -> ()
    %add3A_2 = arith.constant 128 : i32
    %add3A_3 = arith.addi %mul3A_0, %add3A_2 : i32
    "tpu.region"() ({
      %run_scoped3A_58 = tpu.sem_alloc : memref<!tpu.dma_semaphore, #tpu.memory_space<semaphore_mem>>
      %dma_start3A_59 = arith.constant 0 : i32
      %dma_start3A_60 = tpu.memref_slice %arg11[%add3A_3, %dma_start3A_59] : memref<10240x128xf32, #tpu.memory_space<vmem_shared>> -> memref<128x128xf32, #tpu.memory_space<vmem_shared>>
      %dma_start3A_61 = arith.constant 0 : i32
      %dma_start3A_62 = tpu.memref_slice %arg11[%add3A_3, %dma_start3A_61] : memref<10240x128xf32, #tpu.memory_space<vmem_shared>> -> memref<128x128xf32, #tpu.memory_space<vmem_shared>>
      tpu.enqueue_dma source(%arg9 : memref<128x128xf32, #tpu.memory_space<vmem>>) target(%dma_start3A_62 : memref<128x128xf32, #tpu.memory_space<vmem_shared>>) target_semaphore(%run_scoped3A_58 : memref<!tpu.dma_semaphore, #tpu.memory_space<semaphore_mem>>)
      %dma_wait3A = arith.constant 0 : i32
      %dma_wait3A_63 = tpu.memref_slice %arg11[%add3A_3, %dma_wait3A] : memref<10240x128xf32, #tpu.memory_space<vmem_shared>> -> memref<128x128xf32, #tpu.memory_space<vmem_shared>>
      %dma_wait3A_64 = arith.constant 0 : i32
      %dma_wait3A_65 = tpu.memref_slice %arg11[%add3A_3, %dma_wait3A_64] : memref<10240x128xf32, #tpu.memory_space<vmem_shared>> -> memref<128x128xf32, #tpu.memory_space<vmem_shared>>
      tpu.wait_dma2 semaphore(%run_scoped3A_58 : memref<!tpu.dma_semaphore, #tpu.memory_space<semaphore_mem>>) src(%arg9 : memref<128x128xf32, #tpu.memory_space<vmem>>) dst(%dma_wait3A_65 : memref<128x128xf32, #tpu.memory_space<vmem_shared>>)
      tpu.yield
    }) : () -> ()
    %add3A_4 = arith.constant 256 : i32
    %add3A_5 = arith.addi %mul3A_0, %add3A_4 : i32
    "tpu.region"() ({
      %run_scoped3A_58 = tpu.sem_alloc : memref<!tpu.dma_semaphore, #tpu.memory_space<semaphore_mem>>
      %dma_start3A_59 = arith.constant 0 : i32
      %dma_start3A_60 = tpu.memref_slice %arg11[%add3A_5, %dma_start3A_59] : memref<10240x128xf32, #tpu.memory_space<vmem_shared>> -> memref<128x128xf32, #tpu.memory_space<vmem_shared>>
      %dma_start3A_61 = arith.constant 0 : i32
      %dma_start3A_62 = tpu.memref_slice %arg11[%add3A_5, %dma_start3A_61] : memref<10240x128xf32, #tpu.memory_space<vmem_shared>> -> memref<128x128xf32, #tpu.memory_space<vmem_shared>>
      tpu.enqueue_dma source(%arg9 : memref<128x128xf32, #tpu.memory_space<vmem>>) target(%dma_start3A_62 : memref<128x128xf32, #tpu.memory_space<vmem_shared>>) target_semaphore(%run_scoped3A_58 : memref<!tpu.dma_semaphore, #tpu.memory_space<semaphore_mem>>)
      %dma_wait3A = arith.constant 0 : i32
      %dma_wait3A_63 = tpu.memref_slice %arg11[%add3A_5, %dma_wait3A] : memref<10240x128xf32, #tpu.memory_space<vmem_shared>> -> memref<128x128xf32, #tpu.memory_space<vmem_shared>>
      %dma_wait3A_64 = arith.constant 0 : i32
      %dma_wait3A_65 = tpu.memref_slice %arg11[%add3A_5, %dma_wait3A_64] : memref<10240x128xf32, #tpu.memory_space<vmem_shared>> -> memref<128x128xf32, #tpu.memory_space<vmem_shared>>
      tpu.wait_dma2 semaphore(%run_scoped3A_58 : memref<!tpu.dma_semaphore, #tpu.memory_space<semaphore_mem>>) src(%arg9 : memref<128x128xf32, #tpu.memory_space<vmem>>) dst(%dma_wait3A_65 : memref<128x128xf32, #tpu.memory_space<vmem_shared>>)
      tpu.yield
    }) : () -> ()
    %add3A_6 = arith.constant 384 : i32
    %add3A_7 = arith.addi %mul3A_0, %add3A_6 : i32
    "tpu.region"() ({
      %run_scoped3A_58 = tpu.sem_alloc : memref<!tpu.dma_semaphore, #tpu.memory_space<semaphore_mem>>
      %dma_start3A_59 = arith.constant 0 : i32
      %dma_start3A_60 = tpu.memref_slice %arg11[%add3A_7, %dma_start3A_59] : memref<10240x128xf32, #tpu.memory_space<vmem_shared>> -> memref<128x128xf32, #tpu.memory_space<vmem_shared>>
      %dma_start3A_61 = arith.constant 0 : i32
      %dma_start3A_62 = tpu.memref_slice %arg11[%add3A_7, %dma_start3A_61] : memref<10240x128xf32, #tpu.memory_space<vmem_shared>> -> memref<128x128xf32, #tpu.memory_space<vmem_shared>>
      tpu.enqueue_dma source(%arg9 : memref<128x128xf32, #tpu.memory_space<vmem>>) target(%dma_start3A_62 : memref<128x128xf32, #tpu.memory_space<vmem_shared>>) target_semaphore(%run_scoped3A_58 : memref<!tpu.dma_semaphore, #tpu.memory_space<semaphore_mem>>)
      %dma_wait3A = arith.constant 0 : i32
      %dma_wait3A_63 = tpu.memref_slice %arg11[%add3A_7, %dma_wait3A] : memref<10240x128xf32, #tpu.memory_space<vmem_shared>> -> memref<128x128xf32, #tpu.memory_space<vmem_shared>>
      %dma_wait3A_64 = arith.constant 0 : i32
      %dma_wait3A_65 = tpu.memref_slice %arg11[%add3A_7, %dma_wait3A_64] : memref<10240x128xf32, #tpu.memory_space<vmem_shared>> -> memref<128x128xf32, #tpu.memory_space<vmem_shared>>
      tpu.wait_dma2 semaphore(%run_scoped3A_58 : memref<!tpu.dma_semaphore, #tpu.memory_space<semaphore_mem>>) src(%arg9 : memref<128x128xf32, #tpu.memory_space<vmem>>) dst(%dma_wait3A_65 : memref<128x128xf32, #tpu.memory_space<vmem_shared>>)
      tpu.yield
    }) : () -> ()
    %add3A_8 = arith.constant 512 : i32
    %add3A_9 = arith.addi %mul3A_0, %add3A_8 : i32
    "tpu.region"() ({
      %run_scoped3A_58 = tpu.sem_alloc : memref<!tpu.dma_semaphore, #tpu.memory_space<semaphore_mem>>
      %dma_start3A_59 = arith.constant 0 : i32
      %dma_start3A_60 = tpu.memref_slice %arg11[%add3A_9, %dma_start3A_59] : memref<10240x128xf32, #tpu.memory_space<vmem_shared>> -> memref<128x128xf32, #tpu.memory_space<vmem_shared>>
      %dma_start3A_61 = arith.constant 0 : i32
      %dma_start3A_62 = tpu.memref_slice %arg11[%add3A_9, %dma_start3A_61] : memref<10240x128xf32, #tpu.memory_space<vmem_shared>> -> memref<128x128xf32, #tpu.memory_space<vmem_shared>>
      tpu.enqueue_dma source(%arg9 : memref<128x128xf32, #tpu.memory_space<vmem>>) target(%dma_start3A_62 : memref<128x128xf32, #tpu.memory_space<vmem_shared>>) target_semaphore(%run_scoped3A_58 : memref<!tpu.dma_semaphore, #tpu.memory_space<semaphore_mem>>)
      %dma_wait3A = arith.constant 0 : i32
      %dma_wait3A_63 = tpu.memref_slice %arg11[%add3A_9, %dma_wait3A] : memref<10240x128xf32, #tpu.memory_space<vmem_shared>> -> memref<128x128xf32, #tpu.memory_space<vmem_shared>>
      %dma_wait3A_64 = arith.constant 0 : i32
      %dma_wait3A_65 = tpu.memref_slice %arg11[%add3A_9, %dma_wait3A_64] : memref<10240x128xf32, #tpu.memory_space<vmem_shared>> -> memref<128x128xf32, #tpu.memory_space<vmem_shared>>
      tpu.wait_dma2 semaphore(%run_scoped3A_58 : memref<!tpu.dma_semaphore, #tpu.memory_space<semaphore_mem>>) src(%arg9 : memref<128x128xf32, #tpu.memory_space<vmem>>) dst(%dma_wait3A_65 : memref<128x128xf32, #tpu.memory_space<vmem_shared>>)
      tpu.yield
    }) : () -> ()
    %barrier3A = arith.constant 0 : index
    tpu.barrier barrier_id(%barrier3A)
    %run_scoped3A = arith.constant 0 : i32
    "tpu.region"() ({
      %run_scoped3A_58 = tpu.sem_alloc : memref<!tpu.dma_semaphore, #tpu.memory_space<semaphore_mem>>
      %dma_start3A_59 = arith.constant 0 : i32
      %dma_start3A_60 = arith.constant 0 : i32
      %dma_start3A_61 = tpu.memref_slice %arg3[%arg0, %arg1, %run_scoped3A, %dma_start3A_59, %dma_start3A_60] : memref<2x16x2x40x128xi32, #tpu.memory_space<hbm>> -> memref<1x1x1x40x128xi32, #tpu.memory_space<hbm>>
      %dma_start3A_62 = tpu.memref_squeeze %dma_start3A_61 : memref<1x1x1x40x128xi32, #tpu.memory_space<hbm>> -> memref<40x128xi32, #tpu.memory_space<hbm>>
      %dma_start3A_63 = arith.constant 0 : i32
      %dma_start3A_64 = arith.constant 0 : i32
      %dma_start3A_65 = tpu.memref_slice %arg3[%arg0, %arg1, %run_scoped3A, %dma_start3A_63, %dma_start3A_64] : memref<2x16x2x40x128xi32, #tpu.memory_space<hbm>> -> memref<1x1x1x40x128xi32, #tpu.memory_space<hbm>>
      %dma_start3A_66 = tpu.memref_squeeze %dma_start3A_65 : memref<1x1x1x40x128xi32, #tpu.memory_space<hbm>> -> memref<40x128xi32, #tpu.memory_space<hbm>>
      tpu.enqueue_dma source(%dma_start3A_66 : memref<40x128xi32, #tpu.memory_space<hbm>>) target(%arg7 : memref<40x128xi32, #tpu.memory_space<vmem>>) target_semaphore(%run_scoped3A_58 : memref<!tpu.dma_semaphore, #tpu.memory_space<semaphore_mem>>)
      %dma_wait3A = arith.constant 0 : i32
      %dma_wait3A_67 = arith.constant 0 : i32
      %dma_wait3A_68 = tpu.memref_slice %arg3[%arg0, %arg1, %run_scoped3A, %dma_wait3A, %dma_wait3A_67] : memref<2x16x2x40x128xi32, #tpu.memory_space<hbm>> -> memref<1x1x1x40x128xi32, #tpu.memory_space<hbm>>
      %dma_wait3A_69 = tpu.memref_squeeze %dma_wait3A_68 : memref<1x1x1x40x128xi32, #tpu.memory_space<hbm>> -> memref<40x128xi32, #tpu.memory_space<hbm>>
      %dma_wait3A_70 = arith.constant 0 : i32
      %dma_wait3A_71 = arith.constant 0 : i32
      %dma_wait3A_72 = tpu.memref_slice %arg3[%arg0, %arg1, %run_scoped3A, %dma_wait3A_70, %dma_wait3A_71] : memref<2x16x2x40x128xi32, #tpu.memory_space<hbm>> -> memref<1x1x1x40x128xi32, #tpu.memory_space<hbm>>
      %dma_wait3A_73 = tpu.memref_squeeze %dma_wait3A_72 : memref<1x1x1x40x128xi32, #tpu.memory_space<hbm>> -> memref<40x128xi32, #tpu.memory_space<hbm>>
      tpu.wait_dma2 semaphore(%run_scoped3A_58 : memref<!tpu.dma_semaphore, #tpu.memory_space<semaphore_mem>>) src(%dma_wait3A_73 : memref<40x128xi32, #tpu.memory_space<hbm>>) dst(%arg7 : memref<40x128xi32, #tpu.memory_space<vmem>>)
      tpu.yield
    }) : () -> ()
    %run_scoped3A_10 = arith.constant 0 : i32
    "tpu.region"() ({
      %run_scoped3A_58 = tpu.sem_alloc : memref<!tpu.dma_semaphore, #tpu.memory_space<semaphore_mem>>
      %dma_start3A_59 = arith.constant 0 : i32
      %dma_start3A_60 = arith.constant 0 : i32
      %dma_start3A_61 = tpu.memref_slice %arg4[%arg0, %arg1, %run_scoped3A_10, %dma_start3A_59, %dma_start3A_60] : memref<2x16x2x40x128xi32, #tpu.memory_space<hbm>> -> memref<1x1x1x40x128xi32, #tpu.memory_space<hbm>>
      %dma_start3A_62 = tpu.memref_squeeze %dma_start3A_61 : memref<1x1x1x40x128xi32, #tpu.memory_space<hbm>> -> memref<40x128xi32, #tpu.memory_space<hbm>>
      %dma_start3A_63 = arith.constant 0 : i32
      %dma_start3A_64 = arith.constant 0 : i32
      %dma_start3A_65 = tpu.memref_slice %arg4[%arg0, %arg1, %run_scoped3A_10, %dma_start3A_63, %dma_start3A_64] : memref<2x16x2x40x128xi32, #tpu.memory_space<hbm>> -> memref<1x1x1x40x128xi32, #tpu.memory_space<hbm>>
      %dma_start3A_66 = tpu.memref_squeeze %dma_start3A_65 : memref<1x1x1x40x128xi32, #tpu.memory_space<hbm>> -> memref<40x128xi32, #tpu.memory_space<hbm>>
      tpu.enqueue_dma source(%dma_start3A_66 : memref<40x128xi32, #tpu.memory_space<hbm>>) target(%arg8 : memref<40x128xi32, #tpu.memory_space<vmem>>) target_semaphore(%run_scoped3A_58 : memref<!tpu.dma_semaphore, #tpu.memory_space<semaphore_mem>>)
      %dma_wait3A = arith.constant 0 : i32
      %dma_wait3A_67 = arith.constant 0 : i32
      %dma_wait3A_68 = tpu.memref_slice %arg4[%arg0, %arg1, %run_scoped3A_10, %dma_wait3A, %dma_wait3A_67] : memref<2x16x2x40x128xi32, #tpu.memory_space<hbm>> -> memref<1x1x1x40x128xi32, #tpu.memory_space<hbm>>
      %dma_wait3A_69 = tpu.memref_squeeze %dma_wait3A_68 : memref<1x1x1x40x128xi32, #tpu.memory_space<hbm>> -> memref<40x128xi32, #tpu.memory_space<hbm>>
      %dma_wait3A_70 = arith.constant 0 : i32
      %dma_wait3A_71 = arith.constant 0 : i32
      %dma_wait3A_72 = tpu.memref_slice %arg4[%arg0, %arg1, %run_scoped3A_10, %dma_wait3A_70, %dma_wait3A_71] : memref<2x16x2x40x128xi32, #tpu.memory_space<hbm>> -> memref<1x1x1x40x128xi32, #tpu.memory_space<hbm>>
      %dma_wait3A_73 = tpu.memref_squeeze %dma_wait3A_72 : memref<1x1x1x40x128xi32, #tpu.memory_space<hbm>> -> memref<40x128xi32, #tpu.memory_space<hbm>>
      tpu.wait_dma2 semaphore(%run_scoped3A_58 : memref<!tpu.dma_semaphore, #tpu.memory_space<semaphore_mem>>) src(%dma_wait3A_73 : memref<40x128xi32, #tpu.memory_space<hbm>>) dst(%arg8 : memref<40x128xi32, #tpu.memory_space<vmem>>)
      tpu.yield
    }) : () -> ()
    %dma_start3A = arith.constant 0 : i32
    %dma_start3A_11 = arith.constant 0 : i32
    %dma_start3A_12 = tpu.memref_slice %arg7[%dma_start3A, %dma_start3A_11] : memref<40x128xi32, #tpu.memory_space<vmem>> -> memref<1x128xi32, #tpu.memory_space<vmem>>
    %dma_start3A_13 = tpu.memref_squeeze %dma_start3A_12 : memref<1x128xi32, #tpu.memory_space<vmem>> -> memref<128xi32, #tpu.memory_space<vmem>>
    %dma_start3A_14 = arith.constant 0 : i32
    %dma_start3A_15 = arith.constant 0 : i32
    %dma_start3A_16 = tpu.memref_slice %arg2[%dma_start3A_14, %dma_start3A_15] : memref<10000x128xf32, #tpu.memory_space<hbm>> -> memref<10000x128xf32, #tpu.memory_space<hbm>>
    tpu.enqueue_indirect_dma source(%dma_start3A_16 : memref<10000x128xf32, #tpu.memory_space<hbm>>) target(%arg9 : memref<128x128xf32, #tpu.memory_space<vmem>>) offsets(%dma_start3A_13 : memref<128xi32, #tpu.memory_space<vmem>>) semaphore(%arg12 : memref<!tpu.dma_semaphore, #tpu.memory_space<semaphore_mem>>)
    %scan3A = arith.constant 0 : i32
    %scan3A_17 = arith.constant 0 : i32
    %scan3A_18 = arith.constant 20 : i32
    %scan3A_19 = arith.addi %scan3A_17, %scan3A_18 : i32
    %scan3A_20 = arith.constant 1 : i32
    scf.for %scan3A_58 = %scan3A_17 to %scan3A_19 step %scan3A_20  : i32 {
      %mul3A_59 = arith.constant 2 : i32
      %mul3A_60 = arith.muli %mul3A_59, %scan3A_58 : i32
      %add3A_61 = arith.constant 1 : i32
      %add3A_62 = arith.addi %mul3A_60, %add3A_61 : i32
      %dma_start3A_63 = arith.constant 0 : i32
      %dma_start3A_64 = tpu.memref_slice %arg7[%add3A_62, %dma_start3A_63] : memref<40x128xi32, #tpu.memory_space<vmem>> -> memref<1x128xi32, #tpu.memory_space<vmem>>
      %dma_start3A_65 = tpu.memref_squeeze %dma_start3A_64 : memref<1x128xi32, #tpu.memory_space<vmem>> -> memref<128xi32, #tpu.memory_space<vmem>>
      %dma_start3A_66 = arith.constant 0 : i32
      %dma_start3A_67 = arith.constant 0 : i32
      %dma_start3A_68 = tpu.memref_slice %arg2[%dma_start3A_66, %dma_start3A_67] : memref<10000x128xf32, #tpu.memory_space<hbm>> -> memref<10000x128xf32, #tpu.memory_space<hbm>>
      tpu.enqueue_indirect_dma source(%dma_start3A_68 : memref<10000x128xf32, #tpu.memory_space<hbm>>) target(%arg10 : memref<128x128xf32, #tpu.memory_space<vmem>>) offsets(%dma_start3A_65 : memref<128xi32, #tpu.memory_space<vmem>>) semaphore(%arg13 : memref<!tpu.dma_semaphore, #tpu.memory_space<semaphore_mem>>)
      %dma_wait3A = arith.constant 0 : i32
      %dma_wait3A_69 = tpu.memref_slice %arg7[%mul3A_60, %dma_wait3A] : memref<40x128xi32, #tpu.memory_space<vmem>> -> memref<1x128xi32, #tpu.memory_space<vmem>>
      %dma_wait3A_70 = tpu.memref_squeeze %dma_wait3A_69 : memref<1x128xi32, #tpu.memory_space<vmem>> -> memref<128xi32, #tpu.memory_space<vmem>>
      %dma_wait3A_71 = arith.constant 0 : i32
      %dma_wait3A_72 = arith.constant 0 : i32
      %dma_wait3A_73 = tpu.memref_slice %arg2[%dma_wait3A_71, %dma_wait3A_72] : memref<10000x128xf32, #tpu.memory_space<hbm>> -> memref<10000x128xf32, #tpu.memory_space<hbm>>
      tpu.wait_indirect_dma semaphore(%arg12 : memref<!tpu.dma_semaphore, #tpu.memory_space<semaphore_mem>>) src(%dma_wait3A_73 : memref<10000x128xf32, #tpu.memory_space<hbm>>) dst(%arg9 : memref<128x128xf32, #tpu.memory_space<vmem>>)
      "tpu.region"() ({
        %run_scoped3A_86 = tpu.sem_alloc : memref<!tpu.dma_semaphore, #tpu.memory_space<semaphore_mem>>
        %dma_start3A_87 = arith.constant 0 : i32
        %dma_start3A_88 = tpu.memref_slice %arg8[%mul3A_60, %dma_start3A_87] : memref<40x128xi32, #tpu.memory_space<vmem>> -> memref<1x128xi32, #tpu.memory_space<vmem>>
        %dma_start3A_89 = tpu.memref_squeeze %dma_start3A_88 : memref<1x128xi32, #tpu.memory_space<vmem>> -> memref<128xi32, #tpu.memory_space<vmem>>
        %dma_start3A_90 = arith.constant 0 : i32
        %dma_start3A_91 = arith.constant 0 : i32
        %dma_start3A_92 = tpu.memref_slice %arg11[%dma_start3A_90, %dma_start3A_91] : memref<10240x128xf32, #tpu.memory_space<vmem_shared>> -> memref<10240x128xf32, #tpu.memory_space<vmem_shared>>
        tpu.enqueue_indirect_dma source(%arg9 : memref<128x128xf32, #tpu.memory_space<vmem>>) target(%dma_start3A_92 : memref<10240x128xf32, #tpu.memory_space<vmem_shared>>) offsets(%dma_start3A_89 : memref<128xi32, #tpu.memory_space<vmem>>) semaphore(%run_scoped3A_86 : memref<!tpu.dma_semaphore, #tpu.memory_space<semaphore_mem>>) {add = true}
        %dma_wait3A_93 = arith.constant 0 : i32
        %dma_wait3A_94 = tpu.memref_slice %arg8[%mul3A_60, %dma_wait3A_93] : memref<40x128xi32, #tpu.memory_space<vmem>> -> memref<1x128xi32, #tpu.memory_space<vmem>>
        %dma_wait3A_95 = tpu.memref_squeeze %dma_wait3A_94 : memref<1x128xi32, #tpu.memory_space<vmem>> -> memref<128xi32, #tpu.memory_space<vmem>>
        %dma_wait3A_96 = arith.constant 0 : i32
        %dma_wait3A_97 = arith.constant 0 : i32
        %dma_wait3A_98 = tpu.memref_slice %arg11[%dma_wait3A_96, %dma_wait3A_97] : memref<10240x128xf32, #tpu.memory_space<vmem_shared>> -> memref<10240x128xf32, #tpu.memory_space<vmem_shared>>
        tpu.wait_indirect_dma semaphore(%run_scoped3A_86 : memref<!tpu.dma_semaphore, #tpu.memory_space<semaphore_mem>>) src(%arg9 : memref<128x128xf32, #tpu.memory_space<vmem>>) dst(%dma_wait3A_98 : memref<10240x128xf32, #tpu.memory_space<vmem_shared>>)
        tpu.yield
      }) : () -> ()
      %lt3A = arith.constant 19 : i32
      %lt3A_74 = arith.cmpi slt, %scan3A_58, %lt3A : i32
      %convert_element_type3A = arith.extui %lt3A_74 : i1 to i32
      %cond3A = arith.constant 0 : i32
      %cond3A_75 = arith.cmpi ne, %convert_element_type3A, %cond3A : i32
      scf.if %cond3A_75 {
        %add3A_86 = arith.constant 2 : i32
        %add3A_87 = arith.addi %mul3A_60, %add3A_86 : i32
        %dma_start3A_88 = arith.constant 0 : i32
        %dma_start3A_89 = tpu.memref_slice %arg7[%add3A_87, %dma_start3A_88] : memref<40x128xi32, #tpu.memory_space<vmem>> -> memref<1x128xi32, #tpu.memory_space<vmem>>
        %dma_start3A_90 = tpu.memref_squeeze %dma_start3A_89 : memref<1x128xi32, #tpu.memory_space<vmem>> -> memref<128xi32, #tpu.memory_space<vmem>>
        %dma_start3A_91 = arith.constant 0 : i32
        %dma_start3A_92 = arith.constant 0 : i32
        %dma_start3A_93 = tpu.memref_slice %arg2[%dma_start3A_91, %dma_start3A_92] : memref<10000x128xf32, #tpu.memory_space<hbm>> -> memref<10000x128xf32, #tpu.memory_space<hbm>>
        tpu.enqueue_indirect_dma source(%dma_start3A_93 : memref<10000x128xf32, #tpu.memory_space<hbm>>) target(%arg9 : memref<128x128xf32, #tpu.memory_space<vmem>>) offsets(%dma_start3A_90 : memref<128xi32, #tpu.memory_space<vmem>>) semaphore(%arg12 : memref<!tpu.dma_semaphore, #tpu.memory_space<semaphore_mem>>)
      } else {
      }
      %add3A_76 = arith.constant 1 : i32
      %add3A_77 = arith.addi %mul3A_60, %add3A_76 : i32
      %dma_wait3A_78 = arith.constant 0 : i32
      %dma_wait3A_79 = tpu.memref_slice %arg7[%add3A_77, %dma_wait3A_78] : memref<40x128xi32, #tpu.memory_space<vmem>> -> memref<1x128xi32, #tpu.memory_space<vmem>>
      %dma_wait3A_80 = tpu.memref_squeeze %dma_wait3A_79 : memref<1x128xi32, #tpu.memory_space<vmem>> -> memref<128xi32, #tpu.memory_space<vmem>>
      %dma_wait3A_81 = arith.constant 0 : i32
      %dma_wait3A_82 = arith.constant 0 : i32
      %dma_wait3A_83 = tpu.memref_slice %arg2[%dma_wait3A_81, %dma_wait3A_82] : memref<10000x128xf32, #tpu.memory_space<hbm>> -> memref<10000x128xf32, #tpu.memory_space<hbm>>
      tpu.wait_indirect_dma semaphore(%arg13 : memref<!tpu.dma_semaphore, #tpu.memory_space<semaphore_mem>>) src(%dma_wait3A_83 : memref<10000x128xf32, #tpu.memory_space<hbm>>) dst(%arg10 : memref<128x128xf32, #tpu.memory_space<vmem>>)
      %add3A_84 = arith.constant 1 : i32
      %add3A_85 = arith.addi %mul3A_60, %add3A_84 : i32
      "tpu.region"() ({
        %run_scoped3A_86 = tpu.sem_alloc : memref<!tpu.dma_semaphore, #tpu.memory_space<semaphore_mem>>
        %dma_start3A_87 = arith.constant 0 : i32
        %dma_start3A_88 = tpu.memref_slice %arg8[%add3A_85, %dma_start3A_87] : memref<40x128xi32, #tpu.memory_space<vmem>> -> memref<1x128xi32, #tpu.memory_space<vmem>>
        %dma_start3A_89 = tpu.memref_squeeze %dma_start3A_88 : memref<1x128xi32, #tpu.memory_space<vmem>> -> memref<128xi32, #tpu.memory_space<vmem>>
        %dma_start3A_90 = arith.constant 0 : i32
        %dma_start3A_91 = arith.constant 0 : i32
        %dma_start3A_92 = tpu.memref_slice %arg11[%dma_start3A_90, %dma_start3A_91] : memref<10240x128xf32, #tpu.memory_space<vmem_shared>> -> memref<10240x128xf32, #tpu.memory_space<vmem_shared>>
        tpu.enqueue_indirect_dma source(%arg10 : memref<128x128xf32, #tpu.memory_space<vmem>>) target(%dma_start3A_92 : memref<10240x128xf32, #tpu.memory_space<vmem_shared>>) offsets(%dma_start3A_89 : memref<128xi32, #tpu.memory_space<vmem>>) semaphore(%run_scoped3A_86 : memref<!tpu.dma_semaphore, #tpu.memory_space<semaphore_mem>>) {add = true}
        %dma_wait3A_93 = arith.constant 0 : i32
        %dma_wait3A_94 = tpu.memref_slice %arg8[%add3A_85, %dma_wait3A_93] : memref<40x128xi32, #tpu.memory_space<vmem>> -> memref<1x128xi32, #tpu.memory_space<vmem>>
        %dma_wait3A_95 = tpu.memref_squeeze %dma_wait3A_94 : memref<1x128xi32, #tpu.memory_space<vmem>> -> memref<128xi32, #tpu.memory_space<vmem>>
        %dma_wait3A_96 = arith.constant 0 : i32
        %dma_wait3A_97 = arith.constant 0 : i32
        %dma_wait3A_98 = tpu.memref_slice %arg11[%dma_wait3A_96, %dma_wait3A_97] : memref<10240x128xf32, #tpu.memory_space<vmem_shared>> -> memref<10240x128xf32, #tpu.memory_space<vmem_shared>>
        tpu.wait_indirect_dma semaphore(%run_scoped3A_86 : memref<!tpu.dma_semaphore, #tpu.memory_space<semaphore_mem>>) src(%arg10 : memref<128x128xf32, #tpu.memory_space<vmem>>) dst(%dma_wait3A_98 : memref<10240x128xf32, #tpu.memory_space<vmem_shared>>)
        tpu.yield
      }) : () -> ()
    }
    %scan3A_21 = arith.constant 20 : i32
    %run_scoped3A_22 = arith.constant 1 : i32
    "tpu.region"() ({
      %run_scoped3A_58 = tpu.sem_alloc : memref<!tpu.dma_semaphore, #tpu.memory_space<semaphore_mem>>
      %dma_start3A_59 = arith.constant 0 : i32
      %dma_start3A_60 = arith.constant 0 : i32
      %dma_start3A_61 = tpu.memref_slice %arg3[%arg0, %arg1, %run_scoped3A_22, %dma_start3A_59, %dma_start3A_60] : memref<2x16x2x40x128xi32, #tpu.memory_space<hbm>> -> memref<1x1x1x40x128xi32, #tpu.memory_space<hbm>>
      %dma_start3A_62 = tpu.memref_squeeze %dma_start3A_61 : memref<1x1x1x40x128xi32, #tpu.memory_space<hbm>> -> memref<40x128xi32, #tpu.memory_space<hbm>>
      %dma_start3A_63 = arith.constant 0 : i32
      %dma_start3A_64 = arith.constant 0 : i32
      %dma_start3A_65 = tpu.memref_slice %arg3[%arg0, %arg1, %run_scoped3A_22, %dma_start3A_63, %dma_start3A_64] : memref<2x16x2x40x128xi32, #tpu.memory_space<hbm>> -> memref<1x1x1x40x128xi32, #tpu.memory_space<hbm>>
      %dma_start3A_66 = tpu.memref_squeeze %dma_start3A_65 : memref<1x1x1x40x128xi32, #tpu.memory_space<hbm>> -> memref<40x128xi32, #tpu.memory_space<hbm>>
      tpu.enqueue_dma source(%dma_start3A_66 : memref<40x128xi32, #tpu.memory_space<hbm>>) target(%arg7 : memref<40x128xi32, #tpu.memory_space<vmem>>) target_semaphore(%run_scoped3A_58 : memref<!tpu.dma_semaphore, #tpu.memory_space<semaphore_mem>>)
      %dma_wait3A = arith.constant 0 : i32
      %dma_wait3A_67 = arith.constant 0 : i32
      %dma_wait3A_68 = tpu.memref_slice %arg3[%arg0, %arg1, %run_scoped3A_22, %dma_wait3A, %dma_wait3A_67] : memref<2x16x2x40x128xi32, #tpu.memory_space<hbm>> -> memref<1x1x1x40x128xi32, #tpu.memory_space<hbm>>
      %dma_wait3A_69 = tpu.memref_squeeze %dma_wait3A_68 : memref<1x1x1x40x128xi32, #tpu.memory_space<hbm>> -> memref<40x128xi32, #tpu.memory_space<hbm>>
      %dma_wait3A_70 = arith.constant 0 : i32
      %dma_wait3A_71 = arith.constant 0 : i32
      %dma_wait3A_72 = tpu.memref_slice %arg3[%arg0, %arg1, %run_scoped3A_22, %dma_wait3A_70, %dma_wait3A_71] : memref<2x16x2x40x128xi32, #tpu.memory_space<hbm>> -> memref<1x1x1x40x128xi32, #tpu.memory_space<hbm>>
      %dma_wait3A_73 = tpu.memref_squeeze %dma_wait3A_72 : memref<1x1x1x40x128xi32, #tpu.memory_space<hbm>> -> memref<40x128xi32, #tpu.memory_space<hbm>>
      tpu.wait_dma2 semaphore(%run_scoped3A_58 : memref<!tpu.dma_semaphore, #tpu.memory_space<semaphore_mem>>) src(%dma_wait3A_73 : memref<40x128xi32, #tpu.memory_space<hbm>>) dst(%arg7 : memref<40x128xi32, #tpu.memory_space<vmem>>)
      tpu.yield
    }) : () -> ()
    %run_scoped3A_23 = arith.constant 1 : i32
    "tpu.region"() ({
      %run_scoped3A_58 = tpu.sem_alloc : memref<!tpu.dma_semaphore, #tpu.memory_space<semaphore_mem>>
      %dma_start3A_59 = arith.constant 0 : i32
      %dma_start3A_60 = arith.constant 0 : i32
      %dma_start3A_61 = tpu.memref_slice %arg4[%arg0, %arg1, %run_scoped3A_23, %dma_start3A_59, %dma_start3A_60] : memref<2x16x2x40x128xi32, #tpu.memory_space<hbm>> -> memref<1x1x1x40x128xi32, #tpu.memory_space<hbm>>
      %dma_start3A_62 = tpu.memref_squeeze %dma_start3A_61 : memref<1x1x1x40x128xi32, #tpu.memory_space<hbm>> -> memref<40x128xi32, #tpu.memory_space<hbm>>
      %dma_start3A_63 = arith.constant 0 : i32
      %dma_start3A_64 = arith.constant 0 : i32
      %dma_start3A_65 = tpu.memref_slice %arg4[%arg0, %arg1, %run_scoped3A_23, %dma_start3A_63, %dma_start3A_64] : memref<2x16x2x40x128xi32, #tpu.memory_space<hbm>> -> memref<1x1x1x40x128xi32, #tpu.memory_space<hbm>>
      %dma_start3A_66 = tpu.memref_squeeze %dma_start3A_65 : memref<1x1x1x40x128xi32, #tpu.memory_space<hbm>> -> memref<40x128xi32, #tpu.memory_space<hbm>>
      tpu.enqueue_dma source(%dma_start3A_66 : memref<40x128xi32, #tpu.memory_space<hbm>>) target(%arg8 : memref<40x128xi32, #tpu.memory_space<vmem>>) target_semaphore(%run_scoped3A_58 : memref<!tpu.dma_semaphore, #tpu.memory_space<semaphore_mem>>)
      %dma_wait3A = arith.constant 0 : i32
      %dma_wait3A_67 = arith.constant 0 : i32
      %dma_wait3A_68 = tpu.memref_slice %arg4[%arg0, %arg1, %run_scoped3A_23, %dma_wait3A, %dma_wait3A_67] : memref<2x16x2x40x128xi32, #tpu.memory_space<hbm>> -> memref<1x1x1x40x128xi32, #tpu.memory_space<hbm>>
      %dma_wait3A_69 = tpu.memref_squeeze %dma_wait3A_68 : memref<1x1x1x40x128xi32, #tpu.memory_space<hbm>> -> memref<40x128xi32, #tpu.memory_space<hbm>>
      %dma_wait3A_70 = arith.constant 0 : i32
      %dma_wait3A_71 = arith.constant 0 : i32
      %dma_wait3A_72 = tpu.memref_slice %arg4[%arg0, %arg1, %run_scoped3A_23, %dma_wait3A_70, %dma_wait3A_71] : memref<2x16x2x40x128xi32, #tpu.memory_space<hbm>> -> memref<1x1x1x40x128xi32, #tpu.memory_space<hbm>>
      %dma_wait3A_73 = tpu.memref_squeeze %dma_wait3A_72 : memref<1x1x1x40x128xi32, #tpu.memory_space<hbm>> -> memref<40x128xi32, #tpu.memory_space<hbm>>
      tpu.wait_dma2 semaphore(%run_scoped3A_58 : memref<!tpu.dma_semaphore, #tpu.memory_space<semaphore_mem>>) src(%dma_wait3A_73 : memref<40x128xi32, #tpu.memory_space<hbm>>) dst(%arg8 : memref<40x128xi32, #tpu.memory_space<vmem>>)
      tpu.yield
    }) : () -> ()
    %dma_start3A_24 = arith.constant 0 : i32
    %dma_start3A_25 = arith.constant 0 : i32
    %dma_start3A_26 = tpu.memref_slice %arg7[%dma_start3A_24, %dma_start3A_25] : memref<40x128xi32, #tpu.memory_space<vmem>> -> memref<1x128xi32, #tpu.memory_space<vmem>>
    %dma_start3A_27 = tpu.memref_squeeze %dma_start3A_26 : memref<1x128xi32, #tpu.memory_space<vmem>> -> memref<128xi32, #tpu.memory_space<vmem>>
    %dma_start3A_28 = arith.constant 0 : i32
    %dma_start3A_29 = arith.constant 0 : i32
    %dma_start3A_30 = tpu.memref_slice %arg2[%dma_start3A_28, %dma_start3A_29] : memref<10000x128xf32, #tpu.memory_space<hbm>> -> memref<10000x128xf32, #tpu.memory_space<hbm>>
    tpu.enqueue_indirect_dma source(%dma_start3A_30 : memref<10000x128xf32, #tpu.memory_space<hbm>>) target(%arg9 : memref<128x128xf32, #tpu.memory_space<vmem>>) offsets(%dma_start3A_27 : memref<128xi32, #tpu.memory_space<vmem>>) semaphore(%arg12 : memref<!tpu.dma_semaphore, #tpu.memory_space<semaphore_mem>>)
    %scan3A_31 = arith.constant 0 : i32
    %scan3A_32 = arith.constant 0 : i32
    %scan3A_33 = arith.constant 20 : i32
    %scan3A_34 = arith.addi %scan3A_32, %scan3A_33 : i32
    %scan3A_35 = arith.constant 1 : i32
    scf.for %scan3A_58 = %scan3A_32 to %scan3A_34 step %scan3A_35  : i32 {
      %mul3A_59 = arith.constant 2 : i32
      %mul3A_60 = arith.muli %mul3A_59, %scan3A_58 : i32
      %add3A_61 = arith.constant 1 : i32
      %add3A_62 = arith.addi %mul3A_60, %add3A_61 : i32
      %dma_start3A_63 = arith.constant 0 : i32
      %dma_start3A_64 = tpu.memref_slice %arg7[%add3A_62, %dma_start3A_63] : memref<40x128xi32, #tpu.memory_space<vmem>> -> memref<1x128xi32, #tpu.memory_space<vmem>>
      %dma_start3A_65 = tpu.memref_squeeze %dma_start3A_64 : memref<1x128xi32, #tpu.memory_space<vmem>> -> memref<128xi32, #tpu.memory_space<vmem>>
      %dma_start3A_66 = arith.constant 0 : i32
      %dma_start3A_67 = arith.constant 0 : i32
      %dma_start3A_68 = tpu.memref_slice %arg2[%dma_start3A_66, %dma_start3A_67] : memref<10000x128xf32, #tpu.memory_space<hbm>> -> memref<10000x128xf32, #tpu.memory_space<hbm>>
      tpu.enqueue_indirect_dma source(%dma_start3A_68 : memref<10000x128xf32, #tpu.memory_space<hbm>>) target(%arg10 : memref<128x128xf32, #tpu.memory_space<vmem>>) offsets(%dma_start3A_65 : memref<128xi32, #tpu.memory_space<vmem>>) semaphore(%arg13 : memref<!tpu.dma_semaphore, #tpu.memory_space<semaphore_mem>>)
      %dma_wait3A = arith.constant 0 : i32
      %dma_wait3A_69 = tpu.memref_slice %arg7[%mul3A_60, %dma_wait3A] : memref<40x128xi32, #tpu.memory_space<vmem>> -> memref<1x128xi32, #tpu.memory_space<vmem>>
      %dma_wait3A_70 = tpu.memref_squeeze %dma_wait3A_69 : memref<1x128xi32, #tpu.memory_space<vmem>> -> memref<128xi32, #tpu.memory_space<vmem>>
      %dma_wait3A_71 = arith.constant 0 : i32
      %dma_wait3A_72 = arith.constant 0 : i32
      %dma_wait3A_73 = tpu.memref_slice %arg2[%dma_wait3A_71, %dma_wait3A_72] : memref<10000x128xf32, #tpu.memory_space<hbm>> -> memref<10000x128xf32, #tpu.memory_space<hbm>>
      tpu.wait_indirect_dma semaphore(%arg12 : memref<!tpu.dma_semaphore, #tpu.memory_space<semaphore_mem>>) src(%dma_wait3A_73 : memref<10000x128xf32, #tpu.memory_space<hbm>>) dst(%arg9 : memref<128x128xf32, #tpu.memory_space<vmem>>)
      "tpu.region"() ({
        %run_scoped3A_86 = tpu.sem_alloc : memref<!tpu.dma_semaphore, #tpu.memory_space<semaphore_mem>>
        %dma_start3A_87 = arith.constant 0 : i32
        %dma_start3A_88 = tpu.memref_slice %arg8[%mul3A_60, %dma_start3A_87] : memref<40x128xi32, #tpu.memory_space<vmem>> -> memref<1x128xi32, #tpu.memory_space<vmem>>
        %dma_start3A_89 = tpu.memref_squeeze %dma_start3A_88 : memref<1x128xi32, #tpu.memory_space<vmem>> -> memref<128xi32, #tpu.memory_space<vmem>>
        %dma_start3A_90 = arith.constant 0 : i32
        %dma_start3A_91 = arith.constant 0 : i32
        %dma_start3A_92 = tpu.memref_slice %arg11[%dma_start3A_90, %dma_start3A_91] : memref<10240x128xf32, #tpu.memory_space<vmem_shared>> -> memref<10240x128xf32, #tpu.memory_space<vmem_shared>>
        tpu.enqueue_indirect_dma source(%arg9 : memref<128x128xf32, #tpu.memory_space<vmem>>) target(%dma_start3A_92 : memref<10240x128xf32, #tpu.memory_space<vmem_shared>>) offsets(%dma_start3A_89 : memref<128xi32, #tpu.memory_space<vmem>>) semaphore(%run_scoped3A_86 : memref<!tpu.dma_semaphore, #tpu.memory_space<semaphore_mem>>) {add = true}
        %dma_wait3A_93 = arith.constant 0 : i32
        %dma_wait3A_94 = tpu.memref_slice %arg8[%mul3A_60, %dma_wait3A_93] : memref<40x128xi32, #tpu.memory_space<vmem>> -> memref<1x128xi32, #tpu.memory_space<vmem>>
        %dma_wait3A_95 = tpu.memref_squeeze %dma_wait3A_94 : memref<1x128xi32, #tpu.memory_space<vmem>> -> memref<128xi32, #tpu.memory_space<vmem>>
        %dma_wait3A_96 = arith.constant 0 : i32
        %dma_wait3A_97 = arith.constant 0 : i32
        %dma_wait3A_98 = tpu.memref_slice %arg11[%dma_wait3A_96, %dma_wait3A_97] : memref<10240x128xf32, #tpu.memory_space<vmem_shared>> -> memref<10240x128xf32, #tpu.memory_space<vmem_shared>>
        tpu.wait_indirect_dma semaphore(%run_scoped3A_86 : memref<!tpu.dma_semaphore, #tpu.memory_space<semaphore_mem>>) src(%arg9 : memref<128x128xf32, #tpu.memory_space<vmem>>) dst(%dma_wait3A_98 : memref<10240x128xf32, #tpu.memory_space<vmem_shared>>)
        tpu.yield
      }) : () -> ()
      %lt3A = arith.constant 19 : i32
      %lt3A_74 = arith.cmpi slt, %scan3A_58, %lt3A : i32
      %convert_element_type3A = arith.extui %lt3A_74 : i1 to i32
      %cond3A = arith.constant 0 : i32
      %cond3A_75 = arith.cmpi ne, %convert_element_type3A, %cond3A : i32
      scf.if %cond3A_75 {
        %add3A_86 = arith.constant 2 : i32
        %add3A_87 = arith.addi %mul3A_60, %add3A_86 : i32
        %dma_start3A_88 = arith.constant 0 : i32
        %dma_start3A_89 = tpu.memref_slice %arg7[%add3A_87, %dma_start3A_88] : memref<40x128xi32, #tpu.memory_space<vmem>> -> memref<1x128xi32, #tpu.memory_space<vmem>>
        %dma_start3A_90 = tpu.memref_squeeze %dma_start3A_89 : memref<1x128xi32, #tpu.memory_space<vmem>> -> memref<128xi32, #tpu.memory_space<vmem>>
        %dma_start3A_91 = arith.constant 0 : i32
        %dma_start3A_92 = arith.constant 0 : i32
        %dma_start3A_93 = tpu.memref_slice %arg2[%dma_start3A_91, %dma_start3A_92] : memref<10000x128xf32, #tpu.memory_space<hbm>> -> memref<10000x128xf32, #tpu.memory_space<hbm>>
        tpu.enqueue_indirect_dma source(%dma_start3A_93 : memref<10000x128xf32, #tpu.memory_space<hbm>>) target(%arg9 : memref<128x128xf32, #tpu.memory_space<vmem>>) offsets(%dma_start3A_90 : memref<128xi32, #tpu.memory_space<vmem>>) semaphore(%arg12 : memref<!tpu.dma_semaphore, #tpu.memory_space<semaphore_mem>>)
      } else {
      }
      %add3A_76 = arith.constant 1 : i32
      %add3A_77 = arith.addi %mul3A_60, %add3A_76 : i32
      %dma_wait3A_78 = arith.constant 0 : i32
      %dma_wait3A_79 = tpu.memref_slice %arg7[%add3A_77, %dma_wait3A_78] : memref<40x128xi32, #tpu.memory_space<vmem>> -> memref<1x128xi32, #tpu.memory_space<vmem>>
      %dma_wait3A_80 = tpu.memref_squeeze %dma_wait3A_79 : memref<1x128xi32, #tpu.memory_space<vmem>> -> memref<128xi32, #tpu.memory_space<vmem>>
      %dma_wait3A_81 = arith.constant 0 : i32
      %dma_wait3A_82 = arith.constant 0 : i32
      %dma_wait3A_83 = tpu.memref_slice %arg2[%dma_wait3A_81, %dma_wait3A_82] : memref<10000x128xf32, #tpu.memory_space<hbm>> -> memref<10000x128xf32, #tpu.memory_space<hbm>>
      tpu.wait_indirect_dma semaphore(%arg13 : memref<!tpu.dma_semaphore, #tpu.memory_space<semaphore_mem>>) src(%dma_wait3A_83 : memref<10000x128xf32, #tpu.memory_space<hbm>>) dst(%arg10 : memref<128x128xf32, #tpu.memory_space<vmem>>)
      %add3A_84 = arith.constant 1 : i32
      %add3A_85 = arith.addi %mul3A_60, %add3A_84 : i32
      "tpu.region"() ({
        %run_scoped3A_86 = tpu.sem_alloc : memref<!tpu.dma_semaphore, #tpu.memory_space<semaphore_mem>>
        %dma_start3A_87 = arith.constant 0 : i32
        %dma_start3A_88 = tpu.memref_slice %arg8[%add3A_85, %dma_start3A_87] : memref<40x128xi32, #tpu.memory_space<vmem>> -> memref<1x128xi32, #tpu.memory_space<vmem>>
        %dma_start3A_89 = tpu.memref_squeeze %dma_start3A_88 : memref<1x128xi32, #tpu.memory_space<vmem>> -> memref<128xi32, #tpu.memory_space<vmem>>
        %dma_start3A_90 = arith.constant 0 : i32
        %dma_start3A_91 = arith.constant 0 : i32
        %dma_start3A_92 = tpu.memref_slice %arg11[%dma_start3A_90, %dma_start3A_91] : memref<10240x128xf32, #tpu.memory_space<vmem_shared>> -> memref<10240x128xf32, #tpu.memory_space<vmem_shared>>
        tpu.enqueue_indirect_dma source(%arg10 : memref<128x128xf32, #tpu.memory_space<vmem>>) target(%dma_start3A_92 : memref<10240x128xf32, #tpu.memory_space<vmem_shared>>) offsets(%dma_start3A_89 : memref<128xi32, #tpu.memory_space<vmem>>) semaphore(%run_scoped3A_86 : memref<!tpu.dma_semaphore, #tpu.memory_space<semaphore_mem>>) {add = true}
        %dma_wait3A_93 = arith.constant 0 : i32
        %dma_wait3A_94 = tpu.memref_slice %arg8[%add3A_85, %dma_wait3A_93] : memref<40x128xi32, #tpu.memory_space<vmem>> -> memref<1x128xi32, #tpu.memory_space<vmem>>
        %dma_wait3A_95 = tpu.memref_squeeze %dma_wait3A_94 : memref<1x128xi32, #tpu.memory_space<vmem>> -> memref<128xi32, #tpu.memory_space<vmem>>
        %dma_wait3A_96 = arith.constant 0 : i32
        %dma_wait3A_97 = arith.constant 0 : i32
        %dma_wait3A_98 = tpu.memref_slice %arg11[%dma_wait3A_96, %dma_wait3A_97] : memref<10240x128xf32, #tpu.memory_space<vmem_shared>> -> memref<10240x128xf32, #tpu.memory_space<vmem_shared>>
        tpu.wait_indirect_dma semaphore(%run_scoped3A_86 : memref<!tpu.dma_semaphore, #tpu.memory_space<semaphore_mem>>) src(%arg10 : memref<128x128xf32, #tpu.memory_space<vmem>>) dst(%dma_wait3A_98 : memref<10240x128xf32, #tpu.memory_space<vmem_shared>>)
        tpu.yield
      }) : () -> ()
    }
    %scan3A_36 = arith.constant 20 : i32
    %barrier3A_37 = arith.constant 0 : index
    tpu.barrier barrier_id(%barrier3A_37)
    %add3A_38 = arith.constant 0 : i32
    %add3A_39 = arith.addi %mul3A_0, %add3A_38 : i32
    "tpu.region"() ({
      %run_scoped3A_58 = tpu.sem_alloc : memref<!tpu.dma_semaphore, #tpu.memory_space<semaphore_mem>>
      %dma_start3A_59 = arith.constant 0 : i32
      %dma_start3A_60 = tpu.memref_slice %arg11[%add3A_39, %dma_start3A_59] : memref<10240x128xf32, #tpu.memory_space<vmem_shared>> -> memref<128x128xf32, #tpu.memory_space<vmem_shared>>
      %dma_start3A_61 = arith.constant 0 : i32
      %dma_start3A_62 = tpu.memref_slice %arg11[%add3A_39, %dma_start3A_61] : memref<10240x128xf32, #tpu.memory_space<vmem_shared>> -> memref<128x128xf32, #tpu.memory_space<vmem_shared>>
      tpu.enqueue_dma source(%dma_start3A_62 : memref<128x128xf32, #tpu.memory_space<vmem_shared>>) target(%arg9 : memref<128x128xf32, #tpu.memory_space<vmem>>) target_semaphore(%run_scoped3A_58 : memref<!tpu.dma_semaphore, #tpu.memory_space<semaphore_mem>>)
      %dma_wait3A = arith.constant 0 : i32
      %dma_wait3A_63 = tpu.memref_slice %arg11[%add3A_39, %dma_wait3A] : memref<10240x128xf32, #tpu.memory_space<vmem_shared>> -> memref<128x128xf32, #tpu.memory_space<vmem_shared>>
      %dma_wait3A_64 = arith.constant 0 : i32
      %dma_wait3A_65 = tpu.memref_slice %arg11[%add3A_39, %dma_wait3A_64] : memref<10240x128xf32, #tpu.memory_space<vmem_shared>> -> memref<128x128xf32, #tpu.memory_space<vmem_shared>>
      tpu.wait_dma2 semaphore(%run_scoped3A_58 : memref<!tpu.dma_semaphore, #tpu.memory_space<semaphore_mem>>) src(%dma_wait3A_65 : memref<128x128xf32, #tpu.memory_space<vmem_shared>>) dst(%arg9 : memref<128x128xf32, #tpu.memory_space<vmem>>)
      tpu.yield
    }) : () -> ()
    %add3A_40 = arith.constant 0 : i32
    %add3A_41 = arith.addi %mul3A_0, %add3A_40 : i32
    "tpu.region"() ({
      %run_scoped3A_58 = tpu.sem_alloc : memref<!tpu.dma_semaphore, #tpu.memory_space<semaphore_mem>>
      %dma_start3A_59 = arith.constant 0 : i32
      %dma_start3A_60 = tpu.memref_slice %arg6[%arg0, %add3A_41, %dma_start3A_59] : memref<2x10240x128xf32, #tpu.memory_space<hbm>> -> memref<1x128x128xf32, #tpu.memory_space<hbm>>
      %dma_start3A_61 = tpu.memref_squeeze %dma_start3A_60 : memref<1x128x128xf32, #tpu.memory_space<hbm>> -> memref<128x128xf32, #tpu.memory_space<hbm>>
      %dma_start3A_62 = arith.constant 0 : i32
      %dma_start3A_63 = tpu.memref_slice %arg6[%arg0, %add3A_41, %dma_start3A_62] : memref<2x10240x128xf32, #tpu.memory_space<hbm>> -> memref<1x128x128xf32, #tpu.memory_space<hbm>>
      %dma_start3A_64 = tpu.memref_squeeze %dma_start3A_63 : memref<1x128x128xf32, #tpu.memory_space<hbm>> -> memref<128x128xf32, #tpu.memory_space<hbm>>
      tpu.enqueue_dma source(%arg9 : memref<128x128xf32, #tpu.memory_space<vmem>>) target(%dma_start3A_64 : memref<128x128xf32, #tpu.memory_space<hbm>>) target_semaphore(%run_scoped3A_58 : memref<!tpu.dma_semaphore, #tpu.memory_space<semaphore_mem>>)
      %dma_wait3A = arith.constant 0 : i32
      %dma_wait3A_65 = tpu.memref_slice %arg6[%arg0, %add3A_41, %dma_wait3A] : memref<2x10240x128xf32, #tpu.memory_space<hbm>> -> memref<1x128x128xf32, #tpu.memory_space<hbm>>
      %dma_wait3A_66 = tpu.memref_squeeze %dma_wait3A_65 : memref<1x128x128xf32, #tpu.memory_space<hbm>> -> memref<128x128xf32, #tpu.memory_space<hbm>>
      %dma_wait3A_67 = arith.constant 0 : i32
      %dma_wait3A_68 = tpu.memref_slice %arg6[%arg0, %add3A_41, %dma_wait3A_67] : memref<2x10240x128xf32, #tpu.memory_space<hbm>> -> memref<1x128x128xf32, #tpu.memory_space<hbm>>
      %dma_wait3A_69 = tpu.memref_squeeze %dma_wait3A_68 : memref<1x128x128xf32, #tpu.memory_space<hbm>> -> memref<128x128xf32, #tpu.memory_space<hbm>>
      tpu.wait_dma2 semaphore(%run_scoped3A_58 : memref<!tpu.dma_semaphore, #tpu.memory_space<semaphore_mem>>) src(%arg9 : memref<128x128xf32, #tpu.memory_space<vmem>>) dst(%dma_wait3A_69 : memref<128x128xf32, #tpu.memory_space<hbm>>)
      tpu.yield
    }) : () -> ()
    %add3A_42 = arith.constant 128 : i32
    %add3A_43 = arith.addi %mul3A_0, %add3A_42 : i32
    "tpu.region"() ({
      %run_scoped3A_58 = tpu.sem_alloc : memref<!tpu.dma_semaphore, #tpu.memory_space<semaphore_mem>>
      %dma_start3A_59 = arith.constant 0 : i32
      %dma_start3A_60 = tpu.memref_slice %arg11[%add3A_43, %dma_start3A_59] : memref<10240x128xf32, #tpu.memory_space<vmem_shared>> -> memref<128x128xf32, #tpu.memory_space<vmem_shared>>
      %dma_start3A_61 = arith.constant 0 : i32
      %dma_start3A_62 = tpu.memref_slice %arg11[%add3A_43, %dma_start3A_61] : memref<10240x128xf32, #tpu.memory_space<vmem_shared>> -> memref<128x128xf32, #tpu.memory_space<vmem_shared>>
      tpu.enqueue_dma source(%dma_start3A_62 : memref<128x128xf32, #tpu.memory_space<vmem_shared>>) target(%arg9 : memref<128x128xf32, #tpu.memory_space<vmem>>) target_semaphore(%run_scoped3A_58 : memref<!tpu.dma_semaphore, #tpu.memory_space<semaphore_mem>>)
      %dma_wait3A = arith.constant 0 : i32
      %dma_wait3A_63 = tpu.memref_slice %arg11[%add3A_43, %dma_wait3A] : memref<10240x128xf32, #tpu.memory_space<vmem_shared>> -> memref<128x128xf32, #tpu.memory_space<vmem_shared>>
      %dma_wait3A_64 = arith.constant 0 : i32
      %dma_wait3A_65 = tpu.memref_slice %arg11[%add3A_43, %dma_wait3A_64] : memref<10240x128xf32, #tpu.memory_space<vmem_shared>> -> memref<128x128xf32, #tpu.memory_space<vmem_shared>>
      tpu.wait_dma2 semaphore(%run_scoped3A_58 : memref<!tpu.dma_semaphore, #tpu.memory_space<semaphore_mem>>) src(%dma_wait3A_65 : memref<128x128xf32, #tpu.memory_space<vmem_shared>>) dst(%arg9 : memref<128x128xf32, #tpu.memory_space<vmem>>)
      tpu.yield
    }) : () -> ()
    %add3A_44 = arith.constant 128 : i32
    %add3A_45 = arith.addi %mul3A_0, %add3A_44 : i32
    "tpu.region"() ({
      %run_scoped3A_58 = tpu.sem_alloc : memref<!tpu.dma_semaphore, #tpu.memory_space<semaphore_mem>>
      %dma_start3A_59 = arith.constant 0 : i32
      %dma_start3A_60 = tpu.memref_slice %arg6[%arg0, %add3A_45, %dma_start3A_59] : memref<2x10240x128xf32, #tpu.memory_space<hbm>> -> memref<1x128x128xf32, #tpu.memory_space<hbm>>
      %dma_start3A_61 = tpu.memref_squeeze %dma_start3A_60 : memref<1x128x128xf32, #tpu.memory_space<hbm>> -> memref<128x128xf32, #tpu.memory_space<hbm>>
      %dma_start3A_62 = arith.constant 0 : i32
      %dma_start3A_63 = tpu.memref_slice %arg6[%arg0, %add3A_45, %dma_start3A_62] : memref<2x10240x128xf32, #tpu.memory_space<hbm>> -> memref<1x128x128xf32, #tpu.memory_space<hbm>>
      %dma_start3A_64 = tpu.memref_squeeze %dma_start3A_63 : memref<1x128x128xf32, #tpu.memory_space<hbm>> -> memref<128x128xf32, #tpu.memory_space<hbm>>
      tpu.enqueue_dma source(%arg9 : memref<128x128xf32, #tpu.memory_space<vmem>>) target(%dma_start3A_64 : memref<128x128xf32, #tpu.memory_space<hbm>>) target_semaphore(%run_scoped3A_58 : memref<!tpu.dma_semaphore, #tpu.memory_space<semaphore_mem>>)
      %dma_wait3A = arith.constant 0 : i32
      %dma_wait3A_65 = tpu.memref_slice %arg6[%arg0, %add3A_45, %dma_wait3A] : memref<2x10240x128xf32, #tpu.memory_space<hbm>> -> memref<1x128x128xf32, #tpu.memory_space<hbm>>
      %dma_wait3A_66 = tpu.memref_squeeze %dma_wait3A_65 : memref<1x128x128xf32, #tpu.memory_space<hbm>> -> memref<128x128xf32, #tpu.memory_space<hbm>>
      %dma_wait3A_67 = arith.constant 0 : i32
      %dma_wait3A_68 = tpu.memref_slice %arg6[%arg0, %add3A_45, %dma_wait3A_67] : memref<2x10240x128xf32, #tpu.memory_space<hbm>> -> memref<1x128x128xf32, #tpu.memory_space<hbm>>
      %dma_wait3A_69 = tpu.memref_squeeze %dma_wait3A_68 : memref<1x128x128xf32, #tpu.memory_space<hbm>> -> memref<128x128xf32, #tpu.memory_space<hbm>>
      tpu.wait_dma2 semaphore(%run_scoped3A_58 : memref<!tpu.dma_semaphore, #tpu.memory_space<semaphore_mem>>) src(%arg9 : memref<128x128xf32, #tpu.memory_space<vmem>>) dst(%dma_wait3A_69 : memref<128x128xf32, #tpu.memory_space<hbm>>)
      tpu.yield
    }) : () -> ()
    %add3A_46 = arith.constant 256 : i32
    %add3A_47 = arith.addi %mul3A_0, %add3A_46 : i32
    "tpu.region"() ({
      %run_scoped3A_58 = tpu.sem_alloc : memref<!tpu.dma_semaphore, #tpu.memory_space<semaphore_mem>>
      %dma_start3A_59 = arith.constant 0 : i32
      %dma_start3A_60 = tpu.memref_slice %arg11[%add3A_47, %dma_start3A_59] : memref<10240x128xf32, #tpu.memory_space<vmem_shared>> -> memref<128x128xf32, #tpu.memory_space<vmem_shared>>
      %dma_start3A_61 = arith.constant 0 : i32
      %dma_start3A_62 = tpu.memref_slice %arg11[%add3A_47, %dma_start3A_61] : memref<10240x128xf32, #tpu.memory_space<vmem_shared>> -> memref<128x128xf32, #tpu.memory_space<vmem_shared>>
      tpu.enqueue_dma source(%dma_start3A_62 : memref<128x128xf32, #tpu.memory_space<vmem_shared>>) target(%arg9 : memref<128x128xf32, #tpu.memory_space<vmem>>) target_semaphore(%run_scoped3A_58 : memref<!tpu.dma_semaphore, #tpu.memory_space<semaphore_mem>>)
      %dma_wait3A = arith.constant 0 : i32
      %dma_wait3A_63 = tpu.memref_slice %arg11[%add3A_47, %dma_wait3A] : memref<10240x128xf32, #tpu.memory_space<vmem_shared>> -> memref<128x128xf32, #tpu.memory_space<vmem_shared>>
      %dma_wait3A_64 = arith.constant 0 : i32
      %dma_wait3A_65 = tpu.memref_slice %arg11[%add3A_47, %dma_wait3A_64] : memref<10240x128xf32, #tpu.memory_space<vmem_shared>> -> memref<128x128xf32, #tpu.memory_space<vmem_shared>>
      tpu.wait_dma2 semaphore(%run_scoped3A_58 : memref<!tpu.dma_semaphore, #tpu.memory_space<semaphore_mem>>) src(%dma_wait3A_65 : memref<128x128xf32, #tpu.memory_space<vmem_shared>>) dst(%arg9 : memref<128x128xf32, #tpu.memory_space<vmem>>)
      tpu.yield
    }) : () -> ()
    %add3A_48 = arith.constant 256 : i32
    %add3A_49 = arith.addi %mul3A_0, %add3A_48 : i32
    "tpu.region"() ({
      %run_scoped3A_58 = tpu.sem_alloc : memref<!tpu.dma_semaphore, #tpu.memory_space<semaphore_mem>>
      %dma_start3A_59 = arith.constant 0 : i32
      %dma_start3A_60 = tpu.memref_slice %arg6[%arg0, %add3A_49, %dma_start3A_59] : memref<2x10240x128xf32, #tpu.memory_space<hbm>> -> memref<1x128x128xf32, #tpu.memory_space<hbm>>
      %dma_start3A_61 = tpu.memref_squeeze %dma_start3A_60 : memref<1x128x128xf32, #tpu.memory_space<hbm>> -> memref<128x128xf32, #tpu.memory_space<hbm>>
      %dma_start3A_62 = arith.constant 0 : i32
      %dma_start3A_63 = tpu.memref_slice %arg6[%arg0, %add3A_49, %dma_start3A_62] : memref<2x10240x128xf32, #tpu.memory_space<hbm>> -> memref<1x128x128xf32, #tpu.memory_space<hbm>>
      %dma_start3A_64 = tpu.memref_squeeze %dma_start3A_63 : memref<1x128x128xf32, #tpu.memory_space<hbm>> -> memref<128x128xf32, #tpu.memory_space<hbm>>
      tpu.enqueue_dma source(%arg9 : memref<128x128xf32, #tpu.memory_space<vmem>>) target(%dma_start3A_64 : memref<128x128xf32, #tpu.memory_space<hbm>>) target_semaphore(%run_scoped3A_58 : memref<!tpu.dma_semaphore, #tpu.memory_space<semaphore_mem>>)
      %dma_wait3A = arith.constant 0 : i32
      %dma_wait3A_65 = tpu.memref_slice %arg6[%arg0, %add3A_49, %dma_wait3A] : memref<2x10240x128xf32, #tpu.memory_space<hbm>> -> memref<1x128x128xf32, #tpu.memory_space<hbm>>
      %dma_wait3A_66 = tpu.memref_squeeze %dma_wait3A_65 : memref<1x128x128xf32, #tpu.memory_space<hbm>> -> memref<128x128xf32, #tpu.memory_space<hbm>>
      %dma_wait3A_67 = arith.constant 0 : i32
      %dma_wait3A_68 = tpu.memref_slice %arg6[%arg0, %add3A_49, %dma_wait3A_67] : memref<2x10240x128xf32, #tpu.memory_space<hbm>> -> memref<1x128x128xf32, #tpu.memory_space<hbm>>
      %dma_wait3A_69 = tpu.memref_squeeze %dma_wait3A_68 : memref<1x128x128xf32, #tpu.memory_space<hbm>> -> memref<128x128xf32, #tpu.memory_space<hbm>>
      tpu.wait_dma2 semaphore(%run_scoped3A_58 : memref<!tpu.dma_semaphore, #tpu.memory_space<semaphore_mem>>) src(%arg9 : memref<128x128xf32, #tpu.memory_space<vmem>>) dst(%dma_wait3A_69 : memref<128x128xf32, #tpu.memory_space<hbm>>)
      tpu.yield
    }) : () -> ()
    %add3A_50 = arith.constant 384 : i32
    %add3A_51 = arith.addi %mul3A_0, %add3A_50 : i32
    "tpu.region"() ({
      %run_scoped3A_58 = tpu.sem_alloc : memref<!tpu.dma_semaphore, #tpu.memory_space<semaphore_mem>>
      %dma_start3A_59 = arith.constant 0 : i32
      %dma_start3A_60 = tpu.memref_slice %arg11[%add3A_51, %dma_start3A_59] : memref<10240x128xf32, #tpu.memory_space<vmem_shared>> -> memref<128x128xf32, #tpu.memory_space<vmem_shared>>
      %dma_start3A_61 = arith.constant 0 : i32
      %dma_start3A_62 = tpu.memref_slice %arg11[%add3A_51, %dma_start3A_61] : memref<10240x128xf32, #tpu.memory_space<vmem_shared>> -> memref<128x128xf32, #tpu.memory_space<vmem_shared>>
      tpu.enqueue_dma source(%dma_start3A_62 : memref<128x128xf32, #tpu.memory_space<vmem_shared>>) target(%arg9 : memref<128x128xf32, #tpu.memory_space<vmem>>) target_semaphore(%run_scoped3A_58 : memref<!tpu.dma_semaphore, #tpu.memory_space<semaphore_mem>>)
      %dma_wait3A = arith.constant 0 : i32
      %dma_wait3A_63 = tpu.memref_slice %arg11[%add3A_51, %dma_wait3A] : memref<10240x128xf32, #tpu.memory_space<vmem_shared>> -> memref<128x128xf32, #tpu.memory_space<vmem_shared>>
      %dma_wait3A_64 = arith.constant 0 : i32
      %dma_wait3A_65 = tpu.memref_slice %arg11[%add3A_51, %dma_wait3A_64] : memref<10240x128xf32, #tpu.memory_space<vmem_shared>> -> memref<128x128xf32, #tpu.memory_space<vmem_shared>>
      tpu.wait_dma2 semaphore(%run_scoped3A_58 : memref<!tpu.dma_semaphore, #tpu.memory_space<semaphore_mem>>) src(%dma_wait3A_65 : memref<128x128xf32, #tpu.memory_space<vmem_shared>>) dst(%arg9 : memref<128x128xf32, #tpu.memory_space<vmem>>)
      tpu.yield
    }) : () -> ()
    %add3A_52 = arith.constant 384 : i32
    %add3A_53 = arith.addi %mul3A_0, %add3A_52 : i32
    "tpu.region"() ({
      %run_scoped3A_58 = tpu.sem_alloc : memref<!tpu.dma_semaphore, #tpu.memory_space<semaphore_mem>>
      %dma_start3A_59 = arith.constant 0 : i32
      %dma_start3A_60 = tpu.memref_slice %arg6[%arg0, %add3A_53, %dma_start3A_59] : memref<2x10240x128xf32, #tpu.memory_space<hbm>> -> memref<1x128x128xf32, #tpu.memory_space<hbm>>
      %dma_start3A_61 = tpu.memref_squeeze %dma_start3A_60 : memref<1x128x128xf32, #tpu.memory_space<hbm>> -> memref<128x128xf32, #tpu.memory_space<hbm>>
      %dma_start3A_62 = arith.constant 0 : i32
      %dma_start3A_63 = tpu.memref_slice %arg6[%arg0, %add3A_53, %dma_start3A_62] : memref<2x10240x128xf32, #tpu.memory_space<hbm>> -> memref<1x128x128xf32, #tpu.memory_space<hbm>>
      %dma_start3A_64 = tpu.memref_squeeze %dma_start3A_63 : memref<1x128x128xf32, #tpu.memory_space<hbm>> -> memref<128x128xf32, #tpu.memory_space<hbm>>
      tpu.enqueue_dma source(%arg9 : memref<128x128xf32, #tpu.memory_space<vmem>>) target(%dma_start3A_64 : memref<128x128xf32, #tpu.memory_space<hbm>>) target_semaphore(%run_scoped3A_58 : memref<!tpu.dma_semaphore, #tpu.memory_space<semaphore_mem>>)
      %dma_wait3A = arith.constant 0 : i32
      %dma_wait3A_65 = tpu.memref_slice %arg6[%arg0, %add3A_53, %dma_wait3A] : memref<2x10240x128xf32, #tpu.memory_space<hbm>> -> memref<1x128x128xf32, #tpu.memory_space<hbm>>
      %dma_wait3A_66 = tpu.memref_squeeze %dma_wait3A_65 : memref<1x128x128xf32, #tpu.memory_space<hbm>> -> memref<128x128xf32, #tpu.memory_space<hbm>>
      %dma_wait3A_67 = arith.constant 0 : i32
      %dma_wait3A_68 = tpu.memref_slice %arg6[%arg0, %add3A_53, %dma_wait3A_67] : memref<2x10240x128xf32, #tpu.memory_space<hbm>> -> memref<1x128x128xf32, #tpu.memory_space<hbm>>
      %dma_wait3A_69 = tpu.memref_squeeze %dma_wait3A_68 : memref<1x128x128xf32, #tpu.memory_space<hbm>> -> memref<128x128xf32, #tpu.memory_space<hbm>>
      tpu.wait_dma2 semaphore(%run_scoped3A_58 : memref<!tpu.dma_semaphore, #tpu.memory_space<semaphore_mem>>) src(%arg9 : memref<128x128xf32, #tpu.memory_space<vmem>>) dst(%dma_wait3A_69 : memref<128x128xf32, #tpu.memory_space<hbm>>)
      tpu.yield
    }) : () -> ()
    %add3A_54 = arith.constant 512 : i32
    %add3A_55 = arith.addi %mul3A_0, %add3A_54 : i32
    "tpu.region"() ({
      %run_scoped3A_58 = tpu.sem_alloc : memref<!tpu.dma_semaphore, #tpu.memory_space<semaphore_mem>>
      %dma_start3A_59 = arith.constant 0 : i32
      %dma_start3A_60 = tpu.memref_slice %arg11[%add3A_55, %dma_start3A_59] : memref<10240x128xf32, #tpu.memory_space<vmem_shared>> -> memref<128x128xf32, #tpu.memory_space<vmem_shared>>
      %dma_start3A_61 = arith.constant 0 : i32
      %dma_start3A_62 = tpu.memref_slice %arg11[%add3A_55, %dma_start3A_61] : memref<10240x128xf32, #tpu.memory_space<vmem_shared>> -> memref<128x128xf32, #tpu.memory_space<vmem_shared>>
      tpu.enqueue_dma source(%dma_start3A_62 : memref<128x128xf32, #tpu.memory_space<vmem_shared>>) target(%arg9 : memref<128x128xf32, #tpu.memory_space<vmem>>) target_semaphore(%run_scoped3A_58 : memref<!tpu.dma_semaphore, #tpu.memory_space<semaphore_mem>>)
      %dma_wait3A = arith.constant 0 : i32
      %dma_wait3A_63 = tpu.memref_slice %arg11[%add3A_55, %dma_wait3A] : memref<10240x128xf32, #tpu.memory_space<vmem_shared>> -> memref<128x128xf32, #tpu.memory_space<vmem_shared>>
      %dma_wait3A_64 = arith.constant 0 : i32
      %dma_wait3A_65 = tpu.memref_slice %arg11[%add3A_55, %dma_wait3A_64] : memref<10240x128xf32, #tpu.memory_space<vmem_shared>> -> memref<128x128xf32, #tpu.memory_space<vmem_shared>>
      tpu.wait_dma2 semaphore(%run_scoped3A_58 : memref<!tpu.dma_semaphore, #tpu.memory_space<semaphore_mem>>) src(%dma_wait3A_65 : memref<128x128xf32, #tpu.memory_space<vmem_shared>>) dst(%arg9 : memref<128x128xf32, #tpu.memory_space<vmem>>)
      tpu.yield
    }) : () -> ()
    %add3A_56 = arith.constant 512 : i32
    %add3A_57 = arith.addi %mul3A_0, %add3A_56 : i32
    "tpu.region"() ({
      %run_scoped3A_58 = tpu.sem_alloc : memref<!tpu.dma_semaphore, #tpu.memory_space<semaphore_mem>>
      %dma_start3A_59 = arith.constant 0 : i32
      %dma_start3A_60 = tpu.memref_slice %arg6[%arg0, %add3A_57, %dma_start3A_59] : memref<2x10240x128xf32, #tpu.memory_space<hbm>> -> memref<1x128x128xf32, #tpu.memory_space<hbm>>
      %dma_start3A_61 = tpu.memref_squeeze %dma_start3A_60 : memref<1x128x128xf32, #tpu.memory_space<hbm>> -> memref<128x128xf32, #tpu.memory_space<hbm>>
      %dma_start3A_62 = arith.constant 0 : i32
      %dma_start3A_63 = tpu.memref_slice %arg6[%arg0, %add3A_57, %dma_start3A_62] : memref<2x10240x128xf32, #tpu.memory_space<hbm>> -> memref<1x128x128xf32, #tpu.memory_space<hbm>>
      %dma_start3A_64 = tpu.memref_squeeze %dma_start3A_63 : memref<1x128x128xf32, #tpu.memory_space<hbm>> -> memref<128x128xf32, #tpu.memory_space<hbm>>
      tpu.enqueue_dma source(%arg9 : memref<128x128xf32, #tpu.memory_space<vmem>>) target(%dma_start3A_64 : memref<128x128xf32, #tpu.memory_space<hbm>>) target_semaphore(%run_scoped3A_58 : memref<!tpu.dma_semaphore, #tpu.memory_space<semaphore_mem>>)
      %dma_wait3A = arith.constant 0 : i32
      %dma_wait3A_65 = tpu.memref_slice %arg6[%arg0, %add3A_57, %dma_wait3A] : memref<2x10240x128xf32, #tpu.memory_space<hbm>> -> memref<1x128x128xf32, #tpu.memory_space<hbm>>
      %dma_wait3A_66 = tpu.memref_squeeze %dma_wait3A_65 : memref<1x128x128xf32, #tpu.memory_space<hbm>> -> memref<128x128xf32, #tpu.memory_space<hbm>>
      %dma_wait3A_67 = arith.constant 0 : i32
      %dma_wait3A_68 = tpu.memref_slice %arg6[%arg0, %add3A_57, %dma_wait3A_67] : memref<2x10240x128xf32, #tpu.memory_space<hbm>> -> memref<1x128x128xf32, #tpu.memory_space<hbm>>
      %dma_wait3A_69 = tpu.memref_squeeze %dma_wait3A_68 : memref<1x128x128xf32, #tpu.memory_space<hbm>> -> memref<128x128xf32, #tpu.memory_space<hbm>>
      tpu.wait_dma2 semaphore(%run_scoped3A_58 : memref<!tpu.dma_semaphore, #tpu.memory_space<semaphore_mem>>) src(%arg9 : memref<128x128xf32, #tpu.memory_space<vmem>>) dst(%dma_wait3A_69 : memref<128x128xf32, #tpu.memory_space<hbm>>)
      tpu.yield
    }) : () -> ()
    return
  }
}

#map = affine_map<(d0, d1) -> (0, 0)>
#map1 = affine_map<(d0, d1) -> (0, 0, 0, 0, 0)>
#map2 = affine_map<(d0, d1) -> (0, 0, 0)>
module attributes {stable_mosaic.version = 14 : i64} {
  func.func @_sc_scatter(%arg0: i32, %arg1: i32, %arg2: memref<10000x128xf32, #tpu.memory_space<hbm>>, %arg3: memref<2x16x2x40x128xi32, #tpu.memory_space<hbm>>, %arg4: memref<2x16x2x40x128xi32, #tpu.memory_space<hbm>>, %arg5: memref<128x128xf32, #tpu.memory_space<hbm>>, %arg6: memref<2x10240x128xf32, #tpu.memory_space<hbm>>, %arg7: memref<40x128xi32, #tpu.memory_space<vmem>>, %arg8: memref<40x128xi32, #tpu.memory_space<vmem>>, %arg9: memref<128x128xf32, #tpu.memory_space<vmem>>, %arg10: memref<128x128xf32, #tpu.memory_space<vmem>>, %arg11: memref<10240x128xf32, #tpu.memory_space<vmem_shared>>, %arg12: memref<!tpu.dma_semaphore, #tpu.memory_space<semaphore_mem>>, %arg13: memref<!tpu.dma_semaphore, #tpu.memory_space<semaphore_mem>>) attributes {dimension_semantics = [#tpu.dimension_semantics<core_parallel>, #tpu.dimension_semantics<subcore_parallel>], iteration_bounds = array<i64: 2, 16>, scalar_prefetch = 0 : i64, scratch_operands = 7 : i64, tpu.core_type = #tpu.core_type<sc_vector_subcore>, window_params = [{transform_indices = #map}, {transform_indices = #map1}, {transform_indices = #map1}, {transform_indices = #map}, {transform_indices = #map2}]} {
    %mul3A = arith.constant 640 : i32
    %mul3A_0 = arith.muli %arg1, %mul3A : i32
    "tpu.region"() ({
      %run_scoped3A_58 = tpu.sem_alloc : memref<!tpu.dma_semaphore, #tpu.memory_space<semaphore_mem>>
      tpu.enqueue_dma source(%arg5 : memref<128x128xf32, #tpu.memory_space<hbm>>) target(%arg9 : memref<128x128xf32, #tpu.memory_space<vmem>>) target_semaphore(%run_scoped3A_58 : memref<!tpu.dma_semaphore, #tpu.memory_space<semaphore_mem>>)
      tpu.wait_dma2 semaphore(%run_scoped3A_58 : memref<!tpu.dma_semaphore, #tpu.memory_space<semaphore_mem>>) src(%arg5 : memref<128x128xf32, #tpu.memory_space<hbm>>) dst(%arg9 : memref<128x128xf32, #tpu.memory_space<vmem>>)
      tpu.yield
    }) : () -> ()
    %add3A = arith.constant 0 : i32
    %add3A_1 = arith.addi %mul3A_0, %add3A : i32
    "tpu.region"() ({
      %run_scoped3A_58 = tpu.sem_alloc : memref<!tpu.dma_semaphore, #tpu.memory_space<semaphore_mem>>
      %dma_start3A_59 = arith.constant 0 : i32
      %dma_start3A_60 = tpu.memref_slice %arg11[%add3A_1, %dma_start3A_59] : memref<10240x128xf32, #tpu.memory_space<vmem_shared>> -> memref<128x128xf32, #tpu.memory_space<vmem_shared>>
      %dma_start3A_61 = arith.constant 0 : i32
      %dma_start3A_62 = tpu.memref_slice %arg11[%add3A_1, %dma_start3A_61] : memref<10240x128xf32, #tpu.memory_space<vmem_shared>> -> memref<128x128xf32, #tpu.memory_space<vmem_shared>>
      tpu.enqueue_dma source(%arg9 : memref<128x128xf32, #tpu.memory_space<vmem>>) target(%dma_start3A_62 : memref<128x128xf32, #tpu.memory_space<vmem_shared>>) target_semaphore(%run_scoped3A_58 : memref<!tpu.dma_semaphore, #tpu.memory_space<semaphore_mem>>)
      %dma_wait3A = arith.constant 0 : i32
      %dma_wait3A_63 = tpu.memref_slice %arg11[%add3A_1, %dma_wait3A] : memref<10240x128xf32, #tpu.memory_space<vmem_shared>> -> memref<128x128xf32, #tpu.memory_space<vmem_shared>>
      %dma_wait3A_64 = arith.constant 0 : i32
      %dma_wait3A_65 = tpu.memref_slice %arg11[%add3A_1, %dma_wait3A_64] : memref<10240x128xf32, #tpu.memory_space<vmem_shared>> -> memref<128x128xf32, #tpu.memory_space<vmem_shared>>
      tpu.wait_dma2 semaphore(%run_scoped3A_58 : memref<!tpu.dma_semaphore, #tpu.memory_space<semaphore_mem>>) src(%arg9 : memref<128x128xf32, #tpu.memory_space<vmem>>) dst(%dma_wait3A_65 : memref<128x128xf32, #tpu.memory_space<vmem_shared>>)
      tpu.yield
    }) : () -> ()
    %add3A_2 = arith.constant 128 : i32
    %add3A_3 = arith.addi %mul3A_0, %add3A_2 : i32
    "tpu.region"() ({
      %run_scoped3A_58 = tpu.sem_alloc : memref<!tpu.dma_semaphore, #tpu.memory_space<semaphore_mem>>
      %dma_start3A_59 = arith.constant 0 : i32
      %dma_start3A_60 = tpu.memref_slice %arg11[%add3A_3, %dma_start3A_59] : memref<10240x128xf32, #tpu.memory_space<vmem_shared>> -> memref<128x128xf32, #tpu.memory_space<vmem_shared>>
      %dma_start3A_61 = arith.constant 0 : i32
      %dma_start3A_62 = tpu.memref_slice %arg11[%add3A_3, %dma_start3A_61] : memref<10240x128xf32, #tpu.memory_space<vmem_shared>> -> memref<128x128xf32, #tpu.memory_space<vmem_shared>>
      tpu.enqueue_dma source(%arg9 : memref<128x128xf32, #tpu.memory_space<vmem>>) target(%dma_start3A_62 : memref<128x128xf32, #tpu.memory_space<vmem_shared>>) target_semaphore(%run_scoped3A_58 : memref<!tpu.dma_semaphore, #tpu.memory_space<semaphore_mem>>)
      %dma_wait3A = arith.constant 0 : i32
      %dma_wait3A_63 = tpu.memref_slice %arg11[%add3A_3, %dma_wait3A] : memref<10240x128xf32, #tpu.memory_space<vmem_shared>> -> memref<128x128xf32, #tpu.memory_space<vmem_shared>>
      %dma_wait3A_64 = arith.constant 0 : i32
      %dma_wait3A_65 = tpu.memref_slice %arg11[%add3A_3, %dma_wait3A_64] : memref<10240x128xf32, #tpu.memory_space<vmem_shared>> -> memref<128x128xf32, #tpu.memory_space<vmem_shared>>
      tpu.wait_dma2 semaphore(%run_scoped3A_58 : memref<!tpu.dma_semaphore, #tpu.memory_space<semaphore_mem>>) src(%arg9 : memref<128x128xf32, #tpu.memory_space<vmem>>) dst(%dma_wait3A_65 : memref<128x128xf32, #tpu.memory_space<vmem_shared>>)
      tpu.yield
    }) : () -> ()
    %add3A_4 = arith.constant 256 : i32
    %add3A_5 = arith.addi %mul3A_0, %add3A_4 : i32
    "tpu.region"() ({
      %run_scoped3A_58 = tpu.sem_alloc : memref<!tpu.dma_semaphore, #tpu.memory_space<semaphore_mem>>
      %dma_start3A_59 = arith.constant 0 : i32
      %dma_start3A_60 = tpu.memref_slice %arg11[%add3A_5, %dma_start3A_59] : memref<10240x128xf32, #tpu.memory_space<vmem_shared>> -> memref<128x128xf32, #tpu.memory_space<vmem_shared>>
      %dma_start3A_61 = arith.constant 0 : i32
      %dma_start3A_62 = tpu.memref_slice %arg11[%add3A_5, %dma_start3A_61] : memref<10240x128xf32, #tpu.memory_space<vmem_shared>> -> memref<128x128xf32, #tpu.memory_space<vmem_shared>>
      tpu.enqueue_dma source(%arg9 : memref<128x128xf32, #tpu.memory_space<vmem>>) target(%dma_start3A_62 : memref<128x128xf32, #tpu.memory_space<vmem_shared>>) target_semaphore(%run_scoped3A_58 : memref<!tpu.dma_semaphore, #tpu.memory_space<semaphore_mem>>)
      %dma_wait3A = arith.constant 0 : i32
      %dma_wait3A_63 = tpu.memref_slice %arg11[%add3A_5, %dma_wait3A] : memref<10240x128xf32, #tpu.memory_space<vmem_shared>> -> memref<128x128xf32, #tpu.memory_space<vmem_shared>>
      %dma_wait3A_64 = arith.constant 0 : i32
      %dma_wait3A_65 = tpu.memref_slice %arg11[%add3A_5, %dma_wait3A_64] : memref<10240x128xf32, #tpu.memory_space<vmem_shared>> -> memref<128x128xf32, #tpu.memory_space<vmem_shared>>
      tpu.wait_dma2 semaphore(%run_scoped3A_58 : memref<!tpu.dma_semaphore, #tpu.memory_space<semaphore_mem>>) src(%arg9 : memref<128x128xf32, #tpu.memory_space<vmem>>) dst(%dma_wait3A_65 : memref<128x128xf32, #tpu.memory_space<vmem_shared>>)
      tpu.yield
    }) : () -> ()
    %add3A_6 = arith.constant 384 : i32
    %add3A_7 = arith.addi %mul3A_0, %add3A_6 : i32
    "tpu.region"() ({
      %run_scoped3A_58 = tpu.sem_alloc : memref<!tpu.dma_semaphore, #tpu.memory_space<semaphore_mem>>
      %dma_start3A_59 = arith.constant 0 : i32
      %dma_start3A_60 = tpu.memref_slice %arg11[%add3A_7, %dma_start3A_59] : memref<10240x128xf32, #tpu.memory_space<vmem_shared>> -> memref<128x128xf32, #tpu.memory_space<vmem_shared>>
      %dma_start3A_61 = arith.constant 0 : i32
      %dma_start3A_62 = tpu.memref_slice %arg11[%add3A_7, %dma_start3A_61] : memref<10240x128xf32, #tpu.memory_space<vmem_shared>> -> memref<128x128xf32, #tpu.memory_space<vmem_shared>>
      tpu.enqueue_dma source(%arg9 : memref<128x128xf32, #tpu.memory_space<vmem>>) target(%dma_start3A_62 : memref<128x128xf32, #tpu.memory_space<vmem_shared>>) target_semaphore(%run_scoped3A_58 : memref<!tpu.dma_semaphore, #tpu.memory_space<semaphore_mem>>)
      %dma_wait3A = arith.constant 0 : i32
      %dma_wait3A_63 = tpu.memref_slice %arg11[%add3A_7, %dma_wait3A] : memref<10240x128xf32, #tpu.memory_space<vmem_shared>> -> memref<128x128xf32, #tpu.memory_space<vmem_shared>>
      %dma_wait3A_64 = arith.constant 0 : i32
      %dma_wait3A_65 = tpu.memref_slice %arg11[%add3A_7, %dma_wait3A_64] : memref<10240x128xf32, #tpu.memory_space<vmem_shared>> -> memref<128x128xf32, #tpu.memory_space<vmem_shared>>
      tpu.wait_dma2 semaphore(%run_scoped3A_58 : memref<!tpu.dma_semaphore, #tpu.memory_space<semaphore_mem>>) src(%arg9 : memref<128x128xf32, #tpu.memory_space<vmem>>) dst(%dma_wait3A_65 : memref<128x128xf32, #tpu.memory_space<vmem_shared>>)
      tpu.yield
    }) : () -> ()
    %add3A_8 = arith.constant 512 : i32
    %add3A_9 = arith.addi %mul3A_0, %add3A_8 : i32
    "tpu.region"() ({
      %run_scoped3A_58 = tpu.sem_alloc : memref<!tpu.dma_semaphore, #tpu.memory_space<semaphore_mem>>
      %dma_start3A_59 = arith.constant 0 : i32
      %dma_start3A_60 = tpu.memref_slice %arg11[%add3A_9, %dma_start3A_59] : memref<10240x128xf32, #tpu.memory_space<vmem_shared>> -> memref<128x128xf32, #tpu.memory_space<vmem_shared>>
      %dma_start3A_61 = arith.constant 0 : i32
      %dma_start3A_62 = tpu.memref_slice %arg11[%add3A_9, %dma_start3A_61] : memref<10240x128xf32, #tpu.memory_space<vmem_shared>> -> memref<128x128xf32, #tpu.memory_space<vmem_shared>>
      tpu.enqueue_dma source(%arg9 : memref<128x128xf32, #tpu.memory_space<vmem>>) target(%dma_start3A_62 : memref<128x128xf32, #tpu.memory_space<vmem_shared>>) target_semaphore(%run_scoped3A_58 : memref<!tpu.dma_semaphore, #tpu.memory_space<semaphore_mem>>)
      %dma_wait3A = arith.constant 0 : i32
      %dma_wait3A_63 = tpu.memref_slice %arg11[%add3A_9, %dma_wait3A] : memref<10240x128xf32, #tpu.memory_space<vmem_shared>> -> memref<128x128xf32, #tpu.memory_space<vmem_shared>>
      %dma_wait3A_64 = arith.constant 0 : i32
      %dma_wait3A_65 = tpu.memref_slice %arg11[%add3A_9, %dma_wait3A_64] : memref<10240x128xf32, #tpu.memory_space<vmem_shared>> -> memref<128x128xf32, #tpu.memory_space<vmem_shared>>
      tpu.wait_dma2 semaphore(%run_scoped3A_58 : memref<!tpu.dma_semaphore, #tpu.memory_space<semaphore_mem>>) src(%arg9 : memref<128x128xf32, #tpu.memory_space<vmem>>) dst(%dma_wait3A_65 : memref<128x128xf32, #tpu.memory_space<vmem_shared>>)
      tpu.yield
    }) : () -> ()
    %barrier3A = arith.constant 0 : index
    tpu.barrier barrier_id(%barrier3A)
    %run_scoped3A = arith.constant 0 : i32
    "tpu.region"() ({
      %run_scoped3A_58 = tpu.sem_alloc : memref<!tpu.dma_semaphore, #tpu.memory_space<semaphore_mem>>
      %dma_start3A_59 = arith.constant 0 : i32
      %dma_start3A_60 = arith.constant 0 : i32
      %dma_start3A_61 = tpu.memref_slice %arg3[%arg0, %arg1, %run_scoped3A, %dma_start3A_59, %dma_start3A_60] : memref<2x16x2x40x128xi32, #tpu.memory_space<hbm>> -> memref<1x1x1x40x128xi32, #tpu.memory_space<hbm>>
      %dma_start3A_62 = tpu.memref_squeeze %dma_start3A_61 : memref<1x1x1x40x128xi32, #tpu.memory_space<hbm>> -> memref<40x128xi32, #tpu.memory_space<hbm>>
      %dma_start3A_63 = arith.constant 0 : i32
      %dma_start3A_64 = arith.constant 0 : i32
      %dma_start3A_65 = tpu.memref_slice %arg3[%arg0, %arg1, %run_scoped3A, %dma_start3A_63, %dma_start3A_64] : memref<2x16x2x40x128xi32, #tpu.memory_space<hbm>> -> memref<1x1x1x40x128xi32, #tpu.memory_space<hbm>>
      %dma_start3A_66 = tpu.memref_squeeze %dma_start3A_65 : memref<1x1x1x40x128xi32, #tpu.memory_space<hbm>> -> memref<40x128xi32, #tpu.memory_space<hbm>>
      tpu.enqueue_dma source(%dma_start3A_66 : memref<40x128xi32, #tpu.memory_space<hbm>>) target(%arg7 : memref<40x128xi32, #tpu.memory_space<vmem>>) target_semaphore(%run_scoped3A_58 : memref<!tpu.dma_semaphore, #tpu.memory_space<semaphore_mem>>)
      %dma_wait3A = arith.constant 0 : i32
      %dma_wait3A_67 = arith.constant 0 : i32
      %dma_wait3A_68 = tpu.memref_slice %arg3[%arg0, %arg1, %run_scoped3A, %dma_wait3A, %dma_wait3A_67] : memref<2x16x2x40x128xi32, #tpu.memory_space<hbm>> -> memref<1x1x1x40x128xi32, #tpu.memory_space<hbm>>
      %dma_wait3A_69 = tpu.memref_squeeze %dma_wait3A_68 : memref<1x1x1x40x128xi32, #tpu.memory_space<hbm>> -> memref<40x128xi32, #tpu.memory_space<hbm>>
      %dma_wait3A_70 = arith.constant 0 : i32
      %dma_wait3A_71 = arith.constant 0 : i32
      %dma_wait3A_72 = tpu.memref_slice %arg3[%arg0, %arg1, %run_scoped3A, %dma_wait3A_70, %dma_wait3A_71] : memref<2x16x2x40x128xi32, #tpu.memory_space<hbm>> -> memref<1x1x1x40x128xi32, #tpu.memory_space<hbm>>
      %dma_wait3A_73 = tpu.memref_squeeze %dma_wait3A_72 : memref<1x1x1x40x128xi32, #tpu.memory_space<hbm>> -> memref<40x128xi32, #tpu.memory_space<hbm>>
      tpu.wait_dma2 semaphore(%run_scoped3A_58 : memref<!tpu.dma_semaphore, #tpu.memory_space<semaphore_mem>>) src(%dma_wait3A_73 : memref<40x128xi32, #tpu.memory_space<hbm>>) dst(%arg7 : memref<40x128xi32, #tpu.memory_space<vmem>>)
      tpu.yield
    }) : () -> ()
    %run_scoped3A_10 = arith.constant 0 : i32
    "tpu.region"() ({
      %run_scoped3A_58 = tpu.sem_alloc : memref<!tpu.dma_semaphore, #tpu.memory_space<semaphore_mem>>
      %dma_start3A_59 = arith.constant 0 : i32
      %dma_start3A_60 = arith.constant 0 : i32
      %dma_start3A_61 = tpu.memref_slice %arg4[%arg0, %arg1, %run_scoped3A_10, %dma_start3A_59, %dma_start3A_60] : memref<2x16x2x40x128xi32, #tpu.memory_space<hbm>> -> memref<1x1x1x40x128xi32, #tpu.memory_space<hbm>>
      %dma_start3A_62 = tpu.memref_squeeze %dma_start3A_61 : memref<1x1x1x40x128xi32, #tpu.memory_space<hbm>> -> memref<40x128xi32, #tpu.memory_space<hbm>>
      %dma_start3A_63 = arith.constant 0 : i32
      %dma_start3A_64 = arith.constant 0 : i32
      %dma_start3A_65 = tpu.memref_slice %arg4[%arg0, %arg1, %run_scoped3A_10, %dma_start3A_63, %dma_start3A_64] : memref<2x16x2x40x128xi32, #tpu.memory_space<hbm>> -> memref<1x1x1x40x128xi32, #tpu.memory_space<hbm>>
      %dma_start3A_66 = tpu.memref_squeeze %dma_start3A_65 : memref<1x1x1x40x128xi32, #tpu.memory_space<hbm>> -> memref<40x128xi32, #tpu.memory_space<hbm>>
      tpu.enqueue_dma source(%dma_start3A_66 : memref<40x128xi32, #tpu.memory_space<hbm>>) target(%arg8 : memref<40x128xi32, #tpu.memory_space<vmem>>) target_semaphore(%run_scoped3A_58 : memref<!tpu.dma_semaphore, #tpu.memory_space<semaphore_mem>>)
      %dma_wait3A = arith.constant 0 : i32
      %dma_wait3A_67 = arith.constant 0 : i32
      %dma_wait3A_68 = tpu.memref_slice %arg4[%arg0, %arg1, %run_scoped3A_10, %dma_wait3A, %dma_wait3A_67] : memref<2x16x2x40x128xi32, #tpu.memory_space<hbm>> -> memref<1x1x1x40x128xi32, #tpu.memory_space<hbm>>
      %dma_wait3A_69 = tpu.memref_squeeze %dma_wait3A_68 : memref<1x1x1x40x128xi32, #tpu.memory_space<hbm>> -> memref<40x128xi32, #tpu.memory_space<hbm>>
      %dma_wait3A_70 = arith.constant 0 : i32
      %dma_wait3A_71 = arith.constant 0 : i32
      %dma_wait3A_72 = tpu.memref_slice %arg4[%arg0, %arg1, %run_scoped3A_10, %dma_wait3A_70, %dma_wait3A_71] : memref<2x16x2x40x128xi32, #tpu.memory_space<hbm>> -> memref<1x1x1x40x128xi32, #tpu.memory_space<hbm>>
      %dma_wait3A_73 = tpu.memref_squeeze %dma_wait3A_72 : memref<1x1x1x40x128xi32, #tpu.memory_space<hbm>> -> memref<40x128xi32, #tpu.memory_space<hbm>>
      tpu.wait_dma2 semaphore(%run_scoped3A_58 : memref<!tpu.dma_semaphore, #tpu.memory_space<semaphore_mem>>) src(%dma_wait3A_73 : memref<40x128xi32, #tpu.memory_space<hbm>>) dst(%arg8 : memref<40x128xi32, #tpu.memory_space<vmem>>)
      tpu.yield
    }) : () -> ()
    %dma_start3A = arith.constant 0 : i32
    %dma_start3A_11 = arith.constant 0 : i32
    %dma_start3A_12 = tpu.memref_slice %arg7[%dma_start3A, %dma_start3A_11] : memref<40x128xi32, #tpu.memory_space<vmem>> -> memref<1x128xi32, #tpu.memory_space<vmem>>
    %dma_start3A_13 = tpu.memref_squeeze %dma_start3A_12 : memref<1x128xi32, #tpu.memory_space<vmem>> -> memref<128xi32, #tpu.memory_space<vmem>>
    %dma_start3A_14 = arith.constant 0 : i32
    %dma_start3A_15 = arith.constant 0 : i32
    %dma_start3A_16 = tpu.memref_slice %arg2[%dma_start3A_14, %dma_start3A_15] : memref<10000x128xf32, #tpu.memory_space<hbm>> -> memref<10000x128xf32, #tpu.memory_space<hbm>>
    tpu.enqueue_indirect_dma source(%dma_start3A_16 : memref<10000x128xf32, #tpu.memory_space<hbm>>) target(%arg9 : memref<128x128xf32, #tpu.memory_space<vmem>>) offsets(%dma_start3A_13 : memref<128xi32, #tpu.memory_space<vmem>>) semaphore(%arg12 : memref<!tpu.dma_semaphore, #tpu.memory_space<semaphore_mem>>)
    %scan3A = arith.constant 0 : i32
    %scan3A_17 = arith.constant 0 : i32
    %scan3A_18 = arith.constant 20 : i32
    %scan3A_19 = arith.addi %scan3A_17, %scan3A_18 : i32
    %scan3A_20 = arith.constant 1 : i32
    scf.for %scan3A_58 = %scan3A_17 to %scan3A_19 step %scan3A_20  : i32 {
      %mul3A_59 = arith.constant 2 : i32
      %mul3A_60 = arith.muli %mul3A_59, %scan3A_58 : i32
      %add3A_61 = arith.constant 1 : i32
      %add3A_62 = arith.addi %mul3A_60, %add3A_61 : i32
      %dma_start3A_63 = arith.constant 0 : i32
      %dma_start3A_64 = tpu.memref_slice %arg7[%add3A_62, %dma_start3A_63] : memref<40x128xi32, #tpu.memory_space<vmem>> -> memref<1x128xi32, #tpu.memory_space<vmem>>
      %dma_start3A_65 = tpu.memref_squeeze %dma_start3A_64 : memref<1x128xi32, #tpu.memory_space<vmem>> -> memref<128xi32, #tpu.memory_space<vmem>>
      %dma_start3A_66 = arith.constant 0 : i32
      %dma_start3A_67 = arith.constant 0 : i32
      %dma_start3A_68 = tpu.memref_slice %arg2[%dma_start3A_66, %dma_start3A_67] : memref<10000x128xf32, #tpu.memory_space<hbm>> -> memref<10000x128xf32, #tpu.memory_space<hbm>>
      tpu.enqueue_indirect_dma source(%dma_start3A_68 : memref<10000x128xf32, #tpu.memory_space<hbm>>) target(%arg10 : memref<128x128xf32, #tpu.memory_space<vmem>>) offsets(%dma_start3A_65 : memref<128xi32, #tpu.memory_space<vmem>>) semaphore(%arg13 : memref<!tpu.dma_semaphore, #tpu.memory_space<semaphore_mem>>)
      %dma_wait3A = arith.constant 0 : i32
      %dma_wait3A_69 = tpu.memref_slice %arg7[%mul3A_60, %dma_wait3A] : memref<40x128xi32, #tpu.memory_space<vmem>> -> memref<1x128xi32, #tpu.memory_space<vmem>>
      %dma_wait3A_70 = tpu.memref_squeeze %dma_wait3A_69 : memref<1x128xi32, #tpu.memory_space<vmem>> -> memref<128xi32, #tpu.memory_space<vmem>>
      %dma_wait3A_71 = arith.constant 0 : i32
      %dma_wait3A_72 = arith.constant 0 : i32
      %dma_wait3A_73 = tpu.memref_slice %arg2[%dma_wait3A_71, %dma_wait3A_72] : memref<10000x128xf32, #tpu.memory_space<hbm>> -> memref<10000x128xf32, #tpu.memory_space<hbm>>
      tpu.wait_indirect_dma semaphore(%arg12 : memref<!tpu.dma_semaphore, #tpu.memory_space<semaphore_mem>>) src(%dma_wait3A_73 : memref<10000x128xf32, #tpu.memory_space<hbm>>) dst(%arg9 : memref<128x128xf32, #tpu.memory_space<vmem>>)
      "tpu.region"() ({
        %run_scoped3A_86 = tpu.sem_alloc : memref<!tpu.dma_semaphore, #tpu.memory_space<semaphore_mem>>
        %dma_start3A_87 = arith.constant 0 : i32
        %dma_start3A_88 = tpu.memref_slice %arg8[%mul3A_60, %dma_start3A_87] : memref<40x128xi32, #tpu.memory_space<vmem>> -> memref<1x128xi32, #tpu.memory_space<vmem>>
        %dma_start3A_89 = tpu.memref_squeeze %dma_start3A_88 : memref<1x128xi32, #tpu.memory_space<vmem>> -> memref<128xi32, #tpu.memory_space<vmem>>
        %dma_start3A_90 = arith.constant 0 : i32
        %dma_start3A_91 = arith.constant 0 : i32
        %dma_start3A_92 = tpu.memref_slice %arg11[%dma_start3A_90, %dma_start3A_91] : memref<10240x128xf32, #tpu.memory_space<vmem_shared>> -> memref<10240x128xf32, #tpu.memory_space<vmem_shared>>
        tpu.enqueue_indirect_dma source(%arg9 : memref<128x128xf32, #tpu.memory_space<vmem>>) target(%dma_start3A_92 : memref<10240x128xf32, #tpu.memory_space<vmem_shared>>) offsets(%dma_start3A_89 : memref<128xi32, #tpu.memory_space<vmem>>) semaphore(%run_scoped3A_86 : memref<!tpu.dma_semaphore, #tpu.memory_space<semaphore_mem>>) {add = true}
        %dma_wait3A_93 = arith.constant 0 : i32
        %dma_wait3A_94 = tpu.memref_slice %arg8[%mul3A_60, %dma_wait3A_93] : memref<40x128xi32, #tpu.memory_space<vmem>> -> memref<1x128xi32, #tpu.memory_space<vmem>>
        %dma_wait3A_95 = tpu.memref_squeeze %dma_wait3A_94 : memref<1x128xi32, #tpu.memory_space<vmem>> -> memref<128xi32, #tpu.memory_space<vmem>>
        %dma_wait3A_96 = arith.constant 0 : i32
        %dma_wait3A_97 = arith.constant 0 : i32
        %dma_wait3A_98 = tpu.memref_slice %arg11[%dma_wait3A_96, %dma_wait3A_97] : memref<10240x128xf32, #tpu.memory_space<vmem_shared>> -> memref<10240x128xf32, #tpu.memory_space<vmem_shared>>
        tpu.wait_indirect_dma semaphore(%run_scoped3A_86 : memref<!tpu.dma_semaphore, #tpu.memory_space<semaphore_mem>>) src(%arg9 : memref<128x128xf32, #tpu.memory_space<vmem>>) dst(%dma_wait3A_98 : memref<10240x128xf32, #tpu.memory_space<vmem_shared>>)
        tpu.yield
      }) : () -> ()
      %lt3A = arith.constant 19 : i32
      %lt3A_74 = arith.cmpi slt, %scan3A_58, %lt3A : i32
      %convert_element_type3A = arith.extui %lt3A_74 : i1 to i32
      %cond3A = arith.constant 0 : i32
      %cond3A_75 = arith.cmpi ne, %convert_element_type3A, %cond3A : i32
      scf.if %cond3A_75 {
        %add3A_86 = arith.constant 2 : i32
        %add3A_87 = arith.addi %mul3A_60, %add3A_86 : i32
        %dma_start3A_88 = arith.constant 0 : i32
        %dma_start3A_89 = tpu.memref_slice %arg7[%add3A_87, %dma_start3A_88] : memref<40x128xi32, #tpu.memory_space<vmem>> -> memref<1x128xi32, #tpu.memory_space<vmem>>
        %dma_start3A_90 = tpu.memref_squeeze %dma_start3A_89 : memref<1x128xi32, #tpu.memory_space<vmem>> -> memref<128xi32, #tpu.memory_space<vmem>>
        %dma_start3A_91 = arith.constant 0 : i32
        %dma_start3A_92 = arith.constant 0 : i32
        %dma_start3A_93 = tpu.memref_slice %arg2[%dma_start3A_91, %dma_start3A_92] : memref<10000x128xf32, #tpu.memory_space<hbm>> -> memref<10000x128xf32, #tpu.memory_space<hbm>>
        tpu.enqueue_indirect_dma source(%dma_start3A_93 : memref<10000x128xf32, #tpu.memory_space<hbm>>) target(%arg9 : memref<128x128xf32, #tpu.memory_space<vmem>>) offsets(%dma_start3A_90 : memref<128xi32, #tpu.memory_space<vmem>>) semaphore(%arg12 : memref<!tpu.dma_semaphore, #tpu.memory_space<semaphore_mem>>)
      } else {
      }
      %add3A_76 = arith.constant 1 : i32
      %add3A_77 = arith.addi %mul3A_60, %add3A_76 : i32
      %dma_wait3A_78 = arith.constant 0 : i32
      %dma_wait3A_79 = tpu.memref_slice %arg7[%add3A_77, %dma_wait3A_78] : memref<40x128xi32, #tpu.memory_space<vmem>> -> memref<1x128xi32, #tpu.memory_space<vmem>>
      %dma_wait3A_80 = tpu.memref_squeeze %dma_wait3A_79 : memref<1x128xi32, #tpu.memory_space<vmem>> -> memref<128xi32, #tpu.memory_space<vmem>>
      %dma_wait3A_81 = arith.constant 0 : i32
      %dma_wait3A_82 = arith.constant 0 : i32
      %dma_wait3A_83 = tpu.memref_slice %arg2[%dma_wait3A_81, %dma_wait3A_82] : memref<10000x128xf32, #tpu.memory_space<hbm>> -> memref<10000x128xf32, #tpu.memory_space<hbm>>
      tpu.wait_indirect_dma semaphore(%arg13 : memref<!tpu.dma_semaphore, #tpu.memory_space<semaphore_mem>>) src(%dma_wait3A_83 : memref<10000x128xf32, #tpu.memory_space<hbm>>) dst(%arg10 : memref<128x128xf32, #tpu.memory_space<vmem>>)
      %add3A_84 = arith.constant 1 : i32
      %add3A_85 = arith.addi %mul3A_60, %add3A_84 : i32
      "tpu.region"() ({
        %run_scoped3A_86 = tpu.sem_alloc : memref<!tpu.dma_semaphore, #tpu.memory_space<semaphore_mem>>
        %dma_start3A_87 = arith.constant 0 : i32
        %dma_start3A_88 = tpu.memref_slice %arg8[%add3A_85, %dma_start3A_87] : memref<40x128xi32, #tpu.memory_space<vmem>> -> memref<1x128xi32, #tpu.memory_space<vmem>>
        %dma_start3A_89 = tpu.memref_squeeze %dma_start3A_88 : memref<1x128xi32, #tpu.memory_space<vmem>> -> memref<128xi32, #tpu.memory_space<vmem>>
        %dma_start3A_90 = arith.constant 0 : i32
        %dma_start3A_91 = arith.constant 0 : i32
        %dma_start3A_92 = tpu.memref_slice %arg11[%dma_start3A_90, %dma_start3A_91] : memref<10240x128xf32, #tpu.memory_space<vmem_shared>> -> memref<10240x128xf32, #tpu.memory_space<vmem_shared>>
        tpu.enqueue_indirect_dma source(%arg10 : memref<128x128xf32, #tpu.memory_space<vmem>>) target(%dma_start3A_92 : memref<10240x128xf32, #tpu.memory_space<vmem_shared>>) offsets(%dma_start3A_89 : memref<128xi32, #tpu.memory_space<vmem>>) semaphore(%run_scoped3A_86 : memref<!tpu.dma_semaphore, #tpu.memory_space<semaphore_mem>>) {add = true}
        %dma_wait3A_93 = arith.constant 0 : i32
        %dma_wait3A_94 = tpu.memref_slice %arg8[%add3A_85, %dma_wait3A_93] : memref<40x128xi32, #tpu.memory_space<vmem>> -> memref<1x128xi32, #tpu.memory_space<vmem>>
        %dma_wait3A_95 = tpu.memref_squeeze %dma_wait3A_94 : memref<1x128xi32, #tpu.memory_space<vmem>> -> memref<128xi32, #tpu.memory_space<vmem>>
        %dma_wait3A_96 = arith.constant 0 : i32
        %dma_wait3A_97 = arith.constant 0 : i32
        %dma_wait3A_98 = tpu.memref_slice %arg11[%dma_wait3A_96, %dma_wait3A_97] : memref<10240x128xf32, #tpu.memory_space<vmem_shared>> -> memref<10240x128xf32, #tpu.memory_space<vmem_shared>>
        tpu.wait_indirect_dma semaphore(%run_scoped3A_86 : memref<!tpu.dma_semaphore, #tpu.memory_space<semaphore_mem>>) src(%arg10 : memref<128x128xf32, #tpu.memory_space<vmem>>) dst(%dma_wait3A_98 : memref<10240x128xf32, #tpu.memory_space<vmem_shared>>)
        tpu.yield
      }) : () -> ()
    }
    %scan3A_21 = arith.constant 20 : i32
    %run_scoped3A_22 = arith.constant 1 : i32
    "tpu.region"() ({
      %run_scoped3A_58 = tpu.sem_alloc : memref<!tpu.dma_semaphore, #tpu.memory_space<semaphore_mem>>
      %dma_start3A_59 = arith.constant 0 : i32
      %dma_start3A_60 = arith.constant 0 : i32
      %dma_start3A_61 = tpu.memref_slice %arg3[%arg0, %arg1, %run_scoped3A_22, %dma_start3A_59, %dma_start3A_60] : memref<2x16x2x40x128xi32, #tpu.memory_space<hbm>> -> memref<1x1x1x40x128xi32, #tpu.memory_space<hbm>>
      %dma_start3A_62 = tpu.memref_squeeze %dma_start3A_61 : memref<1x1x1x40x128xi32, #tpu.memory_space<hbm>> -> memref<40x128xi32, #tpu.memory_space<hbm>>
      %dma_start3A_63 = arith.constant 0 : i32
      %dma_start3A_64 = arith.constant 0 : i32
      %dma_start3A_65 = tpu.memref_slice %arg3[%arg0, %arg1, %run_scoped3A_22, %dma_start3A_63, %dma_start3A_64] : memref<2x16x2x40x128xi32, #tpu.memory_space<hbm>> -> memref<1x1x1x40x128xi32, #tpu.memory_space<hbm>>
      %dma_start3A_66 = tpu.memref_squeeze %dma_start3A_65 : memref<1x1x1x40x128xi32, #tpu.memory_space<hbm>> -> memref<40x128xi32, #tpu.memory_space<hbm>>
      tpu.enqueue_dma source(%dma_start3A_66 : memref<40x128xi32, #tpu.memory_space<hbm>>) target(%arg7 : memref<40x128xi32, #tpu.memory_space<vmem>>) target_semaphore(%run_scoped3A_58 : memref<!tpu.dma_semaphore, #tpu.memory_space<semaphore_mem>>)
      %dma_wait3A = arith.constant 0 : i32
      %dma_wait3A_67 = arith.constant 0 : i32
      %dma_wait3A_68 = tpu.memref_slice %arg3[%arg0, %arg1, %run_scoped3A_22, %dma_wait3A, %dma_wait3A_67] : memref<2x16x2x40x128xi32, #tpu.memory_space<hbm>> -> memref<1x1x1x40x128xi32, #tpu.memory_space<hbm>>
      %dma_wait3A_69 = tpu.memref_squeeze %dma_wait3A_68 : memref<1x1x1x40x128xi32, #tpu.memory_space<hbm>> -> memref<40x128xi32, #tpu.memory_space<hbm>>
      %dma_wait3A_70 = arith.constant 0 : i32
      %dma_wait3A_71 = arith.constant 0 : i32
      %dma_wait3A_72 = tpu.memref_slice %arg3[%arg0, %arg1, %run_scoped3A_22, %dma_wait3A_70, %dma_wait3A_71] : memref<2x16x2x40x128xi32, #tpu.memory_space<hbm>> -> memref<1x1x1x40x128xi32, #tpu.memory_space<hbm>>
      %dma_wait3A_73 = tpu.memref_squeeze %dma_wait3A_72 : memref<1x1x1x40x128xi32, #tpu.memory_space<hbm>> -> memref<40x128xi32, #tpu.memory_space<hbm>>
      tpu.wait_dma2 semaphore(%run_scoped3A_58 : memref<!tpu.dma_semaphore, #tpu.memory_space<semaphore_mem>>) src(%dma_wait3A_73 : memref<40x128xi32, #tpu.memory_space<hbm>>) dst(%arg7 : memref<40x128xi32, #tpu.memory_space<vmem>>)
      tpu.yield
    }) : () -> ()
    %run_scoped3A_23 = arith.constant 1 : i32
    "tpu.region"() ({
      %run_scoped3A_58 = tpu.sem_alloc : memref<!tpu.dma_semaphore, #tpu.memory_space<semaphore_mem>>
      %dma_start3A_59 = arith.constant 0 : i32
      %dma_start3A_60 = arith.constant 0 : i32
      %dma_start3A_61 = tpu.memref_slice %arg4[%arg0, %arg1, %run_scoped3A_23, %dma_start3A_59, %dma_start3A_60] : memref<2x16x2x40x128xi32, #tpu.memory_space<hbm>> -> memref<1x1x1x40x128xi32, #tpu.memory_space<hbm>>
      %dma_start3A_62 = tpu.memref_squeeze %dma_start3A_61 : memref<1x1x1x40x128xi32, #tpu.memory_space<hbm>> -> memref<40x128xi32, #tpu.memory_space<hbm>>
      %dma_start3A_63 = arith.constant 0 : i32
      %dma_start3A_64 = arith.constant 0 : i32
      %dma_start3A_65 = tpu.memref_slice %arg4[%arg0, %arg1, %run_scoped3A_23, %dma_start3A_63, %dma_start3A_64] : memref<2x16x2x40x128xi32, #tpu.memory_space<hbm>> -> memref<1x1x1x40x128xi32, #tpu.memory_space<hbm>>
      %dma_start3A_66 = tpu.memref_squeeze %dma_start3A_65 : memref<1x1x1x40x128xi32, #tpu.memory_space<hbm>> -> memref<40x128xi32, #tpu.memory_space<hbm>>
      tpu.enqueue_dma source(%dma_start3A_66 : memref<40x128xi32, #tpu.memory_space<hbm>>) target(%arg8 : memref<40x128xi32, #tpu.memory_space<vmem>>) target_semaphore(%run_scoped3A_58 : memref<!tpu.dma_semaphore, #tpu.memory_space<semaphore_mem>>)
      %dma_wait3A = arith.constant 0 : i32
      %dma_wait3A_67 = arith.constant 0 : i32
      %dma_wait3A_68 = tpu.memref_slice %arg4[%arg0, %arg1, %run_scoped3A_23, %dma_wait3A, %dma_wait3A_67] : memref<2x16x2x40x128xi32, #tpu.memory_space<hbm>> -> memref<1x1x1x40x128xi32, #tpu.memory_space<hbm>>
      %dma_wait3A_69 = tpu.memref_squeeze %dma_wait3A_68 : memref<1x1x1x40x128xi32, #tpu.memory_space<hbm>> -> memref<40x128xi32, #tpu.memory_space<hbm>>
      %dma_wait3A_70 = arith.constant 0 : i32
      %dma_wait3A_71 = arith.constant 0 : i32
      %dma_wait3A_72 = tpu.memref_slice %arg4[%arg0, %arg1, %run_scoped3A_23, %dma_wait3A_70, %dma_wait3A_71] : memref<2x16x2x40x128xi32, #tpu.memory_space<hbm>> -> memref<1x1x1x40x128xi32, #tpu.memory_space<hbm>>
      %dma_wait3A_73 = tpu.memref_squeeze %dma_wait3A_72 : memref<1x1x1x40x128xi32, #tpu.memory_space<hbm>> -> memref<40x128xi32, #tpu.memory_space<hbm>>
      tpu.wait_dma2 semaphore(%run_scoped3A_58 : memref<!tpu.dma_semaphore, #tpu.memory_space<semaphore_mem>>) src(%dma_wait3A_73 : memref<40x128xi32, #tpu.memory_space<hbm>>) dst(%arg8 : memref<40x128xi32, #tpu.memory_space<vmem>>)
      tpu.yield
    }) : () -> ()
    %dma_start3A_24 = arith.constant 0 : i32
    %dma_start3A_25 = arith.constant 0 : i32
    %dma_start3A_26 = tpu.memref_slice %arg7[%dma_start3A_24, %dma_start3A_25] : memref<40x128xi32, #tpu.memory_space<vmem>> -> memref<1x128xi32, #tpu.memory_space<vmem>>
    %dma_start3A_27 = tpu.memref_squeeze %dma_start3A_26 : memref<1x128xi32, #tpu.memory_space<vmem>> -> memref<128xi32, #tpu.memory_space<vmem>>
    %dma_start3A_28 = arith.constant 0 : i32
    %dma_start3A_29 = arith.constant 0 : i32
    %dma_start3A_30 = tpu.memref_slice %arg2[%dma_start3A_28, %dma_start3A_29] : memref<10000x128xf32, #tpu.memory_space<hbm>> -> memref<10000x128xf32, #tpu.memory_space<hbm>>
    tpu.enqueue_indirect_dma source(%dma_start3A_30 : memref<10000x128xf32, #tpu.memory_space<hbm>>) target(%arg9 : memref<128x128xf32, #tpu.memory_space<vmem>>) offsets(%dma_start3A_27 : memref<128xi32, #tpu.memory_space<vmem>>) semaphore(%arg12 : memref<!tpu.dma_semaphore, #tpu.memory_space<semaphore_mem>>)
    %scan3A_31 = arith.constant 0 : i32
    %scan3A_32 = arith.constant 0 : i32
    %scan3A_33 = arith.constant 20 : i32
    %scan3A_34 = arith.addi %scan3A_32, %scan3A_33 : i32
    %scan3A_35 = arith.constant 1 : i32
    scf.for %scan3A_58 = %scan3A_32 to %scan3A_34 step %scan3A_35  : i32 {
      %mul3A_59 = arith.constant 2 : i32
      %mul3A_60 = arith.muli %mul3A_59, %scan3A_58 : i32
      %add3A_61 = arith.constant 1 : i32
      %add3A_62 = arith.addi %mul3A_60, %add3A_61 : i32
      %dma_start3A_63 = arith.constant 0 : i32
      %dma_start3A_64 = tpu.memref_slice %arg7[%add3A_62, %dma_start3A_63] : memref<40x128xi32, #tpu.memory_space<vmem>> -> memref<1x128xi32, #tpu.memory_space<vmem>>
      %dma_start3A_65 = tpu.memref_squeeze %dma_start3A_64 : memref<1x128xi32, #tpu.memory_space<vmem>> -> memref<128xi32, #tpu.memory_space<vmem>>
      %dma_start3A_66 = arith.constant 0 : i32
      %dma_start3A_67 = arith.constant 0 : i32
      %dma_start3A_68 = tpu.memref_slice %arg2[%dma_start3A_66, %dma_start3A_67] : memref<10000x128xf32, #tpu.memory_space<hbm>> -> memref<10000x128xf32, #tpu.memory_space<hbm>>
      tpu.enqueue_indirect_dma source(%dma_start3A_68 : memref<10000x128xf32, #tpu.memory_space<hbm>>) target(%arg10 : memref<128x128xf32, #tpu.memory_space<vmem>>) offsets(%dma_start3A_65 : memref<128xi32, #tpu.memory_space<vmem>>) semaphore(%arg13 : memref<!tpu.dma_semaphore, #tpu.memory_space<semaphore_mem>>)
      %dma_wait3A = arith.constant 0 : i32
      %dma_wait3A_69 = tpu.memref_slice %arg7[%mul3A_60, %dma_wait3A] : memref<40x128xi32, #tpu.memory_space<vmem>> -> memref<1x128xi32, #tpu.memory_space<vmem>>
      %dma_wait3A_70 = tpu.memref_squeeze %dma_wait3A_69 : memref<1x128xi32, #tpu.memory_space<vmem>> -> memref<128xi32, #tpu.memory_space<vmem>>
      %dma_wait3A_71 = arith.constant 0 : i32
      %dma_wait3A_72 = arith.constant 0 : i32
      %dma_wait3A_73 = tpu.memref_slice %arg2[%dma_wait3A_71, %dma_wait3A_72] : memref<10000x128xf32, #tpu.memory_space<hbm>> -> memref<10000x128xf32, #tpu.memory_space<hbm>>
      tpu.wait_indirect_dma semaphore(%arg12 : memref<!tpu.dma_semaphore, #tpu.memory_space<semaphore_mem>>) src(%dma_wait3A_73 : memref<10000x128xf32, #tpu.memory_space<hbm>>) dst(%arg9 : memref<128x128xf32, #tpu.memory_space<vmem>>)
      "tpu.region"() ({
        %run_scoped3A_86 = tpu.sem_alloc : memref<!tpu.dma_semaphore, #tpu.memory_space<semaphore_mem>>
        %dma_start3A_87 = arith.constant 0 : i32
        %dma_start3A_88 = tpu.memref_slice %arg8[%mul3A_60, %dma_start3A_87] : memref<40x128xi32, #tpu.memory_space<vmem>> -> memref<1x128xi32, #tpu.memory_space<vmem>>
        %dma_start3A_89 = tpu.memref_squeeze %dma_start3A_88 : memref<1x128xi32, #tpu.memory_space<vmem>> -> memref<128xi32, #tpu.memory_space<vmem>>
        %dma_start3A_90 = arith.constant 0 : i32
        %dma_start3A_91 = arith.constant 0 : i32
        %dma_start3A_92 = tpu.memref_slice %arg11[%dma_start3A_90, %dma_start3A_91] : memref<10240x128xf32, #tpu.memory_space<vmem_shared>> -> memref<10240x128xf32, #tpu.memory_space<vmem_shared>>
        tpu.enqueue_indirect_dma source(%arg9 : memref<128x128xf32, #tpu.memory_space<vmem>>) target(%dma_start3A_92 : memref<10240x128xf32, #tpu.memory_space<vmem_shared>>) offsets(%dma_start3A_89 : memref<128xi32, #tpu.memory_space<vmem>>) semaphore(%run_scoped3A_86 : memref<!tpu.dma_semaphore, #tpu.memory_space<semaphore_mem>>) {add = true}
        %dma_wait3A_93 = arith.constant 0 : i32
        %dma_wait3A_94 = tpu.memref_slice %arg8[%mul3A_60, %dma_wait3A_93] : memref<40x128xi32, #tpu.memory_space<vmem>> -> memref<1x128xi32, #tpu.memory_space<vmem>>
        %dma_wait3A_95 = tpu.memref_squeeze %dma_wait3A_94 : memref<1x128xi32, #tpu.memory_space<vmem>> -> memref<128xi32, #tpu.memory_space<vmem>>
        %dma_wait3A_96 = arith.constant 0 : i32
        %dma_wait3A_97 = arith.constant 0 : i32
        %dma_wait3A_98 = tpu.memref_slice %arg11[%dma_wait3A_96, %dma_wait3A_97] : memref<10240x128xf32, #tpu.memory_space<vmem_shared>> -> memref<10240x128xf32, #tpu.memory_space<vmem_shared>>
        tpu.wait_indirect_dma semaphore(%run_scoped3A_86 : memref<!tpu.dma_semaphore, #tpu.memory_space<semaphore_mem>>) src(%arg9 : memref<128x128xf32, #tpu.memory_space<vmem>>) dst(%dma_wait3A_98 : memref<10240x128xf32, #tpu.memory_space<vmem_shared>>)
        tpu.yield
      }) : () -> ()
      %lt3A = arith.constant 19 : i32
      %lt3A_74 = arith.cmpi slt, %scan3A_58, %lt3A : i32
      %convert_element_type3A = arith.extui %lt3A_74 : i1 to i32
      %cond3A = arith.constant 0 : i32
      %cond3A_75 = arith.cmpi ne, %convert_element_type3A, %cond3A : i32
      scf.if %cond3A_75 {
        %add3A_86 = arith.constant 2 : i32
        %add3A_87 = arith.addi %mul3A_60, %add3A_86 : i32
        %dma_start3A_88 = arith.constant 0 : i32
        %dma_start3A_89 = tpu.memref_slice %arg7[%add3A_87, %dma_start3A_88] : memref<40x128xi32, #tpu.memory_space<vmem>> -> memref<1x128xi32, #tpu.memory_space<vmem>>
        %dma_start3A_90 = tpu.memref_squeeze %dma_start3A_89 : memref<1x128xi32, #tpu.memory_space<vmem>> -> memref<128xi32, #tpu.memory_space<vmem>>
        %dma_start3A_91 = arith.constant 0 : i32
        %dma_start3A_92 = arith.constant 0 : i32
        %dma_start3A_93 = tpu.memref_slice %arg2[%dma_start3A_91, %dma_start3A_92] : memref<10000x128xf32, #tpu.memory_space<hbm>> -> memref<10000x128xf32, #tpu.memory_space<hbm>>
        tpu.enqueue_indirect_dma source(%dma_start3A_93 : memref<10000x128xf32, #tpu.memory_space<hbm>>) target(%arg9 : memref<128x128xf32, #tpu.memory_space<vmem>>) offsets(%dma_start3A_90 : memref<128xi32, #tpu.memory_space<vmem>>) semaphore(%arg12 : memref<!tpu.dma_semaphore, #tpu.memory_space<semaphore_mem>>)
      } else {
      }
      %add3A_76 = arith.constant 1 : i32
      %add3A_77 = arith.addi %mul3A_60, %add3A_76 : i32
      %dma_wait3A_78 = arith.constant 0 : i32
      %dma_wait3A_79 = tpu.memref_slice %arg7[%add3A_77, %dma_wait3A_78] : memref<40x128xi32, #tpu.memory_space<vmem>> -> memref<1x128xi32, #tpu.memory_space<vmem>>
      %dma_wait3A_80 = tpu.memref_squeeze %dma_wait3A_79 : memref<1x128xi32, #tpu.memory_space<vmem>> -> memref<128xi32, #tpu.memory_space<vmem>>
      %dma_wait3A_81 = arith.constant 0 : i32
      %dma_wait3A_82 = arith.constant 0 : i32
      %dma_wait3A_83 = tpu.memref_slice %arg2[%dma_wait3A_81, %dma_wait3A_82] : memref<10000x128xf32, #tpu.memory_space<hbm>> -> memref<10000x128xf32, #tpu.memory_space<hbm>>
      tpu.wait_indirect_dma semaphore(%arg13 : memref<!tpu.dma_semaphore, #tpu.memory_space<semaphore_mem>>) src(%dma_wait3A_83 : memref<10000x128xf32, #tpu.memory_space<hbm>>) dst(%arg10 : memref<128x128xf32, #tpu.memory_space<vmem>>)
      %add3A_84 = arith.constant 1 : i32
      %add3A_85 = arith.addi %mul3A_60, %add3A_84 : i32
      "tpu.region"() ({
        %run_scoped3A_86 = tpu.sem_alloc : memref<!tpu.dma_semaphore, #tpu.memory_space<semaphore_mem>>
        %dma_start3A_87 = arith.constant 0 : i32
        %dma_start3A_88 = tpu.memref_slice %arg8[%add3A_85, %dma_start3A_87] : memref<40x128xi32, #tpu.memory_space<vmem>> -> memref<1x128xi32, #tpu.memory_space<vmem>>
        %dma_start3A_89 = tpu.memref_squeeze %dma_start3A_88 : memref<1x128xi32, #tpu.memory_space<vmem>> -> memref<128xi32, #tpu.memory_space<vmem>>
        %dma_start3A_90 = arith.constant 0 : i32
        %dma_start3A_91 = arith.constant 0 : i32
        %dma_start3A_92 = tpu.memref_slice %arg11[%dma_start3A_90, %dma_start3A_91] : memref<10240x128xf32, #tpu.memory_space<vmem_shared>> -> memref<10240x128xf32, #tpu.memory_space<vmem_shared>>
        tpu.enqueue_indirect_dma source(%arg10 : memref<128x128xf32, #tpu.memory_space<vmem>>) target(%dma_start3A_92 : memref<10240x128xf32, #tpu.memory_space<vmem_shared>>) offsets(%dma_start3A_89 : memref<128xi32, #tpu.memory_space<vmem>>) semaphore(%run_scoped3A_86 : memref<!tpu.dma_semaphore, #tpu.memory_space<semaphore_mem>>) {add = true}
        %dma_wait3A_93 = arith.constant 0 : i32
        %dma_wait3A_94 = tpu.memref_slice %arg8[%add3A_85, %dma_wait3A_93] : memref<40x128xi32, #tpu.memory_space<vmem>> -> memref<1x128xi32, #tpu.memory_space<vmem>>
        %dma_wait3A_95 = tpu.memref_squeeze %dma_wait3A_94 : memref<1x128xi32, #tpu.memory_space<vmem>> -> memref<128xi32, #tpu.memory_space<vmem>>
        %dma_wait3A_96 = arith.constant 0 : i32
        %dma_wait3A_97 = arith.constant 0 : i32
        %dma_wait3A_98 = tpu.memref_slice %arg11[%dma_wait3A_96, %dma_wait3A_97] : memref<10240x128xf32, #tpu.memory_space<vmem_shared>> -> memref<10240x128xf32, #tpu.memory_space<vmem_shared>>
        tpu.wait_indirect_dma semaphore(%run_scoped3A_86 : memref<!tpu.dma_semaphore, #tpu.memory_space<semaphore_mem>>) src(%arg10 : memref<128x128xf32, #tpu.memory_space<vmem>>) dst(%dma_wait3A_98 : memref<10240x128xf32, #tpu.memory_space<vmem_shared>>)
        tpu.yield
      }) : () -> ()
    }
    %scan3A_36 = arith.constant 20 : i32
    %barrier3A_37 = arith.constant 0 : index
    tpu.barrier barrier_id(%barrier3A_37)
    %add3A_38 = arith.constant 0 : i32
    %add3A_39 = arith.addi %mul3A_0, %add3A_38 : i32
    "tpu.region"() ({
      %run_scoped3A_58 = tpu.sem_alloc : memref<!tpu.dma_semaphore, #tpu.memory_space<semaphore_mem>>
      %dma_start3A_59 = arith.constant 0 : i32
      %dma_start3A_60 = tpu.memref_slice %arg11[%add3A_39, %dma_start3A_59] : memref<10240x128xf32, #tpu.memory_space<vmem_shared>> -> memref<128x128xf32, #tpu.memory_space<vmem_shared>>
      %dma_start3A_61 = arith.constant 0 : i32
      %dma_start3A_62 = tpu.memref_slice %arg11[%add3A_39, %dma_start3A_61] : memref<10240x128xf32, #tpu.memory_space<vmem_shared>> -> memref<128x128xf32, #tpu.memory_space<vmem_shared>>
      tpu.enqueue_dma source(%dma_start3A_62 : memref<128x128xf32, #tpu.memory_space<vmem_shared>>) target(%arg9 : memref<128x128xf32, #tpu.memory_space<vmem>>) target_semaphore(%run_scoped3A_58 : memref<!tpu.dma_semaphore, #tpu.memory_space<semaphore_mem>>)
      %dma_wait3A = arith.constant 0 : i32
      %dma_wait3A_63 = tpu.memref_slice %arg11[%add3A_39, %dma_wait3A] : memref<10240x128xf32, #tpu.memory_space<vmem_shared>> -> memref<128x128xf32, #tpu.memory_space<vmem_shared>>
      %dma_wait3A_64 = arith.constant 0 : i32
      %dma_wait3A_65 = tpu.memref_slice %arg11[%add3A_39, %dma_wait3A_64] : memref<10240x128xf32, #tpu.memory_space<vmem_shared>> -> memref<128x128xf32, #tpu.memory_space<vmem_shared>>
      tpu.wait_dma2 semaphore(%run_scoped3A_58 : memref<!tpu.dma_semaphore, #tpu.memory_space<semaphore_mem>>) src(%dma_wait3A_65 : memref<128x128xf32, #tpu.memory_space<vmem_shared>>) dst(%arg9 : memref<128x128xf32, #tpu.memory_space<vmem>>)
      tpu.yield
    }) : () -> ()
    %add3A_40 = arith.constant 0 : i32
    %add3A_41 = arith.addi %mul3A_0, %add3A_40 : i32
    "tpu.region"() ({
      %run_scoped3A_58 = tpu.sem_alloc : memref<!tpu.dma_semaphore, #tpu.memory_space<semaphore_mem>>
      %dma_start3A_59 = arith.constant 0 : i32
      %dma_start3A_60 = tpu.memref_slice %arg6[%arg0, %add3A_41, %dma_start3A_59] : memref<2x10240x128xf32, #tpu.memory_space<hbm>> -> memref<1x128x128xf32, #tpu.memory_space<hbm>>
      %dma_start3A_61 = tpu.memref_squeeze %dma_start3A_60 : memref<1x128x128xf32, #tpu.memory_space<hbm>> -> memref<128x128xf32, #tpu.memory_space<hbm>>
      %dma_start3A_62 = arith.constant 0 : i32
      %dma_start3A_63 = tpu.memref_slice %arg6[%arg0, %add3A_41, %dma_start3A_62] : memref<2x10240x128xf32, #tpu.memory_space<hbm>> -> memref<1x128x128xf32, #tpu.memory_space<hbm>>
      %dma_start3A_64 = tpu.memref_squeeze %dma_start3A_63 : memref<1x128x128xf32, #tpu.memory_space<hbm>> -> memref<128x128xf32, #tpu.memory_space<hbm>>
      tpu.enqueue_dma source(%arg9 : memref<128x128xf32, #tpu.memory_space<vmem>>) target(%dma_start3A_64 : memref<128x128xf32, #tpu.memory_space<hbm>>) target_semaphore(%run_scoped3A_58 : memref<!tpu.dma_semaphore, #tpu.memory_space<semaphore_mem>>)
      %dma_wait3A = arith.constant 0 : i32
      %dma_wait3A_65 = tpu.memref_slice %arg6[%arg0, %add3A_41, %dma_wait3A] : memref<2x10240x128xf32, #tpu.memory_space<hbm>> -> memref<1x128x128xf32, #tpu.memory_space<hbm>>
      %dma_wait3A_66 = tpu.memref_squeeze %dma_wait3A_65 : memref<1x128x128xf32, #tpu.memory_space<hbm>> -> memref<128x128xf32, #tpu.memory_space<hbm>>
      %dma_wait3A_67 = arith.constant 0 : i32
      %dma_wait3A_68 = tpu.memref_slice %arg6[%arg0, %add3A_41, %dma_wait3A_67] : memref<2x10240x128xf32, #tpu.memory_space<hbm>> -> memref<1x128x128xf32, #tpu.memory_space<hbm>>
      %dma_wait3A_69 = tpu.memref_squeeze %dma_wait3A_68 : memref<1x128x128xf32, #tpu.memory_space<hbm>> -> memref<128x128xf32, #tpu.memory_space<hbm>>
      tpu.wait_dma2 semaphore(%run_scoped3A_58 : memref<!tpu.dma_semaphore, #tpu.memory_space<semaphore_mem>>) src(%arg9 : memref<128x128xf32, #tpu.memory_space<vmem>>) dst(%dma_wait3A_69 : memref<128x128xf32, #tpu.memory_space<hbm>>)
      tpu.yield
    }) : () -> ()
    %add3A_42 = arith.constant 128 : i32
    %add3A_43 = arith.addi %mul3A_0, %add3A_42 : i32
    "tpu.region"() ({
      %run_scoped3A_58 = tpu.sem_alloc : memref<!tpu.dma_semaphore, #tpu.memory_space<semaphore_mem>>
      %dma_start3A_59 = arith.constant 0 : i32
      %dma_start3A_60 = tpu.memref_slice %arg11[%add3A_43, %dma_start3A_59] : memref<10240x128xf32, #tpu.memory_space<vmem_shared>> -> memref<128x128xf32, #tpu.memory_space<vmem_shared>>
      %dma_start3A_61 = arith.constant 0 : i32
      %dma_start3A_62 = tpu.memref_slice %arg11[%add3A_43, %dma_start3A_61] : memref<10240x128xf32, #tpu.memory_space<vmem_shared>> -> memref<128x128xf32, #tpu.memory_space<vmem_shared>>
      tpu.enqueue_dma source(%dma_start3A_62 : memref<128x128xf32, #tpu.memory_space<vmem_shared>>) target(%arg9 : memref<128x128xf32, #tpu.memory_space<vmem>>) target_semaphore(%run_scoped3A_58 : memref<!tpu.dma_semaphore, #tpu.memory_space<semaphore_mem>>)
      %dma_wait3A = arith.constant 0 : i32
      %dma_wait3A_63 = tpu.memref_slice %arg11[%add3A_43, %dma_wait3A] : memref<10240x128xf32, #tpu.memory_space<vmem_shared>> -> memref<128x128xf32, #tpu.memory_space<vmem_shared>>
      %dma_wait3A_64 = arith.constant 0 : i32
      %dma_wait3A_65 = tpu.memref_slice %arg11[%add3A_43, %dma_wait3A_64] : memref<10240x128xf32, #tpu.memory_space<vmem_shared>> -> memref<128x128xf32, #tpu.memory_space<vmem_shared>>
      tpu.wait_dma2 semaphore(%run_scoped3A_58 : memref<!tpu.dma_semaphore, #tpu.memory_space<semaphore_mem>>) src(%dma_wait3A_65 : memref<128x128xf32, #tpu.memory_space<vmem_shared>>) dst(%arg9 : memref<128x128xf32, #tpu.memory_space<vmem>>)
      tpu.yield
    }) : () -> ()
    %add3A_44 = arith.constant 128 : i32
    %add3A_45 = arith.addi %mul3A_0, %add3A_44 : i32
    "tpu.region"() ({
      %run_scoped3A_58 = tpu.sem_alloc : memref<!tpu.dma_semaphore, #tpu.memory_space<semaphore_mem>>
      %dma_start3A_59 = arith.constant 0 : i32
      %dma_start3A_60 = tpu.memref_slice %arg6[%arg0, %add3A_45, %dma_start3A_59] : memref<2x10240x128xf32, #tpu.memory_space<hbm>> -> memref<1x128x128xf32, #tpu.memory_space<hbm>>
      %dma_start3A_61 = tpu.memref_squeeze %dma_start3A_60 : memref<1x128x128xf32, #tpu.memory_space<hbm>> -> memref<128x128xf32, #tpu.memory_space<hbm>>
      %dma_start3A_62 = arith.constant 0 : i32
      %dma_start3A_63 = tpu.memref_slice %arg6[%arg0, %add3A_45, %dma_start3A_62] : memref<2x10240x128xf32, #tpu.memory_space<hbm>> -> memref<1x128x128xf32, #tpu.memory_space<hbm>>
      %dma_start3A_64 = tpu.memref_squeeze %dma_start3A_63 : memref<1x128x128xf32, #tpu.memory_space<hbm>> -> memref<128x128xf32, #tpu.memory_space<hbm>>
      tpu.enqueue_dma source(%arg9 : memref<128x128xf32, #tpu.memory_space<vmem>>) target(%dma_start3A_64 : memref<128x128xf32, #tpu.memory_space<hbm>>) target_semaphore(%run_scoped3A_58 : memref<!tpu.dma_semaphore, #tpu.memory_space<semaphore_mem>>)
      %dma_wait3A = arith.constant 0 : i32
      %dma_wait3A_65 = tpu.memref_slice %arg6[%arg0, %add3A_45, %dma_wait3A] : memref<2x10240x128xf32, #tpu.memory_space<hbm>> -> memref<1x128x128xf32, #tpu.memory_space<hbm>>
      %dma_wait3A_66 = tpu.memref_squeeze %dma_wait3A_65 : memref<1x128x128xf32, #tpu.memory_space<hbm>> -> memref<128x128xf32, #tpu.memory_space<hbm>>
      %dma_wait3A_67 = arith.constant 0 : i32
      %dma_wait3A_68 = tpu.memref_slice %arg6[%arg0, %add3A_45, %dma_wait3A_67] : memref<2x10240x128xf32, #tpu.memory_space<hbm>> -> memref<1x128x128xf32, #tpu.memory_space<hbm>>
      %dma_wait3A_69 = tpu.memref_squeeze %dma_wait3A_68 : memref<1x128x128xf32, #tpu.memory_space<hbm>> -> memref<128x128xf32, #tpu.memory_space<hbm>>
      tpu.wait_dma2 semaphore(%run_scoped3A_58 : memref<!tpu.dma_semaphore, #tpu.memory_space<semaphore_mem>>) src(%arg9 : memref<128x128xf32, #tpu.memory_space<vmem>>) dst(%dma_wait3A_69 : memref<128x128xf32, #tpu.memory_space<hbm>>)
      tpu.yield
    }) : () -> ()
    %add3A_46 = arith.constant 256 : i32
    %add3A_47 = arith.addi %mul3A_0, %add3A_46 : i32
    "tpu.region"() ({
      %run_scoped3A_58 = tpu.sem_alloc : memref<!tpu.dma_semaphore, #tpu.memory_space<semaphore_mem>>
      %dma_start3A_59 = arith.constant 0 : i32
      %dma_start3A_60 = tpu.memref_slice %arg11[%add3A_47, %dma_start3A_59] : memref<10240x128xf32, #tpu.memory_space<vmem_shared>> -> memref<128x128xf32, #tpu.memory_space<vmem_shared>>
      %dma_start3A_61 = arith.constant 0 : i32
      %dma_start3A_62 = tpu.memref_slice %arg11[%add3A_47, %dma_start3A_61] : memref<10240x128xf32, #tpu.memory_space<vmem_shared>> -> memref<128x128xf32, #tpu.memory_space<vmem_shared>>
      tpu.enqueue_dma source(%dma_start3A_62 : memref<128x128xf32, #tpu.memory_space<vmem_shared>>) target(%arg9 : memref<128x128xf32, #tpu.memory_space<vmem>>) target_semaphore(%run_scoped3A_58 : memref<!tpu.dma_semaphore, #tpu.memory_space<semaphore_mem>>)
      %dma_wait3A = arith.constant 0 : i32
      %dma_wait3A_63 = tpu.memref_slice %arg11[%add3A_47, %dma_wait3A] : memref<10240x128xf32, #tpu.memory_space<vmem_shared>> -> memref<128x128xf32, #tpu.memory_space<vmem_shared>>
      %dma_wait3A_64 = arith.constant 0 : i32
      %dma_wait3A_65 = tpu.memref_slice %arg11[%add3A_47, %dma_wait3A_64] : memref<10240x128xf32, #tpu.memory_space<vmem_shared>> -> memref<128x128xf32, #tpu.memory_space<vmem_shared>>
      tpu.wait_dma2 semaphore(%run_scoped3A_58 : memref<!tpu.dma_semaphore, #tpu.memory_space<semaphore_mem>>) src(%dma_wait3A_65 : memref<128x128xf32, #tpu.memory_space<vmem_shared>>) dst(%arg9 : memref<128x128xf32, #tpu.memory_space<vmem>>)
      tpu.yield
    }) : () -> ()
    %add3A_48 = arith.constant 256 : i32
    %add3A_49 = arith.addi %mul3A_0, %add3A_48 : i32
    "tpu.region"() ({
      %run_scoped3A_58 = tpu.sem_alloc : memref<!tpu.dma_semaphore, #tpu.memory_space<semaphore_mem>>
      %dma_start3A_59 = arith.constant 0 : i32
      %dma_start3A_60 = tpu.memref_slice %arg6[%arg0, %add3A_49, %dma_start3A_59] : memref<2x10240x128xf32, #tpu.memory_space<hbm>> -> memref<1x128x128xf32, #tpu.memory_space<hbm>>
      %dma_start3A_61 = tpu.memref_squeeze %dma_start3A_60 : memref<1x128x128xf32, #tpu.memory_space<hbm>> -> memref<128x128xf32, #tpu.memory_space<hbm>>
      %dma_start3A_62 = arith.constant 0 : i32
      %dma_start3A_63 = tpu.memref_slice %arg6[%arg0, %add3A_49, %dma_start3A_62] : memref<2x10240x128xf32, #tpu.memory_space<hbm>> -> memref<1x128x128xf32, #tpu.memory_space<hbm>>
      %dma_start3A_64 = tpu.memref_squeeze %dma_start3A_63 : memref<1x128x128xf32, #tpu.memory_space<hbm>> -> memref<128x128xf32, #tpu.memory_space<hbm>>
      tpu.enqueue_dma source(%arg9 : memref<128x128xf32, #tpu.memory_space<vmem>>) target(%dma_start3A_64 : memref<128x128xf32, #tpu.memory_space<hbm>>) target_semaphore(%run_scoped3A_58 : memref<!tpu.dma_semaphore, #tpu.memory_space<semaphore_mem>>)
      %dma_wait3A = arith.constant 0 : i32
      %dma_wait3A_65 = tpu.memref_slice %arg6[%arg0, %add3A_49, %dma_wait3A] : memref<2x10240x128xf32, #tpu.memory_space<hbm>> -> memref<1x128x128xf32, #tpu.memory_space<hbm>>
      %dma_wait3A_66 = tpu.memref_squeeze %dma_wait3A_65 : memref<1x128x128xf32, #tpu.memory_space<hbm>> -> memref<128x128xf32, #tpu.memory_space<hbm>>
      %dma_wait3A_67 = arith.constant 0 : i32
      %dma_wait3A_68 = tpu.memref_slice %arg6[%arg0, %add3A_49, %dma_wait3A_67] : memref<2x10240x128xf32, #tpu.memory_space<hbm>> -> memref<1x128x128xf32, #tpu.memory_space<hbm>>
      %dma_wait3A_69 = tpu.memref_squeeze %dma_wait3A_68 : memref<1x128x128xf32, #tpu.memory_space<hbm>> -> memref<128x128xf32, #tpu.memory_space<hbm>>
      tpu.wait_dma2 semaphore(%run_scoped3A_58 : memref<!tpu.dma_semaphore, #tpu.memory_space<semaphore_mem>>) src(%arg9 : memref<128x128xf32, #tpu.memory_space<vmem>>) dst(%dma_wait3A_69 : memref<128x128xf32, #tpu.memory_space<hbm>>)
      tpu.yield
    }) : () -> ()
    %add3A_50 = arith.constant 384 : i32
    %add3A_51 = arith.addi %mul3A_0, %add3A_50 : i32
    "tpu.region"() ({
      %run_scoped3A_58 = tpu.sem_alloc : memref<!tpu.dma_semaphore, #tpu.memory_space<semaphore_mem>>
      %dma_start3A_59 = arith.constant 0 : i32
      %dma_start3A_60 = tpu.memref_slice %arg11[%add3A_51, %dma_start3A_59] : memref<10240x128xf32, #tpu.memory_space<vmem_shared>> -> memref<128x128xf32, #tpu.memory_space<vmem_shared>>
      %dma_start3A_61 = arith.constant 0 : i32
      %dma_start3A_62 = tpu.memref_slice %arg11[%add3A_51, %dma_start3A_61] : memref<10240x128xf32, #tpu.memory_space<vmem_shared>> -> memref<128x128xf32, #tpu.memory_space<vmem_shared>>
      tpu.enqueue_dma source(%dma_start3A_62 : memref<128x128xf32, #tpu.memory_space<vmem_shared>>) target(%arg9 : memref<128x128xf32, #tpu.memory_space<vmem>>) target_semaphore(%run_scoped3A_58 : memref<!tpu.dma_semaphore, #tpu.memory_space<semaphore_mem>>)
      %dma_wait3A = arith.constant 0 : i32
      %dma_wait3A_63 = tpu.memref_slice %arg11[%add3A_51, %dma_wait3A] : memref<10240x128xf32, #tpu.memory_space<vmem_shared>> -> memref<128x128xf32, #tpu.memory_space<vmem_shared>>
      %dma_wait3A_64 = arith.constant 0 : i32
      %dma_wait3A_65 = tpu.memref_slice %arg11[%add3A_51, %dma_wait3A_64] : memref<10240x128xf32, #tpu.memory_space<vmem_shared>> -> memref<128x128xf32, #tpu.memory_space<vmem_shared>>
      tpu.wait_dma2 semaphore(%run_scoped3A_58 : memref<!tpu.dma_semaphore, #tpu.memory_space<semaphore_mem>>) src(%dma_wait3A_65 : memref<128x128xf32, #tpu.memory_space<vmem_shared>>) dst(%arg9 : memref<128x128xf32, #tpu.memory_space<vmem>>)
      tpu.yield
    }) : () -> ()
    %add3A_52 = arith.constant 384 : i32
    %add3A_53 = arith.addi %mul3A_0, %add3A_52 : i32
    "tpu.region"() ({
      %run_scoped3A_58 = tpu.sem_alloc : memref<!tpu.dma_semaphore, #tpu.memory_space<semaphore_mem>>
      %dma_start3A_59 = arith.constant 0 : i32
      %dma_start3A_60 = tpu.memref_slice %arg6[%arg0, %add3A_53, %dma_start3A_59] : memref<2x10240x128xf32, #tpu.memory_space<hbm>> -> memref<1x128x128xf32, #tpu.memory_space<hbm>>
      %dma_start3A_61 = tpu.memref_squeeze %dma_start3A_60 : memref<1x128x128xf32, #tpu.memory_space<hbm>> -> memref<128x128xf32, #tpu.memory_space<hbm>>
      %dma_start3A_62 = arith.constant 0 : i32
      %dma_start3A_63 = tpu.memref_slice %arg6[%arg0, %add3A_53, %dma_start3A_62] : memref<2x10240x128xf32, #tpu.memory_space<hbm>> -> memref<1x128x128xf32, #tpu.memory_space<hbm>>
      %dma_start3A_64 = tpu.memref_squeeze %dma_start3A_63 : memref<1x128x128xf32, #tpu.memory_space<hbm>> -> memref<128x128xf32, #tpu.memory_space<hbm>>
      tpu.enqueue_dma source(%arg9 : memref<128x128xf32, #tpu.memory_space<vmem>>) target(%dma_start3A_64 : memref<128x128xf32, #tpu.memory_space<hbm>>) target_semaphore(%run_scoped3A_58 : memref<!tpu.dma_semaphore, #tpu.memory_space<semaphore_mem>>)
      %dma_wait3A = arith.constant 0 : i32
      %dma_wait3A_65 = tpu.memref_slice %arg6[%arg0, %add3A_53, %dma_wait3A] : memref<2x10240x128xf32, #tpu.memory_space<hbm>> -> memref<1x128x128xf32, #tpu.memory_space<hbm>>
      %dma_wait3A_66 = tpu.memref_squeeze %dma_wait3A_65 : memref<1x128x128xf32, #tpu.memory_space<hbm>> -> memref<128x128xf32, #tpu.memory_space<hbm>>
      %dma_wait3A_67 = arith.constant 0 : i32
      %dma_wait3A_68 = tpu.memref_slice %arg6[%arg0, %add3A_53, %dma_wait3A_67] : memref<2x10240x128xf32, #tpu.memory_space<hbm>> -> memref<1x128x128xf32, #tpu.memory_space<hbm>>
      %dma_wait3A_69 = tpu.memref_squeeze %dma_wait3A_68 : memref<1x128x128xf32, #tpu.memory_space<hbm>> -> memref<128x128xf32, #tpu.memory_space<hbm>>
      tpu.wait_dma2 semaphore(%run_scoped3A_58 : memref<!tpu.dma_semaphore, #tpu.memory_space<semaphore_mem>>) src(%arg9 : memref<128x128xf32, #tpu.memory_space<vmem>>) dst(%dma_wait3A_69 : memref<128x128xf32, #tpu.memory_space<hbm>>)
      tpu.yield
    }) : () -> ()
    %add3A_54 = arith.constant 512 : i32
    %add3A_55 = arith.addi %mul3A_0, %add3A_54 : i32
    "tpu.region"() ({
      %run_scoped3A_58 = tpu.sem_alloc : memref<!tpu.dma_semaphore, #tpu.memory_space<semaphore_mem>>
      %dma_start3A_59 = arith.constant 0 : i32
      %dma_start3A_60 = tpu.memref_slice %arg11[%add3A_55, %dma_start3A_59] : memref<10240x128xf32, #tpu.memory_space<vmem_shared>> -> memref<128x128xf32, #tpu.memory_space<vmem_shared>>
      %dma_start3A_61 = arith.constant 0 : i32
      %dma_start3A_62 = tpu.memref_slice %arg11[%add3A_55, %dma_start3A_61] : memref<10240x128xf32, #tpu.memory_space<vmem_shared>> -> memref<128x128xf32, #tpu.memory_space<vmem_shared>>
      tpu.enqueue_dma source(%dma_start3A_62 : memref<128x128xf32, #tpu.memory_space<vmem_shared>>) target(%arg9 : memref<128x128xf32, #tpu.memory_space<vmem>>) target_semaphore(%run_scoped3A_58 : memref<!tpu.dma_semaphore, #tpu.memory_space<semaphore_mem>>)
      %dma_wait3A = arith.constant 0 : i32
      %dma_wait3A_63 = tpu.memref_slice %arg11[%add3A_55, %dma_wait3A] : memref<10240x128xf32, #tpu.memory_space<vmem_shared>> -> memref<128x128xf32, #tpu.memory_space<vmem_shared>>
      %dma_wait3A_64 = arith.constant 0 : i32
      %dma_wait3A_65 = tpu.memref_slice %arg11[%add3A_55, %dma_wait3A_64] : memref<10240x128xf32, #tpu.memory_space<vmem_shared>> -> memref<128x128xf32, #tpu.memory_space<vmem_shared>>
      tpu.wait_dma2 semaphore(%run_scoped3A_58 : memref<!tpu.dma_semaphore, #tpu.memory_space<semaphore_mem>>) src(%dma_wait3A_65 : memref<128x128xf32, #tpu.memory_space<vmem_shared>>) dst(%arg9 : memref<128x128xf32, #tpu.memory_space<vmem>>)
      tpu.yield
    }) : () -> ()
    %add3A_56 = arith.constant 512 : i32
    %add3A_57 = arith.addi %mul3A_0, %add3A_56 : i32
    "tpu.region"() ({
      %run_scoped3A_58 = tpu.sem_alloc : memref<!tpu.dma_semaphore, #tpu.memory_space<semaphore_mem>>
      %dma_start3A_59 = arith.constant 0 : i32
      %dma_start3A_60 = tpu.memref_slice %arg6[%arg0, %add3A_57, %dma_start3A_59] : memref<2x10240x128xf32, #tpu.memory_space<hbm>> -> memref<1x128x128xf32, #tpu.memory_space<hbm>>
      %dma_start3A_61 = tpu.memref_squeeze %dma_start3A_60 : memref<1x128x128xf32, #tpu.memory_space<hbm>> -> memref<128x128xf32, #tpu.memory_space<hbm>>
      %dma_start3A_62 = arith.constant 0 : i32
      %dma_start3A_63 = tpu.memref_slice %arg6[%arg0, %add3A_57, %dma_start3A_62] : memref<2x10240x128xf32, #tpu.memory_space<hbm>> -> memref<1x128x128xf32, #tpu.memory_space<hbm>>
      %dma_start3A_64 = tpu.memref_squeeze %dma_start3A_63 : memref<1x128x128xf32, #tpu.memory_space<hbm>> -> memref<128x128xf32, #tpu.memory_space<hbm>>
      tpu.enqueue_dma source(%arg9 : memref<128x128xf32, #tpu.memory_space<vmem>>) target(%dma_start3A_64 : memref<128x128xf32, #tpu.memory_space<hbm>>) target_semaphore(%run_scoped3A_58 : memref<!tpu.dma_semaphore, #tpu.memory_space<semaphore_mem>>)
      %dma_wait3A = arith.constant 0 : i32
      %dma_wait3A_65 = tpu.memref_slice %arg6[%arg0, %add3A_57, %dma_wait3A] : memref<2x10240x128xf32, #tpu.memory_space<hbm>> -> memref<1x128x128xf32, #tpu.memory_space<hbm>>
      %dma_wait3A_66 = tpu.memref_squeeze %dma_wait3A_65 : memref<1x128x128xf32, #tpu.memory_space<hbm>> -> memref<128x128xf32, #tpu.memory_space<hbm>>
      %dma_wait3A_67 = arith.constant 0 : i32
      %dma_wait3A_68 = tpu.memref_slice %arg6[%arg0, %add3A_57, %dma_wait3A_67] : memref<2x10240x128xf32, #tpu.memory_space<hbm>> -> memref<1x128x128xf32, #tpu.memory_space<hbm>>
      %dma_wait3A_69 = tpu.memref_squeeze %dma_wait3A_68 : memref<1x128x128xf32, #tpu.memory_space<hbm>> -> memref<128x128xf32, #tpu.memory_space<hbm>>
      tpu.wait_dma2 semaphore(%run_scoped3A_58 : memref<!tpu.dma_semaphore, #tpu.memory_space<semaphore_mem>>) src(%arg9 : memref<128x128xf32, #tpu.memory_space<vmem>>) dst(%dma_wait3A_69 : memref<128x128xf32, #tpu.memory_space<hbm>>)
      tpu.yield
    }) : () -> ()
    return
  }
}

module attributes {stable_mosaic.version = 14 : i64} {
  func.func @_tc_first_body(%arg0: i32, %arg1: memref<400x128xf32, #tpu.memory_space<vmem>>, %arg2: memref<128x128xf32, #tpu.memory_space<vmem>>, %arg3: memref<400x1xf32, #tpu.memory_space<vmem>>, %arg4: memref<400x1xf32, #tpu.memory_space<vmem>>, %arg5: memref<400x128xf32, #tpu.memory_space<vmem>>, %arg6: memref<400x1xf32, #tpu.memory_space<vmem>>) attributes {dimension_semantics = [#tpu.dimension_semantics<arbitrary>], iteration_bounds = array<i64: 25>, scalar_prefetch = 0 : i64, scratch_operands = 0 : i64, tpu.core_type = #tpu.core_type<tc>, window_params = [{transform_indices = @transform_0, window_bounds = array<i64: 400, 128>}, {pipeline_mode = #tpu.pipeline_mode<synchronous>, transform_indices = @transform_1, window_bounds = array<i64: 128, 128>}, {transform_indices = @transform_2, window_bounds = array<i64: 400, 1>}, {transform_indices = @transform_3, window_bounds = array<i64: 400, 1>}, {transform_indices = @transform_4, window_bounds = array<i64: 400, 128>}, {transform_indices = @transform_5, window_bounds = array<i64: 400, 1>}]} {
    %get3A = arith.constant 0 : index
    %get3A_0 = arith.constant 0 : index
    %get3A_1 = vector.load %arg3[%get3A, %get3A_0] : memref<400x1xf32, #tpu.memory_space<vmem>>, vector<400x1xf32>
    %get3A_2 = arith.constant 0 : index
    %get3A_3 = arith.constant 0 : index
    %get3A_4 = vector.load %arg4[%get3A_2, %get3A_3] : memref<400x1xf32, #tpu.memory_space<vmem>>, vector<400x1xf32>
    %add3A = arith.addf %get3A_1, %get3A_4 : vector<400x1xf32>
    %add3A_5 = arith.constant 1.000000e+00 : f32
    %add3A_6 = vector.broadcast %add3A_5 : f32 to vector<400x1xf32>
    %add3A_7 = arith.addf %add3A, %add3A_6 : vector<400x1xf32>
    %rsqrt3A = math.rsqrt %add3A_7 : vector<400x1xf32>
    %get3A_8 = arith.constant 0 : index
    %get3A_9 = arith.constant 0 : index
    %get3A_10 = vector.load %arg1[%get3A_8, %get3A_9] : memref<400x128xf32, #tpu.memory_space<vmem>>, vector<400x128xf32>
    %get3A_11 = arith.constant 0 : index
    %get3A_12 = arith.constant 0 : index
    %get3A_13 = vector.load %arg2[%get3A_11, %get3A_12] : memref<128x128xf32, #tpu.memory_space<vmem>>, vector<128x128xf32>
    %dot_general3A = arith.constant dense<0.000000e+00> : vector<400x128xf32>
    %dot_general3A_14 = tpu.matmul %get3A_10, %get3A_13, %dot_general3A {dimension_numbers = #tpu.dot_dimension_numbers<[1], [0], [0], [1], [0, 0, 1, 1], [], []>, transpose_lhs_hint = false} : vector<400x128xf32>, vector<128x128xf32>, vector<400x128xf32> -> vector<400x128xf32>
    %mul3A = vector.broadcast %rsqrt3A : vector<400x1xf32> to vector<400x128xf32>
    %mul3A_15 = arith.mulf %dot_general3A_14, %mul3A : vector<400x128xf32>
    %swap3A = arith.constant 0 : index
    %swap3A_16 = arith.constant 0 : index
    %swap3A_17 = vector.load %arg5[%swap3A, %swap3A_16] : memref<400x128xf32, #tpu.memory_space<vmem>>, vector<400x128xf32>
    tpu.vector_store %arg5[%swap3A, %swap3A_16], %mul3A_15 {strides = array<i32>} : memref<400x128xf32, #tpu.memory_space<vmem>>, vector<400x128xf32>,
    %swap3A_18 = arith.constant 0 : index
    %swap3A_19 = arith.constant 0 : index
    %swap3A_20 = vector.load %arg6[%swap3A_18, %swap3A_19] : memref<400x1xf32, #tpu.memory_space<vmem>>, vector<400x1xf32>
    tpu.vector_store %arg6[%swap3A_18, %swap3A_19], %rsqrt3A {strides = array<i32>} : memref<400x1xf32, #tpu.memory_space<vmem>>, vector<400x1xf32>,
    return
  }
  func.func @transform_0(%arg0: i32) -> (i32, i32) {
    %c0_i32 = arith.constant 0 : i32
    %c0_i32_0 = arith.constant 0 : i32
    return %arg0, %c0_i32 : i32, i32
  }
  func.func @transform_1(%arg0: i32) -> (i32, i32) {
    %c0_i32 = arith.constant 0 : i32
    %c0_i32_0 = arith.constant 0 : i32
    %c0_i32_1 = arith.constant 0 : i32
    return %c0_i32, %c0_i32_0 : i32, i32
  }
  func.func @transform_2(%arg0: i32) -> (i32, i32) {
    %c0_i32 = arith.constant 0 : i32
    %c0_i32_0 = arith.constant 0 : i32
    return %arg0, %c0_i32 : i32, i32
  }
  func.func @transform_3(%arg0: i32) -> (i32, i32) {
    %c0_i32 = arith.constant 0 : i32
    %c0_i32_0 = arith.constant 0 : i32
    return %arg0, %c0_i32 : i32, i32
  }
  func.func @transform_4(%arg0: i32) -> (i32, i32) {
    %c0_i32 = arith.constant 0 : i32
    %c0_i32_0 = arith.constant 0 : i32
    return %arg0, %c0_i32 : i32, i32
  }
  func.func @transform_5(%arg0: i32) -> (i32, i32) {
    %c0_i32 = arith.constant 0 : i32
    %c0_i32_0 = arith.constant 0 : i32
    return %arg0, %c0_i32 : i32, i32
  }
}

module attributes {stable_mosaic.version = 14 : i64} {
  func.func @_tc_mid_body(%arg0: i32, %arg1: memref<400x128xf32, #tpu.memory_space<vmem>>, %arg2: memref<400x128xf32, #tpu.memory_space<vmem>>, %arg3: memref<400x128xf32, #tpu.memory_space<vmem>>, %arg4: memref<400x1xf32, #tpu.memory_space<vmem>>, %arg5: memref<1x128xf32, #tpu.memory_space<vmem>>, %arg6: memref<128x128xf32, #tpu.memory_space<vmem>>, %arg7: memref<400x128xf32, #tpu.memory_space<vmem>>) attributes {dimension_semantics = [#tpu.dimension_semantics<arbitrary>], iteration_bounds = array<i64: 25>, scalar_prefetch = 0 : i64, scratch_operands = 0 : i64, tpu.core_type = #tpu.core_type<tc>, window_params = [{transform_indices = @transform_0, window_bounds = array<i64: 400, 128>}, {transform_indices = @transform_1, window_bounds = array<i64: 400, 128>}, {transform_indices = @transform_2, window_bounds = array<i64: 400, 128>}, {transform_indices = @transform_3, window_bounds = array<i64: 400, 1>}, {pipeline_mode = #tpu.pipeline_mode<synchronous>, transform_indices = @transform_4, window_bounds = array<i64: 1, 128>}, {pipeline_mode = #tpu.pipeline_mode<synchronous>, transform_indices = @transform_5, window_bounds = array<i64: 128, 128>}, {transform_indices = @transform_6, window_bounds = array<i64: 400, 128>}]} {
    %get3A = arith.constant 0 : index
    %get3A_0 = arith.constant 0 : index
    %get3A_1 = vector.load %arg4[%get3A, %get3A_0] : memref<400x1xf32, #tpu.memory_space<vmem>>, vector<400x1xf32>
    %get3A_2 = arith.constant 0 : index
    %get3A_3 = arith.constant 0 : index
    %get3A_4 = vector.load %arg1[%get3A_2, %get3A_3] : memref<400x128xf32, #tpu.memory_space<vmem>>, vector<400x128xf32>
    %get3A_5 = arith.constant 0 : index
    %get3A_6 = arith.constant 0 : index
    %get3A_7 = vector.load %arg2[%get3A_5, %get3A_6] : memref<400x128xf32, #tpu.memory_space<vmem>>, vector<400x128xf32>
    %add3A = arith.addf %get3A_4, %get3A_7 : vector<400x128xf32>
    %get3A_8 = arith.constant 0 : index
    %get3A_9 = arith.constant 0 : index
    %get3A_10 = vector.load %arg3[%get3A_8, %get3A_9] : memref<400x128xf32, #tpu.memory_space<vmem>>, vector<400x128xf32>
    %add3A_11 = arith.addf %add3A, %get3A_10 : vector<400x128xf32>
    %mul3A = vector.broadcast %get3A_1 : vector<400x1xf32> to vector<400x128xf32>
    %mul3A_12 = arith.mulf %mul3A, %add3A_11 : vector<400x128xf32>
    %get3A_13 = arith.constant 0 : index
    %get3A_14 = arith.constant 0 : index
    %get3A_15 = vector.load %arg5[%get3A_13, %get3A_14] : memref<1x128xf32, #tpu.memory_space<vmem>>, vector<1x128xf32>
    %add3A_16 = vector.broadcast %get3A_15 : vector<1x128xf32> to vector<400x128xf32>
    %add3A_17 = arith.addf %mul3A_12, %add3A_16 : vector<400x128xf32>
    %max3A = arith.constant 0.000000e+00 : f32
    %max3A_18 = vector.broadcast %max3A : f32 to vector<400x128xf32>
    %max3A_19 = arith.maximumf %add3A_17, %max3A_18 : vector<400x128xf32>
    %get3A_20 = arith.constant 0 : index
    %get3A_21 = arith.constant 0 : index
    %get3A_22 = vector.load %arg6[%get3A_20, %get3A_21] : memref<128x128xf32, #tpu.memory_space<vmem>>, vector<128x128xf32>
    %dot_general3A = arith.constant dense<0.000000e+00> : vector<400x128xf32>
    %dot_general3A_23 = tpu.matmul %max3A_19, %get3A_22, %dot_general3A {dimension_numbers = #tpu.dot_dimension_numbers<[1], [0], [0], [1], [0, 0, 1, 1], [], []>, transpose_lhs_hint = false} : vector<400x128xf32>, vector<128x128xf32>, vector<400x128xf32> -> vector<400x128xf32>
    %mul3A_24 = vector.broadcast %get3A_1 : vector<400x1xf32> to vector<400x128xf32>
    %mul3A_25 = arith.mulf %dot_general3A_23, %mul3A_24 : vector<400x128xf32>
    %swap3A = arith.constant 0 : index
    %swap3A_26 = arith.constant 0 : index
    %swap3A_27 = vector.load %arg7[%swap3A, %swap3A_26] : memref<400x128xf32, #tpu.memory_space<vmem>>, vector<400x128xf32>
    tpu.vector_store %arg7[%swap3A, %swap3A_26], %mul3A_25 {strides = array<i32>} : memref<400x128xf32, #tpu.memory_space<vmem>>, vector<400x128xf32>,
    return
  }
  func.func @transform_0(%arg0: i32) -> (i32, i32) {
    %c0_i32 = arith.constant 0 : i32
    %c0_i32_0 = arith.constant 0 : i32
    return %arg0, %c0_i32 : i32, i32
  }
  func.func @transform_1(%arg0: i32) -> (i32, i32) {
    %c0_i32 = arith.constant 0 : i32
    %c0_i32_0 = arith.constant 0 : i32
    return %arg0, %c0_i32 : i32, i32
  }
  func.func @transform_2(%arg0: i32) -> (i32, i32) {
    %c0_i32 = arith.constant 0 : i32
    %c0_i32_0 = arith.constant 0 : i32
    return %arg0, %c0_i32 : i32, i32
  }
  func.func @transform_3(%arg0: i32) -> (i32, i32) {
    %c0_i32 = arith.constant 0 : i32
    %c0_i32_0 = arith.constant 0 : i32
    return %arg0, %c0_i32 : i32, i32
  }
  func.func @transform_4(%arg0: i32) -> (i32, i32) {
    %c0_i32 = arith.constant 0 : i32
    %c0_i32_0 = arith.constant 0 : i32
    %c0_i32_1 = arith.constant 0 : i32
    return %c0_i32, %c0_i32_0 : i32, i32
  }
  func.func @transform_5(%arg0: i32) -> (i32, i32) {
    %c0_i32 = arith.constant 0 : i32
    %c0_i32_0 = arith.constant 0 : i32
    %c0_i32_1 = arith.constant 0 : i32
    return %c0_i32, %c0_i32_0 : i32, i32
  }
  func.func @transform_6(%arg0: i32) -> (i32, i32) {
    %c0_i32 = arith.constant 0 : i32
    %c0_i32_0 = arith.constant 0 : i32
    return %arg0, %c0_i32 : i32, i32
  }
}

module attributes {stable_mosaic.version = 14 : i64} {
  func.func @_tc_final_body(%arg0: i32, %arg1: memref<400x128xf32, #tpu.memory_space<vmem>>, %arg2: memref<400x128xf32, #tpu.memory_space<vmem>>, %arg3: memref<400x128xf32, #tpu.memory_space<vmem>>, %arg4: memref<400x1xf32, #tpu.memory_space<vmem>>, %arg5: memref<1x128xf32, #tpu.memory_space<vmem>>, %arg6: memref<400x128xf32, #tpu.memory_space<vmem>>) attributes {dimension_semantics = [#tpu.dimension_semantics<arbitrary>], iteration_bounds = array<i64: 25>, scalar_prefetch = 0 : i64, scratch_operands = 0 : i64, tpu.core_type = #tpu.core_type<tc>, window_params = [{transform_indices = @transform_0, window_bounds = array<i64: 400, 128>}, {transform_indices = @transform_1, window_bounds = array<i64: 400, 128>}, {transform_indices = @transform_2, window_bounds = array<i64: 400, 128>}, {transform_indices = @transform_3, window_bounds = array<i64: 400, 1>}, {pipeline_mode = #tpu.pipeline_mode<synchronous>, transform_indices = @transform_4, window_bounds = array<i64: 1, 128>}, {transform_indices = @transform_5, window_bounds = array<i64: 400, 128>}]} {
    %get3A = arith.constant 0 : index
    %get3A_0 = arith.constant 0 : index
    %get3A_1 = vector.load %arg4[%get3A, %get3A_0] : memref<400x1xf32, #tpu.memory_space<vmem>>, vector<400x1xf32>
    %get3A_2 = arith.constant 0 : index
    %get3A_3 = arith.constant 0 : index
    %get3A_4 = vector.load %arg1[%get3A_2, %get3A_3] : memref<400x128xf32, #tpu.memory_space<vmem>>, vector<400x128xf32>
    %get3A_5 = arith.constant 0 : index
    %get3A_6 = arith.constant 0 : index
    %get3A_7 = vector.load %arg2[%get3A_5, %get3A_6] : memref<400x128xf32, #tpu.memory_space<vmem>>, vector<400x128xf32>
    %add3A = arith.addf %get3A_4, %get3A_7 : vector<400x128xf32>
    %get3A_8 = arith.constant 0 : index
    %get3A_9 = arith.constant 0 : index
    %get3A_10 = vector.load %arg3[%get3A_8, %get3A_9] : memref<400x128xf32, #tpu.memory_space<vmem>>, vector<400x128xf32>
    %add3A_11 = arith.addf %add3A, %get3A_10 : vector<400x128xf32>
    %mul3A = vector.broadcast %get3A_1 : vector<400x1xf32> to vector<400x128xf32>
    %mul3A_12 = arith.mulf %mul3A, %add3A_11 : vector<400x128xf32>
    %get3A_13 = arith.constant 0 : index
    %get3A_14 = arith.constant 0 : index
    %get3A_15 = vector.load %arg5[%get3A_13, %get3A_14] : memref<1x128xf32, #tpu.memory_space<vmem>>, vector<1x128xf32>
    %add3A_16 = vector.broadcast %get3A_15 : vector<1x128xf32> to vector<400x128xf32>
    %add3A_17 = arith.addf %mul3A_12, %add3A_16 : vector<400x128xf32>
    %swap3A = arith.constant 0 : index
    %swap3A_18 = arith.constant 0 : index
    %swap3A_19 = vector.load %arg6[%swap3A, %swap3A_18] : memref<400x128xf32, #tpu.memory_space<vmem>>, vector<400x128xf32>
    tpu.vector_store %arg6[%swap3A, %swap3A_18], %add3A_17 {strides = array<i32>} : memref<400x128xf32, #tpu.memory_space<vmem>>, vector<400x128xf32>,
    return
  }
  func.func @transform_0(%arg0: i32) -> (i32, i32) {
    %c0_i32 = arith.constant 0 : i32
    %c0_i32_0 = arith.constant 0 : i32
    return %arg0, %c0_i32 : i32, i32
  }
  func.func @transform_1(%arg0: i32) -> (i32, i32) {
    %c0_i32 = arith.constant 0 : i32
    %c0_i32_0 = arith.constant 0 : i32
    return %arg0, %c0_i32 : i32, i32
  }
  func.func @transform_2(%arg0: i32) -> (i32, i32) {
    %c0_i32 = arith.constant 0 : i32
    %c0_i32_0 = arith.constant 0 : i32
    return %arg0, %c0_i32 : i32, i32
  }
  func.func @transform_3(%arg0: i32) -> (i32, i32) {
    %c0_i32 = arith.constant 0 : i32
    %c0_i32_0 = arith.constant 0 : i32
    return %arg0, %c0_i32 : i32, i32
  }
  func.func @transform_4(%arg0: i32) -> (i32, i32) {
    %c0_i32 = arith.constant 0 : i32
    %c0_i32_0 = arith.constant 0 : i32
    %c0_i32_1 = arith.constant 0 : i32
    return %c0_i32, %c0_i32_0 : i32, i32
  }
  func.func @transform_5(%arg0: i32) -> (i32, i32) {
    %c0_i32 = arith.constant 0 : i32
    %c0_i32_0 = arith.constant 0 : i32
    return %arg0, %c0_i32 : i32, i32
  }
}

</mosaic_0001>

<sc_bundles>
// kernel: kernel.10.cloned.1.call-start
scs
__scs_entry_jumppad:
0x0: {  	(pc) =	sbr.rel $0x88, $3  }
0x1: {  	(tag) =	ssettag $0x0;
	lr =	simm.s32 $0x1  }
0x2: {  	[smem:$0x3F99] =	sst lr;
	_ =	strace $0xD0000000  }
0x3: {  	_ = 	snop  }
0x4: {  	_ = 	snop  }
0x5: {  	_ = 	snop  }
0x6: {  	_ = 	snop  }
0x7: {  	_ = 	snop  }
__scs_overlays_trampoline_lowered:
0x8: {  	[smem:$0x3FA8] =	sst s0  }
0x9: {  	[smem:$0x3FA9] =	sst s1  }
0xa: {  	[smem:$0x3FAA] =	sst s2  }
0xb: {  	[smem:$0x3FAB] =	sst s3  }
0xc: {  	[smem:$0x3FAC] =	sst s4  }
0xd: {  	[smem:$0x3FAD] =	sst s5  }
0xe: {  	[smem:$0x3FAE] =	sst s6  }
0xf: {  	[smem:$0x3FAF] =	sst s7  }
0x10: {  	[smem:$0x3FB0] =	sst s8  }
0x11: {  	[smem:$0x3FB1] =	sst s9;
	s0 =	simm.s32 @!p0 $0x0  }
0x12: {  	s1 =	sld [smem:$0x3F97];
	s0 =	simm.s32 @p0 $0x1  }
0x13: {  	[smem:$0x3FB2] =	sst s0;
	s0 =	simm.s32 @!p1 $0x0  }
0x14: {  	s2 =	sld [smem:$0x3F96];
	s0 =	simm.s32 @p1 $0x1  }
0x15: {  	[smem:$0x3FB3] =	sst s0;
	s0 =	simm.s32 @!p2 $0x0  }
0x16: {  	s3 =	sld [smem:$0x3FDB];
	s0 =	simm.s32 @p2 $0x1  }
0x17: {  	s4 =	simm.s32 $0x1BF5;
	[smem:$0x3FB5] =	sst s0  }
0x18: {  	s0 =	sld [smem:$0x3F98];
	_ =	swait.ge [sflag:s4], $0x0  }
0x19: {  	s7 =	sld [smem:$0x3F99]  }
0x1a: {  	s8 =	sadd.s32 $0xFFFFE003, lr  }
0x1b: {  	s9 =	sadd.s32 $0xFFFFFEF7, lr;
	s5 =	simm.s32 $0xFFFFFFFF;
	p2 =	slt.u32 s8, $0xFFFFF086  }
0x1c: {  	p1 =	slt.u32 s9, $0xF7A;
	s5 =	simm.s32 @!p2 $0x0  }
0x1d: {  	s5 =	simm.s32 @p1 $0x1;
	p0 =	seq.s32 s7, s2  }
0x1e: {  	s7 =	smul.u32 @!p0 $0xF7A, s2;
	p2 =	seq.s32 @!p0 s5, $0x0  }
0x1f: {  	s9 =	smul.u32 $0xF7A, s1;
	s8 =	simm.s32 @!p0 $0x1BF5;
	p2 =	por !p2, p0  }
0x20: {  	[sflag:s8] =	ssyncset.s32 @!p0 $0xFFFFF086;
	s6 =	sadd.s32 @!p0 s3, s7;
	s7 =	simm.s32 @!p0 $0x108  }
0x21: {  	s3 =	sadd.s32 s3, s9;
	s6 =	sadd.s32 @!p0 $0x88, s6;
	s7 =	simm.s32 @p2 $0x1082  }
0x22: {  	[simem:s7], [sflag:s8] =	dma.local @!p0 [hbm:s6], $0xF7A  }
0x23: {  	s9 =	sor.u32 $0xD0000000, s2;
	s6 =	simm.s32 $0x108;
	_ =	swait.ge @!p0 [sflag:s8], $0x0  }
0x24: {  	s3 =	sadd.s32 $0x88, s3;
	s6 =	simm.s32 @!p1 $0x1082;
	[sflag:s4] =	ssyncset.s32 $0xFFFFF086  }
0x25: {  	[simem:s6], [sflag:s4] =	dma.local [hbm:s3], $0xF7A  }
0x26: {  	[smem:$0x3F99] =	sst s1;
	(tag) =	ssettag s2;
	_ =	strace s9  }
0x27: {  	s1 =	sld [smem:$0x3FA9]  }
0x28: {  	s2 =	sld [smem:$0x3FAA]  }
0x29: {  	s4 =	sld [smem:$0x3FAC]  }
0x2a: {  	p0 =	seq.s32 s5, $0x0;
	s5 =	sld [smem:$0x3FAD]  }
0x2b: {  	s6 =	sld [smem:$0x3FAE]  }
0x2c: {  	s7 =	sld [smem:$0x3FAF]  }
0x2d: {  	s3 =	simm.s32 $0x108;
	s8 =	sld [smem:$0x3FB0]  }
0x2e: {  	s3 =	simm.s32 @!p0 $0x1082;
	s9 =	sld [smem:$0x3FB1]  }
0x2f: {  	lr =	sadd.s32 s0, s3;
	s0 =	sld [smem:$0x3FA8]  }
0x30: {  	s3 =	sld [smem:$0x3FAB]  }
0x31: {  	[smem:$0x3FB4] =	sst s10  }
0x32: {  	s10 =	sld [smem:$0x3FB2];
	_ =	sdelay $0x3  }
0x33: {  	p0 =	seq.s32 s10, $0x1;
	s10 =	sld [smem:$0x3FB4];
	_ =	sdelay $0x3  }
0x34: {  	[smem:$0x3FB4] =	sst s10  }
0x35: {  	s10 =	sld [smem:$0x3FB3];
	_ =	sdelay $0x3  }
0x36: {  	p1 =	seq.s32 s10, $0x1;
	s10 =	sld [smem:$0x3FB4];
	_ =	sdelay $0x3  }
0x37: {  	[smem:$0x3FB4] =	sst s10  }
0x38: {  	s10 =	sld [smem:$0x3FB5]  }
0x39: {  	_ = 	snop;
	(pc) =	sbr.ind lr, $3  }
0x3a: {  	_ = 	snop  }
0x3b: {  	_ = 	snop  }
0x3c: {  	p2 =	seq.s32 s10, $0x1;
	s10 =	sld [smem:$0x3FB4]  }
0x3d: {  	_ =	shalt  }
0x3e: {  	_ =	shalt  }
0x3f: {  	_ =	shalt  }
0x40: {  	_ =	shalt  }
0x41: {  	_ =	shalt  }
0x42: {  	_ =	shalt  }
0x43: {  	_ =	shalt  }
0x44: {  	_ =	shalt  }
0x45: {  	_ =	shalt  }
0x46: {  	_ =	shalt  }
0x47: {  	_ =	shalt  }
0x48: {  	_ =	shalt  }
0x49: {  	_ =	shalt  }
0x4a: {  	_ =	shalt  }
0x4b: {  	_ =	shalt  }
0x4c: {  	_ =	shalt  }
0x4d: {  	_ =	shalt  }
0x4e: {  	_ =	shalt  }
0x4f: {  	_ =	shalt  }
0x50: {  	_ =	shalt  }
0x51: {  	_ =	shalt  }
0x52: {  	_ =	shalt  }
0x53: {  	_ =	shalt  }
0x54: {  	_ =	shalt  }
0x55: {  	_ =	shalt  }
0x56: {  	_ =	shalt  }
0x57: {  	_ =	shalt  }
0x58: {  	_ =	shalt  }
0x59: {  	_ =	shalt  }
0x5a: {  	_ =	shalt  }
0x5b: {  	_ =	shalt  }
0x5c: {  	_ =	shalt  }
0x5d: {  	_ =	shalt  }
0x5e: {  	_ =	shalt  }
0x5f: {  	_ =	shalt  }
0x60: {  	_ =	shalt  }
0x61: {  	_ =	shalt  }
0x62: {  	_ =	shalt  }
0x63: {  	_ =	shalt  }
0x64: {  	_ =	shalt  }
0x65: {  	_ =	shalt  }
0x66: {  	_ =	shalt  }
0x67: {  	_ =	shalt  }
0x68: {  	_ =	shalt  }
0x69: {  	_ =	shalt  }
0x6a: {  	_ =	shalt  }
0x6b: {  	_ =	shalt  }
0x6c: {  	_ =	shalt  }
0x6d: {  	_ =	shalt  }
0x6e: {  	_ =	shalt  }
0x6f: {  	_ =	shalt  }
0x70: {  	_ =	shalt  }
0x71: {  	_ =	shalt  }
0x72: {  	_ =	shalt  }
0x73: {  	_ =	shalt  }
0x74: {  	_ =	shalt  }
0x75: {  	_ =	shalt  }
0x76: {  	_ =	shalt  }
0x77: {  	_ =	shalt  }
0x78: {  	_ =	shalt  }
0x79: {  	_ =	shalt  }
0x7a: {  	_ =	shalt  }
0x7b: {  	_ =	shalt  }
0x7c: {  	_ =	shalt  }
0x7d: {  	_ =	shalt  }
0x7e: {  	_ =	shalt  }
0x7f: {  	_ =	shalt  }
0x80: {  	_ =	shalt  }
0x81: {  	_ =	shalt  }
0x82: {  	_ =	shalt  }
0x83: {  	_ =	shalt  }
0x84: {  	_ =	shalt  }
0x85: {  	_ =	shalt  }
0x86: {  	_ =	shalt  }
0x87: {  	_ =	shalt  }
.Lfunc_end0:
.L_simem_size_0:
called_computation_lowered:
.L_overlay_start_0:
0x88: {  	s2 =	sld [smem:$0x3FD9]  }
0x89: {  	s3 =	sld [smem:$0x3FFE];
	_ =	sdelay $0x1  }
0x8a: {  	s1 =	srdreg.scid  }
0x8b: {  	s0 =	sand.u32 $0x1, s1  }
0x8c: {  	s17 =	sshll.u32 s0, $0xA;
	s2 =	sadd.s32 s3, s2  }
0x8d: {  	s2 =	sadd.s32 s2, s17  }
0x8e: {  	[smem:$0x3FC0] =	sst s2  }
0x8f: {  	_ = 	snop  }
0x90: {  	s2 =	sld [smem:$0x3FD0];
	(tm) =	ssettm $0x1  }
0x91: {  	s18 =	sld [smem:$0x3FFB];
	_ =	sdelay $0x3  }
0x92: {  	_ =	strace s18  }
0x93: {  	s3 =	sld [smem:$0x3FFC];
	_ =	sdelay $0x3  }
0x94: {  	_ =	strace s3  }
0x95: {  	s3 =	sld [smem:$0x3FFD];
	_ =	sdelay $0x3  }
0x96: {  	_ =	strace s3  }
0x97: {  	_ =	strace $0x8FFFFFFF  }
0x98: {  	s19 =	sld [smem:$0x3FDB];
	_ =	sdelay $0x1  }
0x99: {  	s4 =	simm.s32 $_scs_section_size  }
0x9a: {  	s5 =	simm.s32 $_size__tile_overlayer_lowered;
	s6 =	simm.s32 $_tile_overlayer_lowered  }
0x9b: {  	s22 =	simm.s32 $0x1BFF;
	s21 =	sshll.u32 s6, $0x1;
	s3 =	sadd.s32 s4, s19  }
0x9c: {  	s7 =	simm.s32 $0x0;
	s20 =	sshll.u32 s5, $0x1;
	s5 =	sadd.s32 s21, s3  }
0x9d: {  	[timem:s7], [sflag:s22] =	dma.local [hbm:s5], s20  }
0x9e: {  	_ =	swait.ge [sflag:s22], s20  }
0x9f: {  	s4 =	ssub.s32 $0x0, s20;
	[sflag:s22] =	ssyncset.done $0x0  }
0xa0: {  	[sflag:s22] =	ssyncadd.s32 s4;
	_ =	sdelay $0x1  }
0xa1: {  	s23 =	simm.s32 $0x1B8B  }
0xa2: {  	_ =	swait.ge [sflag:s23], $0x1  }
0xa3: {  	[sflag:s23] =	ssyncset.done $0x0  }
0xa4: {  	s25 =	simm.s32 $0x1B8E;
	s24 =	sld [smem:$0x3FFE];
	[sflag:s23] =	ssyncadd.s32 $0xFFFFFFFF  }
0xa5: {  	s26 =	simm.s32 $execute0_lowered;
	[smem:$0x3FD2] =	sst s25  }
0xa6: {  	s5 =	sshll.u32 s26, $0x1;
	_ =	strace $0x80000046;
	[dreg:$0x1] =	wrdreg $0xFFFFFFFF  }
0xa7: {  	s28 =	simm.s32 $_size_execute0_lowered;
	s3 =	sadd.s32 s3, s5;
	[dreg:$0x0] =	wrdreg $0x0  }
0xa8: {  	s5 =	sshll.u32 s28, $0x1;
	[dreg:$0x2] =	wrdreg s3  }
0xa9: {  	[dreg:$0x3] =	wrdreg s5  }
0xaa: {  	[dreg:$0x4] =	wrdreg $0xC0  }
0xab: {  	_ =	task [dreg:s7], $0x5FFFF  }
0xac: {  	[dreg:$0x1] =	wrdreg $0xFFFFFFFF  }
0xad: {  	[dreg:$0x0] =	wrdreg $0x60  }
0xae: {  	[dreg:$0x2] =	wrdreg s24  }
0xaf: {  	[dreg:$0x3] =	wrdreg s2  }
0xb0: {  	[dreg:$0x4] =	wrdreg $0xA8000  }
0xb1: {  	[dreg:$0x5] =	wrdreg $0x9  }
0xb2: {  	_ =	task.clear_ibuf [dreg:s7], $0x6FFFF;
	_ =	strace $0x90000046  }
0xb3: {  	s29 =	simm.s32 $0x9;
	_ =	strace $0x80000048  }
0xb4: {  	_ =	swait.ge [sflag:s29], $0x1  }
0xb5: {  	[sflag:s29] =	ssyncadd.s32 $0xFFFFFFFF  }
0xb6: {  	_ =	strace $0x90000048  }
0xb7: {  	_ =	sfence  }
0xb8: {  	s30 =	sld [smem:$0x0];
	_ =	sdelay $0x2  }
0xb9: {  	s31 =	sshll.u32 s1, $0xD;
	s1 =	sshrl.u32 s1, $0x2  }
0xba: {  	s3 =	sand.u32 $0x4000, s31;
	s1 =	sadd.s32 s1, s30  }
0xbb: {  	s0 =	sor.u32 s3, s0;
	s1 =	sshll.u32 s1, $0x11  }
0xbc: {  	s0 =	sor.u32 s1, s0  }
0xbd: {  	s0 =	sadd.s32 $0x8F2B, s0  }
0xbe: {  	[sflag:s0] =	ssyncadd.remote.s32 $0x1  }
0xbf: {  	_ =	sfence.sel $0xFFFF  }
0xc0: {  	[dreg:$0x0] =	wrdreg $0xFFFFFFFF;
	(pc) =	sbr.abs _section_cstart, $3  }
0xc1: {  	[dreg:$0x1] =	wrdreg $0xFFFFFFFF  }
0xc2: {  	_ =	task.clear_ibuf [dreg:s7], $0x2FFFF;
	_ =	strace $0x9FFFFFFF  }
0xc3: {  	(tm) =	ssettm $0x7FFFFFFF  }
tec
execute0_lowered:
.L_overlay_start_1:
0x0: {  	(tag) =	ssettag $0x1  }
0x1: {  	s6 =	rddreg [dreg:$0x0]  }
0x2: {  	s0 =	srdreg.scid;
	s2 =	rddreg [dreg:$0x1]  }
0x3: {  	s3 =	rddreg [dreg:$0x2];
	s8 =	sand.u32 $0x1, s0  }
0x4: {  	s0 =	stileid.u32;
	s5 =	smul.u32 $0x28000, s8  }
0x5: {  	s1 =	rddreg [dreg:$0x3];
	s4 =	simm.s32 $0x0;
	s7 =	smul.u32 $0x2800, s0  }
0x6: {  	s21 =	simm.s32 $0x80;
	s22 =	simm.s32 $0x0;
	s9 =	smul.u32 $0x50000, s0  }
0x7: {  	[smem:$0x7FF] =	sst s4;
	s16 =	sadd.s32 $0xF000, s6;
	s11 =	smul.u32 $0x14000, s0  }
0x8: {  	_ =	strace $0x80000047;
	s31 =	ssub.s32 $0x2, s8;
	s15 =	smul.u32 $0x140000, s8  }
0x9: {  	s10 =	sshrl.u32 s31, $0x1;
	s5 =	sadd.s32 s7, s5;
	s9 =	sshrl.u32 s9, $0x2  }
0xa: {  	s17 =	ssub.s32 s31, s10;
	s12 =	sadd.s32 $0x4000, s11;
	s14 =	sadd.s32 $0x8000, s11  }
0xb: {  	s18 =	sadd.s32 $0xC000, s11;
	s13 =	sadd.s32 s11, s15;
	s19 =	sadd.s32 $0x10000, s11  }
0xc: {  	s5 =	sshrl.u32 s5, $0x3;
	s7 =	sadd.s32 s9, s3;
	s8 =	sadd.s32 s12, s3  }
0xd: {  	s9 =	sadd.s32 s14, s3;
	s10 =	sadd.s32 s18, s3;
	s12 =	sadd.s32 s15, s12  }
0xe: {  	s13 =	sshrl.u32 s13, $0x3;
	s11 =	sadd.s32 s19, s3;
	s14 =	sadd.s32 s15, s14  }
0xf: {  	s18 =	sadd.s32 s15, s18;
	s15 =	sadd.s32 s15, s19;
	s17 =	smax.u32 s17, $0x1  }
0x10: {  	s30 =	sadd.s32 s5, s6;
	s5 =	sadd.s32 $0xE800, s6;
	s20 =	sshrl.u32 s12, $0x3  }
0x11: {  	s12 =	sadd.s32 s16, s13;
	s14 =	sshrl.u32 s14, $0x3;
	s18 =	sshrl.u32 s18, $0x3  }
0x12: {  	s19 =	sshrl.u32 s15, $0x3;
	s6 =	sadd.s32 $0x4800, s30;
	s13 =	sadd.s32 s16, s20  }
0x13: {  	s14 =	sadd.s32 s16, s14;
	s15 =	sadd.s32 s16, s18;
	s16 =	sadd.s32 s16, s19  }
0x14: {  	s18 =	simm.s32 $0x1;
	s19 =	simm.s32 $0x2800;
	s20 =	simm.s32 $0x6800  }
.LBB2_1:
0x15: {  	[tilespmem:s4], [sflag:$0x1] =	stream.linear.gather [hbm4b:s6+s4], $0x2800, $0x38;
	[tilespmem:$0x1E800] =	vst v63  }
0x16: {  	_ =	swait.ge [sflag:s18], $0x2800  }
0x17: {  	[sflag:s18] =	ssyncset.done $0x0  }
0x18: {  	[sflag:s18] =	ssyncadd.s32 $0xFFFFD800  }
0x19: {  	[tilespmem:s19], [sflag:$0x1] =	stream.linear.gather [hbm4b:s2+s4], $0x4000, $0x38;
	[tilespmem:$0x1E800] =	vst v63  }
0x1a: {  	_ =	swait.ge [sflag:s18], $0x4000  }
0x1b: {  	[sflag:s18] =	ssyncset.done $0x0  }
0x1c: {  	[sflag:s18] =	ssyncadd.s32 $0xFFFFC000  }
0x1d: {  	[tilespmem:s20], [sflag:$0x1] =	stream.linear.gather [hbm4b:s5+s4], $0x4000, $0x38;
	[tilespmem:$0x1E800] =	vst v63  }
0x1e: {  	_ =	swait.ge [sflag:s18], $0x4000  }
0x1f: {  	[sflag:s18] =	ssyncset.done $0x0  }
0x20: {  	[sflag:s18] =	ssyncadd.s32 $0xFFFFC000  }
0x21: {  	[spmem:s7] =	stream.linear.scatter [tilespmem:s20], [sflag:$0x1], $0x4000, $0x38;
	[tilespmem:$0x1E800] =	vst v63  }
0x22: {  	_ =	swait.ge [sflag:s18], $0x4000  }
0x23: {  	[sflag:s18] =	ssyncset.done $0x0  }
0x24: {  	[sflag:s18] =	ssyncadd.s32 $0xFFFFC000  }
0x25: {  	[spmem:s8] =	stream.linear.scatter [tilespmem:s20], [sflag:$0x1], $0x4000, $0x38;
	[tilespmem:$0x1E800] =	vst v63  }
0x26: {  	_ =	swait.ge [sflag:s18], $0x4000  }
0x27: {  	[sflag:s18] =	ssyncset.done $0x0  }
0x28: {  	[sflag:s18] =	ssyncadd.s32 $0xFFFFC000  }
0x29: {  	[spmem:s9] =	stream.linear.scatter [tilespmem:s20], [sflag:$0x1], $0x4000, $0x38;
	[tilespmem:$0x1E800] =	vst v63  }
0x2a: {  	_ =	swait.ge [sflag:s18], $0x4000  }
0x2b: {  	[sflag:s18] =	ssyncset.done $0x0  }
0x2c: {  	[sflag:s18] =	ssyncadd.s32 $0xFFFFC000  }
0x2d: {  	[spmem:s10] =	stream.linear.scatter [tilespmem:s20], [sflag:$0x1], $0x4000, $0x38;
	[tilespmem:$0x1E800] =	vst v63  }
0x2e: {  	_ =	swait.ge [sflag:s18], $0x4000  }
0x2f: {  	[sflag:s18] =	ssyncset.done $0x0  }
0x30: {  	[sflag:s18] =	ssyncadd.s32 $0xFFFFC000  }
0x31: {  	[spmem:s11] =	stream.linear.scatter [tilespmem:s20], [sflag:$0x1], $0x4000, $0x38;
	[tilespmem:$0x1E800] =	vst v63  }
0x32: {  	_ =	swait.ge [sflag:s18], $0x4000  }
0x33: {  	[sflag:s18] =	ssyncset.done $0x0  }
0x34: {  	[sflag:s18] =	ssyncadd.s32 $0xFFFFC000  }
0x35: {  	s23 =	simm.s32 $0x0;
	[bflag:$0x0] =	sbarrier.arrive $0xFFFF  }
0x36: {  	[spmem:s3] =	stream.indirect.scatter.add.f32 [tilespmem:s19], [sflag:$0x1], $0x80, s23, s21, $0xb8;
	[tilespmem:$0x1E800] =	vst v63  }
0x37: {  	_ =	swait.ge [sflag:s18], $0x4000  }
0x38: {  	s23 =	simm.s32 $0x200;
	[sflag:s18] =	ssyncset.done $0x0  }
.LBB2_2:
0x39: {  	s24 =	sshra.s32 s23, $0x2;
	[sflag:s18] =	ssyncadd.s32 $0xFFFFC000;
	p0 =	sne.s32 s23, $0x9E00  }
0x3a: {  	[spmem:s3] =	stream.indirect.scatter.add.f32 [tilespmem:s19], [sflag:$0x1], $0x80, s24, s21, $0xb8;
	[tilespmem:$0x1E800] =	vst v63  }
.Ltmp0:
0x3b: {  	_ = 	snop;
	(pc) =	sbr.rel @p0 .LBB2_2-.Ltmp0, $4  }
0x3c: {  	_ = 	snop  }
0x3d: {  	s23 =	sadd.s32 $0x200, s23  }
0x3e: {  	_ =	swait.ge [sflag:s18], $0x4000  }
0x3f: {  	[sflag:s18] =	ssyncset.done $0x0  }
0x40: {  	[sflag:s18] =	ssyncadd.s32 $0xFFFFC000  }
0x41: {  	[bflag:$0x0] =	sbarrier.arrive $0xFFFF  }
0x42: {  	[tilespmem:s20], [sflag:$0x1] =	stream.linear.gather [spmem:s7], $0x4000, $0x38;
	[tilespmem:$0x1E800] =	vst v63  }
0x43: {  	_ =	swait.ge [sflag:s18], $0x4000  }
0x44: {  	[sflag:s18] =	ssyncset.done $0x0  }
0x45: {  	[sflag:s18] =	ssyncadd.s32 $0xFFFFC000  }
0x46: {  	[hbm4b:s12+s4] =	stream.linear.scatter [tilespmem:s20], [sflag:$0x1], $0x4000, $0x38;
	[tilespmem:$0x1E800] =	vst v63  }
0x47: {  	_ =	swait.ge [sflag:s18], $0x4000  }
0x48: {  	[sflag:s18] =	ssyncset.done $0x0  }
0x49: {  	[sflag:s18] =	ssyncadd.s32 $0xFFFFC000  }
0x4a: {  	[tilespmem:s20], [sflag:$0x1] =	stream.linear.gather [spmem:s8], $0x4000, $0x38;
	[tilespmem:$0x1E800] =	vst v63  }
0x4b: {  	_ =	swait.ge [sflag:s18], $0x4000  }
0x4c: {  	[sflag:s18] =	ssyncset.done $0x0  }
0x4d: {  	[sflag:s18] =	ssyncadd.s32 $0xFFFFC000  }
0x4e: {  	[hbm4b:s13+s4] =	stream.linear.scatter [tilespmem:s20], [sflag:$0x1], $0x4000, $0x38;
	[tilespmem:$0x1E800] =	vst v63  }
0x4f: {  	_ =	swait.ge [sflag:s18], $0x4000  }
0x50: {  	[sflag:s18] =	ssyncset.done $0x0  }
0x51: {  	[sflag:s18] =	ssyncadd.s32 $0xFFFFC000  }
0x52: {  	[tilespmem:s20], [sflag:$0x1] =	stream.linear.gather [spmem:s9], $0x4000, $0x38;
	[tilespmem:$0x1E800] =	vst v63  }
0x53: {  	_ =	swait.ge [sflag:s18], $0x4000  }
0x54: {  	[sflag:s18] =	ssyncset.done $0x0  }
0x55: {  	[sflag:s18] =	ssyncadd.s32 $0xFFFFC000  }
0x56: {  	[hbm4b:s14+s4] =	stream.linear.scatter [tilespmem:s20], [sflag:$0x1], $0x4000, $0x38;
	[tilespmem:$0x1E800] =	vst v63  }
0x57: {  	_ =	swait.ge [sflag:s18], $0x4000  }
0x58: {  	[sflag:s18] =	ssyncset.done $0x0  }
0x59: {  	[sflag:s18] =	ssyncadd.s32 $0xFFFFC000  }
0x5a: {  	[tilespmem:s20], [sflag:$0x1] =	stream.linear.gather [spmem:s10], $0x4000, $0x38;
	[tilespmem:$0x1E800] =	vst v63  }
0x5b: {  	_ =	swait.ge [sflag:s18], $0x4000  }
0x5c: {  	[sflag:s18] =	ssyncset.done $0x0  }
0x5d: {  	[sflag:s18] =	ssyncadd.s32 $0xFFFFC000  }
0x5e: {  	[hbm4b:s15+s4] =	stream.linear.scatter [tilespmem:s20], [sflag:$0x1], $0x4000, $0x38;
	[tilespmem:$0x1E800] =	vst v63  }
0x5f: {  	_ =	swait.ge [sflag:s18], $0x4000  }
0x60: {  	[sflag:s18] =	ssyncset.done $0x0  }
0x61: {  	[sflag:s18] =	ssyncadd.s32 $0xFFFFC000  }
0x62: {  	[tilespmem:s20], [sflag:$0x1] =	stream.linear.gather [spmem:s11], $0x4000, $0x38;
	[tilespmem:$0x1E800] =	vst v63  }
0x63: {  	s22 =	sadd.s32 $0x1, s22;
	_ =	swait.ge [sflag:s18], $0x4000  }
0x64: {  	p0 =	sne.s32 s22, s17;
	[sflag:s18] =	ssyncset.done $0x0  }
.Ltmp1:
0x65: {  	[sflag:s18] =	ssyncadd.s32 $0xFFFFC000;
	(pc) =	sbr.rel @p0 .LBB2_1-.Ltmp1, $4  }
0x66: {  	[hbm4b:s16+s4] =	stream.linear.scatter [tilespmem:s20], [sflag:$0x1], $0x4000, $0x38;
	[tilespmem:$0x1E800] =	vst v63  }
0x67: {  	_ =	swait.ge [sflag:s18], $0x4000  }
0x68: {  	[sflag:s18] =	ssyncset.done $0x0  }
0x69: {  	[sflag:s18] =	ssyncadd.s32 $0xFFFFC000  }
0x6a: {  	_ =	sfence.sel $0x180000  }
0x6b: {  	[bflag:$0x0] =	sbarrier.arrive $0xFFFF  }
0x6c: {  	p0 =	sne.s32 s0, $0x0;
	_ =	strace $0x90000047  }
0x6d: {  	s0 =	sadd.s32 @!p0 $0x100000, s1;
	[bflag:$0x2] =	sbarrier.arrive $0xFFFF  }
0x6e: {  	[sflag:s0] =	ssyncadd.tile.s32 @!p0 $0x1;
	_ =	shalt  }
.Lfunc_end2:
_tile_overlayer_lowered:
.L_overlay_start_2:
0x6f: {  	(tag) =	ssettag $0x2  }
0x70: {  	s0 =	rddreg [dreg:$0x0];
	s2 =	stileid.u32  }
0x71: {  	s1 =	rddreg [dreg:$0x1];
	p0 =	sne.s32 s2, $0x0  }
0x72: {  	s3 =	rddreg [dreg:$0x2];
	[bflag:$0x3] =	sbarrier.arrive $0xFFFF;
	s2 =	simm.s32 @!p0 $0x1C01  }
0x73: {  	[timem:s3], [sflag:s2] =	dma.local @!p0 [hbm:s0], s1  }
0x74: {  	s0 =	simm.s32 @!p0 $0x1  }
0x75: {  	_ =	swait.ge @!p0 [sflag:s0], s1  }
0x76: {  	s1 =	ssub.s32 @!p0 $0x0, s1;
	[sflag:s0] =	ssyncset.done @!p0 $0x0  }
0x77: {  	[sflag:s0] =	ssyncadd.s32 @!p0 s1  }
0x78: {  	[bflag:$0x3] =	sbarrier.arrive $0xFFFF  }
0x79: {  	_ =	shalt  }

// kernel: kernel.13.cloned.1.call-start
scs
__scs_entry_jumppad:
0x0: {  	(pc) =	sbr.rel $0x88, $3  }
0x1: {  	(tag) =	ssettag $0x0;
	lr =	simm.s32 $0x1  }
0x2: {  	[smem:$0x3F99] =	sst lr;
	_ =	strace $0xD0000000  }
0x3: {  	_ = 	snop  }
0x4: {  	_ = 	snop  }
0x5: {  	_ = 	snop  }
0x6: {  	_ = 	snop  }
0x7: {  	_ = 	snop  }
__scs_overlays_trampoline_lowered:
0x8: {  	[smem:$0x3FA8] =	sst s0  }
0x9: {  	[smem:$0x3FA9] =	sst s1  }
0xa: {  	[smem:$0x3FAA] =	sst s2  }
0xb: {  	[smem:$0x3FAB] =	sst s3  }
0xc: {  	[smem:$0x3FAC] =	sst s4  }
0xd: {  	[smem:$0x3FAD] =	sst s5  }
0xe: {  	[smem:$0x3FAE] =	sst s6  }
0xf: {  	[smem:$0x3FAF] =	sst s7  }
0x10: {  	[smem:$0x3FB0] =	sst s8  }
0x11: {  	[smem:$0x3FB1] =	sst s9;
	s0 =	simm.s32 @!p0 $0x0  }
0x12: {  	s1 =	sld [smem:$0x3F97];
	s0 =	simm.s32 @p0 $0x1  }
0x13: {  	[smem:$0x3FB2] =	sst s0;
	s0 =	simm.s32 @!p1 $0x0  }
0x14: {  	s2 =	sld [smem:$0x3F96];
	s0 =	simm.s32 @p1 $0x1  }
0x15: {  	[smem:$0x3FB3] =	sst s0;
	s0 =	simm.s32 @!p2 $0x0  }
0x16: {  	s3 =	sld [smem:$0x3FDB];
	s0 =	simm.s32 @p2 $0x1  }
0x17: {  	s4 =	simm.s32 $0x1BF5;
	[smem:$0x3FB5] =	sst s0  }
0x18: {  	s0 =	sld [smem:$0x3F98];
	_ =	swait.ge [sflag:s4], $0x0  }
0x19: {  	s7 =	sld [smem:$0x3F99]  }
0x1a: {  	s8 =	sadd.s32 $0xFFFFE003, lr  }
0x1b: {  	s9 =	sadd.s32 $0xFFFFFEF7, lr;
	s5 =	simm.s32 $0xFFFFFFFF;
	p2 =	slt.u32 s8, $0xFFFFF086  }
0x1c: {  	p1 =	slt.u32 s9, $0xF7A;
	s5 =	simm.s32 @!p2 $0x0  }
0x1d: {  	s5 =	simm.s32 @p1 $0x1;
	p0 =	seq.s32 s7, s2  }
0x1e: {  	s7 =	smul.u32 @!p0 $0xF7A, s2;
	p2 =	seq.s32 @!p0 s5, $0x0  }
0x1f: {  	s9 =	smul.u32 $0xF7A, s1;
	s8 =	simm.s32 @!p0 $0x1BF5;
	p2 =	por !p2, p0  }
0x20: {  	[sflag:s8] =	ssyncset.s32 @!p0 $0xFFFFF086;
	s6 =	sadd.s32 @!p0 s3, s7;
	s7 =	simm.s32 @!p0 $0x108  }
0x21: {  	s3 =	sadd.s32 s3, s9;
	s6 =	sadd.s32 @!p0 $0x88, s6;
	s7 =	simm.s32 @p2 $0x1082  }
0x22: {  	[simem:s7], [sflag:s8] =	dma.local @!p0 [hbm:s6], $0xF7A  }
0x23: {  	s9 =	sor.u32 $0xD0000000, s2;
	s6 =	simm.s32 $0x108;
	_ =	swait.ge @!p0 [sflag:s8], $0x0  }
0x24: {  	s3 =	sadd.s32 $0x88, s3;
	s6 =	simm.s32 @!p1 $0x1082;
	[sflag:s4] =	ssyncset.s32 $0xFFFFF086  }
0x25: {  	[simem:s6], [sflag:s4] =	dma.local [hbm:s3], $0xF7A  }
0x26: {  	[smem:$0x3F99] =	sst s1;
	(tag) =	ssettag s2;
	_ =	strace s9  }
0x27: {  	s1 =	sld [smem:$0x3FA9]  }
0x28: {  	s2 =	sld [smem:$0x3FAA]  }
0x29: {  	s4 =	sld [smem:$0x3FAC]  }
0x2a: {  	p0 =	seq.s32 s5, $0x0;
	s5 =	sld [smem:$0x3FAD]  }
0x2b: {  	s6 =	sld [smem:$0x3FAE]  }
0x2c: {  	s7 =	sld [smem:$0x3FAF]  }
0x2d: {  	s3 =	simm.s32 $0x108;
	s8 =	sld [smem:$0x3FB0]  }
0x2e: {  	s3 =	simm.s32 @!p0 $0x1082;
	s9 =	sld [smem:$0x3FB1]  }
0x2f: {  	lr =	sadd.s32 s0, s3;
	s0 =	sld [smem:$0x3FA8]  }
0x30: {  	s3 =	sld [smem:$0x3FAB]  }
0x31: {  	[smem:$0x3FB4] =	sst s10  }
0x32: {  	s10 =	sld [smem:$0x3FB2];
	_ =	sdelay $0x3  }
0x33: {  	p0 =	seq.s32 s10, $0x1;
	s10 =	sld [smem:$0x3FB4];
	_ =	sdelay $0x3  }
0x34: {  	[smem:$0x3FB4] =	sst s10  }
0x35: {  	s10 =	sld [smem:$0x3FB3];
	_ =	sdelay $0x3  }
0x36: {  	p1 =	seq.s32 s10, $0x1;
	s10 =	sld [smem:$0x3FB4];
	_ =	sdelay $0x3  }
0x37: {  	[smem:$0x3FB4] =	sst s10  }
0x38: {  	s10 =	sld [smem:$0x3FB5]  }
0x39: {  	_ = 	snop;
	(pc) =	sbr.ind lr, $3  }
0x3a: {  	_ = 	snop  }
0x3b: {  	_ = 	snop  }
0x3c: {  	p2 =	seq.s32 s10, $0x1;
	s10 =	sld [smem:$0x3FB4]  }
0x3d: {  	_ =	shalt  }
0x3e: {  	_ =	shalt  }
0x3f: {  	_ =	shalt  }
0x40: {  	_ =	shalt  }
0x41: {  	_ =	shalt  }
0x42: {  	_ =	shalt  }
0x43: {  	_ =	shalt  }
0x44: {  	_ =	shalt  }
0x45: {  	_ =	shalt  }
0x46: {  	_ =	shalt  }
0x47: {  	_ =	shalt  }
0x48: {  	_ =	shalt  }
0x49: {  	_ =	shalt  }
0x4a: {  	_ =	shalt  }
0x4b: {  	_ =	shalt  }
0x4c: {  	_ =	shalt  }
0x4d: {  	_ =	shalt  }
0x4e: {  	_ =	shalt  }
0x4f: {  	_ =	shalt  }
0x50: {  	_ =	shalt  }
0x51: {  	_ =	shalt  }
0x52: {  	_ =	shalt  }
0x53: {  	_ =	shalt  }
0x54: {  	_ =	shalt  }
0x55: {  	_ =	shalt  }
0x56: {  	_ =	shalt  }
0x57: {  	_ =	shalt  }
0x58: {  	_ =	shalt  }
0x59: {  	_ =	shalt  }
0x5a: {  	_ =	shalt  }
0x5b: {  	_ =	shalt  }
0x5c: {  	_ =	shalt  }
0x5d: {  	_ =	shalt  }
0x5e: {  	_ =	shalt  }
0x5f: {  	_ =	shalt  }
0x60: {  	_ =	shalt  }
0x61: {  	_ =	shalt  }
0x62: {  	_ =	shalt  }
0x63: {  	_ =	shalt  }
0x64: {  	_ =	shalt  }
0x65: {  	_ =	shalt  }
0x66: {  	_ =	shalt  }
0x67: {  	_ =	shalt  }
0x68: {  	_ =	shalt  }
0x69: {  	_ =	shalt  }
0x6a: {  	_ =	shalt  }
0x6b: {  	_ =	shalt  }
0x6c: {  	_ =	shalt  }
0x6d: {  	_ =	shalt  }
0x6e: {  	_ =	shalt  }
0x6f: {  	_ =	shalt  }
0x70: {  	_ =	shalt  }
0x71: {  	_ =	shalt  }
0x72: {  	_ =	shalt  }
0x73: {  	_ =	shalt  }
0x74: {  	_ =	shalt  }
0x75: {  	_ =	shalt  }
0x76: {  	_ =	shalt  }
0x77: {  	_ =	shalt  }
0x78: {  	_ =	shalt  }
0x79: {  	_ =	shalt  }
0x7a: {  	_ =	shalt  }
0x7b: {  	_ =	shalt  }
0x7c: {  	_ =	shalt  }
0x7d: {  	_ =	shalt  }
0x7e: {  	_ =	shalt  }
0x7f: {  	_ =	shalt  }
0x80: {  	_ =	shalt  }
0x81: {  	_ =	shalt  }
0x82: {  	_ =	shalt  }
0x83: {  	_ =	shalt  }
0x84: {  	_ =	shalt  }
0x85: {  	_ =	shalt  }
0x86: {  	_ =	shalt  }
0x87: {  	_ =	shalt  }
.Lfunc_end0:
.L_simem_size_0:
called_computation.1_lowered:
.L_overlay_start_0:
0x88: {  	s2 =	sld [smem:$0x3FD9]  }
0x89: {  	s3 =	sld [smem:$0x3FFE];
	_ =	sdelay $0x1  }
0x8a: {  	s1 =	srdreg.scid  }
0x8b: {  	s0 =	sand.u32 $0x1, s1  }
0x8c: {  	s17 =	sshll.u32 s0, $0xA;
	s2 =	sadd.s32 s3, s2  }
0x8d: {  	s2 =	sadd.s32 s2, s17  }
0x8e: {  	[smem:$0x3FC0] =	sst s2  }
0x8f: {  	_ = 	snop  }
0x90: {  	s2 =	sld [smem:$0x3FD0];
	(tm) =	ssettm $0x1  }
0x91: {  	s18 =	sld [smem:$0x3FFB];
	_ =	sdelay $0x3  }
0x92: {  	_ =	strace s18  }
0x93: {  	s3 =	sld [smem:$0x3FFC];
	_ =	sdelay $0x3  }
0x94: {  	_ =	strace s3  }
0x95: {  	s3 =	sld [smem:$0x3FFD];
	_ =	sdelay $0x3  }
0x96: {  	_ =	strace s3  }
0x97: {  	_ =	strace $0x8FFFFFFF  }
0x98: {  	s19 =	sld [smem:$0x3FDB];
	_ =	sdelay $0x1  }
0x99: {  	s4 =	simm.s32 $_scs_section_size  }
0x9a: {  	s5 =	simm.s32 $_size__tile_overlayer_lowered;
	s6 =	simm.s32 $_tile_overlayer_lowered  }
0x9b: {  	s22 =	simm.s32 $0x1BFF;
	s21 =	sshll.u32 s6, $0x1;
	s3 =	sadd.s32 s4, s19  }
0x9c: {  	s7 =	simm.s32 $0x0;
	s20 =	sshll.u32 s5, $0x1;
	s5 =	sadd.s32 s21, s3  }
0x9d: {  	[timem:s7], [sflag:s22] =	dma.local [hbm:s5], s20  }
0x9e: {  	_ =	swait.ge [sflag:s22], s20  }
0x9f: {  	s4 =	ssub.s32 $0x0, s20;
	[sflag:s22] =	ssyncset.done $0x0  }
0xa0: {  	[sflag:s22] =	ssyncadd.s32 s4;
	_ =	sdelay $0x1  }
0xa1: {  	s23 =	simm.s32 $0x1B8B  }
0xa2: {  	_ =	swait.ge [sflag:s23], $0x1  }
0xa3: {  	[sflag:s23] =	ssyncset.done $0x0  }
0xa4: {  	s25 =	simm.s32 $0x1B8E;
	s24 =	sld [smem:$0x3FFE];
	[sflag:s23] =	ssyncadd.s32 $0xFFFFFFFF  }
0xa5: {  	s26 =	simm.s32 $execute0_lowered;
	[smem:$0x3FD2] =	sst s25  }
0xa6: {  	s5 =	sshll.u32 s26, $0x1;
	_ =	strace $0x80000049;
	[dreg:$0x1] =	wrdreg $0xFFFFFFFF  }
0xa7: {  	s28 =	simm.s32 $_size_execute0_lowered;
	s3 =	sadd.s32 s3, s5;
	[dreg:$0x0] =	wrdreg $0x0  }
0xa8: {  	s5 =	sshll.u32 s28, $0x1;
	[dreg:$0x2] =	wrdreg s3  }
0xa9: {  	[dreg:$0x3] =	wrdreg s5  }
0xaa: {  	[dreg:$0x4] =	wrdreg $0xC0  }
0xab: {  	_ =	task [dreg:s7], $0x5FFFF  }
0xac: {  	[dreg:$0x1] =	wrdreg $0xFFFFFFFF  }
0xad: {  	[dreg:$0x0] =	wrdreg $0x60  }
0xae: {  	[dreg:$0x2] =	wrdreg s2  }
0xaf: {  	[dreg:$0x3] =	wrdreg s24  }
0xb0: {  	[dreg:$0x4] =	wrdreg $0xA8000  }
0xb1: {  	[dreg:$0x5] =	wrdreg $0x9  }
0xb2: {  	_ =	task.clear_ibuf [dreg:s7], $0x6FFFF;
	_ =	strace $0x90000049  }
0xb3: {  	s29 =	simm.s32 $0x9;
	_ =	strace $0x8000004B  }
0xb4: {  	_ =	swait.ge [sflag:s29], $0x1  }
0xb5: {  	[sflag:s29] =	ssyncadd.s32 $0xFFFFFFFF  }
0xb6: {  	_ =	strace $0x9000004B  }
0xb7: {  	_ =	sfence  }
0xb8: {  	s30 =	sld [smem:$0x0];
	_ =	sdelay $0x2  }
0xb9: {  	s31 =	sshll.u32 s1, $0xD;
	s1 =	sshrl.u32 s1, $0x2  }
0xba: {  	s3 =	sand.u32 $0x4000, s31;
	s1 =	sadd.s32 s1, s30  }
0xbb: {  	s0 =	sor.u32 s3, s0;
	s1 =	sshll.u32 s1, $0x11  }
0xbc: {  	s0 =	sor.u32 s1, s0  }
0xbd: {  	s0 =	sadd.s32 $0x8F2B, s0  }
0xbe: {  	[sflag:s0] =	ssyncadd.remote.s32 $0x1  }
0xbf: {  	_ =	sfence.sel $0xFFFF  }
0xc0: {  	[dreg:$0x0] =	wrdreg $0xFFFFFFFF;
	(pc) =	sbr.abs _section_cstart, $3  }
0xc1: {  	[dreg:$0x1] =	wrdreg $0xFFFFFFFF  }
0xc2: {  	_ =	task.clear_ibuf [dreg:s7], $0x2FFFF;
	_ =	strace $0x9FFFFFFF  }
0xc3: {  	(tm) =	ssettm $0x7FFFFFFF  }
tec
execute0_lowered:
.L_overlay_start_1:
0x0: {  	(tag) =	ssettag $0x1  }
0x1: {  	s1 =	rddreg [dreg:$0x0]  }
0x2: {  	s0 =	rddreg [dreg:$0x1]  }
0x3: {  	s2 =	rddreg [dreg:$0x2]  }
0x4: {  	s3 =	simm.s32 $0x0;
	s5 =	srdreg.scid;
	s9 =	stileid.u32  }
0x5: {  	s28 =	simm.s32 $0x2;
	s29 =	simm.s32 $0x1380;
	s30 =	simm.s32 $0x2700  }
0x6: {  	s31 =	simm.s32 $0x2780;
	[smem:$0x7FF] =	sst s3;
	s7 =	smul.u32 $0x50000, s9  }
0x7: {  	s4 =	sadd.s32 $0x5F000, s0;
	s14 =	sadd.s32 $0x4800, s0;
	s13 =	smul.u32 $0x14000, s9  }
0x8: {  	s5 =	sand.u32 $0x1, s5;
	s6 =	sadd.s32 $0xE800, s0;
	s11 =	smul.u32 $0x2800, s9  }
0x9: {  	s0 =	sadd.s32 $0x69000, s0;
	_ =	strace $0x8000004A;
	s10 =	smul.u32 $0x28000, s5  }
0xa: {  	[dreg:$0x4] =	wrdreg s6;
	s18 =	ssub.s32 $0x2, s5;
	s5 =	smul.u32 $0x140000, s5  }
0xb: {  	s8 =	sshrl.u32 s18, $0x1;
	s19 =	sshrl.u32 s7, $0x2;
	s15 =	sadd.s32 $0x4000, s13  }
0xc: {  	s17 =	sadd.s32 $0x8000, s13;
	s20 =	ssub.s32 s18, s8;
	s6 =	sadd.s32 s19, s2  }
0xd: {  	s7 =	sadd.s32 s15, s2;
	s18 =	sadd.s32 $0xC000, s13;
	s8 =	sadd.s32 s17, s2  }
0xe: {  	s10 =	sadd.s32 s11, s10;
	s19 =	sadd.s32 $0x10000, s13;
	s15 =	sadd.s32 s5, s15  }
0xf: {  	s25 =	sadd.s32 s5, s17;
	s9 =	sadd.s32 s18, s2;
	s16 =	sshrl.u32 s10, $0x3  }
0x10: {  	s10 =	sadd.s32 s19, s2;
	s24 =	sshrl.u32 s15, $0x3;
	s26 =	sadd.s32 s5, s18  }
0x11: {  	s20 =	smax.u32 s20, $0x1;
	s21 =	sadd.s32 s4, s16;
	s22 =	sadd.s32 s14, s16  }
0x12: {  	s16 =	sadd.s32 $0x280, s16;
	s18 =	sshrl.u32 s26, $0x3;
	[dreg:$0x5] =	wrdreg s21  }
0x13: {  	s26 =	simm.s32 $0x1;
	[dreg:$0x6] =	wrdreg s22;
	s21 =	sadd.s32 s13, s5  }
0x14: {  	s4 =	sadd.s32 s4, s16;
	s14 =	sadd.s32 s14, s16;
	s16 =	sadd.s32 s0, s24  }
0x15: {  	s5 =	sadd.s32 s5, s19;
	s18 =	sadd.s32 s0, s18;
	s22 =	simm.s32 $0x3  }
0x16: {  	s24 =	simm.s32 $0x80;
	[dreg:$0x7] =	wrdreg s4;
	s23 =	sshrl.u32 s21, $0x3  }
0x17: {  	s4 =	sshrl.u32 s25, $0x3;
	s5 =	sshrl.u32 s5, $0x3;
	s21 =	simm.s32 $0x2800  }
0x18: {  	s25 =	simm.s32 $0x6800;
	s15 =	sadd.s32 s0, s23;
	s17 =	sadd.s32 s0, s4  }
0x19: {  	s19 =	sadd.s32 s0, s5;
	s23 =	simm.s32 $0x1400;
	s0 =	simm.s32 $0x0  }
.LBB2_1:
0x1a: {  	s4 =	rddreg [dreg:$0x4]  }
0x1b: {  	[tilespmem:s21], [sflag:$0x3] =	stream.linear.gather [hbm4b:s4+s3], $0x4000, $0x38;
	[tilespmem:$0x1E800] =	vst v63  }
0x1c: {  	_ =	swait.ge [sflag:s22], $0x4000  }
0x1d: {  	[sflag:s22] =	ssyncset.done $0x0  }
0x1e: {  	[sflag:s22] =	ssyncadd.s32 $0xFFFFC000  }
0x1f: {  	[spmem:s6] =	stream.linear.scatter [tilespmem:s21], [sflag:$0x3], $0x4000, $0x38;
	[tilespmem:$0x1E800] =	vst v63  }
0x20: {  	_ =	swait.ge [sflag:s22], $0x4000  }
0x21: {  	[sflag:s22] =	ssyncset.done $0x0  }
0x22: {  	[sflag:s22] =	ssyncadd.s32 $0xFFFFC000  }
0x23: {  	[spmem:s7] =	stream.linear.scatter [tilespmem:s21], [sflag:$0x3], $0x4000, $0x38;
	[tilespmem:$0x1E800] =	vst v63  }
0x24: {  	_ =	swait.ge [sflag:s22], $0x4000  }
0x25: {  	[sflag:s22] =	ssyncset.done $0x0  }
0x26: {  	[sflag:s22] =	ssyncadd.s32 $0xFFFFC000  }
0x27: {  	[spmem:s8] =	stream.linear.scatter [tilespmem:s21], [sflag:$0x3], $0x4000, $0x38;
	[tilespmem:$0x1E800] =	vst v63  }
0x28: {  	_ =	swait.ge [sflag:s22], $0x4000  }
0x29: {  	[sflag:s22] =	ssyncset.done $0x0  }
0x2a: {  	[sflag:s22] =	ssyncadd.s32 $0xFFFFC000  }
0x2b: {  	[spmem:s9] =	stream.linear.scatter [tilespmem:s21], [sflag:$0x3], $0x4000, $0x38;
	[tilespmem:$0x1E800] =	vst v63  }
0x2c: {  	_ =	swait.ge [sflag:s22], $0x4000  }
0x2d: {  	[sflag:s22] =	ssyncset.done $0x0  }
0x2e: {  	[sflag:s22] =	ssyncadd.s32 $0xFFFFC000  }
0x2f: {  	[spmem:s10] =	stream.linear.scatter [tilespmem:s21], [sflag:$0x3], $0x4000, $0x38;
	[tilespmem:$0x1E800] =	vst v63  }
0x30: {  	_ =	swait.ge [sflag:s22], $0x4000  }
0x31: {  	[sflag:s22] =	ssyncset.done $0x0  }
0x32: {  	[sflag:s22] =	ssyncadd.s32 $0xFFFFC000  }
0x33: {  	[bflag:$0x0] =	sbarrier.arrive $0xFFFF  }
0x34: {  	s12 =	rddreg [dreg:$0x5]  }
0x35: {  	[tilespmem:s3], [sflag:$0x3] =	stream.linear.gather [hbm4b:s12+s3], $0x1400, $0x38;
	[tilespmem:$0x1E800] =	vst v63  }
0x36: {  	_ =	swait.ge [sflag:s22], $0x1400  }
0x37: {  	[sflag:s22] =	ssyncset.done $0x0  }
0x38: {  	s13 =	rddreg [dreg:$0x6];
	[sflag:s22] =	ssyncadd.s32 $0xFFFFEC00  }
0x39: {  	[tilespmem:s23], [sflag:$0x3] =	stream.linear.gather [hbm4b:s13+s3], $0x1400, $0x38;
	[tilespmem:$0x1E800] =	vst v63  }
0x3a: {  	_ =	swait.ge [sflag:s22], $0x1400  }
0x3b: {  	[sflag:s22] =	ssyncset.done $0x0  }
0x3c: {  	[sflag:s22] =	ssyncadd.s32 $0xFFFFEC00  }
0x3d: {  	[tilespmem:s21], [sflag:$0x1] =	stream.indirect.gather [hbm4b:s1+s24], $0x80, s3, s24, $0xb8;
	[tilespmem:$0x1E800] =	vst v63  }
0x3e: {  	s5 =	simm.s32 $0x80  }
0x3f: {  	[tilespmem:s25], [sflag:$0x2] =	stream.indirect.gather [hbm4b:s1+s24], $0x80, s5, s24, $0xb8;
	[tilespmem:$0x1E800] =	vst v63  }
0x40: {  	_ =	swait.ge [sflag:s26], $0x4000  }
0x41: {  	[sflag:s26] =	ssyncset.done $0x0  }
0x42: {  	s11 =	simm.s32 $0x1400;
	[sflag:s26] =	ssyncadd.s32 $0xFFFFC000  }
0x43: {  	[spmem:s2] =	stream.indirect.scatter.add.f32 [tilespmem:s21], [sflag:$0x3], $0x80, s11, s24, $0xb8;
	[tilespmem:$0x1E800] =	vst v63  }
0x44: {  	_ =	swait.ge [sflag:s22], $0x4000  }
0x45: {  	[sflag:s22] =	ssyncset.done $0x0  }
0x46: {  	s12 =	simm.s32 $0x100;
	[sflag:s22] =	ssyncadd.s32 $0xFFFFC000  }
0x47: {  	[tilespmem:s21], [sflag:$0x1] =	stream.indirect.gather [hbm4b:s1+s24], $0x80, s12, s24, $0xb8;
	[tilespmem:$0x1E800] =	vst v63  }
0x48: {  	_ =	swait.ge [sflag:s28], $0x4000  }
0x49: {  	[sflag:s28] =	ssyncset.done $0x0  }
0x4a: {  	s13 =	simm.s32 $0x1480;
	[sflag:s28] =	ssyncadd.s32 $0xFFFFC000  }
0x4b: {  	[spmem:s2] =	stream.indirect.scatter.add.f32 [tilespmem:s25], [sflag:$0x3], $0x80, s13, s24, $0xb8;
	[tilespmem:$0x1E800] =	vst v63  }
0x4c: {  	_ =	swait.ge [sflag:s22], $0x4000  }
0x4d: {  	s4 =	simm.s32 $0x100;
	s5 =	simm.s32 $0x800;
	[sflag:s22] =	ssyncset.done $0x0  }
.LBB2_2:
0x4e: {  	s11 =	sadd.s32 $0x80, s4  }
0x4f: {  	[sflag:s22] =	ssyncadd.s32 $0xFFFFC000;
	s12 =	smov.u32 s5;
	s13 =	sadd.s32 $0x400, s5  }
0x50: {  	[tilespmem:s25], [sflag:$0x2] =	stream.indirect.gather [hbm4b:s1+s24], $0x80, s11, s24, $0xb8;
	[tilespmem:$0x1E800] =	vst v63  }
0x51: {  	p0 =	sne.s32 s5, $0x4800;
	_ =	swait.ge [sflag:s26], $0x4000  }
0x52: {  	[sflag:s26] =	ssyncset.done $0x0  }
0x53: {  	s5 =	sadd.s32 $0x1400, s4;
	[sflag:s26] =	ssyncadd.s32 $0xFFFFC000  }
0x54: {  	[spmem:s2] =	stream.indirect.scatter.add.f32 [tilespmem:s21], [sflag:$0x3], $0x80, s5, s24, $0xb8;
	[tilespmem:$0x1E800] =	vst v63  }
0x55: {  	_ =	swait.ge [sflag:s22], $0x4000  }
0x56: {  	[sflag:s22] =	ssyncset.done $0x0  }
0x57: {  	s5 =	sadd.s32 $0x100, s4;
	[sflag:s22] =	ssyncadd.s32 $0xFFFFC000  }
0x58: {  	[tilespmem:s21], [sflag:$0x1] =	stream.indirect.gather [hbm4b:s1+s24], $0x80, s5, s24, $0xb8;
	[tilespmem:$0x1E800] =	vst v63  }
0x59: {  	_ =	swait.ge [sflag:s28], $0x4000  }
.Ltmp0:
0x5a: {  	[sflag:s28] =	ssyncset.done $0x0;
	(pc) =	sbr.rel @p0 .LBB2_2-.Ltmp0, $4  }
0x5b: {  	s4 =	sadd.s32 $0x1480, s4;
	[sflag:s28] =	ssyncadd.s32 $0xFFFFC000  }
0x5c: {  	[spmem:s2] =	stream.indirect.scatter.add.f32 [tilespmem:s25], [sflag:$0x3], $0x80, s4, s24, $0xb8;
	[tilespmem:$0x1E800] =	vst v63  }
0x5d: {  	_ =	swait.ge [sflag:s22], $0x4000  }
0x5e: {  	s5 =	smov.u32 s13;
	s4 =	sshra.s32 s12, $0x2;
	[sflag:s22] =	ssyncset.done $0x0  }
0x5f: {  	s5 =	sadd.s32 $0x80, s4;
	[sflag:s22] =	ssyncadd.s32 $0xFFFFC000  }
0x60: {  	[tilespmem:s25], [sflag:$0x2] =	stream.indirect.gather [hbm4b:s1+s24], $0x80, s5, s24, $0xb8;
	[tilespmem:$0x1E800] =	vst v63  }
0x61: {  	_ =	swait.ge [sflag:s26], $0x4000  }
0x62: {  	[sflag:s26] =	ssyncset.done $0x0  }
0x63: {  	s12 =	sadd.s32 $0x1400, s4;
	[sflag:s26] =	ssyncadd.s32 $0xFFFFC000  }
0x64: {  	[spmem:s2] =	stream.indirect.scatter.add.f32 [tilespmem:s21], [sflag:$0x3], $0x80, s12, s24, $0xb8;
	[tilespmem:$0x1E800] =	vst v63  }
0x65: {  	_ =	swait.ge [sflag:s22], $0x4000  }
0x66: {  	[sflag:s22] =	ssyncset.done $0x0  }
0x67: {  	s13 =	sadd.s32 $0x100, s4;
	[sflag:s22] =	ssyncadd.s32 $0xFFFFC000  }
0x68: {  	[tilespmem:s21], [sflag:$0x1] =	stream.indirect.gather [hbm4b:s1+s24], $0x80, s13, s24, $0xb8;
	[tilespmem:$0x1E800] =	vst v63  }
0x69: {  	_ =	swait.ge [sflag:s28], $0x4000  }
0x6a: {  	[sflag:s28] =	ssyncset.done $0x0  }
0x6b: {  	s11 =	sadd.s32 $0x1480, s4;
	[sflag:s28] =	ssyncadd.s32 $0xFFFFC000  }
0x6c: {  	[spmem:s2] =	stream.indirect.scatter.add.f32 [tilespmem:s25], [sflag:$0x3], $0x80, s11, s24, $0xb8;
	[tilespmem:$0x1E800] =	vst v63  }
0x6d: {  	_ =	swait.ge [sflag:s22], $0x4000  }
0x6e: {  	[sflag:s22] =	ssyncset.done $0x0  }
0x6f: {  	[sflag:s22] =	ssyncadd.s32 $0xFFFFC000  }
0x70: {  	[tilespmem:s25], [sflag:$0x2] =	stream.indirect.gather [hbm4b:s1+s24], $0x80, s29, s24, $0xb8;
	[tilespmem:$0x1E800] =	vst v63  }
0x71: {  	_ =	swait.ge [sflag:s26], $0x4000  }
0x72: {  	[sflag:s26] =	ssyncset.done $0x0  }
0x73: {  	[sflag:s26] =	ssyncadd.s32 $0xFFFFC000  }
0x74: {  	[spmem:s2] =	stream.indirect.scatter.add.f32 [tilespmem:s21], [sflag:$0x3], $0x80, s30, s24, $0xb8;
	[tilespmem:$0x1E800] =	vst v63  }
0x75: {  	_ =	swait.ge [sflag:s22], $0x4000  }
0x76: {  	[sflag:s22] =	ssyncset.done $0x0  }
0x77: {  	[sflag:s22] =	ssyncadd.s32 $0xFFFFC000  }
0x78: {  	_ =	swait.ge [sflag:s28], $0x4000  }
0x79: {  	[sflag:s28] =	ssyncset.done $0x0  }
0x7a: {  	[sflag:s28] =	ssyncadd.s32 $0xFFFFC000  }
0x7b: {  	[spmem:s2] =	stream.indirect.scatter.add.f32 [tilespmem:s25], [sflag:$0x3], $0x80, s31, s24, $0xb8;
	[tilespmem:$0x1E800] =	vst v63  }
0x7c: {  	_ =	swait.ge [sflag:s22], $0x4000  }
0x7d: {  	[sflag:s22] =	ssyncset.done $0x0  }
0x7e: {  	s12 =	simm.s32 $0x0;
	s13 =	rddreg [dreg:$0x7];
	[sflag:s22] =	ssyncadd.s32 $0xFFFFC000  }
0x7f: {  	[tilespmem:s12], [sflag:$0x3] =	stream.linear.gather [hbm4b:s13+s12], $0x1400, $0x38;
	[tilespmem:$0x1E800] =	vst v63  }
0x80: {  	_ =	swait.ge [sflag:s22], $0x1400  }
0x81: {  	[sflag:s22] =	ssyncset.done $0x0  }
0x82: {  	[sflag:s22] =	ssyncadd.s32 $0xFFFFEC00  }
0x83: {  	[tilespmem:s23], [sflag:$0x3] =	stream.linear.gather [hbm4b:s14+s12], $0x1400, $0x38;
	[tilespmem:$0x1E800] =	vst v63  }
0x84: {  	_ =	swait.ge [sflag:s22], $0x1400  }
0x85: {  	[sflag:s22] =	ssyncset.done $0x0  }
0x86: {  	[sflag:s22] =	ssyncadd.s32 $0xFFFFEC00  }
0x87: {  	[tilespmem:s21], [sflag:$0x1] =	stream.indirect.gather [hbm4b:s1+s24], $0x80, s12, s24, $0xb8;
	[tilespmem:$0x1E800] =	vst v63  }
0x88: {  	s5 =	simm.s32 $0x80  }
0x89: {  	[tilespmem:s25], [sflag:$0x2] =	stream.indirect.gather [hbm4b:s1+s24], $0x80, s5, s24, $0xb8;
	[tilespmem:$0x1E800] =	vst v63  }
0x8a: {  	_ =	swait.ge [sflag:s26], $0x4000  }
0x8b: {  	[sflag:s26] =	ssyncset.done $0x0  }
0x8c: {  	s11 =	simm.s32 $0x1400;
	[sflag:s26] =	ssyncadd.s32 $0xFFFFC000  }
0x8d: {  	[spmem:s2] =	stream.indirect.scatter.add.f32 [tilespmem:s21], [sflag:$0x3], $0x80, s11, s24, $0xb8;
	[tilespmem:$0x1E800] =	vst v63  }
0x8e: {  	_ =	swait.ge [sflag:s22], $0x4000  }
0x8f: {  	[sflag:s22] =	ssyncset.done $0x0  }
0x90: {  	s12 =	simm.s32 $0x100;
	[sflag:s22] =	ssyncadd.s32 $0xFFFFC000  }
0x91: {  	[tilespmem:s21], [sflag:$0x1] =	stream.indirect.gather [hbm4b:s1+s24], $0x80, s12, s24, $0xb8;
	[tilespmem:$0x1E800] =	vst v63  }
0x92: {  	_ =	swait.ge [sflag:s28], $0x4000  }
0x93: {  	[sflag:s28] =	ssyncset.done $0x0  }
0x94: {  	s13 =	simm.s32 $0x1480;
	[sflag:s28] =	ssyncadd.s32 $0xFFFFC000  }
0x95: {  	[spmem:s2] =	stream.indirect.scatter.add.f32 [tilespmem:s25], [sflag:$0x3], $0x80, s13, s24, $0xb8;
	[tilespmem:$0x1E800] =	vst v63  }
0x96: {  	_ =	swait.ge [sflag:s22], $0x4000  }
0x97: {  	s4 =	simm.s32 $0x100;
	s5 =	simm.s32 $0x800;
	[sflag:s22] =	ssyncset.done $0x0  }
.LBB2_4:
0x98: {  	s11 =	sadd.s32 $0x80, s4  }
0x99: {  	[sflag:s22] =	ssyncadd.s32 $0xFFFFC000;
	s12 =	smov.u32 s5;
	s13 =	sadd.s32 $0x400, s5  }
0x9a: {  	[tilespmem:s25], [sflag:$0x2] =	stream.indirect.gather [hbm4b:s1+s24], $0x80, s11, s24, $0xb8;
	[tilespmem:$0x1E800] =	vst v63  }
0x9b: {  	p0 =	sne.s32 s5, $0x4800;
	_ =	swait.ge [sflag:s26], $0x4000  }
0x9c: {  	[sflag:s26] =	ssyncset.done $0x0  }
0x9d: {  	s5 =	sadd.s32 $0x1400, s4;
	[sflag:s26] =	ssyncadd.s32 $0xFFFFC000  }
0x9e: {  	[spmem:s2] =	stream.indirect.scatter.add.f32 [tilespmem:s21], [sflag:$0x3], $0x80, s5, s24, $0xb8;
	[tilespmem:$0x1E800] =	vst v63  }
0x9f: {  	_ =	swait.ge [sflag:s22], $0x4000  }
0xa0: {  	[sflag:s22] =	ssyncset.done $0x0  }
0xa1: {  	s5 =	sadd.s32 $0x100, s4;
	[sflag:s22] =	ssyncadd.s32 $0xFFFFC000  }
0xa2: {  	[tilespmem:s21], [sflag:$0x1] =	stream.indirect.gather [hbm4b:s1+s24], $0x80, s5, s24, $0xb8;
	[tilespmem:$0x1E800] =	vst v63  }
0xa3: {  	_ =	swait.ge [sflag:s28], $0x4000  }
.Ltmp1:
0xa4: {  	[sflag:s28] =	ssyncset.done $0x0;
	(pc) =	sbr.rel @p0 .LBB2_4-.Ltmp1, $4  }
0xa5: {  	s4 =	sadd.s32 $0x1480, s4;
	[sflag:s28] =	ssyncadd.s32 $0xFFFFC000  }
0xa6: {  	[spmem:s2] =	stream.indirect.scatter.add.f32 [tilespmem:s25], [sflag:$0x3], $0x80, s4, s24, $0xb8;
	[tilespmem:$0x1E800] =	vst v63  }
0xa7: {  	_ =	swait.ge [sflag:s22], $0x4000  }
0xa8: {  	s5 =	smov.u32 s13;
	s4 =	sshra.s32 s12, $0x2;
	[sflag:s22] =	ssyncset.done $0x0  }
0xa9: {  	s5 =	sadd.s32 $0x80, s4;
	[sflag:s22] =	ssyncadd.s32 $0xFFFFC000  }
0xaa: {  	[tilespmem:s25], [sflag:$0x2] =	stream.indirect.gather [hbm4b:s1+s24], $0x80, s5, s24, $0xb8;
	[tilespmem:$0x1E800] =	vst v63  }
0xab: {  	_ =	swait.ge [sflag:s26], $0x4000  }
0xac: {  	[sflag:s26] =	ssyncset.done $0x0  }
0xad: {  	s11 =	sadd.s32 $0x1400, s4;
	[sflag:s26] =	ssyncadd.s32 $0xFFFFC000  }
0xae: {  	[spmem:s2] =	stream.indirect.scatter.add.f32 [tilespmem:s21], [sflag:$0x3], $0x80, s11, s24, $0xb8;
	[tilespmem:$0x1E800] =	vst v63  }
0xaf: {  	_ =	swait.ge [sflag:s22], $0x4000  }
0xb0: {  	[sflag:s22] =	ssyncset.done $0x0  }
0xb1: {  	s12 =	sadd.s32 $0x100, s4;
	[sflag:s22] =	ssyncadd.s32 $0xFFFFC000  }
0xb2: {  	[tilespmem:s21], [sflag:$0x1] =	stream.indirect.gather [hbm4b:s1+s24], $0x80, s12, s24, $0xb8;
	[tilespmem:$0x1E800] =	vst v63  }
0xb3: {  	_ =	swait.ge [sflag:s28], $0x4000  }
0xb4: {  	[sflag:s28] =	ssyncset.done $0x0  }
0xb5: {  	s13 =	sadd.s32 $0x1480, s4;
	[sflag:s28] =	ssyncadd.s32 $0xFFFFC000  }
0xb6: {  	[spmem:s2] =	stream.indirect.scatter.add.f32 [tilespmem:s25], [sflag:$0x3], $0x80, s13, s24, $0xb8;
	[tilespmem:$0x1E800] =	vst v63  }
0xb7: {  	_ =	swait.ge [sflag:s22], $0x4000  }
0xb8: {  	[sflag:s22] =	ssyncset.done $0x0  }
0xb9: {  	[sflag:s22] =	ssyncadd.s32 $0xFFFFC000  }
0xba: {  	[tilespmem:s25], [sflag:$0x2] =	stream.indirect.gather [hbm4b:s1+s24], $0x80, s29, s24, $0xb8;
	[tilespmem:$0x1E800] =	vst v63  }
0xbb: {  	_ =	swait.ge [sflag:s26], $0x4000  }
0xbc: {  	[sflag:s26] =	ssyncset.done $0x0  }
0xbd: {  	[sflag:s26] =	ssyncadd.s32 $0xFFFFC000  }
0xbe: {  	[spmem:s2] =	stream.indirect.scatter.add.f32 [tilespmem:s21], [sflag:$0x3], $0x80, s30, s24, $0xb8;
	[tilespmem:$0x1E800] =	vst v63  }
0xbf: {  	_ =	swait.ge [sflag:s22], $0x4000  }
0xc0: {  	[sflag:s22] =	ssyncset.done $0x0  }
0xc1: {  	[sflag:s22] =	ssyncadd.s32 $0xFFFFC000  }
0xc2: {  	_ =	swait.ge [sflag:s28], $0x4000  }
0xc3: {  	[sflag:s28] =	ssyncset.done $0x0  }
0xc4: {  	[sflag:s28] =	ssyncadd.s32 $0xFFFFC000  }
0xc5: {  	[spmem:s2] =	stream.indirect.scatter.add.f32 [tilespmem:s25], [sflag:$0x3], $0x80, s31, s24, $0xb8;
	[tilespmem:$0x1E800] =	vst v63  }
0xc6: {  	_ =	swait.ge [sflag:s22], $0x4000  }
0xc7: {  	[sflag:s22] =	ssyncset.done $0x0  }
0xc8: {  	[sflag:s22] =	ssyncadd.s32 $0xFFFFC000  }
0xc9: {  	[bflag:$0x0] =	sbarrier.arrive $0xFFFF  }
0xca: {  	[tilespmem:s21], [sflag:$0x3] =	stream.linear.gather [spmem:s6], $0x4000, $0x38;
	[tilespmem:$0x1E800] =	vst v63  }
0xcb: {  	_ =	swait.ge [sflag:s22], $0x4000  }
0xcc: {  	[sflag:s22] =	ssyncset.done $0x0  }
0xcd: {  	[sflag:s22] =	ssyncadd.s32 $0xFFFFC000  }
0xce: {  	[hbm4b:s15+s3] =	stream.linear.scatter [tilespmem:s21], [sflag:$0x3], $0x4000, $0x38;
	[tilespmem:$0x1E800] =	vst v63  }
0xcf: {  	_ =	swait.ge [sflag:s22], $0x4000  }
0xd0: {  	[sflag:s22] =	ssyncset.done $0x0  }
0xd1: {  	[sflag:s22] =	ssyncadd.s32 $0xFFFFC000  }
0xd2: {  	[tilespmem:s21], [sflag:$0x3] =	stream.linear.gather [spmem:s7], $0x4000, $0x38;
	[tilespmem:$0x1E800] =	vst v63  }
0xd3: {  	_ =	swait.ge [sflag:s22], $0x4000  }
0xd4: {  	[sflag:s22] =	ssyncset.done $0x0  }
0xd5: {  	[sflag:s22] =	ssyncadd.s32 $0xFFFFC000  }
0xd6: {  	[hbm4b:s16+s3] =	stream.linear.scatter [tilespmem:s21], [sflag:$0x3], $0x4000, $0x38;
	[tilespmem:$0x1E800] =	vst v63  }
0xd7: {  	_ =	swait.ge [sflag:s22], $0x4000  }
0xd8: {  	[sflag:s22] =	ssyncset.done $0x0  }
0xd9: {  	[sflag:s22] =	ssyncadd.s32 $0xFFFFC000  }
0xda: {  	[tilespmem:s21], [sflag:$0x3] =	stream.linear.gather [spmem:s8], $0x4000, $0x38;
	[tilespmem:$0x1E800] =	vst v63  }
0xdb: {  	_ =	swait.ge [sflag:s22], $0x4000  }
0xdc: {  	[sflag:s22] =	ssyncset.done $0x0  }
0xdd: {  	[sflag:s22] =	ssyncadd.s32 $0xFFFFC000  }
0xde: {  	[hbm4b:s17+s3] =	stream.linear.scatter [tilespmem:s21], [sflag:$0x3], $0x4000, $0x38;
	[tilespmem:$0x1E800] =	vst v63  }
0xdf: {  	_ =	swait.ge [sflag:s22], $0x4000  }
0xe0: {  	[sflag:s22] =	ssyncset.done $0x0  }
0xe1: {  	[sflag:s22] =	ssyncadd.s32 $0xFFFFC000  }
0xe2: {  	[tilespmem:s21], [sflag:$0x3] =	stream.linear.gather [spmem:s9], $0x4000, $0x38;
	[tilespmem:$0x1E800] =	vst v63  }
0xe3: {  	_ =	swait.ge [sflag:s22], $0x4000  }
0xe4: {  	[sflag:s22] =	ssyncset.done $0x0  }
0xe5: {  	[sflag:s22] =	ssyncadd.s32 $0xFFFFC000  }
0xe6: {  	[hbm4b:s18+s3] =	stream.linear.scatter [tilespmem:s21], [sflag:$0x3], $0x4000, $0x38;
	[tilespmem:$0x1E800] =	vst v63  }
0xe7: {  	_ =	swait.ge [sflag:s22], $0x4000  }
0xe8: {  	[sflag:s22] =	ssyncset.done $0x0  }
0xe9: {  	[sflag:s22] =	ssyncadd.s32 $0xFFFFC000  }
0xea: {  	[tilespmem:s21], [sflag:$0x3] =	stream.linear.gather [spmem:s10], $0x4000, $0x38;
	[tilespmem:$0x1E800] =	vst v63  }
0xeb: {  	s0 =	sadd.s32 $0x1, s0;
	_ =	swait.ge [sflag:s22], $0x4000  }
0xec: {  	p0 =	sne.s32 s0, s20;
	[sflag:s22] =	ssyncset.done $0x0  }
.Ltmp2:
0xed: {  	[sflag:s22] =	ssyncadd.s32 $0xFFFFC000;
	(pc) =	sbr.rel @p0 .LBB2_1-.Ltmp2, $4  }
0xee: {  	[hbm4b:s19+s3] =	stream.linear.scatter [tilespmem:s21], [sflag:$0x3], $0x4000, $0x38;
	[tilespmem:$0x1E800] =	vst v63  }
0xef: {  	_ =	swait.ge [sflag:s22], $0x4000  }
0xf0: {  	[sflag:s22] =	ssyncset.done $0x0  }
0xf1: {  	[sflag:s22] =	ssyncadd.s32 $0xFFFFC000  }
0xf2: {  	_ =	sfence.sel $0x180000  }
0xf3: {  	[bflag:$0x0] =	sbarrier.arrive $0xFFFF  }
0xf4: {  	_ =	strace $0x9000004A  }
0xf5: {  	s0 =	stileid.u32;
	[bflag:$0x2] =	sbarrier.arrive $0xFFFF  }
0xf6: {  	p0 =	sne.s32 s0, $0x0;
	s0 =	rddreg [dreg:$0x3]  }
0xf7: {  	s0 =	sadd.s32 @!p0 $0x100000, s0  }
0xf8: {  	[sflag:s0] =	ssyncadd.tile.s32 @!p0 $0x1;
	_ =	shalt  }
.Lfunc_end2:
_tile_overlayer_lowered:
.L_overlay_start_2:
0xf9: {  	(tag) =	ssettag $0x2  }
0xfa: {  	s0 =	rddreg [dreg:$0x0];
	s2 =	stileid.u32  }
0xfb: {  	s1 =	rddreg [dreg:$0x1];
	p0 =	sne.s32 s2, $0x0  }
0xfc: {  	s3 =	rddreg [dreg:$0x2];
	[bflag:$0x3] =	sbarrier.arrive $0xFFFF;
	s2 =	simm.s32 @!p0 $0x1C03  }
0xfd: {  	[timem:s3], [sflag:s2] =	dma.local @!p0 [hbm:s0], s1  }
0xfe: {  	s0 =	simm.s32 @!p0 $0x3  }
0xff: {  	_ =	swait.ge @!p0 [sflag:s0], s1  }
0x100: {  	s1 =	ssub.s32 @!p0 $0x0, s1;
	[sflag:s0] =	ssyncset.done @!p0 $0x0  }
0x101: {  	[sflag:s0] =	ssyncadd.s32 @!p0 s1  }
0x102: {  	[bflag:$0x3] =	sbarrier.arrive $0xFFFF  }
0x103: {  	_ =	shalt  }

// kernel: kernel.16.cloned.1.call-start
scs
__scs_entry_jumppad:
0x0: {  	(pc) =	sbr.rel $0x88, $3  }
0x1: {  	(tag) =	ssettag $0x0;
	lr =	simm.s32 $0x1  }
0x2: {  	[smem:$0x3F99] =	sst lr;
	_ =	strace $0xD0000000  }
0x3: {  	_ = 	snop  }
0x4: {  	_ = 	snop  }
0x5: {  	_ = 	snop  }
0x6: {  	_ = 	snop  }
0x7: {  	_ = 	snop  }
__scs_overlays_trampoline_lowered:
0x8: {  	[smem:$0x3FA8] =	sst s0  }
0x9: {  	[smem:$0x3FA9] =	sst s1  }
0xa: {  	[smem:$0x3FAA] =	sst s2  }
0xb: {  	[smem:$0x3FAB] =	sst s3  }
0xc: {  	[smem:$0x3FAC] =	sst s4  }
0xd: {  	[smem:$0x3FAD] =	sst s5  }
0xe: {  	[smem:$0x3FAE] =	sst s6  }
0xf: {  	[smem:$0x3FAF] =	sst s7  }
0x10: {  	[smem:$0x3FB0] =	sst s8  }
0x11: {  	[smem:$0x3FB1] =	sst s9;
	s0 =	simm.s32 @!p0 $0x0  }
0x12: {  	s1 =	sld [smem:$0x3F97];
	s0 =	simm.s32 @p0 $0x1  }
0x13: {  	[smem:$0x3FB2] =	sst s0;
	s0 =	simm.s32 @!p1 $0x0  }
0x14: {  	s2 =	sld [smem:$0x3F96];
	s0 =	simm.s32 @p1 $0x1  }
0x15: {  	[smem:$0x3FB3] =	sst s0;
	s0 =	simm.s32 @!p2 $0x0  }
0x16: {  	s3 =	sld [smem:$0x3FDB];
	s0 =	simm.s32 @p2 $0x1  }
0x17: {  	s4 =	simm.s32 $0x1BF5;
	[smem:$0x3FB5] =	sst s0  }
0x18: {  	s0 =	sld [smem:$0x3F98];
	_ =	swait.ge [sflag:s4], $0x0  }
0x19: {  	s7 =	sld [smem:$0x3F99]  }
0x1a: {  	s8 =	sadd.s32 $0xFFFFE003, lr  }
0x1b: {  	s9 =	sadd.s32 $0xFFFFFEF7, lr;
	s5 =	simm.s32 $0xFFFFFFFF;
	p2 =	slt.u32 s8, $0xFFFFF086  }
0x1c: {  	p1 =	slt.u32 s9, $0xF7A;
	s5 =	simm.s32 @!p2 $0x0  }
0x1d: {  	s5 =	simm.s32 @p1 $0x1;
	p0 =	seq.s32 s7, s2  }
0x1e: {  	s7 =	smul.u32 @!p0 $0xF7A, s2;
	p2 =	seq.s32 @!p0 s5, $0x0  }
0x1f: {  	s9 =	smul.u32 $0xF7A, s1;
	s8 =	simm.s32 @!p0 $0x1BF5;
	p2 =	por !p2, p0  }
0x20: {  	[sflag:s8] =	ssyncset.s32 @!p0 $0xFFFFF086;
	s6 =	sadd.s32 @!p0 s3, s7;
	s7 =	simm.s32 @!p0 $0x108  }
0x21: {  	s3 =	sadd.s32 s3, s9;
	s6 =	sadd.s32 @!p0 $0x88, s6;
	s7 =	simm.s32 @p2 $0x1082  }
0x22: {  	[simem:s7], [sflag:s8] =	dma.local @!p0 [hbm:s6], $0xF7A  }
0x23: {  	s9 =	sor.u32 $0xD0000000, s2;
	s6 =	simm.s32 $0x108;
	_ =	swait.ge @!p0 [sflag:s8], $0x0  }
0x24: {  	s3 =	sadd.s32 $0x88, s3;
	s6 =	simm.s32 @!p1 $0x1082;
	[sflag:s4] =	ssyncset.s32 $0xFFFFF086  }
0x25: {  	[simem:s6], [sflag:s4] =	dma.local [hbm:s3], $0xF7A  }
0x26: {  	[smem:$0x3F99] =	sst s1;
	(tag) =	ssettag s2;
	_ =	strace s9  }
0x27: {  	s1 =	sld [smem:$0x3FA9]  }
0x28: {  	s2 =	sld [smem:$0x3FAA]  }
0x29: {  	s4 =	sld [smem:$0x3FAC]  }
0x2a: {  	p0 =	seq.s32 s5, $0x0;
	s5 =	sld [smem:$0x3FAD]  }
0x2b: {  	s6 =	sld [smem:$0x3FAE]  }
0x2c: {  	s7 =	sld [smem:$0x3FAF]  }
0x2d: {  	s3 =	simm.s32 $0x108;
	s8 =	sld [smem:$0x3FB0]  }
0x2e: {  	s3 =	simm.s32 @!p0 $0x1082;
	s9 =	sld [smem:$0x3FB1]  }
0x2f: {  	lr =	sadd.s32 s0, s3;
	s0 =	sld [smem:$0x3FA8]  }
0x30: {  	s3 =	sld [smem:$0x3FAB]  }
0x31: {  	[smem:$0x3FB4] =	sst s10  }
0x32: {  	s10 =	sld [smem:$0x3FB2];
	_ =	sdelay $0x3  }
0x33: {  	p0 =	seq.s32 s10, $0x1;
	s10 =	sld [smem:$0x3FB4];
	_ =	sdelay $0x3  }
0x34: {  	[smem:$0x3FB4] =	sst s10  }
0x35: {  	s10 =	sld [smem:$0x3FB3];
	_ =	sdelay $0x3  }
0x36: {  	p1 =	seq.s32 s10, $0x1;
	s10 =	sld [smem:$0x3FB4];
	_ =	sdelay $0x3  }
0x37: {  	[smem:$0x3FB4] =	sst s10  }
0x38: {  	s10 =	sld [smem:$0x3FB5]  }
0x39: {  	_ = 	snop;
	(pc) =	sbr.ind lr, $3  }
0x3a: {  	_ = 	snop  }
0x3b: {  	_ = 	snop  }
0x3c: {  	p2 =	seq.s32 s10, $0x1;
	s10 =	sld [smem:$0x3FB4]  }
0x3d: {  	_ =	shalt  }
0x3e: {  	_ =	shalt  }
0x3f: {  	_ =	shalt  }
0x40: {  	_ =	shalt  }
0x41: {  	_ =	shalt  }
0x42: {  	_ =	shalt  }
0x43: {  	_ =	shalt  }
0x44: {  	_ =	shalt  }
0x45: {  	_ =	shalt  }
0x46: {  	_ =	shalt  }
0x47: {  	_ =	shalt  }
0x48: {  	_ =	shalt  }
0x49: {  	_ =	shalt  }
0x4a: {  	_ =	shalt  }
0x4b: {  	_ =	shalt  }
0x4c: {  	_ =	shalt  }
0x4d: {  	_ =	shalt  }
0x4e: {  	_ =	shalt  }
0x4f: {  	_ =	shalt  }
0x50: {  	_ =	shalt  }
0x51: {  	_ =	shalt  }
0x52: {  	_ =	shalt  }
0x53: {  	_ =	shalt  }
0x54: {  	_ =	shalt  }
0x55: {  	_ =	shalt  }
0x56: {  	_ =	shalt  }
0x57: {  	_ =	shalt  }
0x58: {  	_ =	shalt  }
0x59: {  	_ =	shalt  }
0x5a: {  	_ =	shalt  }
0x5b: {  	_ =	shalt  }
0x5c: {  	_ =	shalt  }
0x5d: {  	_ =	shalt  }
0x5e: {  	_ =	shalt  }
0x5f: {  	_ =	shalt  }
0x60: {  	_ =	shalt  }
0x61: {  	_ =	shalt  }
0x62: {  	_ =	shalt  }
0x63: {  	_ =	shalt  }
0x64: {  	_ =	shalt  }
0x65: {  	_ =	shalt  }
0x66: {  	_ =	shalt  }
0x67: {  	_ =	shalt  }
0x68: {  	_ =	shalt  }
0x69: {  	_ =	shalt  }
0x6a: {  	_ =	shalt  }
0x6b: {  	_ =	shalt  }
0x6c: {  	_ =	shalt  }
0x6d: {  	_ =	shalt  }
0x6e: {  	_ =	shalt  }
0x6f: {  	_ =	shalt  }
0x70: {  	_ =	shalt  }
0x71: {  	_ =	shalt  }
0x72: {  	_ =	shalt  }
0x73: {  	_ =	shalt  }
0x74: {  	_ =	shalt  }
0x75: {  	_ =	shalt  }
0x76: {  	_ =	shalt  }
0x77: {  	_ =	shalt  }
0x78: {  	_ =	shalt  }
0x79: {  	_ =	shalt  }
0x7a: {  	_ =	shalt  }
0x7b: {  	_ =	shalt  }
0x7c: {  	_ =	shalt  }
0x7d: {  	_ =	shalt  }
0x7e: {  	_ =	shalt  }
0x7f: {  	_ =	shalt  }
0x80: {  	_ =	shalt  }
0x81: {  	_ =	shalt  }
0x82: {  	_ =	shalt  }
0x83: {  	_ =	shalt  }
0x84: {  	_ =	shalt  }
0x85: {  	_ =	shalt  }
0x86: {  	_ =	shalt  }
0x87: {  	_ =	shalt  }
.Lfunc_end0:
.L_simem_size_0:
called_computation.2_lowered:
.L_overlay_start_0:
0x88: {  	s2 =	sld [smem:$0x3FD9]  }
0x89: {  	s3 =	sld [smem:$0x3FFE];
	_ =	sdelay $0x1  }
0x8a: {  	s1 =	srdreg.scid  }
0x8b: {  	s0 =	sand.u32 $0x1, s1  }
0x8c: {  	s17 =	sshll.u32 s0, $0xA;
	s2 =	sadd.s32 s3, s2  }
0x8d: {  	s2 =	sadd.s32 s2, s17  }
0x8e: {  	[smem:$0x3FC0] =	sst s2  }
0x8f: {  	_ = 	snop  }
0x90: {  	s2 =	sld [smem:$0x3FD0];
	(tm) =	ssettm $0x1  }
0x91: {  	s18 =	sld [smem:$0x3FFB];
	_ =	sdelay $0x3  }
0x92: {  	_ =	strace s18  }
0x93: {  	s3 =	sld [smem:$0x3FFC];
	_ =	sdelay $0x3  }
0x94: {  	_ =	strace s3  }
0x95: {  	s3 =	sld [smem:$0x3FFD];
	_ =	sdelay $0x3  }
0x96: {  	_ =	strace s3  }
0x97: {  	_ =	strace $0x8FFFFFFF  }
0x98: {  	s19 =	sld [smem:$0x3FDB];
	_ =	sdelay $0x1  }
0x99: {  	s4 =	simm.s32 $_scs_section_size  }
0x9a: {  	s5 =	simm.s32 $_size__tile_overlayer_lowered;
	s6 =	simm.s32 $_tile_overlayer_lowered  }
0x9b: {  	s22 =	simm.s32 $0x1BFF;
	s21 =	sshll.u32 s6, $0x1;
	s3 =	sadd.s32 s4, s19  }
0x9c: {  	s7 =	simm.s32 $0x0;
	s20 =	sshll.u32 s5, $0x1;
	s5 =	sadd.s32 s21, s3  }
0x9d: {  	[timem:s7], [sflag:s22] =	dma.local [hbm:s5], s20  }
0x9e: {  	_ =	swait.ge [sflag:s22], s20  }
0x9f: {  	s4 =	ssub.s32 $0x0, s20;
	[sflag:s22] =	ssyncset.done $0x0  }
0xa0: {  	[sflag:s22] =	ssyncadd.s32 s4;
	_ =	sdelay $0x1  }
0xa1: {  	s23 =	simm.s32 $0x1B8B  }
0xa2: {  	_ =	swait.ge [sflag:s23], $0x1  }
0xa3: {  	[sflag:s23] =	ssyncset.done $0x0  }
0xa4: {  	s25 =	simm.s32 $0x1B8E;
	s24 =	sld [smem:$0x3FFE];
	[sflag:s23] =	ssyncadd.s32 $0xFFFFFFFF  }
0xa5: {  	s26 =	simm.s32 $execute0_lowered;
	[smem:$0x3FD2] =	sst s25  }
0xa6: {  	s5 =	sshll.u32 s26, $0x1;
	_ =	strace $0x8000004C;
	[dreg:$0x1] =	wrdreg $0xFFFFFFFF  }
0xa7: {  	s28 =	simm.s32 $_size_execute0_lowered;
	s3 =	sadd.s32 s3, s5;
	[dreg:$0x0] =	wrdreg $0x0  }
0xa8: {  	s5 =	sshll.u32 s28, $0x1;
	[dreg:$0x2] =	wrdreg s3  }
0xa9: {  	[dreg:$0x3] =	wrdreg s5  }
0xaa: {  	[dreg:$0x4] =	wrdreg $0xC0  }
0xab: {  	_ =	task [dreg:s7], $0x5FFFF  }
0xac: {  	[dreg:$0x1] =	wrdreg $0xFFFFFFFF  }
0xad: {  	[dreg:$0x0] =	wrdreg $0x60  }
0xae: {  	[dreg:$0x2] =	wrdreg s2  }
0xaf: {  	[dreg:$0x3] =	wrdreg s24  }
0xb0: {  	[dreg:$0x4] =	wrdreg $0xA8000  }
0xb1: {  	[dreg:$0x5] =	wrdreg $0x9  }
0xb2: {  	_ =	task.clear_ibuf [dreg:s7], $0x6FFFF;
	_ =	strace $0x9000004C  }
0xb3: {  	s29 =	simm.s32 $0x9;
	_ =	strace $0x8000004E  }
0xb4: {  	_ =	swait.ge [sflag:s29], $0x1  }
0xb5: {  	[sflag:s29] =	ssyncadd.s32 $0xFFFFFFFF  }
0xb6: {  	_ =	strace $0x9000004E  }
0xb7: {  	_ =	sfence  }
0xb8: {  	s30 =	sld [smem:$0x0];
	_ =	sdelay $0x2  }
0xb9: {  	s31 =	sshll.u32 s1, $0xD;
	s1 =	sshrl.u32 s1, $0x2  }
0xba: {  	s3 =	sand.u32 $0x4000, s31;
	s1 =	sadd.s32 s1, s30  }
0xbb: {  	s0 =	sor.u32 s3, s0;
	s1 =	sshll.u32 s1, $0x11  }
0xbc: {  	s0 =	sor.u32 s1, s0  }
0xbd: {  	s0 =	sadd.s32 $0x8F2B, s0  }
0xbe: {  	[sflag:s0] =	ssyncadd.remote.s32 $0x1  }
0xbf: {  	_ =	sfence.sel $0xFFFF  }
0xc0: {  	[dreg:$0x0] =	wrdreg $0xFFFFFFFF;
	(pc) =	sbr.abs _section_cstart, $3  }
0xc1: {  	[dreg:$0x1] =	wrdreg $0xFFFFFFFF  }
0xc2: {  	_ =	task.clear_ibuf [dreg:s7], $0x2FFFF;
	_ =	strace $0x9FFFFFFF  }
0xc3: {  	(tm) =	ssettm $0x7FFFFFFF  }
tec
execute0_lowered:
.L_overlay_start_1:
0x0: {  	(tag) =	ssettag $0x1  }
0x1: {  	s1 =	rddreg [dreg:$0x0]  }
0x2: {  	s0 =	rddreg [dreg:$0x1]  }
0x3: {  	s2 =	rddreg [dreg:$0x2]  }
0x4: {  	s3 =	simm.s32 $0x0;
	s5 =	srdreg.scid;
	s9 =	stileid.u32  }
0x5: {  	s28 =	simm.s32 $0x2;
	s29 =	simm.s32 $0x1380;
	s30 =	simm.s32 $0x2700  }
0x6: {  	s31 =	simm.s32 $0x2780;
	[smem:$0x7FF] =	sst s3;
	s7 =	smul.u32 $0x50000, s9  }
0x7: {  	s4 =	sadd.s32 $0x5F000, s0;
	s14 =	sadd.s32 $0x4800, s0;
	s13 =	smul.u32 $0x14000, s9  }
0x8: {  	s5 =	sand.u32 $0x1, s5;
	s6 =	sadd.s32 $0xE800, s0;
	s11 =	smul.u32 $0x2800, s9  }
0x9: {  	s0 =	sadd.s32 $0x69000, s0;
	_ =	strace $0x8000004D;
	s10 =	smul.u32 $0x28000, s5  }
0xa: {  	[dreg:$0x4] =	wrdreg s6;
	s18 =	ssub.s32 $0x2, s5;
	s5 =	smul.u32 $0x140000, s5  }
0xb: {  	s8 =	sshrl.u32 s18, $0x1;
	s19 =	sshrl.u32 s7, $0x2;
	s15 =	sadd.s32 $0x4000, s13  }
0xc: {  	s17 =	sadd.s32 $0x8000, s13;
	s20 =	ssub.s32 s18, s8;
	s6 =	sadd.s32 s19, s2  }
0xd: {  	s7 =	sadd.s32 s15, s2;
	s18 =	sadd.s32 $0xC000, s13;
	s8 =	sadd.s32 s17, s2  }
0xe: {  	s10 =	sadd.s32 s11, s10;
	s19 =	sadd.s32 $0x10000, s13;
	s15 =	sadd.s32 s5, s15  }
0xf: {  	s25 =	sadd.s32 s5, s17;
	s9 =	sadd.s32 s18, s2;
	s16 =	sshrl.u32 s10, $0x3  }
0x10: {  	s10 =	sadd.s32 s19, s2;
	s24 =	sshrl.u32 s15, $0x3;
	s26 =	sadd.s32 s5, s18  }
0x11: {  	s20 =	smax.u32 s20, $0x1;
	s21 =	sadd.s32 s4, s16;
	s22 =	sadd.s32 s14, s16  }
0x12: {  	s16 =	sadd.s32 $0x280, s16;
	s18 =	sshrl.u32 s26, $0x3;
	[dreg:$0x5] =	wrdreg s21  }
0x13: {  	s26 =	simm.s32 $0x1;
	[dreg:$0x6] =	wrdreg s22;
	s21 =	sadd.s32 s13, s5  }
0x14: {  	s4 =	sadd.s32 s4, s16;
	s14 =	sadd.s32 s14, s16;
	s16 =	sadd.s32 s0, s24  }
0x15: {  	s5 =	sadd.s32 s5, s19;
	s18 =	sadd.s32 s0, s18;
	s22 =	simm.s32 $0x3  }
0x16: {  	s24 =	simm.s32 $0x80;
	[dreg:$0x7] =	wrdreg s4;
	s23 =	sshrl.u32 s21, $0x3  }
0x17: {  	s4 =	sshrl.u32 s25, $0x3;
	s5 =	sshrl.u32 s5, $0x3;
	s21 =	simm.s32 $0x2800  }
0x18: {  	s25 =	simm.s32 $0x6800;
	s15 =	sadd.s32 s0, s23;
	s17 =	sadd.s32 s0, s4  }
0x19: {  	s19 =	sadd.s32 s0, s5;
	s23 =	simm.s32 $0x1400;
	s0 =	simm.s32 $0x0  }
.LBB2_1:
0x1a: {  	s4 =	rddreg [dreg:$0x4]  }
0x1b: {  	[tilespmem:s21], [sflag:$0x3] =	stream.linear.gather [hbm4b:s4+s3], $0x4000, $0x38;
	[tilespmem:$0x1E800] =	vst v63  }
0x1c: {  	_ =	swait.ge [sflag:s22], $0x4000  }
0x1d: {  	[sflag:s22] =	ssyncset.done $0x0  }
0x1e: {  	[sflag:s22] =	ssyncadd.s32 $0xFFFFC000  }
0x1f: {  	[spmem:s6] =	stream.linear.scatter [tilespmem:s21], [sflag:$0x3], $0x4000, $0x38;
	[tilespmem:$0x1E800] =	vst v63  }
0x20: {  	_ =	swait.ge [sflag:s22], $0x4000  }
0x21: {  	[sflag:s22] =	ssyncset.done $0x0  }
0x22: {  	[sflag:s22] =	ssyncadd.s32 $0xFFFFC000  }
0x23: {  	[spmem:s7] =	stream.linear.scatter [tilespmem:s21], [sflag:$0x3], $0x4000, $0x38;
	[tilespmem:$0x1E800] =	vst v63  }
0x24: {  	_ =	swait.ge [sflag:s22], $0x4000  }
0x25: {  	[sflag:s22] =	ssyncset.done $0x0  }
0x26: {  	[sflag:s22] =	ssyncadd.s32 $0xFFFFC000  }
0x27: {  	[spmem:s8] =	stream.linear.scatter [tilespmem:s21], [sflag:$0x3], $0x4000, $0x38;
	[tilespmem:$0x1E800] =	vst v63  }
0x28: {  	_ =	swait.ge [sflag:s22], $0x4000  }
0x29: {  	[sflag:s22] =	ssyncset.done $0x0  }
0x2a: {  	[sflag:s22] =	ssyncadd.s32 $0xFFFFC000  }
0x2b: {  	[spmem:s9] =	stream.linear.scatter [tilespmem:s21], [sflag:$0x3], $0x4000, $0x38;
	[tilespmem:$0x1E800] =	vst v63  }
0x2c: {  	_ =	swait.ge [sflag:s22], $0x4000  }
0x2d: {  	[sflag:s22] =	ssyncset.done $0x0  }
0x2e: {  	[sflag:s22] =	ssyncadd.s32 $0xFFFFC000  }
0x2f: {  	[spmem:s10] =	stream.linear.scatter [tilespmem:s21], [sflag:$0x3], $0x4000, $0x38;
	[tilespmem:$0x1E800] =	vst v63  }
0x30: {  	_ =	swait.ge [sflag:s22], $0x4000  }
0x31: {  	[sflag:s22] =	ssyncset.done $0x0  }
0x32: {  	[sflag:s22] =	ssyncadd.s32 $0xFFFFC000  }
0x33: {  	[bflag:$0x0] =	sbarrier.arrive $0xFFFF  }
0x34: {  	s12 =	rddreg [dreg:$0x5]  }
0x35: {  	[tilespmem:s3], [sflag:$0x3] =	stream.linear.gather [hbm4b:s12+s3], $0x1400, $0x38;
	[tilespmem:$0x1E800] =	vst v63  }
0x36: {  	_ =	swait.ge [sflag:s22], $0x1400  }
0x37: {  	[sflag:s22] =	ssyncset.done $0x0  }
0x38: {  	s13 =	rddreg [dreg:$0x6];
	[sflag:s22] =	ssyncadd.s32 $0xFFFFEC00  }
0x39: {  	[tilespmem:s23], [sflag:$0x3] =	stream.linear.gather [hbm4b:s13+s3], $0x1400, $0x38;
	[tilespmem:$0x1E800] =	vst v63  }
0x3a: {  	_ =	swait.ge [sflag:s22], $0x1400  }
0x3b: {  	[sflag:s22] =	ssyncset.done $0x0  }
0x3c: {  	[sflag:s22] =	ssyncadd.s32 $0xFFFFEC00  }
0x3d: {  	[tilespmem:s21], [sflag:$0x1] =	stream.indirect.gather [hbm4b:s1+s24], $0x80, s3, s24, $0xb8;
	[tilespmem:$0x1E800] =	vst v63  }
0x3e: {  	s5 =	simm.s32 $0x80  }
0x3f: {  	[tilespmem:s25], [sflag:$0x2] =	stream.indirect.gather [hbm4b:s1+s24], $0x80, s5, s24, $0xb8;
	[tilespmem:$0x1E800] =	vst v63  }
0x40: {  	_ =	swait.ge [sflag:s26], $0x4000  }
0x41: {  	[sflag:s26] =	ssyncset.done $0x0  }
0x42: {  	s11 =	simm.s32 $0x1400;
	[sflag:s26] =	ssyncadd.s32 $0xFFFFC000  }
0x43: {  	[spmem:s2] =	stream.indirect.scatter.add.f32 [tilespmem:s21], [sflag:$0x3], $0x80, s11, s24, $0xb8;
	[tilespmem:$0x1E800] =	vst v63  }
0x44: {  	_ =	swait.ge [sflag:s22], $0x4000  }
0x45: {  	[sflag:s22] =	ssyncset.done $0x0  }
0x46: {  	s12 =	simm.s32 $0x100;
	[sflag:s22] =	ssyncadd.s32 $0xFFFFC000  }
0x47: {  	[tilespmem:s21], [sflag:$0x1] =	stream.indirect.gather [hbm4b:s1+s24], $0x80, s12, s24, $0xb8;
	[tilespmem:$0x1E800] =	vst v63  }
0x48: {  	_ =	swait.ge [sflag:s28], $0x4000  }
0x49: {  	[sflag:s28] =	ssyncset.done $0x0  }
0x4a: {  	s13 =	simm.s32 $0x1480;
	[sflag:s28] =	ssyncadd.s32 $0xFFFFC000  }
0x4b: {  	[spmem:s2] =	stream.indirect.scatter.add.f32 [tilespmem:s25], [sflag:$0x3], $0x80, s13, s24, $0xb8;
	[tilespmem:$0x1E800] =	vst v63  }
0x4c: {  	_ =	swait.ge [sflag:s22], $0x4000  }
0x4d: {  	s4 =	simm.s32 $0x100;
	s5 =	simm.s32 $0x800;
	[sflag:s22] =	ssyncset.done $0x0  }
.LBB2_2:
0x4e: {  	s11 =	sadd.s32 $0x80, s4  }
0x4f: {  	[sflag:s22] =	ssyncadd.s32 $0xFFFFC000;
	s12 =	smov.u32 s5;
	s13 =	sadd.s32 $0x400, s5  }
0x50: {  	[tilespmem:s25], [sflag:$0x2] =	stream.indirect.gather [hbm4b:s1+s24], $0x80, s11, s24, $0xb8;
	[tilespmem:$0x1E800] =	vst v63  }
0x51: {  	p0 =	sne.s32 s5, $0x4800;
	_ =	swait.ge [sflag:s26], $0x4000  }
0x52: {  	[sflag:s26] =	ssyncset.done $0x0  }
0x53: {  	s5 =	sadd.s32 $0x1400, s4;
	[sflag:s26] =	ssyncadd.s32 $0xFFFFC000  }
0x54: {  	[spmem:s2] =	stream.indirect.scatter.add.f32 [tilespmem:s21], [sflag:$0x3], $0x80, s5, s24, $0xb8;
	[tilespmem:$0x1E800] =	vst v63  }
0x55: {  	_ =	swait.ge [sflag:s22], $0x4000  }
0x56: {  	[sflag:s22] =	ssyncset.done $0x0  }
0x57: {  	s5 =	sadd.s32 $0x100, s4;
	[sflag:s22] =	ssyncadd.s32 $0xFFFFC000  }
0x58: {  	[tilespmem:s21], [sflag:$0x1] =	stream.indirect.gather [hbm4b:s1+s24], $0x80, s5, s24, $0xb8;
	[tilespmem:$0x1E800] =	vst v63  }
0x59: {  	_ =	swait.ge [sflag:s28], $0x4000  }
.Ltmp0:
0x5a: {  	[sflag:s28] =	ssyncset.done $0x0;
	(pc) =	sbr.rel @p0 .LBB2_2-.Ltmp0, $4  }
0x5b: {  	s4 =	sadd.s32 $0x1480, s4;
	[sflag:s28] =	ssyncadd.s32 $0xFFFFC000  }
0x5c: {  	[spmem:s2] =	stream.indirect.scatter.add.f32 [tilespmem:s25], [sflag:$0x3], $0x80, s4, s24, $0xb8;
	[tilespmem:$0x1E800] =	vst v63  }
0x5d: {  	_ =	swait.ge [sflag:s22], $0x4000  }
0x5e: {  	s5 =	smov.u32 s13;
	s4 =	sshra.s32 s12, $0x2;
	[sflag:s22] =	ssyncset.done $0x0  }
0x5f: {  	s5 =	sadd.s32 $0x80, s4;
	[sflag:s22] =	ssyncadd.s32 $0xFFFFC000  }
0x60: {  	[tilespmem:s25], [sflag:$0x2] =	stream.indirect.gather [hbm4b:s1+s24], $0x80, s5, s24, $0xb8;
	[tilespmem:$0x1E800] =	vst v63  }
0x61: {  	_ =	swait.ge [sflag:s26], $0x4000  }
0x62: {  	[sflag:s26] =	ssyncset.done $0x0  }
0x63: {  	s12 =	sadd.s32 $0x1400, s4;
	[sflag:s26] =	ssyncadd.s32 $0xFFFFC000  }
0x64: {  	[spmem:s2] =	stream.indirect.scatter.add.f32 [tilespmem:s21], [sflag:$0x3], $0x80, s12, s24, $0xb8;
	[tilespmem:$0x1E800] =	vst v63  }
0x65: {  	_ =	swait.ge [sflag:s22], $0x4000  }
0x66: {  	[sflag:s22] =	ssyncset.done $0x0  }
0x67: {  	s13 =	sadd.s32 $0x100, s4;
	[sflag:s22] =	ssyncadd.s32 $0xFFFFC000  }
0x68: {  	[tilespmem:s21], [sflag:$0x1] =	stream.indirect.gather [hbm4b:s1+s24], $0x80, s13, s24, $0xb8;
	[tilespmem:$0x1E800] =	vst v63  }
0x69: {  	_ =	swait.ge [sflag:s28], $0x4000  }
0x6a: {  	[sflag:s28] =	ssyncset.done $0x0  }
0x6b: {  	s11 =	sadd.s32 $0x1480, s4;
	[sflag:s28] =	ssyncadd.s32 $0xFFFFC000  }
0x6c: {  	[spmem:s2] =	stream.indirect.scatter.add.f32 [tilespmem:s25], [sflag:$0x3], $0x80, s11, s24, $0xb8;
	[tilespmem:$0x1E800] =	vst v63  }
0x6d: {  	_ =	swait.ge [sflag:s22], $0x4000  }
0x6e: {  	[sflag:s22] =	ssyncset.done $0x0  }
0x6f: {  	[sflag:s22] =	ssyncadd.s32 $0xFFFFC000  }
0x70: {  	[tilespmem:s25], [sflag:$0x2] =	stream.indirect.gather [hbm4b:s1+s24], $0x80, s29, s24, $0xb8;
	[tilespmem:$0x1E800] =	vst v63  }
0x71: {  	_ =	swait.ge [sflag:s26], $0x4000  }
0x72: {  	[sflag:s26] =	ssyncset.done $0x0  }
0x73: {  	[sflag:s26] =	ssyncadd.s32 $0xFFFFC000  }
0x74: {  	[spmem:s2] =	stream.indirect.scatter.add.f32 [tilespmem:s21], [sflag:$0x3], $0x80, s30, s24, $0xb8;
	[tilespmem:$0x1E800] =	vst v63  }
0x75: {  	_ =	swait.ge [sflag:s22], $0x4000  }
0x76: {  	[sflag:s22] =	ssyncset.done $0x0  }
0x77: {  	[sflag:s22] =	ssyncadd.s32 $0xFFFFC000  }
0x78: {  	_ =	swait.ge [sflag:s28], $0x4000  }
0x79: {  	[sflag:s28] =	ssyncset.done $0x0  }
0x7a: {  	[sflag:s28] =	ssyncadd.s32 $0xFFFFC000  }
0x7b: {  	[spmem:s2] =	stream.indirect.scatter.add.f32 [tilespmem:s25], [sflag:$0x3], $0x80, s31, s24, $0xb8;
	[tilespmem:$0x1E800] =	vst v63  }
0x7c: {  	_ =	swait.ge [sflag:s22], $0x4000  }
0x7d: {  	[sflag:s22] =	ssyncset.done $0x0  }
0x7e: {  	s12 =	simm.s32 $0x0;
	s13 =	rddreg [dreg:$0x7];
	[sflag:s22] =	ssyncadd.s32 $0xFFFFC000  }
0x7f: {  	[tilespmem:s12], [sflag:$0x3] =	stream.linear.gather [hbm4b:s13+s12], $0x1400, $0x38;
	[tilespmem:$0x1E800] =	vst v63  }
0x80: {  	_ =	swait.ge [sflag:s22], $0x1400  }
0x81: {  	[sflag:s22] =	ssyncset.done $0x0  }
0x82: {  	[sflag:s22] =	ssyncadd.s32 $0xFFFFEC00  }
0x83: {  	[tilespmem:s23], [sflag:$0x3] =	stream.linear.gather [hbm4b:s14+s12], $0x1400, $0x38;
	[tilespmem:$0x1E800] =	vst v63  }
0x84: {  	_ =	swait.ge [sflag:s22], $0x1400  }
0x85: {  	[sflag:s22] =	ssyncset.done $0x0  }
0x86: {  	[sflag:s22] =	ssyncadd.s32 $0xFFFFEC00  }
0x87: {  	[tilespmem:s21], [sflag:$0x1] =	stream.indirect.gather [hbm4b:s1+s24], $0x80, s12, s24, $0xb8;
	[tilespmem:$0x1E800] =	vst v63  }
0x88: {  	s5 =	simm.s32 $0x80  }
0x89: {  	[tilespmem:s25], [sflag:$0x2] =	stream.indirect.gather [hbm4b:s1+s24], $0x80, s5, s24, $0xb8;
	[tilespmem:$0x1E800] =	vst v63  }
0x8a: {  	_ =	swait.ge [sflag:s26], $0x4000  }
0x8b: {  	[sflag:s26] =	ssyncset.done $0x0  }
0x8c: {  	s11 =	simm.s32 $0x1400;
	[sflag:s26] =	ssyncadd.s32 $0xFFFFC000  }
0x8d: {  	[spmem:s2] =	stream.indirect.scatter.add.f32 [tilespmem:s21], [sflag:$0x3], $0x80, s11, s24, $0xb8;
	[tilespmem:$0x1E800] =	vst v63  }
0x8e: {  	_ =	swait.ge [sflag:s22], $0x4000  }
0x8f: {  	[sflag:s22] =	ssyncset.done $0x0  }
0x90: {  	s12 =	simm.s32 $0x100;
	[sflag:s22] =	ssyncadd.s32 $0xFFFFC000  }
0x91: {  	[tilespmem:s21], [sflag:$0x1] =	stream.indirect.gather [hbm4b:s1+s24], $0x80, s12, s24, $0xb8;
	[tilespmem:$0x1E800] =	vst v63  }
0x92: {  	_ =	swait.ge [sflag:s28], $0x4000  }
0x93: {  	[sflag:s28] =	ssyncset.done $0x0  }
0x94: {  	s13 =	simm.s32 $0x1480;
	[sflag:s28] =	ssyncadd.s32 $0xFFFFC000  }
0x95: {  	[spmem:s2] =	stream.indirect.scatter.add.f32 [tilespmem:s25], [sflag:$0x3], $0x80, s13, s24, $0xb8;
	[tilespmem:$0x1E800] =	vst v63  }
0x96: {  	_ =	swait.ge [sflag:s22], $0x4000  }
0x97: {  	s4 =	simm.s32 $0x100;
	s5 =	simm.s32 $0x800;
	[sflag:s22] =	ssyncset.done $0x0  }
.LBB2_4:
0x98: {  	s11 =	sadd.s32 $0x80, s4  }
0x99: {  	[sflag:s22] =	ssyncadd.s32 $0xFFFFC000;
	s12 =	smov.u32 s5;
	s13 =	sadd.s32 $0x400, s5  }
0x9a: {  	[tilespmem:s25], [sflag:$0x2] =	stream.indirect.gather [hbm4b:s1+s24], $0x80, s11, s24, $0xb8;
	[tilespmem:$0x1E800] =	vst v63  }
0x9b: {  	p0 =	sne.s32 s5, $0x4800;
	_ =	swait.ge [sflag:s26], $0x4000  }
0x9c: {  	[sflag:s26] =	ssyncset.done $0x0  }
0x9d: {  	s5 =	sadd.s32 $0x1400, s4;
	[sflag:s26] =	ssyncadd.s32 $0xFFFFC000  }
0x9e: {  	[spmem:s2] =	stream.indirect.scatter.add.f32 [tilespmem:s21], [sflag:$0x3], $0x80, s5, s24, $0xb8;
	[tilespmem:$0x1E800] =	vst v63  }
0x9f: {  	_ =	swait.ge [sflag:s22], $0x4000  }
0xa0: {  	[sflag:s22] =	ssyncset.done $0x0  }
0xa1: {  	s5 =	sadd.s32 $0x100, s4;
	[sflag:s22] =	ssyncadd.s32 $0xFFFFC000  }
0xa2: {  	[tilespmem:s21], [sflag:$0x1] =	stream.indirect.gather [hbm4b:s1+s24], $0x80, s5, s24, $0xb8;
	[tilespmem:$0x1E800] =	vst v63  }
0xa3: {  	_ =	swait.ge [sflag:s28], $0x4000  }
.Ltmp1:
0xa4: {  	[sflag:s28] =	ssyncset.done $0x0;
	(pc) =	sbr.rel @p0 .LBB2_4-.Ltmp1, $4  }
0xa5: {  	s4 =	sadd.s32 $0x1480, s4;
	[sflag:s28] =	ssyncadd.s32 $0xFFFFC000  }
0xa6: {  	[spmem:s2] =	stream.indirect.scatter.add.f32 [tilespmem:s25], [sflag:$0x3], $0x80, s4, s24, $0xb8;
	[tilespmem:$0x1E800] =	vst v63  }
0xa7: {  	_ =	swait.ge [sflag:s22], $0x4000  }
0xa8: {  	s5 =	smov.u32 s13;
	s4 =	sshra.s32 s12, $0x2;
	[sflag:s22] =	ssyncset.done $0x0  }
0xa9: {  	s5 =	sadd.s32 $0x80, s4;
	[sflag:s22] =	ssyncadd.s32 $0xFFFFC000  }
0xaa: {  	[tilespmem:s25], [sflag:$0x2] =	stream.indirect.gather [hbm4b:s1+s24], $0x80, s5, s24, $0xb8;
	[tilespmem:$0x1E800] =	vst v63  }
0xab: {  	_ =	swait.ge [sflag:s26], $0x4000  }
0xac: {  	[sflag:s26] =	ssyncset.done $0x0  }
0xad: {  	s11 =	sadd.s32 $0x1400, s4;
	[sflag:s26] =	ssyncadd.s32 $0xFFFFC000  }
0xae: {  	[spmem:s2] =	stream.indirect.scatter.add.f32 [tilespmem:s21], [sflag:$0x3], $0x80, s11, s24, $0xb8;
	[tilespmem:$0x1E800] =	vst v63  }
0xaf: {  	_ =	swait.ge [sflag:s22], $0x4000  }
0xb0: {  	[sflag:s22] =	ssyncset.done $0x0  }
0xb1: {  	s12 =	sadd.s32 $0x100, s4;
	[sflag:s22] =	ssyncadd.s32 $0xFFFFC000  }
0xb2: {  	[tilespmem:s21], [sflag:$0x1] =	stream.indirect.gather [hbm4b:s1+s24], $0x80, s12, s24, $0xb8;
	[tilespmem:$0x1E800] =	vst v63  }
0xb3: {  	_ =	swait.ge [sflag:s28], $0x4000  }
0xb4: {  	[sflag:s28] =	ssyncset.done $0x0  }
0xb5: {  	s13 =	sadd.s32 $0x1480, s4;
	[sflag:s28] =	ssyncadd.s32 $0xFFFFC000  }
0xb6: {  	[spmem:s2] =	stream.indirect.scatter.add.f32 [tilespmem:s25], [sflag:$0x3], $0x80, s13, s24, $0xb8;
	[tilespmem:$0x1E800] =	vst v63  }
0xb7: {  	_ =	swait.ge [sflag:s22], $0x4000  }
0xb8: {  	[sflag:s22] =	ssyncset.done $0x0  }
0xb9: {  	[sflag:s22] =	ssyncadd.s32 $0xFFFFC000  }
0xba: {  	[tilespmem:s25], [sflag:$0x2] =	stream.indirect.gather [hbm4b:s1+s24], $0x80, s29, s24, $0xb8;
	[tilespmem:$0x1E800] =	vst v63  }
0xbb: {  	_ =	swait.ge [sflag:s26], $0x4000  }
0xbc: {  	[sflag:s26] =	ssyncset.done $0x0  }
0xbd: {  	[sflag:s26] =	ssyncadd.s32 $0xFFFFC000  }
0xbe: {  	[spmem:s2] =	stream.indirect.scatter.add.f32 [tilespmem:s21], [sflag:$0x3], $0x80, s30, s24, $0xb8;
	[tilespmem:$0x1E800] =	vst v63  }
0xbf: {  	_ =	swait.ge [sflag:s22], $0x4000  }
0xc0: {  	[sflag:s22] =	ssyncset.done $0x0  }
0xc1: {  	[sflag:s22] =	ssyncadd.s32 $0xFFFFC000  }
0xc2: {  	_ =	swait.ge [sflag:s28], $0x4000  }
0xc3: {  	[sflag:s28] =	ssyncset.done $0x0  }
0xc4: {  	[sflag:s28] =	ssyncadd.s32 $0xFFFFC000  }
0xc5: {  	[spmem:s2] =	stream.indirect.scatter.add.f32 [tilespmem:s25], [sflag:$0x3], $0x80, s31, s24, $0xb8;
	[tilespmem:$0x1E800] =	vst v63  }
0xc6: {  	_ =	swait.ge [sflag:s22], $0x4000  }
0xc7: {  	[sflag:s22] =	ssyncset.done $0x0  }
0xc8: {  	[sflag:s22] =	ssyncadd.s32 $0xFFFFC000  }
0xc9: {  	[bflag:$0x0] =	sbarrier.arrive $0xFFFF  }
0xca: {  	[tilespmem:s21], [sflag:$0x3] =	stream.linear.gather [spmem:s6], $0x4000, $0x38;
	[tilespmem:$0x1E800] =	vst v63  }
0xcb: {  	_ =	swait.ge [sflag:s22], $0x4000  }
0xcc: {  	[sflag:s22] =	ssyncset.done $0x0  }
0xcd: {  	[sflag:s22] =	ssyncadd.s32 $0xFFFFC000  }
0xce: {  	[hbm4b:s15+s3] =	stream.linear.scatter [tilespmem:s21], [sflag:$0x3], $0x4000, $0x38;
	[tilespmem:$0x1E800] =	vst v63  }
0xcf: {  	_ =	swait.ge [sflag:s22], $0x4000  }
0xd0: {  	[sflag:s22] =	ssyncset.done $0x0  }
0xd1: {  	[sflag:s22] =	ssyncadd.s32 $0xFFFFC000  }
0xd2: {  	[tilespmem:s21], [sflag:$0x3] =	stream.linear.gather [spmem:s7], $0x4000, $0x38;
	[tilespmem:$0x1E800] =	vst v63  }
0xd3: {  	_ =	swait.ge [sflag:s22], $0x4000  }
0xd4: {  	[sflag:s22] =	ssyncset.done $0x0  }
0xd5: {  	[sflag:s22] =	ssyncadd.s32 $0xFFFFC000  }
0xd6: {  	[hbm4b:s16+s3] =	stream.linear.scatter [tilespmem:s21], [sflag:$0x3], $0x4000, $0x38;
	[tilespmem:$0x1E800] =	vst v63  }
0xd7: {  	_ =	swait.ge [sflag:s22], $0x4000  }
0xd8: {  	[sflag:s22] =	ssyncset.done $0x0  }
0xd9: {  	[sflag:s22] =	ssyncadd.s32 $0xFFFFC000  }
0xda: {  	[tilespmem:s21], [sflag:$0x3] =	stream.linear.gather [spmem:s8], $0x4000, $0x38;
	[tilespmem:$0x1E800] =	vst v63  }
0xdb: {  	_ =	swait.ge [sflag:s22], $0x4000  }
0xdc: {  	[sflag:s22] =	ssyncset.done $0x0  }
0xdd: {  	[sflag:s22] =	ssyncadd.s32 $0xFFFFC000  }
0xde: {  	[hbm4b:s17+s3] =	stream.linear.scatter [tilespmem:s21], [sflag:$0x3], $0x4000, $0x38;
	[tilespmem:$0x1E800] =	vst v63  }
0xdf: {  	_ =	swait.ge [sflag:s22], $0x4000  }
0xe0: {  	[sflag:s22] =	ssyncset.done $0x0  }
0xe1: {  	[sflag:s22] =	ssyncadd.s32 $0xFFFFC000  }
0xe2: {  	[tilespmem:s21], [sflag:$0x3] =	stream.linear.gather [spmem:s9], $0x4000, $0x38;
	[tilespmem:$0x1E800] =	vst v63  }
0xe3: {  	_ =	swait.ge [sflag:s22], $0x4000  }
0xe4: {  	[sflag:s22] =	ssyncset.done $0x0  }
0xe5: {  	[sflag:s22] =	ssyncadd.s32 $0xFFFFC000  }
0xe6: {  	[hbm4b:s18+s3] =	stream.linear.scatter [tilespmem:s21], [sflag:$0x3], $0x4000, $0x38;
	[tilespmem:$0x1E800] =	vst v63  }
0xe7: {  	_ =	swait.ge [sflag:s22], $0x4000  }
0xe8: {  	[sflag:s22] =	ssyncset.done $0x0  }
0xe9: {  	[sflag:s22] =	ssyncadd.s32 $0xFFFFC000  }
0xea: {  	[tilespmem:s21], [sflag:$0x3] =	stream.linear.gather [spmem:s10], $0x4000, $0x38;
	[tilespmem:$0x1E800] =	vst v63  }
0xeb: {  	s0 =	sadd.s32 $0x1, s0;
	_ =	swait.ge [sflag:s22], $0x4000  }
0xec: {  	p0 =	sne.s32 s0, s20;
	[sflag:s22] =	ssyncset.done $0x0  }
.Ltmp2:
0xed: {  	[sflag:s22] =	ssyncadd.s32 $0xFFFFC000;
	(pc) =	sbr.rel @p0 .LBB2_1-.Ltmp2, $4  }
0xee: {  	[hbm4b:s19+s3] =	stream.linear.scatter [tilespmem:s21], [sflag:$0x3], $0x4000, $0x38;
	[tilespmem:$0x1E800] =	vst v63  }
0xef: {  	_ =	swait.ge [sflag:s22], $0x4000  }
0xf0: {  	[sflag:s22] =	ssyncset.done $0x0  }
0xf1: {  	[sflag:s22] =	ssyncadd.s32 $0xFFFFC000  }
0xf2: {  	_ =	sfence.sel $0x180000  }
0xf3: {  	[bflag:$0x0] =	sbarrier.arrive $0xFFFF  }
0xf4: {  	_ =	strace $0x9000004D  }
0xf5: {  	s0 =	stileid.u32;
	[bflag:$0x2] =	sbarrier.arrive $0xFFFF  }
0xf6: {  	p0 =	sne.s32 s0, $0x0;
	s0 =	rddreg [dreg:$0x3]  }
0xf7: {  	s0 =	sadd.s32 @!p0 $0x100000, s0  }
0xf8: {  	[sflag:s0] =	ssyncadd.tile.s32 @!p0 $0x1;
	_ =	shalt  }
.Lfunc_end2:
_tile_overlayer_lowered:
.L_overlay_start_2:
0xf9: {  	(tag) =	ssettag $0x2  }
0xfa: {  	s0 =	rddreg [dreg:$0x0];
	s2 =	stileid.u32  }
0xfb: {  	s1 =	rddreg [dreg:$0x1];
	p0 =	sne.s32 s2, $0x0  }
0xfc: {  	s3 =	rddreg [dreg:$0x2];
	[bflag:$0x3] =	sbarrier.arrive $0xFFFF;
	s2 =	simm.s32 @!p0 $0x1C03  }
0xfd: {  	[timem:s3], [sflag:s2] =	dma.local @!p0 [hbm:s0], s1  }
0xfe: {  	s0 =	simm.s32 @!p0 $0x3  }
0xff: {  	_ =	swait.ge @!p0 [sflag:s0], s1  }
0x100: {  	s1 =	ssub.s32 @!p0 $0x0, s1;
	[sflag:s0] =	ssyncset.done @!p0 $0x0  }
0x101: {  	[sflag:s0] =	ssyncadd.s32 @!p0 s1  }
0x102: {  	[bflag:$0x3] =	sbarrier.arrive $0xFFFF  }
0x103: {  	_ =	shalt  }

// kernel: kernel.19.cloned.1.call-start
scs
__scs_entry_jumppad:
0x0: {  	(pc) =	sbr.rel $0x88, $3  }
0x1: {  	(tag) =	ssettag $0x0;
	lr =	simm.s32 $0x1  }
0x2: {  	[smem:$0x3F99] =	sst lr;
	_ =	strace $0xD0000000  }
0x3: {  	_ = 	snop  }
0x4: {  	_ = 	snop  }
0x5: {  	_ = 	snop  }
0x6: {  	_ = 	snop  }
0x7: {  	_ = 	snop  }
__scs_overlays_trampoline_lowered:
0x8: {  	[smem:$0x3FA8] =	sst s0  }
0x9: {  	[smem:$0x3FA9] =	sst s1  }
0xa: {  	[smem:$0x3FAA] =	sst s2  }
0xb: {  	[smem:$0x3FAB] =	sst s3  }
0xc: {  	[smem:$0x3FAC] =	sst s4  }
0xd: {  	[smem:$0x3FAD] =	sst s5  }
0xe: {  	[smem:$0x3FAE] =	sst s6  }
0xf: {  	[smem:$0x3FAF] =	sst s7  }
0x10: {  	[smem:$0x3FB0] =	sst s8  }
0x11: {  	[smem:$0x3FB1] =	sst s9;
	s0 =	simm.s32 @!p0 $0x0  }
0x12: {  	s1 =	sld [smem:$0x3F97];
	s0 =	simm.s32 @p0 $0x1  }
0x13: {  	[smem:$0x3FB2] =	sst s0;
	s0 =	simm.s32 @!p1 $0x0  }
0x14: {  	s2 =	sld [smem:$0x3F96];
	s0 =	simm.s32 @p1 $0x1  }
0x15: {  	[smem:$0x3FB3] =	sst s0;
	s0 =	simm.s32 @!p2 $0x0  }
0x16: {  	s3 =	sld [smem:$0x3FDB];
	s0 =	simm.s32 @p2 $0x1  }
0x17: {  	s4 =	simm.s32 $0x1BF5;
	[smem:$0x3FB5] =	sst s0  }
0x18: {  	s0 =	sld [smem:$0x3F98];
	_ =	swait.ge [sflag:s4], $0x0  }
0x19: {  	s7 =	sld [smem:$0x3F99]  }
0x1a: {  	s8 =	sadd.s32 $0xFFFFE003, lr  }
0x1b: {  	s9 =	sadd.s32 $0xFFFFFEF7, lr;
	s5 =	simm.s32 $0xFFFFFFFF;
	p2 =	slt.u32 s8, $0xFFFFF086  }
0x1c: {  	p1 =	slt.u32 s9, $0xF7A;
	s5 =	simm.s32 @!p2 $0x0  }
0x1d: {  	s5 =	simm.s32 @p1 $0x1;
	p0 =	seq.s32 s7, s2  }
0x1e: {  	s7 =	smul.u32 @!p0 $0xF7A, s2;
	p2 =	seq.s32 @!p0 s5, $0x0  }
0x1f: {  	s9 =	smul.u32 $0xF7A, s1;
	s8 =	simm.s32 @!p0 $0x1BF5;
	p2 =	por !p2, p0  }
0x20: {  	[sflag:s8] =	ssyncset.s32 @!p0 $0xFFFFF086;
	s6 =	sadd.s32 @!p0 s3, s7;
	s7 =	simm.s32 @!p0 $0x108  }
0x21: {  	s3 =	sadd.s32 s3, s9;
	s6 =	sadd.s32 @!p0 $0x88, s6;
	s7 =	simm.s32 @p2 $0x1082  }
0x22: {  	[simem:s7], [sflag:s8] =	dma.local @!p0 [hbm:s6], $0xF7A  }
0x23: {  	s9 =	sor.u32 $0xD0000000, s2;
	s6 =	simm.s32 $0x108;
	_ =	swait.ge @!p0 [sflag:s8], $0x0  }
0x24: {  	s3 =	sadd.s32 $0x88, s3;
	s6 =	simm.s32 @!p1 $0x1082;
	[sflag:s4] =	ssyncset.s32 $0xFFFFF086  }
0x25: {  	[simem:s6], [sflag:s4] =	dma.local [hbm:s3], $0xF7A  }
0x26: {  	[smem:$0x3F99] =	sst s1;
	(tag) =	ssettag s2;
	_ =	strace s9  }
0x27: {  	s1 =	sld [smem:$0x3FA9]  }
0x28: {  	s2 =	sld [smem:$0x3FAA]  }
0x29: {  	s4 =	sld [smem:$0x3FAC]  }
0x2a: {  	p0 =	seq.s32 s5, $0x0;
	s5 =	sld [smem:$0x3FAD]  }
0x2b: {  	s6 =	sld [smem:$0x3FAE]  }
0x2c: {  	s7 =	sld [smem:$0x3FAF]  }
0x2d: {  	s3 =	simm.s32 $0x108;
	s8 =	sld [smem:$0x3FB0]  }
0x2e: {  	s3 =	simm.s32 @!p0 $0x1082;
	s9 =	sld [smem:$0x3FB1]  }
0x2f: {  	lr =	sadd.s32 s0, s3;
	s0 =	sld [smem:$0x3FA8]  }
0x30: {  	s3 =	sld [smem:$0x3FAB]  }
0x31: {  	[smem:$0x3FB4] =	sst s10  }
0x32: {  	s10 =	sld [smem:$0x3FB2];
	_ =	sdelay $0x3  }
0x33: {  	p0 =	seq.s32 s10, $0x1;
	s10 =	sld [smem:$0x3FB4];
	_ =	sdelay $0x3  }
0x34: {  	[smem:$0x3FB4] =	sst s10  }
0x35: {  	s10 =	sld [smem:$0x3FB3];
	_ =	sdelay $0x3  }
0x36: {  	p1 =	seq.s32 s10, $0x1;
	s10 =	sld [smem:$0x3FB4];
	_ =	sdelay $0x3  }
0x37: {  	[smem:$0x3FB4] =	sst s10  }
0x38: {  	s10 =	sld [smem:$0x3FB5]  }
0x39: {  	_ = 	snop;
	(pc) =	sbr.ind lr, $3  }
0x3a: {  	_ = 	snop  }
0x3b: {  	_ = 	snop  }
0x3c: {  	p2 =	seq.s32 s10, $0x1;
	s10 =	sld [smem:$0x3FB4]  }
0x3d: {  	_ =	shalt  }
0x3e: {  	_ =	shalt  }
0x3f: {  	_ =	shalt  }
0x40: {  	_ =	shalt  }
0x41: {  	_ =	shalt  }
0x42: {  	_ =	shalt  }
0x43: {  	_ =	shalt  }
0x44: {  	_ =	shalt  }
0x45: {  	_ =	shalt  }
0x46: {  	_ =	shalt  }
0x47: {  	_ =	shalt  }
0x48: {  	_ =	shalt  }
0x49: {  	_ =	shalt  }
0x4a: {  	_ =	shalt  }
0x4b: {  	_ =	shalt  }
0x4c: {  	_ =	shalt  }
0x4d: {  	_ =	shalt  }
0x4e: {  	_ =	shalt  }
0x4f: {  	_ =	shalt  }
0x50: {  	_ =	shalt  }
0x51: {  	_ =	shalt  }
0x52: {  	_ =	shalt  }
0x53: {  	_ =	shalt  }
0x54: {  	_ =	shalt  }
0x55: {  	_ =	shalt  }
0x56: {  	_ =	shalt  }
0x57: {  	_ =	shalt  }
0x58: {  	_ =	shalt  }
0x59: {  	_ =	shalt  }
0x5a: {  	_ =	shalt  }
0x5b: {  	_ =	shalt  }
0x5c: {  	_ =	shalt  }
0x5d: {  	_ =	shalt  }
0x5e: {  	_ =	shalt  }
0x5f: {  	_ =	shalt  }
0x60: {  	_ =	shalt  }
0x61: {  	_ =	shalt  }
0x62: {  	_ =	shalt  }
0x63: {  	_ =	shalt  }
0x64: {  	_ =	shalt  }
0x65: {  	_ =	shalt  }
0x66: {  	_ =	shalt  }
0x67: {  	_ =	shalt  }
0x68: {  	_ =	shalt  }
0x69: {  	_ =	shalt  }
0x6a: {  	_ =	shalt  }
0x6b: {  	_ =	shalt  }
0x6c: {  	_ =	shalt  }
0x6d: {  	_ =	shalt  }
0x6e: {  	_ =	shalt  }
0x6f: {  	_ =	shalt  }
0x70: {  	_ =	shalt  }
0x71: {  	_ =	shalt  }
0x72: {  	_ =	shalt  }
0x73: {  	_ =	shalt  }
0x74: {  	_ =	shalt  }
0x75: {  	_ =	shalt  }
0x76: {  	_ =	shalt  }
0x77: {  	_ =	shalt  }
0x78: {  	_ =	shalt  }
0x79: {  	_ =	shalt  }
0x7a: {  	_ =	shalt  }
0x7b: {  	_ =	shalt  }
0x7c: {  	_ =	shalt  }
0x7d: {  	_ =	shalt  }
0x7e: {  	_ =	shalt  }
0x7f: {  	_ =	shalt  }
0x80: {  	_ =	shalt  }
0x81: {  	_ =	shalt  }
0x82: {  	_ =	shalt  }
0x83: {  	_ =	shalt  }
0x84: {  	_ =	shalt  }
0x85: {  	_ =	shalt  }
0x86: {  	_ =	shalt  }
0x87: {  	_ =	shalt  }
.Lfunc_end0:
.L_simem_size_0:
called_computation.3_lowered:
.L_overlay_start_0:
0x88: {  	s2 =	sld [smem:$0x3FD9]  }
0x89: {  	s3 =	sld [smem:$0x3FFE];
	_ =	sdelay $0x1  }
0x8a: {  	s1 =	srdreg.scid  }
0x8b: {  	s0 =	sand.u32 $0x1, s1  }
0x8c: {  	s17 =	sshll.u32 s0, $0xA;
	s2 =	sadd.s32 s3, s2  }
0x8d: {  	s2 =	sadd.s32 s2, s17  }
0x8e: {  	[smem:$0x3FC0] =	sst s2  }
0x8f: {  	_ = 	snop  }
0x90: {  	s2 =	sld [smem:$0x3FD0];
	(tm) =	ssettm $0x1  }
0x91: {  	s18 =	sld [smem:$0x3FFB];
	_ =	sdelay $0x3  }
0x92: {  	_ =	strace s18  }
0x93: {  	s3 =	sld [smem:$0x3FFC];
	_ =	sdelay $0x3  }
0x94: {  	_ =	strace s3  }
0x95: {  	s3 =	sld [smem:$0x3FFD];
	_ =	sdelay $0x3  }
0x96: {  	_ =	strace s3  }
0x97: {  	_ =	strace $0x8FFFFFFF  }
0x98: {  	s19 =	sld [smem:$0x3FDB];
	_ =	sdelay $0x1  }
0x99: {  	s4 =	simm.s32 $_scs_section_size  }
0x9a: {  	s5 =	simm.s32 $_size__tile_overlayer_lowered;
	s6 =	simm.s32 $_tile_overlayer_lowered  }
0x9b: {  	s22 =	simm.s32 $0x1BFF;
	s21 =	sshll.u32 s6, $0x1;
	s3 =	sadd.s32 s4, s19  }
0x9c: {  	s7 =	simm.s32 $0x0;
	s20 =	sshll.u32 s5, $0x1;
	s5 =	sadd.s32 s21, s3  }
0x9d: {  	[timem:s7], [sflag:s22] =	dma.local [hbm:s5], s20  }
0x9e: {  	_ =	swait.ge [sflag:s22], s20  }
0x9f: {  	s4 =	ssub.s32 $0x0, s20;
	[sflag:s22] =	ssyncset.done $0x0  }
0xa0: {  	[sflag:s22] =	ssyncadd.s32 s4;
	_ =	sdelay $0x1  }
0xa1: {  	s23 =	simm.s32 $0x1B8B  }
0xa2: {  	_ =	swait.ge [sflag:s23], $0x1  }
0xa3: {  	[sflag:s23] =	ssyncset.done $0x0  }
0xa4: {  	s25 =	simm.s32 $0x1B8E;
	s24 =	sld [smem:$0x3FFE];
	[sflag:s23] =	ssyncadd.s32 $0xFFFFFFFF  }
0xa5: {  	s26 =	simm.s32 $execute0_lowered;
	[smem:$0x3FD2] =	sst s25  }
0xa6: {  	s5 =	sshll.u32 s26, $0x1;
	_ =	strace $0x8000004F;
	[dreg:$0x1] =	wrdreg $0xFFFFFFFF  }
0xa7: {  	s28 =	simm.s32 $_size_execute0_lowered;
	s3 =	sadd.s32 s3, s5;
	[dreg:$0x0] =	wrdreg $0x0  }
0xa8: {  	s5 =	sshll.u32 s28, $0x1;
	[dreg:$0x2] =	wrdreg s3  }
0xa9: {  	[dreg:$0x3] =	wrdreg s5  }
0xaa: {  	[dreg:$0x4] =	wrdreg $0xC0  }
0xab: {  	_ =	task [dreg:s7], $0x5FFFF  }
0xac: {  	[dreg:$0x1] =	wrdreg $0xFFFFFFFF  }
0xad: {  	[dreg:$0x0] =	wrdreg $0x60  }
0xae: {  	[dreg:$0x2] =	wrdreg s2  }
0xaf: {  	[dreg:$0x3] =	wrdreg s24  }
0xb0: {  	[dreg:$0x4] =	wrdreg $0xA8000  }
0xb1: {  	[dreg:$0x5] =	wrdreg $0x9  }
0xb2: {  	_ =	task.clear_ibuf [dreg:s7], $0x6FFFF;
	_ =	strace $0x9000004F  }
0xb3: {  	s29 =	simm.s32 $0x9;
	_ =	strace $0x80000051  }
0xb4: {  	_ =	swait.ge [sflag:s29], $0x1  }
0xb5: {  	[sflag:s29] =	ssyncadd.s32 $0xFFFFFFFF  }
0xb6: {  	_ =	strace $0x90000051  }
0xb7: {  	_ =	sfence  }
0xb8: {  	s30 =	sld [smem:$0x0];
	_ =	sdelay $0x2  }
0xb9: {  	s31 =	sshll.u32 s1, $0xD;
	s1 =	sshrl.u32 s1, $0x2  }
0xba: {  	s3 =	sand.u32 $0x4000, s31;
	s1 =	sadd.s32 s1, s30  }
0xbb: {  	s0 =	sor.u32 s3, s0;
	s1 =	sshll.u32 s1, $0x11  }
0xbc: {  	s0 =	sor.u32 s1, s0  }
0xbd: {  	s0 =	sadd.s32 $0x8F2B, s0  }
0xbe: {  	[sflag:s0] =	ssyncadd.remote.s32 $0x1  }
0xbf: {  	_ =	sfence.sel $0xFFFF  }
0xc0: {  	[dreg:$0x0] =	wrdreg $0xFFFFFFFF;
	(pc) =	sbr.abs _section_cstart, $3  }
0xc1: {  	[dreg:$0x1] =	wrdreg $0xFFFFFFFF  }
0xc2: {  	_ =	task.clear_ibuf [dreg:s7], $0x2FFFF;
	_ =	strace $0x9FFFFFFF  }
0xc3: {  	(tm) =	ssettm $0x7FFFFFFF  }
tec
execute0_lowered:
.L_overlay_start_1:
0x0: {  	(tag) =	ssettag $0x1  }
0x1: {  	s1 =	rddreg [dreg:$0x0]  }
0x2: {  	s0 =	rddreg [dreg:$0x1]  }
0x3: {  	s2 =	rddreg [dreg:$0x2]  }
0x4: {  	s3 =	simm.s32 $0x0;
	s5 =	srdreg.scid;
	s9 =	stileid.u32  }
0x5: {  	s28 =	simm.s32 $0x2;
	s29 =	simm.s32 $0x1380;
	s30 =	simm.s32 $0x2700  }
0x6: {  	s31 =	simm.s32 $0x2780;
	[smem:$0x7FF] =	sst s3;
	s7 =	smul.u32 $0x50000, s9  }
0x7: {  	s4 =	sadd.s32 $0x5F000, s0;
	s14 =	sadd.s32 $0x4800, s0;
	s13 =	smul.u32 $0x14000, s9  }
0x8: {  	s5 =	sand.u32 $0x1, s5;
	s6 =	sadd.s32 $0xE800, s0;
	s11 =	smul.u32 $0x2800, s9  }
0x9: {  	s0 =	sadd.s32 $0x69000, s0;
	_ =	strace $0x80000050;
	s10 =	smul.u32 $0x28000, s5  }
0xa: {  	[dreg:$0x4] =	wrdreg s6;
	s18 =	ssub.s32 $0x2, s5;
	s5 =	smul.u32 $0x140000, s5  }
0xb: {  	s8 =	sshrl.u32 s18, $0x1;
	s19 =	sshrl.u32 s7, $0x2;
	s15 =	sadd.s32 $0x4000, s13  }
0xc: {  	s17 =	sadd.s32 $0x8000, s13;
	s20 =	ssub.s32 s18, s8;
	s6 =	sadd.s32 s19, s2  }
0xd: {  	s7 =	sadd.s32 s15, s2;
	s18 =	sadd.s32 $0xC000, s13;
	s8 =	sadd.s32 s17, s2  }
0xe: {  	s10 =	sadd.s32 s11, s10;
	s19 =	sadd.s32 $0x10000, s13;
	s15 =	sadd.s32 s5, s15  }
0xf: {  	s25 =	sadd.s32 s5, s17;
	s9 =	sadd.s32 s18, s2;
	s16 =	sshrl.u32 s10, $0x3  }
0x10: {  	s10 =	sadd.s32 s19, s2;
	s24 =	sshrl.u32 s15, $0x3;
	s26 =	sadd.s32 s5, s18  }
0x11: {  	s20 =	smax.u32 s20, $0x1;
	s21 =	sadd.s32 s4, s16;
	s22 =	sadd.s32 s14, s16  }
0x12: {  	s16 =	sadd.s32 $0x280, s16;
	s18 =	sshrl.u32 s26, $0x3;
	[dreg:$0x5] =	wrdreg s21  }
0x13: {  	s26 =	simm.s32 $0x1;
	[dreg:$0x6] =	wrdreg s22;
	s21 =	sadd.s32 s13, s5  }
0x14: {  	s4 =	sadd.s32 s4, s16;
	s14 =	sadd.s32 s14, s16;
	s16 =	sadd.s32 s0, s24  }
0x15: {  	s5 =	sadd.s32 s5, s19;
	s18 =	sadd.s32 s0, s18;
	s22 =	simm.s32 $0x3  }
0x16: {  	s24 =	simm.s32 $0x80;
	[dreg:$0x7] =	wrdreg s4;
	s23 =	sshrl.u32 s21, $0x3  }
0x17: {  	s4 =	sshrl.u32 s25, $0x3;
	s5 =	sshrl.u32 s5, $0x3;
	s21 =	simm.s32 $0x2800  }
0x18: {  	s25 =	simm.s32 $0x6800;
	s15 =	sadd.s32 s0, s23;
	s17 =	sadd.s32 s0, s4  }
0x19: {  	s19 =	sadd.s32 s0, s5;
	s23 =	simm.s32 $0x1400;
	s0 =	simm.s32 $0x0  }
.LBB2_1:
0x1a: {  	s4 =	rddreg [dreg:$0x4]  }
0x1b: {  	[tilespmem:s21], [sflag:$0x3] =	stream.linear.gather [hbm4b:s4+s3], $0x4000, $0x38;
	[tilespmem:$0x1E800] =	vst v63  }
0x1c: {  	_ =	swait.ge [sflag:s22], $0x4000  }
0x1d: {  	[sflag:s22] =	ssyncset.done $0x0  }
0x1e: {  	[sflag:s22] =	ssyncadd.s32 $0xFFFFC000  }
0x1f: {  	[spmem:s6] =	stream.linear.scatter [tilespmem:s21], [sflag:$0x3], $0x4000, $0x38;
	[tilespmem:$0x1E800] =	vst v63  }
0x20: {  	_ =	swait.ge [sflag:s22], $0x4000  }
0x21: {  	[sflag:s22] =	ssyncset.done $0x0  }
0x22: {  	[sflag:s22] =	ssyncadd.s32 $0xFFFFC000  }
0x23: {  	[spmem:s7] =	stream.linear.scatter [tilespmem:s21], [sflag:$0x3], $0x4000, $0x38;
	[tilespmem:$0x1E800] =	vst v63  }
0x24: {  	_ =	swait.ge [sflag:s22], $0x4000  }
0x25: {  	[sflag:s22] =	ssyncset.done $0x0  }
0x26: {  	[sflag:s22] =	ssyncadd.s32 $0xFFFFC000  }
0x27: {  	[spmem:s8] =	stream.linear.scatter [tilespmem:s21], [sflag:$0x3], $0x4000, $0x38;
	[tilespmem:$0x1E800] =	vst v63  }
0x28: {  	_ =	swait.ge [sflag:s22], $0x4000  }
0x29: {  	[sflag:s22] =	ssyncset.done $0x0  }
0x2a: {  	[sflag:s22] =	ssyncadd.s32 $0xFFFFC000  }
0x2b: {  	[spmem:s9] =	stream.linear.scatter [tilespmem:s21], [sflag:$0x3], $0x4000, $0x38;
	[tilespmem:$0x1E800] =	vst v63  }
0x2c: {  	_ =	swait.ge [sflag:s22], $0x4000  }
0x2d: {  	[sflag:s22] =	ssyncset.done $0x0  }
0x2e: {  	[sflag:s22] =	ssyncadd.s32 $0xFFFFC000  }
0x2f: {  	[spmem:s10] =	stream.linear.scatter [tilespmem:s21], [sflag:$0x3], $0x4000, $0x38;
	[tilespmem:$0x1E800] =	vst v63  }
0x30: {  	_ =	swait.ge [sflag:s22], $0x4000  }
0x31: {  	[sflag:s22] =	ssyncset.done $0x0  }
0x32: {  	[sflag:s22] =	ssyncadd.s32 $0xFFFFC000  }
0x33: {  	[bflag:$0x0] =	sbarrier.arrive $0xFFFF  }
0x34: {  	s12 =	rddreg [dreg:$0x5]  }
0x35: {  	[tilespmem:s3], [sflag:$0x3] =	stream.linear.gather [hbm4b:s12+s3], $0x1400, $0x38;
	[tilespmem:$0x1E800] =	vst v63  }
0x36: {  	_ =	swait.ge [sflag:s22], $0x1400  }
0x37: {  	[sflag:s22] =	ssyncset.done $0x0  }
0x38: {  	s13 =	rddreg [dreg:$0x6];
	[sflag:s22] =	ssyncadd.s32 $0xFFFFEC00  }
0x39: {  	[tilespmem:s23], [sflag:$0x3] =	stream.linear.gather [hbm4b:s13+s3], $0x1400, $0x38;
	[tilespmem:$0x1E800] =	vst v63  }
0x3a: {  	_ =	swait.ge [sflag:s22], $0x1400  }
0x3b: {  	[sflag:s22] =	ssyncset.done $0x0  }
0x3c: {  	[sflag:s22] =	ssyncadd.s32 $0xFFFFEC00  }
0x3d: {  	[tilespmem:s21], [sflag:$0x1] =	stream.indirect.gather [hbm4b:s1+s24], $0x80, s3, s24, $0xb8;
	[tilespmem:$0x1E800] =	vst v63  }
0x3e: {  	s5 =	simm.s32 $0x80  }
0x3f: {  	[tilespmem:s25], [sflag:$0x2] =	stream.indirect.gather [hbm4b:s1+s24], $0x80, s5, s24, $0xb8;
	[tilespmem:$0x1E800] =	vst v63  }
0x40: {  	_ =	swait.ge [sflag:s26], $0x4000  }
0x41: {  	[sflag:s26] =	ssyncset.done $0x0  }
0x42: {  	s11 =	simm.s32 $0x1400;
	[sflag:s26] =	ssyncadd.s32 $0xFFFFC000  }
0x43: {  	[spmem:s2] =	stream.indirect.scatter.add.f32 [tilespmem:s21], [sflag:$0x3], $0x80, s11, s24, $0xb8;
	[tilespmem:$0x1E800] =	vst v63  }
0x44: {  	_ =	swait.ge [sflag:s22], $0x4000  }
0x45: {  	[sflag:s22] =	ssyncset.done $0x0  }
0x46: {  	s12 =	simm.s32 $0x100;
	[sflag:s22] =	ssyncadd.s32 $0xFFFFC000  }
0x47: {  	[tilespmem:s21], [sflag:$0x1] =	stream.indirect.gather [hbm4b:s1+s24], $0x80, s12, s24, $0xb8;
	[tilespmem:$0x1E800] =	vst v63  }
0x48: {  	_ =	swait.ge [sflag:s28], $0x4000  }
0x49: {  	[sflag:s28] =	ssyncset.done $0x0  }
0x4a: {  	s13 =	simm.s32 $0x1480;
	[sflag:s28] =	ssyncadd.s32 $0xFFFFC000  }
0x4b: {  	[spmem:s2] =	stream.indirect.scatter.add.f32 [tilespmem:s25], [sflag:$0x3], $0x80, s13, s24, $0xb8;
	[tilespmem:$0x1E800] =	vst v63  }
0x4c: {  	_ =	swait.ge [sflag:s22], $0x4000  }
0x4d: {  	s4 =	simm.s32 $0x100;
	s5 =	simm.s32 $0x800;
	[sflag:s22] =	ssyncset.done $0x0  }
.LBB2_2:
0x4e: {  	s11 =	sadd.s32 $0x80, s4  }
0x4f: {  	[sflag:s22] =	ssyncadd.s32 $0xFFFFC000;
	s12 =	smov.u32 s5;
	s13 =	sadd.s32 $0x400, s5  }
0x50: {  	[tilespmem:s25], [sflag:$0x2] =	stream.indirect.gather [hbm4b:s1+s24], $0x80, s11, s24, $0xb8;
	[tilespmem:$0x1E800] =	vst v63  }
0x51: {  	p0 =	sne.s32 s5, $0x4800;
	_ =	swait.ge [sflag:s26], $0x4000  }
0x52: {  	[sflag:s26] =	ssyncset.done $0x0  }
0x53: {  	s5 =	sadd.s32 $0x1400, s4;
	[sflag:s26] =	ssyncadd.s32 $0xFFFFC000  }
0x54: {  	[spmem:s2] =	stream.indirect.scatter.add.f32 [tilespmem:s21], [sflag:$0x3], $0x80, s5, s24, $0xb8;
	[tilespmem:$0x1E800] =	vst v63  }
0x55: {  	_ =	swait.ge [sflag:s22], $0x4000  }
0x56: {  	[sflag:s22] =	ssyncset.done $0x0  }
0x57: {  	s5 =	sadd.s32 $0x100, s4;
	[sflag:s22] =	ssyncadd.s32 $0xFFFFC000  }
0x58: {  	[tilespmem:s21], [sflag:$0x1] =	stream.indirect.gather [hbm4b:s1+s24], $0x80, s5, s24, $0xb8;
	[tilespmem:$0x1E800] =	vst v63  }
0x59: {  	_ =	swait.ge [sflag:s28], $0x4000  }
.Ltmp0:
0x5a: {  	[sflag:s28] =	ssyncset.done $0x0;
	(pc) =	sbr.rel @p0 .LBB2_2-.Ltmp0, $4  }
0x5b: {  	s4 =	sadd.s32 $0x1480, s4;
	[sflag:s28] =	ssyncadd.s32 $0xFFFFC000  }
0x5c: {  	[spmem:s2] =	stream.indirect.scatter.add.f32 [tilespmem:s25], [sflag:$0x3], $0x80, s4, s24, $0xb8;
	[tilespmem:$0x1E800] =	vst v63  }
0x5d: {  	_ =	swait.ge [sflag:s22], $0x4000  }
0x5e: {  	s5 =	smov.u32 s13;
	s4 =	sshra.s32 s12, $0x2;
	[sflag:s22] =	ssyncset.done $0x0  }
0x5f: {  	s5 =	sadd.s32 $0x80, s4;
	[sflag:s22] =	ssyncadd.s32 $0xFFFFC000  }
0x60: {  	[tilespmem:s25], [sflag:$0x2] =	stream.indirect.gather [hbm4b:s1+s24], $0x80, s5, s24, $0xb8;
	[tilespmem:$0x1E800] =	vst v63  }
0x61: {  	_ =	swait.ge [sflag:s26], $0x4000  }
0x62: {  	[sflag:s26] =	ssyncset.done $0x0  }
0x63: {  	s12 =	sadd.s32 $0x1400, s4;
	[sflag:s26] =	ssyncadd.s32 $0xFFFFC000  }
0x64: {  	[spmem:s2] =	stream.indirect.scatter.add.f32 [tilespmem:s21], [sflag:$0x3], $0x80, s12, s24, $0xb8;
	[tilespmem:$0x1E800] =	vst v63  }
0x65: {  	_ =	swait.ge [sflag:s22], $0x4000  }
0x66: {  	[sflag:s22] =	ssyncset.done $0x0  }
0x67: {  	s13 =	sadd.s32 $0x100, s4;
	[sflag:s22] =	ssyncadd.s32 $0xFFFFC000  }
0x68: {  	[tilespmem:s21], [sflag:$0x1] =	stream.indirect.gather [hbm4b:s1+s24], $0x80, s13, s24, $0xb8;
	[tilespmem:$0x1E800] =	vst v63  }
0x69: {  	_ =	swait.ge [sflag:s28], $0x4000  }
0x6a: {  	[sflag:s28] =	ssyncset.done $0x0  }
0x6b: {  	s11 =	sadd.s32 $0x1480, s4;
	[sflag:s28] =	ssyncadd.s32 $0xFFFFC000  }
0x6c: {  	[spmem:s2] =	stream.indirect.scatter.add.f32 [tilespmem:s25], [sflag:$0x3], $0x80, s11, s24, $0xb8;
	[tilespmem:$0x1E800] =	vst v63  }
0x6d: {  	_ =	swait.ge [sflag:s22], $0x4000  }
0x6e: {  	[sflag:s22] =	ssyncset.done $0x0  }
0x6f: {  	[sflag:s22] =	ssyncadd.s32 $0xFFFFC000  }
0x70: {  	[tilespmem:s25], [sflag:$0x2] =	stream.indirect.gather [hbm4b:s1+s24], $0x80, s29, s24, $0xb8;
	[tilespmem:$0x1E800] =	vst v63  }
0x71: {  	_ =	swait.ge [sflag:s26], $0x4000  }
0x72: {  	[sflag:s26] =	ssyncset.done $0x0  }
0x73: {  	[sflag:s26] =	ssyncadd.s32 $0xFFFFC000  }
0x74: {  	[spmem:s2] =	stream.indirect.scatter.add.f32 [tilespmem:s21], [sflag:$0x3], $0x80, s30, s24, $0xb8;
	[tilespmem:$0x1E800] =	vst v63  }
0x75: {  	_ =	swait.ge [sflag:s22], $0x4000  }
0x76: {  	[sflag:s22] =	ssyncset.done $0x0  }
0x77: {  	[sflag:s22] =	ssyncadd.s32 $0xFFFFC000  }
0x78: {  	_ =	swait.ge [sflag:s28], $0x4000  }
0x79: {  	[sflag:s28] =	ssyncset.done $0x0  }
0x7a: {  	[sflag:s28] =	ssyncadd.s32 $0xFFFFC000  }
0x7b: {  	[spmem:s2] =	stream.indirect.scatter.add.f32 [tilespmem:s25], [sflag:$0x3], $0x80, s31, s24, $0xb8;
	[tilespmem:$0x1E800] =	vst v63  }
0x7c: {  	_ =	swait.ge [sflag:s22], $0x4000  }
0x7d: {  	[sflag:s22] =	ssyncset.done $0x0  }
0x7e: {  	s12 =	simm.s32 $0x0;
	s13 =	rddreg [dreg:$0x7];
	[sflag:s22] =	ssyncadd.s32 $0xFFFFC000  }
0x7f: {  	[tilespmem:s12], [sflag:$0x3] =	stream.linear.gather [hbm4b:s13+s12], $0x1400, $0x38;
	[tilespmem:$0x1E800] =	vst v63  }
0x80: {  	_ =	swait.ge [sflag:s22], $0x1400  }
0x81: {  	[sflag:s22] =	ssyncset.done $0x0  }
0x82: {  	[sflag:s22] =	ssyncadd.s32 $0xFFFFEC00  }
0x83: {  	[tilespmem:s23], [sflag:$0x3] =	stream.linear.gather [hbm4b:s14+s12], $0x1400, $0x38;
	[tilespmem:$0x1E800] =	vst v63  }
0x84: {  	_ =	swait.ge [sflag:s22], $0x1400  }
0x85: {  	[sflag:s22] =	ssyncset.done $0x0  }
0x86: {  	[sflag:s22] =	ssyncadd.s32 $0xFFFFEC00  }
0x87: {  	[tilespmem:s21], [sflag:$0x1] =	stream.indirect.gather [hbm4b:s1+s24], $0x80, s12, s24, $0xb8;
	[tilespmem:$0x1E800] =	vst v63  }
0x88: {  	s5 =	simm.s32 $0x80  }
0x89: {  	[tilespmem:s25], [sflag:$0x2] =	stream.indirect.gather [hbm4b:s1+s24], $0x80, s5, s24, $0xb8;
	[tilespmem:$0x1E800] =	vst v63  }
0x8a: {  	_ =	swait.ge [sflag:s26], $0x4000  }
0x8b: {  	[sflag:s26] =	ssyncset.done $0x0  }
0x8c: {  	s11 =	simm.s32 $0x1400;
	[sflag:s26] =	ssyncadd.s32 $0xFFFFC000  }
0x8d: {  	[spmem:s2] =	stream.indirect.scatter.add.f32 [tilespmem:s21], [sflag:$0x3], $0x80, s11, s24, $0xb8;
	[tilespmem:$0x1E800] =	vst v63  }
0x8e: {  	_ =	swait.ge [sflag:s22], $0x4000  }
0x8f: {  	[sflag:s22] =	ssyncset.done $0x0  }
0x90: {  	s12 =	simm.s32 $0x100;
	[sflag:s22] =	ssyncadd.s32 $0xFFFFC000  }
0x91: {  	[tilespmem:s21], [sflag:$0x1] =	stream.indirect.gather [hbm4b:s1+s24], $0x80, s12, s24, $0xb8;
	[tilespmem:$0x1E800] =	vst v63  }
0x92: {  	_ =	swait.ge [sflag:s28], $0x4000  }
0x93: {  	[sflag:s28] =	ssyncset.done $0x0  }
0x94: {  	s13 =	simm.s32 $0x1480;
	[sflag:s28] =	ssyncadd.s32 $0xFFFFC000  }
0x95: {  	[spmem:s2] =	stream.indirect.scatter.add.f32 [tilespmem:s25], [sflag:$0x3], $0x80, s13, s24, $0xb8;
	[tilespmem:$0x1E800] =	vst v63  }
0x96: {  	_ =	swait.ge [sflag:s22], $0x4000  }
0x97: {  	s4 =	simm.s32 $0x100;
	s5 =	simm.s32 $0x800;
	[sflag:s22] =	ssyncset.done $0x0  }
.LBB2_4:
0x98: {  	s11 =	sadd.s32 $0x80, s4  }
0x99: {  	[sflag:s22] =	ssyncadd.s32 $0xFFFFC000;
	s12 =	smov.u32 s5;
	s13 =	sadd.s32 $0x400, s5  }
0x9a: {  	[tilespmem:s25], [sflag:$0x2] =	stream.indirect.gather [hbm4b:s1+s24], $0x80, s11, s24, $0xb8;
	[tilespmem:$0x1E800] =	vst v63  }
0x9b: {  	p0 =	sne.s32 s5, $0x4800;
	_ =	swait.ge [sflag:s26], $0x4000  }
0x9c: {  	[sflag:s26] =	ssyncset.done $0x0  }
0x9d: {  	s5 =	sadd.s32 $0x1400, s4;
	[sflag:s26] =	ssyncadd.s32 $0xFFFFC000  }
0x9e: {  	[spmem:s2] =	stream.indirect.scatter.add.f32 [tilespmem:s21], [sflag:$0x3], $0x80, s5, s24, $0xb8;
	[tilespmem:$0x1E800] =	vst v63  }
0x9f: {  	_ =	swait.ge [sflag:s22], $0x4000  }
0xa0: {  	[sflag:s22] =	ssyncset.done $0x0  }
0xa1: {  	s5 =	sadd.s32 $0x100, s4;
	[sflag:s22] =	ssyncadd.s32 $0xFFFFC000  }
0xa2: {  	[tilespmem:s21], [sflag:$0x1] =	stream.indirect.gather [hbm4b:s1+s24], $0x80, s5, s24, $0xb8;
	[tilespmem:$0x1E800] =	vst v63  }
0xa3: {  	_ =	swait.ge [sflag:s28], $0x4000  }
.Ltmp1:
0xa4: {  	[sflag:s28] =	ssyncset.done $0x0;
	(pc) =	sbr.rel @p0 .LBB2_4-.Ltmp1, $4  }
0xa5: {  	s4 =	sadd.s32 $0x1480, s4;
	[sflag:s28] =	ssyncadd.s32 $0xFFFFC000  }
0xa6: {  	[spmem:s2] =	stream.indirect.scatter.add.f32 [tilespmem:s25], [sflag:$0x3], $0x80, s4, s24, $0xb8;
	[tilespmem:$0x1E800] =	vst v63  }
0xa7: {  	_ =	swait.ge [sflag:s22], $0x4000  }
0xa8: {  	s5 =	smov.u32 s13;
	s4 =	sshra.s32 s12, $0x2;
	[sflag:s22] =	ssyncset.done $0x0  }
0xa9: {  	s5 =	sadd.s32 $0x80, s4;
	[sflag:s22] =	ssyncadd.s32 $0xFFFFC000  }
0xaa: {  	[tilespmem:s25], [sflag:$0x2] =	stream.indirect.gather [hbm4b:s1+s24], $0x80, s5, s24, $0xb8;
	[tilespmem:$0x1E800] =	vst v63  }
0xab: {  	_ =	swait.ge [sflag:s26], $0x4000  }
0xac: {  	[sflag:s26] =	ssyncset.done $0x0  }
0xad: {  	s11 =	sadd.s32 $0x1400, s4;
	[sflag:s26] =	ssyncadd.s32 $0xFFFFC000  }
0xae: {  	[spmem:s2] =	stream.indirect.scatter.add.f32 [tilespmem:s21], [sflag:$0x3], $0x80, s11, s24, $0xb8;
	[tilespmem:$0x1E800] =	vst v63  }
0xaf: {  	_ =	swait.ge [sflag:s22], $0x4000  }
0xb0: {  	[sflag:s22] =	ssyncset.done $0x0  }
0xb1: {  	s12 =	sadd.s32 $0x100, s4;
	[sflag:s22] =	ssyncadd.s32 $0xFFFFC000  }
0xb2: {  	[tilespmem:s21], [sflag:$0x1] =	stream.indirect.gather [hbm4b:s1+s24], $0x80, s12, s24, $0xb8;
	[tilespmem:$0x1E800] =	vst v63  }
0xb3: {  	_ =	swait.ge [sflag:s28], $0x4000  }
0xb4: {  	[sflag:s28] =	ssyncset.done $0x0  }
0xb5: {  	s13 =	sadd.s32 $0x1480, s4;
	[sflag:s28] =	ssyncadd.s32 $0xFFFFC000  }
0xb6: {  	[spmem:s2] =	stream.indirect.scatter.add.f32 [tilespmem:s25], [sflag:$0x3], $0x80, s13, s24, $0xb8;
	[tilespmem:$0x1E800] =	vst v63  }
0xb7: {  	_ =	swait.ge [sflag:s22], $0x4000  }
0xb8: {  	[sflag:s22] =	ssyncset.done $0x0  }
0xb9: {  	[sflag:s22] =	ssyncadd.s32 $0xFFFFC000  }
0xba: {  	[tilespmem:s25], [sflag:$0x2] =	stream.indirect.gather [hbm4b:s1+s24], $0x80, s29, s24, $0xb8;
	[tilespmem:$0x1E800] =	vst v63  }
0xbb: {  	_ =	swait.ge [sflag:s26], $0x4000  }
0xbc: {  	[sflag:s26] =	ssyncset.done $0x0  }
0xbd: {  	[sflag:s26] =	ssyncadd.s32 $0xFFFFC000  }
0xbe: {  	[spmem:s2] =	stream.indirect.scatter.add.f32 [tilespmem:s21], [sflag:$0x3], $0x80, s30, s24, $0xb8;
	[tilespmem:$0x1E800] =	vst v63  }
0xbf: {  	_ =	swait.ge [sflag:s22], $0x4000  }
0xc0: {  	[sflag:s22] =	ssyncset.done $0x0  }
0xc1: {  	[sflag:s22] =	ssyncadd.s32 $0xFFFFC000  }
0xc2: {  	_ =	swait.ge [sflag:s28], $0x4000  }
0xc3: {  	[sflag:s28] =	ssyncset.done $0x0  }
0xc4: {  	[sflag:s28] =	ssyncadd.s32 $0xFFFFC000  }
0xc5: {  	[spmem:s2] =	stream.indirect.scatter.add.f32 [tilespmem:s25], [sflag:$0x3], $0x80, s31, s24, $0xb8;
	[tilespmem:$0x1E800] =	vst v63  }
0xc6: {  	_ =	swait.ge [sflag:s22], $0x4000  }
0xc7: {  	[sflag:s22] =	ssyncset.done $0x0  }
0xc8: {  	[sflag:s22] =	ssyncadd.s32 $0xFFFFC000  }
0xc9: {  	[bflag:$0x0] =	sbarrier.arrive $0xFFFF  }
0xca: {  	[tilespmem:s21], [sflag:$0x3] =	stream.linear.gather [spmem:s6], $0x4000, $0x38;
	[tilespmem:$0x1E800] =	vst v63  }
0xcb: {  	_ =	swait.ge [sflag:s22], $0x4000  }
0xcc: {  	[sflag:s22] =	ssyncset.done $0x0  }
0xcd: {  	[sflag:s22] =	ssyncadd.s32 $0xFFFFC000  }
0xce: {  	[hbm4b:s15+s3] =	stream.linear.scatter [tilespmem:s21], [sflag:$0x3], $0x4000, $0x38;
	[tilespmem:$0x1E800] =	vst v63  }
0xcf: {  	_ =	swait.ge [sflag:s22], $0x4000  }
0xd0: {  	[sflag:s22] =	ssyncset.done $0x0  }
0xd1: {  	[sflag:s22] =	ssyncadd.s32 $0xFFFFC000  }
0xd2: {  	[tilespmem:s21], [sflag:$0x3] =	stream.linear.gather [spmem:s7], $0x4000, $0x38;
	[tilespmem:$0x1E800] =	vst v63  }
0xd3: {  	_ =	swait.ge [sflag:s22], $0x4000  }
0xd4: {  	[sflag:s22] =	ssyncset.done $0x0  }
0xd5: {  	[sflag:s22] =	ssyncadd.s32 $0xFFFFC000  }
0xd6: {  	[hbm4b:s16+s3] =	stream.linear.scatter [tilespmem:s21], [sflag:$0x3], $0x4000, $0x38;
	[tilespmem:$0x1E800] =	vst v63  }
0xd7: {  	_ =	swait.ge [sflag:s22], $0x4000  }
0xd8: {  	[sflag:s22] =	ssyncset.done $0x0  }
0xd9: {  	[sflag:s22] =	ssyncadd.s32 $0xFFFFC000  }
0xda: {  	[tilespmem:s21], [sflag:$0x3] =	stream.linear.gather [spmem:s8], $0x4000, $0x38;
	[tilespmem:$0x1E800] =	vst v63  }
0xdb: {  	_ =	swait.ge [sflag:s22], $0x4000  }
0xdc: {  	[sflag:s22] =	ssyncset.done $0x0  }
0xdd: {  	[sflag:s22] =	ssyncadd.s32 $0xFFFFC000  }
0xde: {  	[hbm4b:s17+s3] =	stream.linear.scatter [tilespmem:s21], [sflag:$0x3], $0x4000, $0x38;
	[tilespmem:$0x1E800] =	vst v63  }
0xdf: {  	_ =	swait.ge [sflag:s22], $0x4000  }
0xe0: {  	[sflag:s22] =	ssyncset.done $0x0  }
0xe1: {  	[sflag:s22] =	ssyncadd.s32 $0xFFFFC000  }
0xe2: {  	[tilespmem:s21], [sflag:$0x3] =	stream.linear.gather [spmem:s9], $0x4000, $0x38;
	[tilespmem:$0x1E800] =	vst v63  }
0xe3: {  	_ =	swait.ge [sflag:s22], $0x4000  }
0xe4: {  	[sflag:s22] =	ssyncset.done $0x0  }
0xe5: {  	[sflag:s22] =	ssyncadd.s32 $0xFFFFC000  }
0xe6: {  	[hbm4b:s18+s3] =	stream.linear.scatter [tilespmem:s21], [sflag:$0x3], $0x4000, $0x38;
	[tilespmem:$0x1E800] =	vst v63  }
0xe7: {  	_ =	swait.ge [sflag:s22], $0x4000  }
0xe8: {  	[sflag:s22] =	ssyncset.done $0x0  }
0xe9: {  	[sflag:s22] =	ssyncadd.s32 $0xFFFFC000  }
0xea: {  	[tilespmem:s21], [sflag:$0x3] =	stream.linear.gather [spmem:s10], $0x4000, $0x38;
	[tilespmem:$0x1E800] =	vst v63  }
0xeb: {  	s0 =	sadd.s32 $0x1, s0;
	_ =	swait.ge [sflag:s22], $0x4000  }
0xec: {  	p0 =	sne.s32 s0, s20;
	[sflag:s22] =	ssyncset.done $0x0  }
.Ltmp2:
0xed: {  	[sflag:s22] =	ssyncadd.s32 $0xFFFFC000;
	(pc) =	sbr.rel @p0 .LBB2_1-.Ltmp2, $4  }
0xee: {  	[hbm4b:s19+s3] =	stream.linear.scatter [tilespmem:s21], [sflag:$0x3], $0x4000, $0x38;
	[tilespmem:$0x1E800] =	vst v63  }
0xef: {  	_ =	swait.ge [sflag:s22], $0x4000  }
0xf0: {  	[sflag:s22] =	ssyncset.done $0x0  }
0xf1: {  	[sflag:s22] =	ssyncadd.s32 $0xFFFFC000  }
0xf2: {  	_ =	sfence.sel $0x180000  }
0xf3: {  	[bflag:$0x0] =	sbarrier.arrive $0xFFFF  }
0xf4: {  	_ =	strace $0x90000050  }
0xf5: {  	s0 =	stileid.u32;
	[bflag:$0x2] =	sbarrier.arrive $0xFFFF  }
0xf6: {  	p0 =	sne.s32 s0, $0x0;
	s0 =	rddreg [dreg:$0x3]  }
0xf7: {  	s0 =	sadd.s32 @!p0 $0x100000, s0  }
0xf8: {  	[sflag:s0] =	ssyncadd.tile.s32 @!p0 $0x1;
	_ =	shalt  }
.Lfunc_end2:
_tile_overlayer_lowered:
.L_overlay_start_2:
0xf9: {  	(tag) =	ssettag $0x2  }
0xfa: {  	s0 =	rddreg [dreg:$0x0];
	s2 =	stileid.u32  }
0xfb: {  	s1 =	rddreg [dreg:$0x1];
	p0 =	sne.s32 s2, $0x0  }
0xfc: {  	s3 =	rddreg [dreg:$0x2];
	[bflag:$0x3] =	sbarrier.arrive $0xFFFF;
	s2 =	simm.s32 @!p0 $0x1C03  }
0xfd: {  	[timem:s3], [sflag:s2] =	dma.local @!p0 [hbm:s0], s1  }
0xfe: {  	s0 =	simm.s32 @!p0 $0x3  }
0xff: {  	_ =	swait.ge @!p0 [sflag:s0], s1  }
0x100: {  	s1 =	ssub.s32 @!p0 $0x0, s1;
	[sflag:s0] =	ssyncset.done @!p0 $0x0  }
0x101: {  	[sflag:s0] =	ssyncadd.s32 @!p0 s1  }
0x102: {  	[bflag:$0x3] =	sbarrier.arrive $0xFFFF  }
0x103: {  	_ =	shalt  }

</sc_bundles>
